<compile_context>
chip_gen: v7x
topology: tpu7x:2x2x1
jax: 0.10.2.dev20260603
libtpu: 0.0.44.dev20260713+nightly
codegen_flags: <defaults>
</compile_context>

<pallas_src>
import jax
import jax.numpy as jnp
from jax import lax
from jax.experimental import pallas as pl
from jax.experimental.pallas import tpu as pltpu
from jax.experimental.pallas import tpu_sc as plsc

_NCLS = 31
_BG = 30
_BUDGET = 80000.0
_H = 512
_W = 512
_ROWS = 128
_TAIL_B = 3
_NW = 32
_RPW = _H // _NW
_TR = 8
_TC = 128
_CGS = _W // _TC
_NCH = (_RPW // _TR) * _CGS
_LANES = 16


def _head_tc(x_ref, t_ref, out_ref, acc_ref, cnt_ref):
    b = pl.program_id(0)
    r = pl.program_id(1)
    nb = pl.num_programs(1)
    step = b * nb + r
    nsteps = pl.num_programs(0) * nb

    @pl.when(step == 0)
    def _init():
        acc_ref[0] = 0.0
        acc_ref[1] = 0.0
        cnt_ref[0] = 0

    x = x_ref[0]
    m = x[0]
    idx = jnp.zeros_like(m)
    for c in range(1, _NCLS):
        xc = x[c]
        gt = xc > m
        m = jnp.where(gt, xc, m)
        idx = jnp.where(gt, jnp.float32(c), idx)
    p = idx

    t = t_ref[0]
    tf = t.astype(jnp.float32)
    bg = t == _BG
    bgf = bg.astype(jnp.float32)

    i_nb = jnp.sum(jnp.where(bg, 0.0, p * tf))
    t_nb = jnp.sum(jnp.where(bg, 0.0, p + tf))

    rows, cols = bgf.shape
    jj = lax.broadcasted_iota(jnp.int32, (cols, cols), 0)
    kk = lax.broadcasted_iota(jnp.int32, (cols, cols), 1)
    tri_inc = (jj <= kk).astype(jnp.float32)
    cs_in = jnp.dot(bgf, tri_inc, preferred_element_type=jnp.float32)
    row_tot = cs_in[:, cols - 1:cols]
    ii = lax.broadcasted_iota(jnp.int32, (rows, rows), 0)
    ll = lax.broadcasted_iota(jnp.int32, (rows, rows), 1)
    tri_lo = (ll < ii).astype(jnp.float32)
    r_pref = jnp.dot(tri_lo, row_tot, preferred_element_type=jnp.float32)
    rank_ex = r_pref + (cs_in - bgf)

    offset = cnt_ref[0].astype(jnp.float32)
    include = bg & (offset + rank_ex < _BUDGET)
    s_bg = jnp.sum(jnp.where(include, p, 0.0))
    n_inc = jnp.sum(include.astype(jnp.float32))

    acc_ref[0] += i_nb + jnp.float32(_BG) * s_bg
    acc_ref[1] += t_nb + s_bg + jnp.float32(_BG) * n_inc
    cnt_ref[0] += jnp.sum(bg.astype(jnp.int32))

    @pl.when(step == nsteps - 1)
    def _fin():
        out_ref[0, 0] = acc_ref[0]
        out_ref[0, 1] = acc_ref[1]
        out_ref[0, 2] = cnt_ref[0].astype(jnp.float32)


def _argmax_sc(inp_hbm, preds_hbm, buf0, buf1, pb0, pb1, si0, si1, so0, so1):
    cid = lax.axis_index("c")
    sid = lax.axis_index("s")
    wid = sid * 2 + cid
    r0 = wid * _RPW
    bufs = (buf0, buf1)
    pbs = (pb0, pb1)
    sis = (si0, si1)
    sos = (so0, so1)

    def in_copy(ci, k):
        rg = ci // _CGS
        cg = ci - rg * _CGS
        return pltpu.make_async_copy(
            inp_hbm.at[_TAIL_B, :, pl.ds(r0 + rg * _TR, _TR),
                       pl.ds(cg * _TC, _TC)],
            bufs[k], sis[k])

    def out_copy(ci, k):
        rg = ci // _CGS
        cg = ci - rg * _CGS
        return pltpu.make_async_copy(
            pbs[k],
            preds_hbm.at[pl.ds(r0 + rg * _TR, _TR), pl.ds(cg * _TC, _TC)],
            sos[k])

    in_copy(0, 0).start()
    in_copy(1, 1).start()

    def pair(i2, carry):
        for k in range(2):
            ci = i2 * 2 + k
            in_copy(ci, k).wait()

            @pl.when(i2 >= 1)
            def _wait_out():
                out_copy(ci - 2, k).wait()

            buf = bufs[k]
            pb = pbs[k]

            @plsc.parallel_loop(0, (_TR * _TC) // _LANES, unroll=4)
            def _grp(j):
                r = j // (_TC // _LANES)
                col = (j - r * (_TC // _LANES)) * _LANES
                s = pl.ds(col, _LANES)
                m = buf[0, r, s]
                idx = jnp.zeros((_LANES,), jnp.float32)
                for c in range(1, _NCLS):
                    v = buf[c, r, s]
                    gt = v > m
                    m = jnp.where(gt, v, m)
                    idx = jnp.where(gt, jnp.float32(c), idx)
                pb[r, s] = idx

            out_copy(ci, k).start()

            @pl.when(ci + 2 < _NCH)
            def _next_in():
                in_copy(ci + 2, k).start()

        return carry

    lax.fori_loop(0, _NCH // 2, pair, 0)
    out_copy(_NCH - 2, 0).wait()
    out_copy(_NCH - 1, 1).wait()



def _tail_gate(p_ref, t_ref, s_ref, out_ref):
    p = p_ref[...]
    t = t_ref[...]
    tf = t.astype(jnp.float32)
    bg = t == _BG
    bgf = bg.astype(jnp.float32)

    i_nb = jnp.sum(jnp.where(bg, 0.0, p * tf))
    t_nb = jnp.sum(jnp.where(bg, 0.0, p + tf))

    i_head = s_ref[0, 0]
    t_head = s_ref[0, 1]
    offset = s_ref[0, 2]

    cntf = jnp.sum(bgf)
    s_all = jnp.sum(jnp.where(bg, p, 0.0))
    all_in = offset + cntf <= _BUDGET

    def _finish(s_bg, n_inc):
        inter = i_head + i_nb + jnp.float32(_BG) * s_bg
        total = t_head + t_nb + s_bg + jnp.float32(_BG) * n_inc
        union = total - inter
        out_ref[0, 0] = 1.0 - (inter + 1.0) / (union + 1.0)

    @pl.when(all_in)
    def _fast():
        _finish(s_all, cntf)

    @pl.when(jnp.logical_not(all_in))
    def _ranked():
        rows, cols = bgf.shape
        jj = lax.broadcasted_iota(jnp.int32, (cols, cols), 0)
        kk = lax.broadcasted_iota(jnp.int32, (cols, cols), 1)
        tri_inc = (jj <= kk).astype(jnp.float32)
        cs_in = jnp.dot(bgf, tri_inc, preferred_element_type=jnp.float32)
        row_tot = cs_in[:, cols - 1:cols]
        ii = lax.broadcasted_iota(jnp.int32, (rows, rows), 0)
        ll = lax.broadcasted_iota(jnp.int32, (rows, rows), 1)
        tri_lo = (ll < ii).astype(jnp.float32)
        r_pref = jnp.dot(tri_lo, row_tot, preferred_element_type=jnp.float32)
        rank_ex = r_pref + (cs_in - bgf)
        include = bg & (offset + rank_ex < _BUDGET)
        s_bg = jnp.sum(jnp.where(include, p, 0.0))
        n_inc = jnp.sum(include.astype(jnp.float32))
        _finish(s_bg, n_inc)


def kernel(inputs, targets):
    sc_fn = pl.kernel(
        _argmax_sc,
        out_type=jax.ShapeDtypeStruct((_H, _W), jnp.float32),
        mesh=plsc.VectorSubcoreMesh(
            core_axis_name="c", subcore_axis_name="s",
            num_cores=2, num_subcores=16),
        scratch_types=[
            pltpu.VMEM((_NCLS, _TR, _TC), jnp.float32),
            pltpu.VMEM((_NCLS, _TR, _TC), jnp.float32),
            pltpu.VMEM((_TR, _TC), jnp.float32),
            pltpu.VMEM((_TR, _TC), jnp.float32),
            pltpu.SemaphoreType.DMA,
            pltpu.SemaphoreType.DMA,
            pltpu.SemaphoreType.DMA,
            pltpu.SemaphoreType.DMA,
        ],
    )
    preds_tail = sc_fn(inputs)

    stats = pl.pallas_call(
        _head_tc,
        grid=(_TAIL_B, _H // _ROWS),
        in_specs=[
            pl.BlockSpec((1, _NCLS, _ROWS, _W), lambda i, j: (i, 0, j, 0)),
            pl.BlockSpec((1, _ROWS, _W), lambda i, j: (i, j, 0)),
        ],
        out_specs=pl.BlockSpec(
            (1, 3), lambda i, j: (0, 0), memory_space=pltpu.SMEM),
        out_shape=jax.ShapeDtypeStruct((1, 3), jnp.float32),
        scratch_shapes=[
            pltpu.SMEM((2,), jnp.float32),
            pltpu.SMEM((1,), jnp.int32),
        ],
    )(inputs, targets)

    out = pl.pallas_call(
        _tail_gate,
        in_specs=[
            pl.BlockSpec((_H, _W), lambda: (0, 0)),
            pl.BlockSpec((_H, _W), lambda: (0, 0)),
            pl.BlockSpec((1, 3), lambda: (0, 0), memory_space=pltpu.SMEM),
        ],
        out_specs=pl.BlockSpec(
            (1, 1), lambda: (0, 0), memory_space=pltpu.SMEM),
        out_shape=jax.ShapeDtypeStruct((1, 1), jnp.float32),
    )(preds_tail, targets[_TAIL_B], stats)
    return out[0, 0]

# --- scband reference (transcript-rebuilt; emitter-appended) ---
"""Pipeline reference for scband-sample-io-uloss-59450937311712 (READ-ONLY COPY).

The authoritative reference and input builder live on the scoring server;
editing this copy changes nothing except your own understanding.
"""

import jax, jax.numpy as jnp
import numpy as np

DMIN = 30
SAMPLING = 0.5
SMOOTH = 1.0


def setup_inputs(seed: int = 0) -> dict:
    key = jax.random.key(seed)
    k1, k2 = jax.random.split(key)
    inputs = jax.random.normal(k1, (4, 31, 512, 512), dtype=jnp.float32)
    targets = jax.random.randint(k2, (4, 512, 512), 0, 31, dtype=jnp.int32)
    return {"inputs": inputs, "targets": targets}


def reference(inputs, targets):
    bs = inputs.shape[0]
    # argmax over class dim, flatten
    preds = jnp.argmax(inputs, axis=1).reshape(-1).astype(jnp.float32)
    tflat = targets.reshape(-1).astype(jnp.float32)
    # masks where target == dmin (background) and != dmin
    bg_mask = tflat == DMIN
    other_mask = tflat != DMIN
    n0 = jnp.sum(bg_mask.astype(jnp.int32))
    samples = jnp.minimum(n0, jnp.int32(200 * 200 * SAMPLING * int(bs)))
    # deterministic analogue of random.sample: take `samples` background pixels
    bg_rank = jnp.cumsum(bg_mask.astype(jnp.int32)) - 1
    some_0_mask = bg_mask & (bg_rank < samples)
    tot_mask = other_mask | some_0_mask
    t = jnp.where(tot_mask, tflat, 0.0)
    p = jnp.where(tot_mask, preds, 0.0)
    intersection = jnp.sum(p * t)
    total = jnp.sum(p + t)
    union = total - intersection
    iou = (intersection + SMOOTH) / (union + SMOOTH)
    return 1.0 - iou

if __name__ == "__main__":
    import jax
    _d = setup_inputs()
    print(jax.jit(kernel)(*tuple(_d.values())))

</pallas_src>

<mosaic_0001>
#map = affine_map<(d0, d1) -> (0, 0, 0, 0)>
#map1 = affine_map<(d0, d1) -> (0, 0)>
module attributes {stable_mosaic.version = 14 : i64} {
  func.func @_argmax_sc(%arg0: i32, %arg1: i32, %arg2: memref<4x31x512x512xf32, #tpu.memory_space<hbm>>, %arg3: memref<512x512xf32, #tpu.memory_space<hbm>>, %arg4: memref<31x8x128xf32, #tpu.memory_space<vmem>>, %arg5: memref<31x8x128xf32, #tpu.memory_space<vmem>>, %arg6: memref<8x128xf32, #tpu.memory_space<vmem>>, %arg7: memref<8x128xf32, #tpu.memory_space<vmem>>, %arg8: memref<!tpu.dma_semaphore, #tpu.memory_space<semaphore_mem>>, %arg9: memref<!tpu.dma_semaphore, #tpu.memory_space<semaphore_mem>>, %arg10: memref<!tpu.dma_semaphore, #tpu.memory_space<semaphore_mem>>, %arg11: memref<!tpu.dma_semaphore, #tpu.memory_space<semaphore_mem>>) attributes {dimension_semantics = [#tpu.dimension_semantics<core_parallel>, #tpu.dimension_semantics<subcore_parallel>], iteration_bounds = array<i64: 2, 16>, scalar_prefetch = 0 : i64, scratch_operands = 8 : i64, tpu.core_type = #tpu.core_type<sc_vector_subcore>, window_params = [{transform_indices = #map}, {transform_indices = #map1}]} {
    %mul3A = arith.constant 2 : i32
    %mul3A_0 = arith.muli %arg1, %mul3A : i32
    %add3A = arith.addi %mul3A_0, %arg0 : i32
    %mul3A_1 = arith.constant 16 : i32
    %mul3A_2 = arith.muli %add3A, %mul3A_1 : i32
    %add3A_3 = arith.constant 0 : i32
    %add3A_4 = arith.addi %mul3A_2, %add3A_3 : i32
    %dma_start3A = arith.constant 3 : i32
    %dma_start3A_5 = arith.constant 0 : i32
    %dma_start3A_6 = arith.constant 0 : i32
    %dma_start3A_7 = tpu.memref_slice %arg2[%dma_start3A, %dma_start3A_5, %add3A_4, %dma_start3A_6] : memref<4x31x512x512xf32, #tpu.memory_space<hbm>> -> memref<1x31x8x128xf32, #tpu.memory_space<hbm>>
    %dma_start3A_8 = tpu.memref_squeeze %dma_start3A_7 : memref<1x31x8x128xf32, #tpu.memory_space<hbm>> -> memref<31x8x128xf32, #tpu.memory_space<hbm>>
    %dma_start3A_9 = arith.constant 0 : i32
    %dma_start3A_10 = arith.constant 0 : i32
    %dma_start3A_11 = tpu.memref_slice %arg2[%dma_start3A, %dma_start3A_9, %add3A_4, %dma_start3A_10] : memref<4x31x512x512xf32, #tpu.memory_space<hbm>> -> memref<1x31x8x128xf32, #tpu.memory_space<hbm>>
    %dma_start3A_12 = tpu.memref_squeeze %dma_start3A_11 : memref<1x31x8x128xf32, #tpu.memory_space<hbm>> -> memref<31x8x128xf32, #tpu.memory_space<hbm>>
    tpu.enqueue_dma source(%dma_start3A_12 : memref<31x8x128xf32, #tpu.memory_space<hbm>>) target(%arg4 : memref<31x8x128xf32, #tpu.memory_space<vmem>>) target_semaphore(%arg8 : memref<!tpu.dma_semaphore, #tpu.memory_space<semaphore_mem>>)
    %add3A_13 = arith.constant 0 : i32
    %add3A_14 = arith.addi %mul3A_2, %add3A_13 : i32
    %dma_start3A_15 = arith.constant 3 : i32
    %dma_start3A_16 = arith.constant 0 : i32
    %dma_start3A_17 = arith.constant 128 : i32
    %dma_start3A_18 = tpu.memref_slice %arg2[%dma_start3A_15, %dma_start3A_16, %add3A_14, %dma_start3A_17] : memref<4x31x512x512xf32, #tpu.memory_space<hbm>> -> memref<1x31x8x128xf32, #tpu.memory_space<hbm>>
    %dma_start3A_19 = tpu.memref_squeeze %dma_start3A_18 : memref<1x31x8x128xf32, #tpu.memory_space<hbm>> -> memref<31x8x128xf32, #tpu.memory_space<hbm>>
    %dma_start3A_20 = arith.constant 0 : i32
    %dma_start3A_21 = arith.constant 128 : i32
    %dma_start3A_22 = tpu.memref_slice %arg2[%dma_start3A_15, %dma_start3A_20, %add3A_14, %dma_start3A_21] : memref<4x31x512x512xf32, #tpu.memory_space<hbm>> -> memref<1x31x8x128xf32, #tpu.memory_space<hbm>>
    %dma_start3A_23 = tpu.memref_squeeze %dma_start3A_22 : memref<1x31x8x128xf32, #tpu.memory_space<hbm>> -> memref<31x8x128xf32, #tpu.memory_space<hbm>>
    tpu.enqueue_dma source(%dma_start3A_23 : memref<31x8x128xf32, #tpu.memory_space<hbm>>) target(%arg5 : memref<31x8x128xf32, #tpu.memory_space<vmem>>) target_semaphore(%arg9 : memref<!tpu.dma_semaphore, #tpu.memory_space<semaphore_mem>>)
    %scan3A = arith.constant 0 : i32
    %scan3A_24 = arith.constant 0 : i32
    %scan3A_25 = arith.constant 4 : i32
    %scan3A_26 = arith.addi %scan3A_24, %scan3A_25 : i32
    %scan3A_27 = arith.constant 1 : i32
    scf.for %scan3A_40 = %scan3A_24 to %scan3A_26 step %scan3A_27  : i32 {
      %mul3A_41 = arith.constant 2 : i32
      %mul3A_42 = arith.muli %scan3A_40, %mul3A_41 : i32
      %add3A_43 = arith.constant 0 : i32
      %add3A_44 = arith.addi %mul3A_42, %add3A_43 : i32
      %jit3A = arith.constant 4 : i32
      %div3A = arith.divsi %add3A_44, %jit3A : i32
      %sign3A = arith.constant 0 : i32
      %sign3A_45 = arith.cmpi sgt, %add3A_44, %sign3A : i32
      %sign3A_46 = arith.extui %sign3A_45 : i1 to i32
      %sign3A_47 = arith.constant 0 : i32
      %sign3A_48 = arith.cmpi slt, %add3A_44, %sign3A_47 : i32
      %sign3A_49 = arith.extui %sign3A_48 : i1 to i32
      %sign3A_50 = arith.subi %sign3A_46, %sign3A_49 : i32
      %sign3A_51 = arith.constant 0 : i32
      %sign3A_52 = arith.cmpi sgt, %jit3A, %sign3A_51 : i32
      %sign3A_53 = arith.extui %sign3A_52 : i1 to i32
      %sign3A_54 = arith.constant 0 : i32
      %sign3A_55 = arith.cmpi slt, %jit3A, %sign3A_54 : i32
      %sign3A_56 = arith.extui %sign3A_55 : i1 to i32
      %sign3A_57 = arith.subi %sign3A_53, %sign3A_56 : i32
      %ne3A = arith.cmpi ne, %sign3A_50, %sign3A_57 : i32
      %rem3A = arith.remsi %add3A_44, %jit3A : i32
      %ne3A_58 = arith.constant 0 : i32
      %ne3A_59 = arith.cmpi ne, %rem3A, %ne3A_58 : i32
      %and3A = arith.andi %ne3A, %ne3A_59 : i1
      %sub3A = arith.constant 1 : i32
      %sub3A_60 = arith.subi %div3A, %sub3A : i32
      %select_n3A = arith.select %and3A, %sub3A_60, %div3A : i32
      %mul3A_61 = arith.constant 4 : i32
      %mul3A_62 = arith.muli %select_n3A, %mul3A_61 : i32
      %sub3A_63 = arith.subi %add3A_44, %mul3A_62 : i32
      %mul3A_64 = arith.constant 8 : i32
      %mul3A_65 = arith.muli %select_n3A, %mul3A_64 : i32
      %add3A_66 = arith.addi %mul3A_2, %mul3A_65 : i32
      %mul3A_67 = arith.constant 128 : i32
      %mul3A_68 = arith.muli %sub3A_63, %mul3A_67 : i32
      %dma_wait3A_69 = arith.constant 3 : i32
      %dma_wait3A_70 = arith.constant 0 : i32
      %dma_wait3A_71 = tpu.memref_slice %arg2[%dma_wait3A_69, %dma_wait3A_70, %add3A_66, %mul3A_68] : memref<4x31x512x512xf32, #tpu.memory_space<hbm>> -> memref<1x31x8x128xf32, #tpu.memory_space<hbm>>
      %dma_wait3A_72 = tpu.memref_squeeze %dma_wait3A_71 : memref<1x31x8x128xf32, #tpu.memory_space<hbm>> -> memref<31x8x128xf32, #tpu.memory_space<hbm>>
      %dma_wait3A_73 = arith.constant 0 : i32
      %dma_wait3A_74 = tpu.memref_slice %arg2[%dma_wait3A_69, %dma_wait3A_73, %add3A_66, %mul3A_68] : memref<4x31x512x512xf32, #tpu.memory_space<hbm>> -> memref<1x31x8x128xf32, #tpu.memory_space<hbm>>
      %dma_wait3A_75 = tpu.memref_squeeze %dma_wait3A_74 : memref<1x31x8x128xf32, #tpu.memory_space<hbm>> -> memref<31x8x128xf32, #tpu.memory_space<hbm>>
      tpu.wait_dma2 semaphore(%arg8 : memref<!tpu.dma_semaphore, #tpu.memory_space<semaphore_mem>>) src(%dma_wait3A_75 : memref<31x8x128xf32, #tpu.memory_space<hbm>>) dst(%arg4 : memref<31x8x128xf32, #tpu.memory_space<vmem>>)
      %ge3A = arith.constant 1 : i32
      %ge3A_76 = arith.cmpi sge, %scan3A_40, %ge3A : i32
      %convert_element_type3A = arith.extui %ge3A_76 : i1 to i32
      %cond3A = arith.constant 0 : i32
      %cond3A_77 = arith.cmpi ne, %convert_element_type3A, %cond3A : i32
      scf.if %cond3A_77 {
        %sub3A_212 = arith.constant 2 : i32
        %sub3A_213 = arith.subi %add3A_44, %sub3A_212 : i32
        %jit3A_214 = arith.constant 4 : i32
        %div3A_215 = arith.divsi %sub3A_213, %jit3A_214 : i32
        %sign3A_216 = arith.constant 0 : i32
        %sign3A_217 = arith.cmpi sgt, %sub3A_213, %sign3A_216 : i32
        %sign3A_218 = arith.extui %sign3A_217 : i1 to i32
        %sign3A_219 = arith.constant 0 : i32
        %sign3A_220 = arith.cmpi slt, %sub3A_213, %sign3A_219 : i32
        %sign3A_221 = arith.extui %sign3A_220 : i1 to i32
        %sign3A_222 = arith.subi %sign3A_218, %sign3A_221 : i32
        %sign3A_223 = arith.constant 0 : i32
        %sign3A_224 = arith.cmpi sgt, %jit3A_214, %sign3A_223 : i32
        %sign3A_225 = arith.extui %sign3A_224 : i1 to i32
        %sign3A_226 = arith.constant 0 : i32
        %sign3A_227 = arith.cmpi slt, %jit3A_214, %sign3A_226 : i32
        %sign3A_228 = arith.extui %sign3A_227 : i1 to i32
        %sign3A_229 = arith.subi %sign3A_225, %sign3A_228 : i32
        %ne3A_230 = arith.cmpi ne, %sign3A_222, %sign3A_229 : i32
        %rem3A_231 = arith.remsi %sub3A_213, %jit3A_214 : i32
        %ne3A_232 = arith.constant 0 : i32
        %ne3A_233 = arith.cmpi ne, %rem3A_231, %ne3A_232 : i32
        %and3A_234 = arith.andi %ne3A_230, %ne3A_233 : i1
        %sub3A_235 = arith.constant 1 : i32
        %sub3A_236 = arith.subi %div3A_215, %sub3A_235 : i32
        %select_n3A_237 = arith.select %and3A_234, %sub3A_236, %div3A_215 : i32
        %mul3A_238 = arith.constant 4 : i32
        %mul3A_239 = arith.muli %select_n3A_237, %mul3A_238 : i32
        %sub3A_240 = arith.subi %sub3A_213, %mul3A_239 : i32
        %mul3A_241 = arith.constant 8 : i32
        %mul3A_242 = arith.muli %select_n3A_237, %mul3A_241 : i32
        %add3A_243 = arith.addi %mul3A_2, %mul3A_242 : i32
        %mul3A_244 = arith.constant 128 : i32
        %mul3A_245 = arith.muli %sub3A_240, %mul3A_244 : i32
        %dma_wait3A_246 = tpu.memref_slice %arg3[%add3A_243, %mul3A_245] : memref<512x512xf32, #tpu.memory_space<hbm>> -> memref<8x128xf32, #tpu.memory_space<hbm>>
        %dma_wait3A_247 = tpu.memref_slice %arg3[%add3A_243, %mul3A_245] : memref<512x512xf32, #tpu.memory_space<hbm>> -> memref<8x128xf32, #tpu.memory_space<hbm>>
        tpu.wait_dma2 semaphore(%arg10 : memref<!tpu.dma_semaphore, #tpu.memory_space<semaphore_mem>>) src(%arg6 : memref<8x128xf32, #tpu.memory_space<vmem>>) dst(%dma_wait3A_247 : memref<8x128xf32, #tpu.memory_space<hbm>>)
      } else {
      }
      %parallel_loop3A = arith.constant 0 : i32
      %parallel_loop3A_78 = arith.constant 64 : i32
      %parallel_loop3A_79 = arith.constant 1 : i32
      scf.for %parallel_loop3A_212 = %parallel_loop3A to %parallel_loop3A_78 step %parallel_loop3A_79  : i32 {
        %parallel_loop3A_213 = arith.constant 8 : i32
        %parallel_loop3A_214 = arith.divsi %parallel_loop3A_212, %parallel_loop3A_213 : i32
        %parallel_loop3A_215 = arith.constant 0 : i32
        %parallel_loop3A_216 = arith.cmpi sgt, %parallel_loop3A_212, %parallel_loop3A_215 : i32
        %parallel_loop3A_217 = arith.extui %parallel_loop3A_216 : i1 to i32
        %parallel_loop3A_218 = arith.constant 0 : i32
        %parallel_loop3A_219 = arith.cmpi slt, %parallel_loop3A_212, %parallel_loop3A_218 : i32
        %parallel_loop3A_220 = arith.extui %parallel_loop3A_219 : i1 to i32
        %parallel_loop3A_221 = arith.subi %parallel_loop3A_217, %parallel_loop3A_220 : i32
        %parallel_loop3A_222 = arith.constant 0 : i32
        %parallel_loop3A_223 = arith.cmpi sgt, %parallel_loop3A_213, %parallel_loop3A_222 : i32
        %parallel_loop3A_224 = arith.extui %parallel_loop3A_223 : i1 to i32
        %parallel_loop3A_225 = arith.constant 0 : i32
        %parallel_loop3A_226 = arith.cmpi slt, %parallel_loop3A_213, %parallel_loop3A_225 : i32
        %parallel_loop3A_227 = arith.extui %parallel_loop3A_226 : i1 to i32
        %parallel_loop3A_228 = arith.subi %parallel_loop3A_224, %parallel_loop3A_227 : i32
        %parallel_loop3A_229 = arith.cmpi ne, %parallel_loop3A_221, %parallel_loop3A_228 : i32
        %parallel_loop3A_230 = arith.remsi %parallel_loop3A_212, %parallel_loop3A_213 : i32
        %parallel_loop3A_231 = arith.constant 0 : i32
        %parallel_loop3A_232 = arith.cmpi ne, %parallel_loop3A_230, %parallel_loop3A_231 : i32
        %parallel_loop3A_233 = arith.andi %parallel_loop3A_229, %parallel_loop3A_232 : i1
        %parallel_loop3A_234 = arith.constant 1 : i32
        %parallel_loop3A_235 = arith.subi %parallel_loop3A_214, %parallel_loop3A_234 : i32
        %parallel_loop3A_236 = arith.select %parallel_loop3A_233, %parallel_loop3A_235, %parallel_loop3A_214 : i32
        %parallel_loop3A_237 = arith.constant 8 : i32
        %parallel_loop3A_238 = arith.muli %parallel_loop3A_236, %parallel_loop3A_237 : i32
        %parallel_loop3A_239 = arith.subi %parallel_loop3A_212, %parallel_loop3A_238 : i32
        %parallel_loop3A_240 = arith.constant 16 : i32
        %parallel_loop3A_241 = arith.muli %parallel_loop3A_239, %parallel_loop3A_240 : i32
        %parallel_loop3A_242 = arith.constant 0 : i32
        %parallel_loop3A_243 = arith.index_cast %parallel_loop3A_242 : i32 to index
        %parallel_loop3A_244 = arith.index_cast %parallel_loop3A_236 : i32 to index
        %parallel_loop3A_245 = arith.index_cast %parallel_loop3A_241 : i32 to index
        %parallel_loop3A_246 = tpu.vector_load %arg4[%parallel_loop3A_243, %parallel_loop3A_244, %parallel_loop3A_245] {strides = array<i32>} : memref<31x8x128xf32, #tpu.memory_space<vmem>>, vector<1x1x16xf32>,
        %parallel_loop3A_247 = vector.shape_cast %parallel_loop3A_246 : vector<1x1x16xf32> to vector<16xf32>
        %parallel_loop3A_248 = arith.constant 0.000000e+00 : f32
        %parallel_loop3A_249 = vector.broadcast %parallel_loop3A_248 : f32 to vector<16xf32>
        %parallel_loop3A_250 = arith.constant 1 : i32
        %parallel_loop3A_251 = arith.index_cast %parallel_loop3A_250 : i32 to index
        %parallel_loop3A_252 = arith.index_cast %parallel_loop3A_236 : i32 to index
        %parallel_loop3A_253 = arith.index_cast %parallel_loop3A_241 : i32 to index
        %parallel_loop3A_254 = tpu.vector_load %arg4[%parallel_loop3A_251, %parallel_loop3A_252, %parallel_loop3A_253] {strides = array<i32>} : memref<31x8x128xf32, #tpu.memory_space<vmem>>, vector<1x1x16xf32>,
        %parallel_loop3A_255 = vector.shape_cast %parallel_loop3A_254 : vector<1x1x16xf32> to vector<16xf32>
        %parallel_loop3A_256 = arith.cmpf ogt, %parallel_loop3A_255, %parallel_loop3A_247 : vector<16xf32>
        %parallel_loop3A_257 = arith.select %parallel_loop3A_256, %parallel_loop3A_255, %parallel_loop3A_247 : vector<16xi1>, vector<16xf32>
        %parallel_loop3A_258 = arith.constant 1.000000e+00 : f32
        %parallel_loop3A_259 = vector.broadcast %parallel_loop3A_258 : f32 to vector<16xf32>
        %parallel_loop3A_260 = arith.select %parallel_loop3A_256, %parallel_loop3A_259, %parallel_loop3A_249 : vector<16xi1>, vector<16xf32>
        %parallel_loop3A_261 = arith.constant 2 : i32
        %parallel_loop3A_262 = arith.index_cast %parallel_loop3A_261 : i32 to index
        %parallel_loop3A_263 = arith.index_cast %parallel_loop3A_236 : i32 to index
        %parallel_loop3A_264 = arith.index_cast %parallel_loop3A_241 : i32 to index
        %parallel_loop3A_265 = tpu.vector_load %arg4[%parallel_loop3A_262, %parallel_loop3A_263, %parallel_loop3A_264] {strides = array<i32>} : memref<31x8x128xf32, #tpu.memory_space<vmem>>, vector<1x1x16xf32>,
        %parallel_loop3A_266 = vector.shape_cast %parallel_loop3A_265 : vector<1x1x16xf32> to vector<16xf32>
        %parallel_loop3A_267 = arith.cmpf ogt, %parallel_loop3A_266, %parallel_loop3A_257 : vector<16xf32>
        %parallel_loop3A_268 = arith.select %parallel_loop3A_267, %parallel_loop3A_266, %parallel_loop3A_257 : vector<16xi1>, vector<16xf32>
        %parallel_loop3A_269 = arith.constant 2.000000e+00 : f32
        %parallel_loop3A_270 = vector.broadcast %parallel_loop3A_269 : f32 to vector<16xf32>
        %parallel_loop3A_271 = arith.select %parallel_loop3A_267, %parallel_loop3A_270, %parallel_loop3A_260 : vector<16xi1>, vector<16xf32>
        %parallel_loop3A_272 = arith.constant 3 : i32
        %parallel_loop3A_273 = arith.index_cast %parallel_loop3A_272 : i32 to index
        %parallel_loop3A_274 = arith.index_cast %parallel_loop3A_236 : i32 to index
        %parallel_loop3A_275 = arith.index_cast %parallel_loop3A_241 : i32 to index
        %parallel_loop3A_276 = tpu.vector_load %arg4[%parallel_loop3A_273, %parallel_loop3A_274, %parallel_loop3A_275] {strides = array<i32>} : memref<31x8x128xf32, #tpu.memory_space<vmem>>, vector<1x1x16xf32>,
        %parallel_loop3A_277 = vector.shape_cast %parallel_loop3A_276 : vector<1x1x16xf32> to vector<16xf32>
        %parallel_loop3A_278 = arith.cmpf ogt, %parallel_loop3A_277, %parallel_loop3A_268 : vector<16xf32>
        %parallel_loop3A_279 = arith.select %parallel_loop3A_278, %parallel_loop3A_277, %parallel_loop3A_268 : vector<16xi1>, vector<16xf32>
        %parallel_loop3A_280 = arith.constant 3.000000e+00 : f32
        %parallel_loop3A_281 = vector.broadcast %parallel_loop3A_280 : f32 to vector<16xf32>
        %parallel_loop3A_282 = arith.select %parallel_loop3A_278, %parallel_loop3A_281, %parallel_loop3A_271 : vector<16xi1>, vector<16xf32>
        %parallel_loop3A_283 = arith.constant 4 : i32
        %parallel_loop3A_284 = arith.index_cast %parallel_loop3A_283 : i32 to index
        %parallel_loop3A_285 = arith.index_cast %parallel_loop3A_236 : i32 to index
        %parallel_loop3A_286 = arith.index_cast %parallel_loop3A_241 : i32 to index
        %parallel_loop3A_287 = tpu.vector_load %arg4[%parallel_loop3A_284, %parallel_loop3A_285, %parallel_loop3A_286] {strides = array<i32>} : memref<31x8x128xf32, #tpu.memory_space<vmem>>, vector<1x1x16xf32>,
        %parallel_loop3A_288 = vector.shape_cast %parallel_loop3A_287 : vector<1x1x16xf32> to vector<16xf32>
        %parallel_loop3A_289 = arith.cmpf ogt, %parallel_loop3A_288, %parallel_loop3A_279 : vector<16xf32>
        %parallel_loop3A_290 = arith.select %parallel_loop3A_289, %parallel_loop3A_288, %parallel_loop3A_279 : vector<16xi1>, vector<16xf32>
        %parallel_loop3A_291 = arith.constant 4.000000e+00 : f32
        %parallel_loop3A_292 = vector.broadcast %parallel_loop3A_291 : f32 to vector<16xf32>
        %parallel_loop3A_293 = arith.select %parallel_loop3A_289, %parallel_loop3A_292, %parallel_loop3A_282 : vector<16xi1>, vector<16xf32>
        %parallel_loop3A_294 = arith.constant 5 : i32
        %parallel_loop3A_295 = arith.index_cast %parallel_loop3A_294 : i32 to index
        %parallel_loop3A_296 = arith.index_cast %parallel_loop3A_236 : i32 to index
        %parallel_loop3A_297 = arith.index_cast %parallel_loop3A_241 : i32 to index
        %parallel_loop3A_298 = tpu.vector_load %arg4[%parallel_loop3A_295, %parallel_loop3A_296, %parallel_loop3A_297] {strides = array<i32>} : memref<31x8x128xf32, #tpu.memory_space<vmem>>, vector<1x1x16xf32>,
        %parallel_loop3A_299 = vector.shape_cast %parallel_loop3A_298 : vector<1x1x16xf32> to vector<16xf32>
        %parallel_loop3A_300 = arith.cmpf ogt, %parallel_loop3A_299, %parallel_loop3A_290 : vector<16xf32>
        %parallel_loop3A_301 = arith.select %parallel_loop3A_300, %parallel_loop3A_299, %parallel_loop3A_290 : vector<16xi1>, vector<16xf32>
        %parallel_loop3A_302 = arith.constant 5.000000e+00 : f32
        %parallel_loop3A_303 = vector.broadcast %parallel_loop3A_302 : f32 to vector<16xf32>
        %parallel_loop3A_304 = arith.select %parallel_loop3A_300, %parallel_loop3A_303, %parallel_loop3A_293 : vector<16xi1>, vector<16xf32>
        %parallel_loop3A_305 = arith.constant 6 : i32
        %parallel_loop3A_306 = arith.index_cast %parallel_loop3A_305 : i32 to index
        %parallel_loop3A_307 = arith.index_cast %parallel_loop3A_236 : i32 to index
        %parallel_loop3A_308 = arith.index_cast %parallel_loop3A_241 : i32 to index
        %parallel_loop3A_309 = tpu.vector_load %arg4[%parallel_loop3A_306, %parallel_loop3A_307, %parallel_loop3A_308] {strides = array<i32>} : memref<31x8x128xf32, #tpu.memory_space<vmem>>, vector<1x1x16xf32>,
        %parallel_loop3A_310 = vector.shape_cast %parallel_loop3A_309 : vector<1x1x16xf32> to vector<16xf32>
        %parallel_loop3A_311 = arith.cmpf ogt, %parallel_loop3A_310, %parallel_loop3A_301 : vector<16xf32>
        %parallel_loop3A_312 = arith.select %parallel_loop3A_311, %parallel_loop3A_310, %parallel_loop3A_301 : vector<16xi1>, vector<16xf32>
        %parallel_loop3A_313 = arith.constant 6.000000e+00 : f32
        %parallel_loop3A_314 = vector.broadcast %parallel_loop3A_313 : f32 to vector<16xf32>
        %parallel_loop3A_315 = arith.select %parallel_loop3A_311, %parallel_loop3A_314, %parallel_loop3A_304 : vector<16xi1>, vector<16xf32>
        %parallel_loop3A_316 = arith.constant 7 : i32
        %parallel_loop3A_317 = arith.index_cast %parallel_loop3A_316 : i32 to index
        %parallel_loop3A_318 = arith.index_cast %parallel_loop3A_236 : i32 to index
        %parallel_loop3A_319 = arith.index_cast %parallel_loop3A_241 : i32 to index
        %parallel_loop3A_320 = tpu.vector_load %arg4[%parallel_loop3A_317, %parallel_loop3A_318, %parallel_loop3A_319] {strides = array<i32>} : memref<31x8x128xf32, #tpu.memory_space<vmem>>, vector<1x1x16xf32>,
        %parallel_loop3A_321 = vector.shape_cast %parallel_loop3A_320 : vector<1x1x16xf32> to vector<16xf32>
        %parallel_loop3A_322 = arith.cmpf ogt, %parallel_loop3A_321, %parallel_loop3A_312 : vector<16xf32>
        %parallel_loop3A_323 = arith.select %parallel_loop3A_322, %parallel_loop3A_321, %parallel_loop3A_312 : vector<16xi1>, vector<16xf32>
        %parallel_loop3A_324 = arith.constant 7.000000e+00 : f32
        %parallel_loop3A_325 = vector.broadcast %parallel_loop3A_324 : f32 to vector<16xf32>
        %parallel_loop3A_326 = arith.select %parallel_loop3A_322, %parallel_loop3A_325, %parallel_loop3A_315 : vector<16xi1>, vector<16xf32>
        %parallel_loop3A_327 = arith.constant 8 : i32
        %parallel_loop3A_328 = arith.index_cast %parallel_loop3A_327 : i32 to index
        %parallel_loop3A_329 = arith.index_cast %parallel_loop3A_236 : i32 to index
        %parallel_loop3A_330 = arith.index_cast %parallel_loop3A_241 : i32 to index
        %parallel_loop3A_331 = tpu.vector_load %arg4[%parallel_loop3A_328, %parallel_loop3A_329, %parallel_loop3A_330] {strides = array<i32>} : memref<31x8x128xf32, #tpu.memory_space<vmem>>, vector<1x1x16xf32>,
        %parallel_loop3A_332 = vector.shape_cast %parallel_loop3A_331 : vector<1x1x16xf32> to vector<16xf32>
        %parallel_loop3A_333 = arith.cmpf ogt, %parallel_loop3A_332, %parallel_loop3A_323 : vector<16xf32>
        %parallel_loop3A_334 = arith.select %parallel_loop3A_333, %parallel_loop3A_332, %parallel_loop3A_323 : vector<16xi1>, vector<16xf32>
        %parallel_loop3A_335 = arith.constant 8.000000e+00 : f32
        %parallel_loop3A_336 = vector.broadcast %parallel_loop3A_335 : f32 to vector<16xf32>
        %parallel_loop3A_337 = arith.select %parallel_loop3A_333, %parallel_loop3A_336, %parallel_loop3A_326 : vector<16xi1>, vector<16xf32>
        %parallel_loop3A_338 = arith.constant 9 : i32
        %parallel_loop3A_339 = arith.index_cast %parallel_loop3A_338 : i32 to index
        %parallel_loop3A_340 = arith.index_cast %parallel_loop3A_236 : i32 to index
        %parallel_loop3A_341 = arith.index_cast %parallel_loop3A_241 : i32 to index
        %parallel_loop3A_342 = tpu.vector_load %arg4[%parallel_loop3A_339, %parallel_loop3A_340, %parallel_loop3A_341] {strides = array<i32>} : memref<31x8x128xf32, #tpu.memory_space<vmem>>, vector<1x1x16xf32>,
        %parallel_loop3A_343 = vector.shape_cast %parallel_loop3A_342 : vector<1x1x16xf32> to vector<16xf32>
        %parallel_loop3A_344 = arith.cmpf ogt, %parallel_loop3A_343, %parallel_loop3A_334 : vector<16xf32>
        %parallel_loop3A_345 = arith.select %parallel_loop3A_344, %parallel_loop3A_343, %parallel_loop3A_334 : vector<16xi1>, vector<16xf32>
        %parallel_loop3A_346 = arith.constant 9.000000e+00 : f32
        %parallel_loop3A_347 = vector.broadcast %parallel_loop3A_346 : f32 to vector<16xf32>
        %parallel_loop3A_348 = arith.select %parallel_loop3A_344, %parallel_loop3A_347, %parallel_loop3A_337 : vector<16xi1>, vector<16xf32>
        %parallel_loop3A_349 = arith.constant 10 : i32
        %parallel_loop3A_350 = arith.index_cast %parallel_loop3A_349 : i32 to index
        %parallel_loop3A_351 = arith.index_cast %parallel_loop3A_236 : i32 to index
        %parallel_loop3A_352 = arith.index_cast %parallel_loop3A_241 : i32 to index
        %parallel_loop3A_353 = tpu.vector_load %arg4[%parallel_loop3A_350, %parallel_loop3A_351, %parallel_loop3A_352] {strides = array<i32>} : memref<31x8x128xf32, #tpu.memory_space<vmem>>, vector<1x1x16xf32>,
        %parallel_loop3A_354 = vector.shape_cast %parallel_loop3A_353 : vector<1x1x16xf32> to vector<16xf32>
        %parallel_loop3A_355 = arith.cmpf ogt, %parallel_loop3A_354, %parallel_loop3A_345 : vector<16xf32>
        %parallel_loop3A_356 = arith.select %parallel_loop3A_355, %parallel_loop3A_354, %parallel_loop3A_345 : vector<16xi1>, vector<16xf32>
        %parallel_loop3A_357 = arith.constant 1.000000e+01 : f32
        %parallel_loop3A_358 = vector.broadcast %parallel_loop3A_357 : f32 to vector<16xf32>
        %parallel_loop3A_359 = arith.select %parallel_loop3A_355, %parallel_loop3A_358, %parallel_loop3A_348 : vector<16xi1>, vector<16xf32>
        %parallel_loop3A_360 = arith.constant 11 : i32
        %parallel_loop3A_361 = arith.index_cast %parallel_loop3A_360 : i32 to index
        %parallel_loop3A_362 = arith.index_cast %parallel_loop3A_236 : i32 to index
        %parallel_loop3A_363 = arith.index_cast %parallel_loop3A_241 : i32 to index
        %parallel_loop3A_364 = tpu.vector_load %arg4[%parallel_loop3A_361, %parallel_loop3A_362, %parallel_loop3A_363] {strides = array<i32>} : memref<31x8x128xf32, #tpu.memory_space<vmem>>, vector<1x1x16xf32>,
        %parallel_loop3A_365 = vector.shape_cast %parallel_loop3A_364 : vector<1x1x16xf32> to vector<16xf32>
        %parallel_loop3A_366 = arith.cmpf ogt, %parallel_loop3A_365, %parallel_loop3A_356 : vector<16xf32>
        %parallel_loop3A_367 = arith.select %parallel_loop3A_366, %parallel_loop3A_365, %parallel_loop3A_356 : vector<16xi1>, vector<16xf32>
        %parallel_loop3A_368 = arith.constant 1.100000e+01 : f32
        %parallel_loop3A_369 = vector.broadcast %parallel_loop3A_368 : f32 to vector<16xf32>
        %parallel_loop3A_370 = arith.select %parallel_loop3A_366, %parallel_loop3A_369, %parallel_loop3A_359 : vector<16xi1>, vector<16xf32>
        %parallel_loop3A_371 = arith.constant 12 : i32
        %parallel_loop3A_372 = arith.index_cast %parallel_loop3A_371 : i32 to index
        %parallel_loop3A_373 = arith.index_cast %parallel_loop3A_236 : i32 to index
        %parallel_loop3A_374 = arith.index_cast %parallel_loop3A_241 : i32 to index
        %parallel_loop3A_375 = tpu.vector_load %arg4[%parallel_loop3A_372, %parallel_loop3A_373, %parallel_loop3A_374] {strides = array<i32>} : memref<31x8x128xf32, #tpu.memory_space<vmem>>, vector<1x1x16xf32>,
        %parallel_loop3A_376 = vector.shape_cast %parallel_loop3A_375 : vector<1x1x16xf32> to vector<16xf32>
        %parallel_loop3A_377 = arith.cmpf ogt, %parallel_loop3A_376, %parallel_loop3A_367 : vector<16xf32>
        %parallel_loop3A_378 = arith.select %parallel_loop3A_377, %parallel_loop3A_376, %parallel_loop3A_367 : vector<16xi1>, vector<16xf32>
        %parallel_loop3A_379 = arith.constant 1.200000e+01 : f32
        %parallel_loop3A_380 = vector.broadcast %parallel_loop3A_379 : f32 to vector<16xf32>
        %parallel_loop3A_381 = arith.select %parallel_loop3A_377, %parallel_loop3A_380, %parallel_loop3A_370 : vector<16xi1>, vector<16xf32>
        %parallel_loop3A_382 = arith.constant 13 : i32
        %parallel_loop3A_383 = arith.index_cast %parallel_loop3A_382 : i32 to index
        %parallel_loop3A_384 = arith.index_cast %parallel_loop3A_236 : i32 to index
        %parallel_loop3A_385 = arith.index_cast %parallel_loop3A_241 : i32 to index
        %parallel_loop3A_386 = tpu.vector_load %arg4[%parallel_loop3A_383, %parallel_loop3A_384, %parallel_loop3A_385] {strides = array<i32>} : memref<31x8x128xf32, #tpu.memory_space<vmem>>, vector<1x1x16xf32>,
        %parallel_loop3A_387 = vector.shape_cast %parallel_loop3A_386 : vector<1x1x16xf32> to vector<16xf32>
        %parallel_loop3A_388 = arith.cmpf ogt, %parallel_loop3A_387, %parallel_loop3A_378 : vector<16xf32>
        %parallel_loop3A_389 = arith.select %parallel_loop3A_388, %parallel_loop3A_387, %parallel_loop3A_378 : vector<16xi1>, vector<16xf32>
        %parallel_loop3A_390 = arith.constant 1.300000e+01 : f32
        %parallel_loop3A_391 = vector.broadcast %parallel_loop3A_390 : f32 to vector<16xf32>
        %parallel_loop3A_392 = arith.select %parallel_loop3A_388, %parallel_loop3A_391, %parallel_loop3A_381 : vector<16xi1>, vector<16xf32>
        %parallel_loop3A_393 = arith.constant 14 : i32
        %parallel_loop3A_394 = arith.index_cast %parallel_loop3A_393 : i32 to index
        %parallel_loop3A_395 = arith.index_cast %parallel_loop3A_236 : i32 to index
        %parallel_loop3A_396 = arith.index_cast %parallel_loop3A_241 : i32 to index
        %parallel_loop3A_397 = tpu.vector_load %arg4[%parallel_loop3A_394, %parallel_loop3A_395, %parallel_loop3A_396] {strides = array<i32>} : memref<31x8x128xf32, #tpu.memory_space<vmem>>, vector<1x1x16xf32>,
        %parallel_loop3A_398 = vector.shape_cast %parallel_loop3A_397 : vector<1x1x16xf32> to vector<16xf32>
        %parallel_loop3A_399 = arith.cmpf ogt, %parallel_loop3A_398, %parallel_loop3A_389 : vector<16xf32>
        %parallel_loop3A_400 = arith.select %parallel_loop3A_399, %parallel_loop3A_398, %parallel_loop3A_389 : vector<16xi1>, vector<16xf32>
        %parallel_loop3A_401 = arith.constant 1.400000e+01 : f32
        %parallel_loop3A_402 = vector.broadcast %parallel_loop3A_401 : f32 to vector<16xf32>
        %parallel_loop3A_403 = arith.select %parallel_loop3A_399, %parallel_loop3A_402, %parallel_loop3A_392 : vector<16xi1>, vector<16xf32>
        %parallel_loop3A_404 = arith.constant 15 : i32
        %parallel_loop3A_405 = arith.index_cast %parallel_loop3A_404 : i32 to index
        %parallel_loop3A_406 = arith.index_cast %parallel_loop3A_236 : i32 to index
        %parallel_loop3A_407 = arith.index_cast %parallel_loop3A_241 : i32 to index
        %parallel_loop3A_408 = tpu.vector_load %arg4[%parallel_loop3A_405, %parallel_loop3A_406, %parallel_loop3A_407] {strides = array<i32>} : memref<31x8x128xf32, #tpu.memory_space<vmem>>, vector<1x1x16xf32>,
        %parallel_loop3A_409 = vector.shape_cast %parallel_loop3A_408 : vector<1x1x16xf32> to vector<16xf32>
        %parallel_loop3A_410 = arith.cmpf ogt, %parallel_loop3A_409, %parallel_loop3A_400 : vector<16xf32>
        %parallel_loop3A_411 = arith.select %parallel_loop3A_410, %parallel_loop3A_409, %parallel_loop3A_400 : vector<16xi1>, vector<16xf32>
        %parallel_loop3A_412 = arith.constant 1.500000e+01 : f32
        %parallel_loop3A_413 = vector.broadcast %parallel_loop3A_412 : f32 to vector<16xf32>
        %parallel_loop3A_414 = arith.select %parallel_loop3A_410, %parallel_loop3A_413, %parallel_loop3A_403 : vector<16xi1>, vector<16xf32>
        %parallel_loop3A_415 = arith.constant 16 : i32
        %parallel_loop3A_416 = arith.index_cast %parallel_loop3A_415 : i32 to index
        %parallel_loop3A_417 = arith.index_cast %parallel_loop3A_236 : i32 to index
        %parallel_loop3A_418 = arith.index_cast %parallel_loop3A_241 : i32 to index
        %parallel_loop3A_419 = tpu.vector_load %arg4[%parallel_loop3A_416, %parallel_loop3A_417, %parallel_loop3A_418] {strides = array<i32>} : memref<31x8x128xf32, #tpu.memory_space<vmem>>, vector<1x1x16xf32>,
        %parallel_loop3A_420 = vector.shape_cast %parallel_loop3A_419 : vector<1x1x16xf32> to vector<16xf32>
        %parallel_loop3A_421 = arith.cmpf ogt, %parallel_loop3A_420, %parallel_loop3A_411 : vector<16xf32>
        %parallel_loop3A_422 = arith.select %parallel_loop3A_421, %parallel_loop3A_420, %parallel_loop3A_411 : vector<16xi1>, vector<16xf32>
        %parallel_loop3A_423 = arith.constant 1.600000e+01 : f32
        %parallel_loop3A_424 = vector.broadcast %parallel_loop3A_423 : f32 to vector<16xf32>
        %parallel_loop3A_425 = arith.select %parallel_loop3A_421, %parallel_loop3A_424, %parallel_loop3A_414 : vector<16xi1>, vector<16xf32>
        %parallel_loop3A_426 = arith.constant 17 : i32
        %parallel_loop3A_427 = arith.index_cast %parallel_loop3A_426 : i32 to index
        %parallel_loop3A_428 = arith.index_cast %parallel_loop3A_236 : i32 to index
        %parallel_loop3A_429 = arith.index_cast %parallel_loop3A_241 : i32 to index
        %parallel_loop3A_430 = tpu.vector_load %arg4[%parallel_loop3A_427, %parallel_loop3A_428, %parallel_loop3A_429] {strides = array<i32>} : memref<31x8x128xf32, #tpu.memory_space<vmem>>, vector<1x1x16xf32>,
        %parallel_loop3A_431 = vector.shape_cast %parallel_loop3A_430 : vector<1x1x16xf32> to vector<16xf32>
        %parallel_loop3A_432 = arith.cmpf ogt, %parallel_loop3A_431, %parallel_loop3A_422 : vector<16xf32>
        %parallel_loop3A_433 = arith.select %parallel_loop3A_432, %parallel_loop3A_431, %parallel_loop3A_422 : vector<16xi1>, vector<16xf32>
        %parallel_loop3A_434 = arith.constant 1.700000e+01 : f32
        %parallel_loop3A_435 = vector.broadcast %parallel_loop3A_434 : f32 to vector<16xf32>
        %parallel_loop3A_436 = arith.select %parallel_loop3A_432, %parallel_loop3A_435, %parallel_loop3A_425 : vector<16xi1>, vector<16xf32>
        %parallel_loop3A_437 = arith.constant 18 : i32
        %parallel_loop3A_438 = arith.index_cast %parallel_loop3A_437 : i32 to index
        %parallel_loop3A_439 = arith.index_cast %parallel_loop3A_236 : i32 to index
        %parallel_loop3A_440 = arith.index_cast %parallel_loop3A_241 : i32 to index
        %parallel_loop3A_441 = tpu.vector_load %arg4[%parallel_loop3A_438, %parallel_loop3A_439, %parallel_loop3A_440] {strides = array<i32>} : memref<31x8x128xf32, #tpu.memory_space<vmem>>, vector<1x1x16xf32>,
        %parallel_loop3A_442 = vector.shape_cast %parallel_loop3A_441 : vector<1x1x16xf32> to vector<16xf32>
        %parallel_loop3A_443 = arith.cmpf ogt, %parallel_loop3A_442, %parallel_loop3A_433 : vector<16xf32>
        %parallel_loop3A_444 = arith.select %parallel_loop3A_443, %parallel_loop3A_442, %parallel_loop3A_433 : vector<16xi1>, vector<16xf32>
        %parallel_loop3A_445 = arith.constant 1.800000e+01 : f32
        %parallel_loop3A_446 = vector.broadcast %parallel_loop3A_445 : f32 to vector<16xf32>
        %parallel_loop3A_447 = arith.select %parallel_loop3A_443, %parallel_loop3A_446, %parallel_loop3A_436 : vector<16xi1>, vector<16xf32>
        %parallel_loop3A_448 = arith.constant 19 : i32
        %parallel_loop3A_449 = arith.index_cast %parallel_loop3A_448 : i32 to index
        %parallel_loop3A_450 = arith.index_cast %parallel_loop3A_236 : i32 to index
        %parallel_loop3A_451 = arith.index_cast %parallel_loop3A_241 : i32 to index
        %parallel_loop3A_452 = tpu.vector_load %arg4[%parallel_loop3A_449, %parallel_loop3A_450, %parallel_loop3A_451] {strides = array<i32>} : memref<31x8x128xf32, #tpu.memory_space<vmem>>, vector<1x1x16xf32>,
        %parallel_loop3A_453 = vector.shape_cast %parallel_loop3A_452 : vector<1x1x16xf32> to vector<16xf32>
        %parallel_loop3A_454 = arith.cmpf ogt, %parallel_loop3A_453, %parallel_loop3A_444 : vector<16xf32>
        %parallel_loop3A_455 = arith.select %parallel_loop3A_454, %parallel_loop3A_453, %parallel_loop3A_444 : vector<16xi1>, vector<16xf32>
        %parallel_loop3A_456 = arith.constant 1.900000e+01 : f32
        %parallel_loop3A_457 = vector.broadcast %parallel_loop3A_456 : f32 to vector<16xf32>
        %parallel_loop3A_458 = arith.select %parallel_loop3A_454, %parallel_loop3A_457, %parallel_loop3A_447 : vector<16xi1>, vector<16xf32>
        %parallel_loop3A_459 = arith.constant 20 : i32
        %parallel_loop3A_460 = arith.index_cast %parallel_loop3A_459 : i32 to index
        %parallel_loop3A_461 = arith.index_cast %parallel_loop3A_236 : i32 to index
        %parallel_loop3A_462 = arith.index_cast %parallel_loop3A_241 : i32 to index
        %parallel_loop3A_463 = tpu.vector_load %arg4[%parallel_loop3A_460, %parallel_loop3A_461, %parallel_loop3A_462] {strides = array<i32>} : memref<31x8x128xf32, #tpu.memory_space<vmem>>, vector<1x1x16xf32>,
        %parallel_loop3A_464 = vector.shape_cast %parallel_loop3A_463 : vector<1x1x16xf32> to vector<16xf32>
        %parallel_loop3A_465 = arith.cmpf ogt, %parallel_loop3A_464, %parallel_loop3A_455 : vector<16xf32>
        %parallel_loop3A_466 = arith.select %parallel_loop3A_465, %parallel_loop3A_464, %parallel_loop3A_455 : vector<16xi1>, vector<16xf32>
        %parallel_loop3A_467 = arith.constant 2.000000e+01 : f32
        %parallel_loop3A_468 = vector.broadcast %parallel_loop3A_467 : f32 to vector<16xf32>
        %parallel_loop3A_469 = arith.select %parallel_loop3A_465, %parallel_loop3A_468, %parallel_loop3A_458 : vector<16xi1>, vector<16xf32>
        %parallel_loop3A_470 = arith.constant 21 : i32
        %parallel_loop3A_471 = arith.index_cast %parallel_loop3A_470 : i32 to index
        %parallel_loop3A_472 = arith.index_cast %parallel_loop3A_236 : i32 to index
        %parallel_loop3A_473 = arith.index_cast %parallel_loop3A_241 : i32 to index
        %parallel_loop3A_474 = tpu.vector_load %arg4[%parallel_loop3A_471, %parallel_loop3A_472, %parallel_loop3A_473] {strides = array<i32>} : memref<31x8x128xf32, #tpu.memory_space<vmem>>, vector<1x1x16xf32>,
        %parallel_loop3A_475 = vector.shape_cast %parallel_loop3A_474 : vector<1x1x16xf32> to vector<16xf32>
        %parallel_loop3A_476 = arith.cmpf ogt, %parallel_loop3A_475, %parallel_loop3A_466 : vector<16xf32>
        %parallel_loop3A_477 = arith.select %parallel_loop3A_476, %parallel_loop3A_475, %parallel_loop3A_466 : vector<16xi1>, vector<16xf32>
        %parallel_loop3A_478 = arith.constant 2.100000e+01 : f32
        %parallel_loop3A_479 = vector.broadcast %parallel_loop3A_478 : f32 to vector<16xf32>
        %parallel_loop3A_480 = arith.select %parallel_loop3A_476, %parallel_loop3A_479, %parallel_loop3A_469 : vector<16xi1>, vector<16xf32>
        %parallel_loop3A_481 = arith.constant 22 : i32
        %parallel_loop3A_482 = arith.index_cast %parallel_loop3A_481 : i32 to index
        %parallel_loop3A_483 = arith.index_cast %parallel_loop3A_236 : i32 to index
        %parallel_loop3A_484 = arith.index_cast %parallel_loop3A_241 : i32 to index
        %parallel_loop3A_485 = tpu.vector_load %arg4[%parallel_loop3A_482, %parallel_loop3A_483, %parallel_loop3A_484] {strides = array<i32>} : memref<31x8x128xf32, #tpu.memory_space<vmem>>, vector<1x1x16xf32>,
        %parallel_loop3A_486 = vector.shape_cast %parallel_loop3A_485 : vector<1x1x16xf32> to vector<16xf32>
        %parallel_loop3A_487 = arith.cmpf ogt, %parallel_loop3A_486, %parallel_loop3A_477 : vector<16xf32>
        %parallel_loop3A_488 = arith.select %parallel_loop3A_487, %parallel_loop3A_486, %parallel_loop3A_477 : vector<16xi1>, vector<16xf32>
        %parallel_loop3A_489 = arith.constant 2.200000e+01 : f32
        %parallel_loop3A_490 = vector.broadcast %parallel_loop3A_489 : f32 to vector<16xf32>
        %parallel_loop3A_491 = arith.select %parallel_loop3A_487, %parallel_loop3A_490, %parallel_loop3A_480 : vector<16xi1>, vector<16xf32>
        %parallel_loop3A_492 = arith.constant 23 : i32
        %parallel_loop3A_493 = arith.index_cast %parallel_loop3A_492 : i32 to index
        %parallel_loop3A_494 = arith.index_cast %parallel_loop3A_236 : i32 to index
        %parallel_loop3A_495 = arith.index_cast %parallel_loop3A_241 : i32 to index
        %parallel_loop3A_496 = tpu.vector_load %arg4[%parallel_loop3A_493, %parallel_loop3A_494, %parallel_loop3A_495] {strides = array<i32>} : memref<31x8x128xf32, #tpu.memory_space<vmem>>, vector<1x1x16xf32>,
        %parallel_loop3A_497 = vector.shape_cast %parallel_loop3A_496 : vector<1x1x16xf32> to vector<16xf32>
        %parallel_loop3A_498 = arith.cmpf ogt, %parallel_loop3A_497, %parallel_loop3A_488 : vector<16xf32>
        %parallel_loop3A_499 = arith.select %parallel_loop3A_498, %parallel_loop3A_497, %parallel_loop3A_488 : vector<16xi1>, vector<16xf32>
        %parallel_loop3A_500 = arith.constant 2.300000e+01 : f32
        %parallel_loop3A_501 = vector.broadcast %parallel_loop3A_500 : f32 to vector<16xf32>
        %parallel_loop3A_502 = arith.select %parallel_loop3A_498, %parallel_loop3A_501, %parallel_loop3A_491 : vector<16xi1>, vector<16xf32>
        %parallel_loop3A_503 = arith.constant 24 : i32
        %parallel_loop3A_504 = arith.index_cast %parallel_loop3A_503 : i32 to index
        %parallel_loop3A_505 = arith.index_cast %parallel_loop3A_236 : i32 to index
        %parallel_loop3A_506 = arith.index_cast %parallel_loop3A_241 : i32 to index
        %parallel_loop3A_507 = tpu.vector_load %arg4[%parallel_loop3A_504, %parallel_loop3A_505, %parallel_loop3A_506] {strides = array<i32>} : memref<31x8x128xf32, #tpu.memory_space<vmem>>, vector<1x1x16xf32>,
        %parallel_loop3A_508 = vector.shape_cast %parallel_loop3A_507 : vector<1x1x16xf32> to vector<16xf32>
        %parallel_loop3A_509 = arith.cmpf ogt, %parallel_loop3A_508, %parallel_loop3A_499 : vector<16xf32>
        %parallel_loop3A_510 = arith.select %parallel_loop3A_509, %parallel_loop3A_508, %parallel_loop3A_499 : vector<16xi1>, vector<16xf32>
        %parallel_loop3A_511 = arith.constant 2.400000e+01 : f32
        %parallel_loop3A_512 = vector.broadcast %parallel_loop3A_511 : f32 to vector<16xf32>
        %parallel_loop3A_513 = arith.select %parallel_loop3A_509, %parallel_loop3A_512, %parallel_loop3A_502 : vector<16xi1>, vector<16xf32>
        %parallel_loop3A_514 = arith.constant 25 : i32
        %parallel_loop3A_515 = arith.index_cast %parallel_loop3A_514 : i32 to index
        %parallel_loop3A_516 = arith.index_cast %parallel_loop3A_236 : i32 to index
        %parallel_loop3A_517 = arith.index_cast %parallel_loop3A_241 : i32 to index
        %parallel_loop3A_518 = tpu.vector_load %arg4[%parallel_loop3A_515, %parallel_loop3A_516, %parallel_loop3A_517] {strides = array<i32>} : memref<31x8x128xf32, #tpu.memory_space<vmem>>, vector<1x1x16xf32>,
        %parallel_loop3A_519 = vector.shape_cast %parallel_loop3A_518 : vector<1x1x16xf32> to vector<16xf32>
        %parallel_loop3A_520 = arith.cmpf ogt, %parallel_loop3A_519, %parallel_loop3A_510 : vector<16xf32>
        %parallel_loop3A_521 = arith.select %parallel_loop3A_520, %parallel_loop3A_519, %parallel_loop3A_510 : vector<16xi1>, vector<16xf32>
        %parallel_loop3A_522 = arith.constant 2.500000e+01 : f32
        %parallel_loop3A_523 = vector.broadcast %parallel_loop3A_522 : f32 to vector<16xf32>
        %parallel_loop3A_524 = arith.select %parallel_loop3A_520, %parallel_loop3A_523, %parallel_loop3A_513 : vector<16xi1>, vector<16xf32>
        %parallel_loop3A_525 = arith.constant 26 : i32
        %parallel_loop3A_526 = arith.index_cast %parallel_loop3A_525 : i32 to index
        %parallel_loop3A_527 = arith.index_cast %parallel_loop3A_236 : i32 to index
        %parallel_loop3A_528 = arith.index_cast %parallel_loop3A_241 : i32 to index
        %parallel_loop3A_529 = tpu.vector_load %arg4[%parallel_loop3A_526, %parallel_loop3A_527, %parallel_loop3A_528] {strides = array<i32>} : memref<31x8x128xf32, #tpu.memory_space<vmem>>, vector<1x1x16xf32>,
        %parallel_loop3A_530 = vector.shape_cast %parallel_loop3A_529 : vector<1x1x16xf32> to vector<16xf32>
        %parallel_loop3A_531 = arith.cmpf ogt, %parallel_loop3A_530, %parallel_loop3A_521 : vector<16xf32>
        %parallel_loop3A_532 = arith.select %parallel_loop3A_531, %parallel_loop3A_530, %parallel_loop3A_521 : vector<16xi1>, vector<16xf32>
        %parallel_loop3A_533 = arith.constant 2.600000e+01 : f32
        %parallel_loop3A_534 = vector.broadcast %parallel_loop3A_533 : f32 to vector<16xf32>
        %parallel_loop3A_535 = arith.select %parallel_loop3A_531, %parallel_loop3A_534, %parallel_loop3A_524 : vector<16xi1>, vector<16xf32>
        %parallel_loop3A_536 = arith.constant 27 : i32
        %parallel_loop3A_537 = arith.index_cast %parallel_loop3A_536 : i32 to index
        %parallel_loop3A_538 = arith.index_cast %parallel_loop3A_236 : i32 to index
        %parallel_loop3A_539 = arith.index_cast %parallel_loop3A_241 : i32 to index
        %parallel_loop3A_540 = tpu.vector_load %arg4[%parallel_loop3A_537, %parallel_loop3A_538, %parallel_loop3A_539] {strides = array<i32>} : memref<31x8x128xf32, #tpu.memory_space<vmem>>, vector<1x1x16xf32>,
        %parallel_loop3A_541 = vector.shape_cast %parallel_loop3A_540 : vector<1x1x16xf32> to vector<16xf32>
        %parallel_loop3A_542 = arith.cmpf ogt, %parallel_loop3A_541, %parallel_loop3A_532 : vector<16xf32>
        %parallel_loop3A_543 = arith.select %parallel_loop3A_542, %parallel_loop3A_541, %parallel_loop3A_532 : vector<16xi1>, vector<16xf32>
        %parallel_loop3A_544 = arith.constant 2.700000e+01 : f32
        %parallel_loop3A_545 = vector.broadcast %parallel_loop3A_544 : f32 to vector<16xf32>
        %parallel_loop3A_546 = arith.select %parallel_loop3A_542, %parallel_loop3A_545, %parallel_loop3A_535 : vector<16xi1>, vector<16xf32>
        %parallel_loop3A_547 = arith.constant 28 : i32
        %parallel_loop3A_548 = arith.index_cast %parallel_loop3A_547 : i32 to index
        %parallel_loop3A_549 = arith.index_cast %parallel_loop3A_236 : i32 to index
        %parallel_loop3A_550 = arith.index_cast %parallel_loop3A_241 : i32 to index
        %parallel_loop3A_551 = tpu.vector_load %arg4[%parallel_loop3A_548, %parallel_loop3A_549, %parallel_loop3A_550] {strides = array<i32>} : memref<31x8x128xf32, #tpu.memory_space<vmem>>, vector<1x1x16xf32>,
        %parallel_loop3A_552 = vector.shape_cast %parallel_loop3A_551 : vector<1x1x16xf32> to vector<16xf32>
        %parallel_loop3A_553 = arith.cmpf ogt, %parallel_loop3A_552, %parallel_loop3A_543 : vector<16xf32>
        %parallel_loop3A_554 = arith.select %parallel_loop3A_553, %parallel_loop3A_552, %parallel_loop3A_543 : vector<16xi1>, vector<16xf32>
        %parallel_loop3A_555 = arith.constant 2.800000e+01 : f32
        %parallel_loop3A_556 = vector.broadcast %parallel_loop3A_555 : f32 to vector<16xf32>
        %parallel_loop3A_557 = arith.select %parallel_loop3A_553, %parallel_loop3A_556, %parallel_loop3A_546 : vector<16xi1>, vector<16xf32>
        %parallel_loop3A_558 = arith.constant 29 : i32
        %parallel_loop3A_559 = arith.index_cast %parallel_loop3A_558 : i32 to index
        %parallel_loop3A_560 = arith.index_cast %parallel_loop3A_236 : i32 to index
        %parallel_loop3A_561 = arith.index_cast %parallel_loop3A_241 : i32 to index
        %parallel_loop3A_562 = tpu.vector_load %arg4[%parallel_loop3A_559, %parallel_loop3A_560, %parallel_loop3A_561] {strides = array<i32>} : memref<31x8x128xf32, #tpu.memory_space<vmem>>, vector<1x1x16xf32>,
        %parallel_loop3A_563 = vector.shape_cast %parallel_loop3A_562 : vector<1x1x16xf32> to vector<16xf32>
        %parallel_loop3A_564 = arith.cmpf ogt, %parallel_loop3A_563, %parallel_loop3A_554 : vector<16xf32>
        %parallel_loop3A_565 = arith.select %parallel_loop3A_564, %parallel_loop3A_563, %parallel_loop3A_554 : vector<16xi1>, vector<16xf32>
        %parallel_loop3A_566 = arith.constant 2.900000e+01 : f32
        %parallel_loop3A_567 = vector.broadcast %parallel_loop3A_566 : f32 to vector<16xf32>
        %parallel_loop3A_568 = arith.select %parallel_loop3A_564, %parallel_loop3A_567, %parallel_loop3A_557 : vector<16xi1>, vector<16xf32>
        %parallel_loop3A_569 = arith.constant 30 : i32
        %parallel_loop3A_570 = arith.index_cast %parallel_loop3A_569 : i32 to index
        %parallel_loop3A_571 = arith.index_cast %parallel_loop3A_236 : i32 to index
        %parallel_loop3A_572 = arith.index_cast %parallel_loop3A_241 : i32 to index
        %parallel_loop3A_573 = tpu.vector_load %arg4[%parallel_loop3A_570, %parallel_loop3A_571, %parallel_loop3A_572] {strides = array<i32>} : memref<31x8x128xf32, #tpu.memory_space<vmem>>, vector<1x1x16xf32>,
        %parallel_loop3A_574 = vector.shape_cast %parallel_loop3A_573 : vector<1x1x16xf32> to vector<16xf32>
        %parallel_loop3A_575 = arith.cmpf ogt, %parallel_loop3A_574, %parallel_loop3A_565 : vector<16xf32>
        %parallel_loop3A_576 = arith.select %parallel_loop3A_575, %parallel_loop3A_574, %parallel_loop3A_565 : vector<16xi1>, vector<16xf32>
        %parallel_loop3A_577 = arith.constant 3.000000e+01 : f32
        %parallel_loop3A_578 = vector.broadcast %parallel_loop3A_577 : f32 to vector<16xf32>
        %parallel_loop3A_579 = arith.select %parallel_loop3A_575, %parallel_loop3A_578, %parallel_loop3A_568 : vector<16xi1>, vector<16xf32>
        %parallel_loop3A_580 = arith.index_cast %parallel_loop3A_236 : i32 to index
        %parallel_loop3A_581 = arith.index_cast %parallel_loop3A_241 : i32 to index
        %parallel_loop3A_582 = tpu.vector_load %arg6[%parallel_loop3A_580, %parallel_loop3A_581] {strides = array<i32>} : memref<8x128xf32, #tpu.memory_space<vmem>>, vector<1x16xf32>,
        %parallel_loop3A_583 = vector.shape_cast %parallel_loop3A_582 : vector<1x16xf32> to vector<16xf32>
        %parallel_loop3A_584 = vector.shape_cast %parallel_loop3A_579 : vector<16xf32> to vector<1x16xf32>
        tpu.vector_store %arg6[%parallel_loop3A_580, %parallel_loop3A_581], %parallel_loop3A_584 {strides = array<i32>} : memref<8x128xf32, #tpu.memory_space<vmem>>, vector<1x16xf32>,
      } {sc.loop_unroll_factor = 4 : i64, sc.parallel_access}
      %jit3A_80 = arith.constant 4 : i32
      %div3A_81 = arith.divsi %add3A_44, %jit3A_80 : i32
      %sign3A_82 = arith.constant 0 : i32
      %sign3A_83 = arith.cmpi sgt, %add3A_44, %sign3A_82 : i32
      %sign3A_84 = arith.extui %sign3A_83 : i1 to i32
      %sign3A_85 = arith.constant 0 : i32
      %sign3A_86 = arith.cmpi slt, %add3A_44, %sign3A_85 : i32
      %sign3A_87 = arith.extui %sign3A_86 : i1 to i32
      %sign3A_88 = arith.subi %sign3A_84, %sign3A_87 : i32
      %sign3A_89 = arith.constant 0 : i32
      %sign3A_90 = arith.cmpi sgt, %jit3A_80, %sign3A_89 : i32
      %sign3A_91 = arith.extui %sign3A_90 : i1 to i32
      %sign3A_92 = arith.constant 0 : i32
      %sign3A_93 = arith.cmpi slt, %jit3A_80, %sign3A_92 : i32
      %sign3A_94 = arith.extui %sign3A_93 : i1 to i32
      %sign3A_95 = arith.subi %sign3A_91, %sign3A_94 : i32
      %ne3A_96 = arith.cmpi ne, %sign3A_88, %sign3A_95 : i32
      %rem3A_97 = arith.remsi %add3A_44, %jit3A_80 : i32
      %ne3A_98 = arith.constant 0 : i32
      %ne3A_99 = arith.cmpi ne, %rem3A_97, %ne3A_98 : i32
      %and3A_100 = arith.andi %ne3A_96, %ne3A_99 : i1
      %sub3A_101 = arith.constant 1 : i32
      %sub3A_102 = arith.subi %div3A_81, %sub3A_101 : i32
      %select_n3A_103 = arith.select %and3A_100, %sub3A_102, %div3A_81 : i32
      %mul3A_104 = arith.constant 4 : i32
      %mul3A_105 = arith.muli %select_n3A_103, %mul3A_104 : i32
      %sub3A_106 = arith.subi %add3A_44, %mul3A_105 : i32
      %mul3A_107 = arith.constant 8 : i32
      %mul3A_108 = arith.muli %select_n3A_103, %mul3A_107 : i32
      %add3A_109 = arith.addi %mul3A_2, %mul3A_108 : i32
      %mul3A_110 = arith.constant 128 : i32
      %mul3A_111 = arith.muli %sub3A_106, %mul3A_110 : i32
      %dma_start3A_112 = tpu.memref_slice %arg3[%add3A_109, %mul3A_111] : memref<512x512xf32, #tpu.memory_space<hbm>> -> memref<8x128xf32, #tpu.memory_space<hbm>>
      %dma_start3A_113 = tpu.memref_slice %arg3[%add3A_109, %mul3A_111] : memref<512x512xf32, #tpu.memory_space<hbm>> -> memref<8x128xf32, #tpu.memory_space<hbm>>
      tpu.enqueue_dma source(%arg6 : memref<8x128xf32, #tpu.memory_space<vmem>>) target(%dma_start3A_113 : memref<8x128xf32, #tpu.memory_space<hbm>>) target_semaphore(%arg10 : memref<!tpu.dma_semaphore, #tpu.memory_space<semaphore_mem>>)
      %add3A_114 = arith.constant 2 : i32
      %add3A_115 = arith.addi %add3A_44, %add3A_114 : i32
      %lt3A = arith.constant 8 : i32
      %lt3A_116 = arith.cmpi slt, %add3A_115, %lt3A : i32
      %convert_element_type3A_117 = arith.extui %lt3A_116 : i1 to i32
      %cond3A_118 = arith.constant 0 : i32
      %cond3A_119 = arith.cmpi ne, %convert_element_type3A_117, %cond3A_118 : i32
      scf.if %cond3A_119 {
        %add3A_212 = arith.constant 2 : i32
        %add3A_213 = arith.addi %add3A_44, %add3A_212 : i32
        %jit3A_214 = arith.constant 4 : i32
        %div3A_215 = arith.divsi %add3A_213, %jit3A_214 : i32
        %sign3A_216 = arith.constant 0 : i32
        %sign3A_217 = arith.cmpi sgt, %add3A_213, %sign3A_216 : i32
        %sign3A_218 = arith.extui %sign3A_217 : i1 to i32
        %sign3A_219 = arith.constant 0 : i32
        %sign3A_220 = arith.cmpi slt, %add3A_213, %sign3A_219 : i32
        %sign3A_221 = arith.extui %sign3A_220 : i1 to i32
        %sign3A_222 = arith.subi %sign3A_218, %sign3A_221 : i32
        %sign3A_223 = arith.constant 0 : i32
        %sign3A_224 = arith.cmpi sgt, %jit3A_214, %sign3A_223 : i32
        %sign3A_225 = arith.extui %sign3A_224 : i1 to i32
        %sign3A_226 = arith.constant 0 : i32
        %sign3A_227 = arith.cmpi slt, %jit3A_214, %sign3A_226 : i32
        %sign3A_228 = arith.extui %sign3A_227 : i1 to i32
        %sign3A_229 = arith.subi %sign3A_225, %sign3A_228 : i32
        %ne3A_230 = arith.cmpi ne, %sign3A_222, %sign3A_229 : i32
        %rem3A_231 = arith.remsi %add3A_213, %jit3A_214 : i32
        %ne3A_232 = arith.constant 0 : i32
        %ne3A_233 = arith.cmpi ne, %rem3A_231, %ne3A_232 : i32
        %and3A_234 = arith.andi %ne3A_230, %ne3A_233 : i1
        %sub3A_235 = arith.constant 1 : i32
        %sub3A_236 = arith.subi %div3A_215, %sub3A_235 : i32
        %select_n3A_237 = arith.select %and3A_234, %sub3A_236, %div3A_215 : i32
        %mul3A_238 = arith.constant 4 : i32
        %mul3A_239 = arith.muli %select_n3A_237, %mul3A_238 : i32
        %sub3A_240 = arith.subi %add3A_213, %mul3A_239 : i32
        %mul3A_241 = arith.constant 8 : i32
        %mul3A_242 = arith.muli %select_n3A_237, %mul3A_241 : i32
        %add3A_243 = arith.addi %mul3A_2, %mul3A_242 : i32
        %mul3A_244 = arith.constant 128 : i32
        %mul3A_245 = arith.muli %sub3A_240, %mul3A_244 : i32
        %dma_start3A_246 = arith.constant 3 : i32
        %dma_start3A_247 = arith.constant 0 : i32
        %dma_start3A_248 = tpu.memref_slice %arg2[%dma_start3A_246, %dma_start3A_247, %add3A_243, %mul3A_245] : memref<4x31x512x512xf32, #tpu.memory_space<hbm>> -> memref<1x31x8x128xf32, #tpu.memory_space<hbm>>
        %dma_start3A_249 = tpu.memref_squeeze %dma_start3A_248 : memref<1x31x8x128xf32, #tpu.memory_space<hbm>> -> memref<31x8x128xf32, #tpu.memory_space<hbm>>
        %dma_start3A_250 = arith.constant 0 : i32
        %dma_start3A_251 = tpu.memref_slice %arg2[%dma_start3A_246, %dma_start3A_250, %add3A_243, %mul3A_245] : memref<4x31x512x512xf32, #tpu.memory_space<hbm>> -> memref<1x31x8x128xf32, #tpu.memory_space<hbm>>
        %dma_start3A_252 = tpu.memref_squeeze %dma_start3A_251 : memref<1x31x8x128xf32, #tpu.memory_space<hbm>> -> memref<31x8x128xf32, #tpu.memory_space<hbm>>
        tpu.enqueue_dma source(%dma_start3A_252 : memref<31x8x128xf32, #tpu.memory_space<hbm>>) target(%arg4 : memref<31x8x128xf32, #tpu.memory_space<vmem>>) target_semaphore(%arg8 : memref<!tpu.dma_semaphore, #tpu.memory_space<semaphore_mem>>)
      } else {
      }
      %mul3A_120 = arith.constant 2 : i32
      %mul3A_121 = arith.muli %scan3A_40, %mul3A_120 : i32
      %add3A_122 = arith.constant 1 : i32
      %add3A_123 = arith.addi %mul3A_121, %add3A_122 : i32
      %jit3A_124 = arith.constant 4 : i32
      %div3A_125 = arith.divsi %add3A_123, %jit3A_124 : i32
      %sign3A_126 = arith.constant 0 : i32
      %sign3A_127 = arith.cmpi sgt, %add3A_123, %sign3A_126 : i32
      %sign3A_128 = arith.extui %sign3A_127 : i1 to i32
      %sign3A_129 = arith.constant 0 : i32
      %sign3A_130 = arith.cmpi slt, %add3A_123, %sign3A_129 : i32
      %sign3A_131 = arith.extui %sign3A_130 : i1 to i32
      %sign3A_132 = arith.subi %sign3A_128, %sign3A_131 : i32
      %sign3A_133 = arith.constant 0 : i32
      %sign3A_134 = arith.cmpi sgt, %jit3A_124, %sign3A_133 : i32
      %sign3A_135 = arith.extui %sign3A_134 : i1 to i32
      %sign3A_136 = arith.constant 0 : i32
      %sign3A_137 = arith.cmpi slt, %jit3A_124, %sign3A_136 : i32
      %sign3A_138 = arith.extui %sign3A_137 : i1 to i32
      %sign3A_139 = arith.subi %sign3A_135, %sign3A_138 : i32
      %ne3A_140 = arith.cmpi ne, %sign3A_132, %sign3A_139 : i32
      %rem3A_141 = arith.remsi %add3A_123, %jit3A_124 : i32
      %ne3A_142 = arith.constant 0 : i32
      %ne3A_143 = arith.cmpi ne, %rem3A_141, %ne3A_142 : i32
      %and3A_144 = arith.andi %ne3A_140, %ne3A_143 : i1
      %sub3A_145 = arith.constant 1 : i32
      %sub3A_146 = arith.subi %div3A_125, %sub3A_145 : i32
      %select_n3A_147 = arith.select %and3A_144, %sub3A_146, %div3A_125 : i32
      %mul3A_148 = arith.constant 4 : i32
      %mul3A_149 = arith.muli %select_n3A_147, %mul3A_148 : i32
      %sub3A_150 = arith.subi %add3A_123, %mul3A_149 : i32
      %mul3A_151 = arith.constant 8 : i32
      %mul3A_152 = arith.muli %select_n3A_147, %mul3A_151 : i32
      %add3A_153 = arith.addi %mul3A_2, %mul3A_152 : i32
      %mul3A_154 = arith.constant 128 : i32
      %mul3A_155 = arith.muli %sub3A_150, %mul3A_154 : i32
      %dma_wait3A_156 = arith.constant 3 : i32
      %dma_wait3A_157 = arith.constant 0 : i32
      %dma_wait3A_158 = tpu.memref_slice %arg2[%dma_wait3A_156, %dma_wait3A_157, %add3A_153, %mul3A_155] : memref<4x31x512x512xf32, #tpu.memory_space<hbm>> -> memref<1x31x8x128xf32, #tpu.memory_space<hbm>>
      %dma_wait3A_159 = tpu.memref_squeeze %dma_wait3A_158 : memref<1x31x8x128xf32, #tpu.memory_space<hbm>> -> memref<31x8x128xf32, #tpu.memory_space<hbm>>
      %dma_wait3A_160 = arith.constant 0 : i32
      %dma_wait3A_161 = tpu.memref_slice %arg2[%dma_wait3A_156, %dma_wait3A_160, %add3A_153, %mul3A_155] : memref<4x31x512x512xf32, #tpu.memory_space<hbm>> -> memref<1x31x8x128xf32, #tpu.memory_space<hbm>>
      %dma_wait3A_162 = tpu.memref_squeeze %dma_wait3A_161 : memref<1x31x8x128xf32, #tpu.memory_space<hbm>> -> memref<31x8x128xf32, #tpu.memory_space<hbm>>
      tpu.wait_dma2 semaphore(%arg9 : memref<!tpu.dma_semaphore, #tpu.memory_space<semaphore_mem>>) src(%dma_wait3A_162 : memref<31x8x128xf32, #tpu.memory_space<hbm>>) dst(%arg5 : memref<31x8x128xf32, #tpu.memory_space<vmem>>)
      %ge3A_163 = arith.constant 1 : i32
      %ge3A_164 = arith.cmpi sge, %scan3A_40, %ge3A_163 : i32
      %convert_element_type3A_165 = arith.extui %ge3A_164 : i1 to i32
      %cond3A_166 = arith.constant 0 : i32
      %cond3A_167 = arith.cmpi ne, %convert_element_type3A_165, %cond3A_166 : i32
      scf.if %cond3A_167 {
        %sub3A_212 = arith.constant 2 : i32
        %sub3A_213 = arith.subi %add3A_123, %sub3A_212 : i32
        %jit3A_214 = arith.constant 4 : i32
        %div3A_215 = arith.divsi %sub3A_213, %jit3A_214 : i32
        %sign3A_216 = arith.constant 0 : i32
        %sign3A_217 = arith.cmpi sgt, %sub3A_213, %sign3A_216 : i32
        %sign3A_218 = arith.extui %sign3A_217 : i1 to i32
        %sign3A_219 = arith.constant 0 : i32
        %sign3A_220 = arith.cmpi slt, %sub3A_213, %sign3A_219 : i32
        %sign3A_221 = arith.extui %sign3A_220 : i1 to i32
        %sign3A_222 = arith.subi %sign3A_218, %sign3A_221 : i32
        %sign3A_223 = arith.constant 0 : i32
        %sign3A_224 = arith.cmpi sgt, %jit3A_214, %sign3A_223 : i32
        %sign3A_225 = arith.extui %sign3A_224 : i1 to i32
        %sign3A_226 = arith.constant 0 : i32
        %sign3A_227 = arith.cmpi slt, %jit3A_214, %sign3A_226 : i32
        %sign3A_228 = arith.extui %sign3A_227 : i1 to i32
        %sign3A_229 = arith.subi %sign3A_225, %sign3A_228 : i32
        %ne3A_230 = arith.cmpi ne, %sign3A_222, %sign3A_229 : i32
        %rem3A_231 = arith.remsi %sub3A_213, %jit3A_214 : i32
        %ne3A_232 = arith.constant 0 : i32
        %ne3A_233 = arith.cmpi ne, %rem3A_231, %ne3A_232 : i32
        %and3A_234 = arith.andi %ne3A_230, %ne3A_233 : i1
        %sub3A_235 = arith.constant 1 : i32
        %sub3A_236 = arith.subi %div3A_215, %sub3A_235 : i32
        %select_n3A_237 = arith.select %and3A_234, %sub3A_236, %div3A_215 : i32
        %mul3A_238 = arith.constant 4 : i32
        %mul3A_239 = arith.muli %select_n3A_237, %mul3A_238 : i32
        %sub3A_240 = arith.subi %sub3A_213, %mul3A_239 : i32
        %mul3A_241 = arith.constant 8 : i32
        %mul3A_242 = arith.muli %select_n3A_237, %mul3A_241 : i32
        %add3A_243 = arith.addi %mul3A_2, %mul3A_242 : i32
        %mul3A_244 = arith.constant 128 : i32
        %mul3A_245 = arith.muli %sub3A_240, %mul3A_244 : i32
        %dma_wait3A_246 = tpu.memref_slice %arg3[%add3A_243, %mul3A_245] : memref<512x512xf32, #tpu.memory_space<hbm>> -> memref<8x128xf32, #tpu.memory_space<hbm>>
        %dma_wait3A_247 = tpu.memref_slice %arg3[%add3A_243, %mul3A_245] : memref<512x512xf32, #tpu.memory_space<hbm>> -> memref<8x128xf32, #tpu.memory_space<hbm>>
        tpu.wait_dma2 semaphore(%arg11 : memref<!tpu.dma_semaphore, #tpu.memory_space<semaphore_mem>>) src(%arg7 : memref<8x128xf32, #tpu.memory_space<vmem>>) dst(%dma_wait3A_247 : memref<8x128xf32, #tpu.memory_space<hbm>>)
      } else {
      }
      %parallel_loop3A_168 = arith.constant 0 : i32
      %parallel_loop3A_169 = arith.constant 64 : i32
      %parallel_loop3A_170 = arith.constant 1 : i32
      scf.for %parallel_loop3A_212 = %parallel_loop3A_168 to %parallel_loop3A_169 step %parallel_loop3A_170  : i32 {
        %parallel_loop3A_213 = arith.constant 8 : i32
        %parallel_loop3A_214 = arith.divsi %parallel_loop3A_212, %parallel_loop3A_213 : i32
        %parallel_loop3A_215 = arith.constant 0 : i32
        %parallel_loop3A_216 = arith.cmpi sgt, %parallel_loop3A_212, %parallel_loop3A_215 : i32
        %parallel_loop3A_217 = arith.extui %parallel_loop3A_216 : i1 to i32
        %parallel_loop3A_218 = arith.constant 0 : i32
        %parallel_loop3A_219 = arith.cmpi slt, %parallel_loop3A_212, %parallel_loop3A_218 : i32
        %parallel_loop3A_220 = arith.extui %parallel_loop3A_219 : i1 to i32
        %parallel_loop3A_221 = arith.subi %parallel_loop3A_217, %parallel_loop3A_220 : i32
        %parallel_loop3A_222 = arith.constant 0 : i32
        %parallel_loop3A_223 = arith.cmpi sgt, %parallel_loop3A_213, %parallel_loop3A_222 : i32
        %parallel_loop3A_224 = arith.extui %parallel_loop3A_223 : i1 to i32
        %parallel_loop3A_225 = arith.constant 0 : i32
        %parallel_loop3A_226 = arith.cmpi slt, %parallel_loop3A_213, %parallel_loop3A_225 : i32
        %parallel_loop3A_227 = arith.extui %parallel_loop3A_226 : i1 to i32
        %parallel_loop3A_228 = arith.subi %parallel_loop3A_224, %parallel_loop3A_227 : i32
        %parallel_loop3A_229 = arith.cmpi ne, %parallel_loop3A_221, %parallel_loop3A_228 : i32
        %parallel_loop3A_230 = arith.remsi %parallel_loop3A_212, %parallel_loop3A_213 : i32
        %parallel_loop3A_231 = arith.constant 0 : i32
        %parallel_loop3A_232 = arith.cmpi ne, %parallel_loop3A_230, %parallel_loop3A_231 : i32
        %parallel_loop3A_233 = arith.andi %parallel_loop3A_229, %parallel_loop3A_232 : i1
        %parallel_loop3A_234 = arith.constant 1 : i32
        %parallel_loop3A_235 = arith.subi %parallel_loop3A_214, %parallel_loop3A_234 : i32
        %parallel_loop3A_236 = arith.select %parallel_loop3A_233, %parallel_loop3A_235, %parallel_loop3A_214 : i32
        %parallel_loop3A_237 = arith.constant 8 : i32
        %parallel_loop3A_238 = arith.muli %parallel_loop3A_236, %parallel_loop3A_237 : i32
        %parallel_loop3A_239 = arith.subi %parallel_loop3A_212, %parallel_loop3A_238 : i32
        %parallel_loop3A_240 = arith.constant 16 : i32
        %parallel_loop3A_241 = arith.muli %parallel_loop3A_239, %parallel_loop3A_240 : i32
        %parallel_loop3A_242 = arith.constant 0 : i32
        %parallel_loop3A_243 = arith.index_cast %parallel_loop3A_242 : i32 to index
        %parallel_loop3A_244 = arith.index_cast %parallel_loop3A_236 : i32 to index
        %parallel_loop3A_245 = arith.index_cast %parallel_loop3A_241 : i32 to index
        %parallel_loop3A_246 = tpu.vector_load %arg5[%parallel_loop3A_243, %parallel_loop3A_244, %parallel_loop3A_245] {strides = array<i32>} : memref<31x8x128xf32, #tpu.memory_space<vmem>>, vector<1x1x16xf32>,
        %parallel_loop3A_247 = vector.shape_cast %parallel_loop3A_246 : vector<1x1x16xf32> to vector<16xf32>
        %parallel_loop3A_248 = arith.constant 0.000000e+00 : f32
        %parallel_loop3A_249 = vector.broadcast %parallel_loop3A_248 : f32 to vector<16xf32>
        %parallel_loop3A_250 = arith.constant 1 : i32
        %parallel_loop3A_251 = arith.index_cast %parallel_loop3A_250 : i32 to index
        %parallel_loop3A_252 = arith.index_cast %parallel_loop3A_236 : i32 to index
        %parallel_loop3A_253 = arith.index_cast %parallel_loop3A_241 : i32 to index
        %parallel_loop3A_254 = tpu.vector_load %arg5[%parallel_loop3A_251, %parallel_loop3A_252, %parallel_loop3A_253] {strides = array<i32>} : memref<31x8x128xf32, #tpu.memory_space<vmem>>, vector<1x1x16xf32>,
        %parallel_loop3A_255 = vector.shape_cast %parallel_loop3A_254 : vector<1x1x16xf32> to vector<16xf32>
        %parallel_loop3A_256 = arith.cmpf ogt, %parallel_loop3A_255, %parallel_loop3A_247 : vector<16xf32>
        %parallel_loop3A_257 = arith.select %parallel_loop3A_256, %parallel_loop3A_255, %parallel_loop3A_247 : vector<16xi1>, vector<16xf32>
        %parallel_loop3A_258 = arith.constant 1.000000e+00 : f32
        %parallel_loop3A_259 = vector.broadcast %parallel_loop3A_258 : f32 to vector<16xf32>
        %parallel_loop3A_260 = arith.select %parallel_loop3A_256, %parallel_loop3A_259, %parallel_loop3A_249 : vector<16xi1>, vector<16xf32>
        %parallel_loop3A_261 = arith.constant 2 : i32
        %parallel_loop3A_262 = arith.index_cast %parallel_loop3A_261 : i32 to index
        %parallel_loop3A_263 = arith.index_cast %parallel_loop3A_236 : i32 to index
        %parallel_loop3A_264 = arith.index_cast %parallel_loop3A_241 : i32 to index
        %parallel_loop3A_265 = tpu.vector_load %arg5[%parallel_loop3A_262, %parallel_loop3A_263, %parallel_loop3A_264] {strides = array<i32>} : memref<31x8x128xf32, #tpu.memory_space<vmem>>, vector<1x1x16xf32>,
        %parallel_loop3A_266 = vector.shape_cast %parallel_loop3A_265 : vector<1x1x16xf32> to vector<16xf32>
        %parallel_loop3A_267 = arith.cmpf ogt, %parallel_loop3A_266, %parallel_loop3A_257 : vector<16xf32>
        %parallel_loop3A_268 = arith.select %parallel_loop3A_267, %parallel_loop3A_266, %parallel_loop3A_257 : vector<16xi1>, vector<16xf32>
        %parallel_loop3A_269 = arith.constant 2.000000e+00 : f32
        %parallel_loop3A_270 = vector.broadcast %parallel_loop3A_269 : f32 to vector<16xf32>
        %parallel_loop3A_271 = arith.select %parallel_loop3A_267, %parallel_loop3A_270, %parallel_loop3A_260 : vector<16xi1>, vector<16xf32>
        %parallel_loop3A_272 = arith.constant 3 : i32
        %parallel_loop3A_273 = arith.index_cast %parallel_loop3A_272 : i32 to index
        %parallel_loop3A_274 = arith.index_cast %parallel_loop3A_236 : i32 to index
        %parallel_loop3A_275 = arith.index_cast %parallel_loop3A_241 : i32 to index
        %parallel_loop3A_276 = tpu.vector_load %arg5[%parallel_loop3A_273, %parallel_loop3A_274, %parallel_loop3A_275] {strides = array<i32>} : memref<31x8x128xf32, #tpu.memory_space<vmem>>, vector<1x1x16xf32>,
        %parallel_loop3A_277 = vector.shape_cast %parallel_loop3A_276 : vector<1x1x16xf32> to vector<16xf32>
        %parallel_loop3A_278 = arith.cmpf ogt, %parallel_loop3A_277, %parallel_loop3A_268 : vector<16xf32>
        %parallel_loop3A_279 = arith.select %parallel_loop3A_278, %parallel_loop3A_277, %parallel_loop3A_268 : vector<16xi1>, vector<16xf32>
        %parallel_loop3A_280 = arith.constant 3.000000e+00 : f32
        %parallel_loop3A_281 = vector.broadcast %parallel_loop3A_280 : f32 to vector<16xf32>
        %parallel_loop3A_282 = arith.select %parallel_loop3A_278, %parallel_loop3A_281, %parallel_loop3A_271 : vector<16xi1>, vector<16xf32>
        %parallel_loop3A_283 = arith.constant 4 : i32
        %parallel_loop3A_284 = arith.index_cast %parallel_loop3A_283 : i32 to index
        %parallel_loop3A_285 = arith.index_cast %parallel_loop3A_236 : i32 to index
        %parallel_loop3A_286 = arith.index_cast %parallel_loop3A_241 : i32 to index
        %parallel_loop3A_287 = tpu.vector_load %arg5[%parallel_loop3A_284, %parallel_loop3A_285, %parallel_loop3A_286] {strides = array<i32>} : memref<31x8x128xf32, #tpu.memory_space<vmem>>, vector<1x1x16xf32>,
        %parallel_loop3A_288 = vector.shape_cast %parallel_loop3A_287 : vector<1x1x16xf32> to vector<16xf32>
        %parallel_loop3A_289 = arith.cmpf ogt, %parallel_loop3A_288, %parallel_loop3A_279 : vector<16xf32>
        %parallel_loop3A_290 = arith.select %parallel_loop3A_289, %parallel_loop3A_288, %parallel_loop3A_279 : vector<16xi1>, vector<16xf32>
        %parallel_loop3A_291 = arith.constant 4.000000e+00 : f32
        %parallel_loop3A_292 = vector.broadcast %parallel_loop3A_291 : f32 to vector<16xf32>
        %parallel_loop3A_293 = arith.select %parallel_loop3A_289, %parallel_loop3A_292, %parallel_loop3A_282 : vector<16xi1>, vector<16xf32>
        %parallel_loop3A_294 = arith.constant 5 : i32
        %parallel_loop3A_295 = arith.index_cast %parallel_loop3A_294 : i32 to index
        %parallel_loop3A_296 = arith.index_cast %parallel_loop3A_236 : i32 to index
        %parallel_loop3A_297 = arith.index_cast %parallel_loop3A_241 : i32 to index
        %parallel_loop3A_298 = tpu.vector_load %arg5[%parallel_loop3A_295, %parallel_loop3A_296, %parallel_loop3A_297] {strides = array<i32>} : memref<31x8x128xf32, #tpu.memory_space<vmem>>, vector<1x1x16xf32>,
        %parallel_loop3A_299 = vector.shape_cast %parallel_loop3A_298 : vector<1x1x16xf32> to vector<16xf32>
        %parallel_loop3A_300 = arith.cmpf ogt, %parallel_loop3A_299, %parallel_loop3A_290 : vector<16xf32>
        %parallel_loop3A_301 = arith.select %parallel_loop3A_300, %parallel_loop3A_299, %parallel_loop3A_290 : vector<16xi1>, vector<16xf32>
        %parallel_loop3A_302 = arith.constant 5.000000e+00 : f32
        %parallel_loop3A_303 = vector.broadcast %parallel_loop3A_302 : f32 to vector<16xf32>
        %parallel_loop3A_304 = arith.select %parallel_loop3A_300, %parallel_loop3A_303, %parallel_loop3A_293 : vector<16xi1>, vector<16xf32>
        %parallel_loop3A_305 = arith.constant 6 : i32
        %parallel_loop3A_306 = arith.index_cast %parallel_loop3A_305 : i32 to index
        %parallel_loop3A_307 = arith.index_cast %parallel_loop3A_236 : i32 to index
        %parallel_loop3A_308 = arith.index_cast %parallel_loop3A_241 : i32 to index
        %parallel_loop3A_309 = tpu.vector_load %arg5[%parallel_loop3A_306, %parallel_loop3A_307, %parallel_loop3A_308] {strides = array<i32>} : memref<31x8x128xf32, #tpu.memory_space<vmem>>, vector<1x1x16xf32>,
        %parallel_loop3A_310 = vector.shape_cast %parallel_loop3A_309 : vector<1x1x16xf32> to vector<16xf32>
        %parallel_loop3A_311 = arith.cmpf ogt, %parallel_loop3A_310, %parallel_loop3A_301 : vector<16xf32>
        %parallel_loop3A_312 = arith.select %parallel_loop3A_311, %parallel_loop3A_310, %parallel_loop3A_301 : vector<16xi1>, vector<16xf32>
        %parallel_loop3A_313 = arith.constant 6.000000e+00 : f32
        %parallel_loop3A_314 = vector.broadcast %parallel_loop3A_313 : f32 to vector<16xf32>
        %parallel_loop3A_315 = arith.select %parallel_loop3A_311, %parallel_loop3A_314, %parallel_loop3A_304 : vector<16xi1>, vector<16xf32>
        %parallel_loop3A_316 = arith.constant 7 : i32
        %parallel_loop3A_317 = arith.index_cast %parallel_loop3A_316 : i32 to index
        %parallel_loop3A_318 = arith.index_cast %parallel_loop3A_236 : i32 to index
        %parallel_loop3A_319 = arith.index_cast %parallel_loop3A_241 : i32 to index
        %parallel_loop3A_320 = tpu.vector_load %arg5[%parallel_loop3A_317, %parallel_loop3A_318, %parallel_loop3A_319] {strides = array<i32>} : memref<31x8x128xf32, #tpu.memory_space<vmem>>, vector<1x1x16xf32>,
        %parallel_loop3A_321 = vector.shape_cast %parallel_loop3A_320 : vector<1x1x16xf32> to vector<16xf32>
        %parallel_loop3A_322 = arith.cmpf ogt, %parallel_loop3A_321, %parallel_loop3A_312 : vector<16xf32>
        %parallel_loop3A_323 = arith.select %parallel_loop3A_322, %parallel_loop3A_321, %parallel_loop3A_312 : vector<16xi1>, vector<16xf32>
        %parallel_loop3A_324 = arith.constant 7.000000e+00 : f32
        %parallel_loop3A_325 = vector.broadcast %parallel_loop3A_324 : f32 to vector<16xf32>
        %parallel_loop3A_326 = arith.select %parallel_loop3A_322, %parallel_loop3A_325, %parallel_loop3A_315 : vector<16xi1>, vector<16xf32>
        %parallel_loop3A_327 = arith.constant 8 : i32
        %parallel_loop3A_328 = arith.index_cast %parallel_loop3A_327 : i32 to index
        %parallel_loop3A_329 = arith.index_cast %parallel_loop3A_236 : i32 to index
        %parallel_loop3A_330 = arith.index_cast %parallel_loop3A_241 : i32 to index
        %parallel_loop3A_331 = tpu.vector_load %arg5[%parallel_loop3A_328, %parallel_loop3A_329, %parallel_loop3A_330] {strides = array<i32>} : memref<31x8x128xf32, #tpu.memory_space<vmem>>, vector<1x1x16xf32>,
        %parallel_loop3A_332 = vector.shape_cast %parallel_loop3A_331 : vector<1x1x16xf32> to vector<16xf32>
        %parallel_loop3A_333 = arith.cmpf ogt, %parallel_loop3A_332, %parallel_loop3A_323 : vector<16xf32>
        %parallel_loop3A_334 = arith.select %parallel_loop3A_333, %parallel_loop3A_332, %parallel_loop3A_323 : vector<16xi1>, vector<16xf32>
        %parallel_loop3A_335 = arith.constant 8.000000e+00 : f32
        %parallel_loop3A_336 = vector.broadcast %parallel_loop3A_335 : f32 to vector<16xf32>
        %parallel_loop3A_337 = arith.select %parallel_loop3A_333, %parallel_loop3A_336, %parallel_loop3A_326 : vector<16xi1>, vector<16xf32>
        %parallel_loop3A_338 = arith.constant 9 : i32
        %parallel_loop3A_339 = arith.index_cast %parallel_loop3A_338 : i32 to index
        %parallel_loop3A_340 = arith.index_cast %parallel_loop3A_236 : i32 to index
        %parallel_loop3A_341 = arith.index_cast %parallel_loop3A_241 : i32 to index
        %parallel_loop3A_342 = tpu.vector_load %arg5[%parallel_loop3A_339, %parallel_loop3A_340, %parallel_loop3A_341] {strides = array<i32>} : memref<31x8x128xf32, #tpu.memory_space<vmem>>, vector<1x1x16xf32>,
        %parallel_loop3A_343 = vector.shape_cast %parallel_loop3A_342 : vector<1x1x16xf32> to vector<16xf32>
        %parallel_loop3A_344 = arith.cmpf ogt, %parallel_loop3A_343, %parallel_loop3A_334 : vector<16xf32>
        %parallel_loop3A_345 = arith.select %parallel_loop3A_344, %parallel_loop3A_343, %parallel_loop3A_334 : vector<16xi1>, vector<16xf32>
        %parallel_loop3A_346 = arith.constant 9.000000e+00 : f32
        %parallel_loop3A_347 = vector.broadcast %parallel_loop3A_346 : f32 to vector<16xf32>
        %parallel_loop3A_348 = arith.select %parallel_loop3A_344, %parallel_loop3A_347, %parallel_loop3A_337 : vector<16xi1>, vector<16xf32>
        %parallel_loop3A_349 = arith.constant 10 : i32
        %parallel_loop3A_350 = arith.index_cast %parallel_loop3A_349 : i32 to index
        %parallel_loop3A_351 = arith.index_cast %parallel_loop3A_236 : i32 to index
        %parallel_loop3A_352 = arith.index_cast %parallel_loop3A_241 : i32 to index
        %parallel_loop3A_353 = tpu.vector_load %arg5[%parallel_loop3A_350, %parallel_loop3A_351, %parallel_loop3A_352] {strides = array<i32>} : memref<31x8x128xf32, #tpu.memory_space<vmem>>, vector<1x1x16xf32>,
        %parallel_loop3A_354 = vector.shape_cast %parallel_loop3A_353 : vector<1x1x16xf32> to vector<16xf32>
        %parallel_loop3A_355 = arith.cmpf ogt, %parallel_loop3A_354, %parallel_loop3A_345 : vector<16xf32>
        %parallel_loop3A_356 = arith.select %parallel_loop3A_355, %parallel_loop3A_354, %parallel_loop3A_345 : vector<16xi1>, vector<16xf32>
        %parallel_loop3A_357 = arith.constant 1.000000e+01 : f32
        %parallel_loop3A_358 = vector.broadcast %parallel_loop3A_357 : f32 to vector<16xf32>
        %parallel_loop3A_359 = arith.select %parallel_loop3A_355, %parallel_loop3A_358, %parallel_loop3A_348 : vector<16xi1>, vector<16xf32>
        %parallel_loop3A_360 = arith.constant 11 : i32
        %parallel_loop3A_361 = arith.index_cast %parallel_loop3A_360 : i32 to index
        %parallel_loop3A_362 = arith.index_cast %parallel_loop3A_236 : i32 to index
        %parallel_loop3A_363 = arith.index_cast %parallel_loop3A_241 : i32 to index
        %parallel_loop3A_364 = tpu.vector_load %arg5[%parallel_loop3A_361, %parallel_loop3A_362, %parallel_loop3A_363] {strides = array<i32>} : memref<31x8x128xf32, #tpu.memory_space<vmem>>, vector<1x1x16xf32>,
        %parallel_loop3A_365 = vector.shape_cast %parallel_loop3A_364 : vector<1x1x16xf32> to vector<16xf32>
        %parallel_loop3A_366 = arith.cmpf ogt, %parallel_loop3A_365, %parallel_loop3A_356 : vector<16xf32>
        %parallel_loop3A_367 = arith.select %parallel_loop3A_366, %parallel_loop3A_365, %parallel_loop3A_356 : vector<16xi1>, vector<16xf32>
        %parallel_loop3A_368 = arith.constant 1.100000e+01 : f32
        %parallel_loop3A_369 = vector.broadcast %parallel_loop3A_368 : f32 to vector<16xf32>
        %parallel_loop3A_370 = arith.select %parallel_loop3A_366, %parallel_loop3A_369, %parallel_loop3A_359 : vector<16xi1>, vector<16xf32>
        %parallel_loop3A_371 = arith.constant 12 : i32
        %parallel_loop3A_372 = arith.index_cast %parallel_loop3A_371 : i32 to index
        %parallel_loop3A_373 = arith.index_cast %parallel_loop3A_236 : i32 to index
        %parallel_loop3A_374 = arith.index_cast %parallel_loop3A_241 : i32 to index
        %parallel_loop3A_375 = tpu.vector_load %arg5[%parallel_loop3A_372, %parallel_loop3A_373, %parallel_loop3A_374] {strides = array<i32>} : memref<31x8x128xf32, #tpu.memory_space<vmem>>, vector<1x1x16xf32>,
        %parallel_loop3A_376 = vector.shape_cast %parallel_loop3A_375 : vector<1x1x16xf32> to vector<16xf32>
        %parallel_loop3A_377 = arith.cmpf ogt, %parallel_loop3A_376, %parallel_loop3A_367 : vector<16xf32>
        %parallel_loop3A_378 = arith.select %parallel_loop3A_377, %parallel_loop3A_376, %parallel_loop3A_367 : vector<16xi1>, vector<16xf32>
        %parallel_loop3A_379 = arith.constant 1.200000e+01 : f32
        %parallel_loop3A_380 = vector.broadcast %parallel_loop3A_379 : f32 to vector<16xf32>
        %parallel_loop3A_381 = arith.select %parallel_loop3A_377, %parallel_loop3A_380, %parallel_loop3A_370 : vector<16xi1>, vector<16xf32>
        %parallel_loop3A_382 = arith.constant 13 : i32
        %parallel_loop3A_383 = arith.index_cast %parallel_loop3A_382 : i32 to index
        %parallel_loop3A_384 = arith.index_cast %parallel_loop3A_236 : i32 to index
        %parallel_loop3A_385 = arith.index_cast %parallel_loop3A_241 : i32 to index
        %parallel_loop3A_386 = tpu.vector_load %arg5[%parallel_loop3A_383, %parallel_loop3A_384, %parallel_loop3A_385] {strides = array<i32>} : memref<31x8x128xf32, #tpu.memory_space<vmem>>, vector<1x1x16xf32>,
        %parallel_loop3A_387 = vector.shape_cast %parallel_loop3A_386 : vector<1x1x16xf32> to vector<16xf32>
        %parallel_loop3A_388 = arith.cmpf ogt, %parallel_loop3A_387, %parallel_loop3A_378 : vector<16xf32>
        %parallel_loop3A_389 = arith.select %parallel_loop3A_388, %parallel_loop3A_387, %parallel_loop3A_378 : vector<16xi1>, vector<16xf32>
        %parallel_loop3A_390 = arith.constant 1.300000e+01 : f32
        %parallel_loop3A_391 = vector.broadcast %parallel_loop3A_390 : f32 to vector<16xf32>
        %parallel_loop3A_392 = arith.select %parallel_loop3A_388, %parallel_loop3A_391, %parallel_loop3A_381 : vector<16xi1>, vector<16xf32>
        %parallel_loop3A_393 = arith.constant 14 : i32
        %parallel_loop3A_394 = arith.index_cast %parallel_loop3A_393 : i32 to index
        %parallel_loop3A_395 = arith.index_cast %parallel_loop3A_236 : i32 to index
        %parallel_loop3A_396 = arith.index_cast %parallel_loop3A_241 : i32 to index
        %parallel_loop3A_397 = tpu.vector_load %arg5[%parallel_loop3A_394, %parallel_loop3A_395, %parallel_loop3A_396] {strides = array<i32>} : memref<31x8x128xf32, #tpu.memory_space<vmem>>, vector<1x1x16xf32>,
        %parallel_loop3A_398 = vector.shape_cast %parallel_loop3A_397 : vector<1x1x16xf32> to vector<16xf32>
        %parallel_loop3A_399 = arith.cmpf ogt, %parallel_loop3A_398, %parallel_loop3A_389 : vector<16xf32>
        %parallel_loop3A_400 = arith.select %parallel_loop3A_399, %parallel_loop3A_398, %parallel_loop3A_389 : vector<16xi1>, vector<16xf32>
        %parallel_loop3A_401 = arith.constant 1.400000e+01 : f32
        %parallel_loop3A_402 = vector.broadcast %parallel_loop3A_401 : f32 to vector<16xf32>
        %parallel_loop3A_403 = arith.select %parallel_loop3A_399, %parallel_loop3A_402, %parallel_loop3A_392 : vector<16xi1>, vector<16xf32>
        %parallel_loop3A_404 = arith.constant 15 : i32
        %parallel_loop3A_405 = arith.index_cast %parallel_loop3A_404 : i32 to index
        %parallel_loop3A_406 = arith.index_cast %parallel_loop3A_236 : i32 to index
        %parallel_loop3A_407 = arith.index_cast %parallel_loop3A_241 : i32 to index
        %parallel_loop3A_408 = tpu.vector_load %arg5[%parallel_loop3A_405, %parallel_loop3A_406, %parallel_loop3A_407] {strides = array<i32>} : memref<31x8x128xf32, #tpu.memory_space<vmem>>, vector<1x1x16xf32>,
        %parallel_loop3A_409 = vector.shape_cast %parallel_loop3A_408 : vector<1x1x16xf32> to vector<16xf32>
        %parallel_loop3A_410 = arith.cmpf ogt, %parallel_loop3A_409, %parallel_loop3A_400 : vector<16xf32>
        %parallel_loop3A_411 = arith.select %parallel_loop3A_410, %parallel_loop3A_409, %parallel_loop3A_400 : vector<16xi1>, vector<16xf32>
        %parallel_loop3A_412 = arith.constant 1.500000e+01 : f32
        %parallel_loop3A_413 = vector.broadcast %parallel_loop3A_412 : f32 to vector<16xf32>
        %parallel_loop3A_414 = arith.select %parallel_loop3A_410, %parallel_loop3A_413, %parallel_loop3A_403 : vector<16xi1>, vector<16xf32>
        %parallel_loop3A_415 = arith.constant 16 : i32
        %parallel_loop3A_416 = arith.index_cast %parallel_loop3A_415 : i32 to index
        %parallel_loop3A_417 = arith.index_cast %parallel_loop3A_236 : i32 to index
        %parallel_loop3A_418 = arith.index_cast %parallel_loop3A_241 : i32 to index
        %parallel_loop3A_419 = tpu.vector_load %arg5[%parallel_loop3A_416, %parallel_loop3A_417, %parallel_loop3A_418] {strides = array<i32>} : memref<31x8x128xf32, #tpu.memory_space<vmem>>, vector<1x1x16xf32>,
        %parallel_loop3A_420 = vector.shape_cast %parallel_loop3A_419 : vector<1x1x16xf32> to vector<16xf32>
        %parallel_loop3A_421 = arith.cmpf ogt, %parallel_loop3A_420, %parallel_loop3A_411 : vector<16xf32>
        %parallel_loop3A_422 = arith.select %parallel_loop3A_421, %parallel_loop3A_420, %parallel_loop3A_411 : vector<16xi1>, vector<16xf32>
        %parallel_loop3A_423 = arith.constant 1.600000e+01 : f32
        %parallel_loop3A_424 = vector.broadcast %parallel_loop3A_423 : f32 to vector<16xf32>
        %parallel_loop3A_425 = arith.select %parallel_loop3A_421, %parallel_loop3A_424, %parallel_loop3A_414 : vector<16xi1>, vector<16xf32>
        %parallel_loop3A_426 = arith.constant 17 : i32
        %parallel_loop3A_427 = arith.index_cast %parallel_loop3A_426 : i32 to index
        %parallel_loop3A_428 = arith.index_cast %parallel_loop3A_236 : i32 to index
        %parallel_loop3A_429 = arith.index_cast %parallel_loop3A_241 : i32 to index
        %parallel_loop3A_430 = tpu.vector_load %arg5[%parallel_loop3A_427, %parallel_loop3A_428, %parallel_loop3A_429] {strides = array<i32>} : memref<31x8x128xf32, #tpu.memory_space<vmem>>, vector<1x1x16xf32>,
        %parallel_loop3A_431 = vector.shape_cast %parallel_loop3A_430 : vector<1x1x16xf32> to vector<16xf32>
        %parallel_loop3A_432 = arith.cmpf ogt, %parallel_loop3A_431, %parallel_loop3A_422 : vector<16xf32>
        %parallel_loop3A_433 = arith.select %parallel_loop3A_432, %parallel_loop3A_431, %parallel_loop3A_422 : vector<16xi1>, vector<16xf32>
        %parallel_loop3A_434 = arith.constant 1.700000e+01 : f32
        %parallel_loop3A_435 = vector.broadcast %parallel_loop3A_434 : f32 to vector<16xf32>
        %parallel_loop3A_436 = arith.select %parallel_loop3A_432, %parallel_loop3A_435, %parallel_loop3A_425 : vector<16xi1>, vector<16xf32>
        %parallel_loop3A_437 = arith.constant 18 : i32
        %parallel_loop3A_438 = arith.index_cast %parallel_loop3A_437 : i32 to index
        %parallel_loop3A_439 = arith.index_cast %parallel_loop3A_236 : i32 to index
        %parallel_loop3A_440 = arith.index_cast %parallel_loop3A_241 : i32 to index
        %parallel_loop3A_441 = tpu.vector_load %arg5[%parallel_loop3A_438, %parallel_loop3A_439, %parallel_loop3A_440] {strides = array<i32>} : memref<31x8x128xf32, #tpu.memory_space<vmem>>, vector<1x1x16xf32>,
        %parallel_loop3A_442 = vector.shape_cast %parallel_loop3A_441 : vector<1x1x16xf32> to vector<16xf32>
        %parallel_loop3A_443 = arith.cmpf ogt, %parallel_loop3A_442, %parallel_loop3A_433 : vector<16xf32>
        %parallel_loop3A_444 = arith.select %parallel_loop3A_443, %parallel_loop3A_442, %parallel_loop3A_433 : vector<16xi1>, vector<16xf32>
        %parallel_loop3A_445 = arith.constant 1.800000e+01 : f32
        %parallel_loop3A_446 = vector.broadcast %parallel_loop3A_445 : f32 to vector<16xf32>
        %parallel_loop3A_447 = arith.select %parallel_loop3A_443, %parallel_loop3A_446, %parallel_loop3A_436 : vector<16xi1>, vector<16xf32>
        %parallel_loop3A_448 = arith.constant 19 : i32
        %parallel_loop3A_449 = arith.index_cast %parallel_loop3A_448 : i32 to index
        %parallel_loop3A_450 = arith.index_cast %parallel_loop3A_236 : i32 to index
        %parallel_loop3A_451 = arith.index_cast %parallel_loop3A_241 : i32 to index
        %parallel_loop3A_452 = tpu.vector_load %arg5[%parallel_loop3A_449, %parallel_loop3A_450, %parallel_loop3A_451] {strides = array<i32>} : memref<31x8x128xf32, #tpu.memory_space<vmem>>, vector<1x1x16xf32>,
        %parallel_loop3A_453 = vector.shape_cast %parallel_loop3A_452 : vector<1x1x16xf32> to vector<16xf32>
        %parallel_loop3A_454 = arith.cmpf ogt, %parallel_loop3A_453, %parallel_loop3A_444 : vector<16xf32>
        %parallel_loop3A_455 = arith.select %parallel_loop3A_454, %parallel_loop3A_453, %parallel_loop3A_444 : vector<16xi1>, vector<16xf32>
        %parallel_loop3A_456 = arith.constant 1.900000e+01 : f32
        %parallel_loop3A_457 = vector.broadcast %parallel_loop3A_456 : f32 to vector<16xf32>
        %parallel_loop3A_458 = arith.select %parallel_loop3A_454, %parallel_loop3A_457, %parallel_loop3A_447 : vector<16xi1>, vector<16xf32>
        %parallel_loop3A_459 = arith.constant 20 : i32
        %parallel_loop3A_460 = arith.index_cast %parallel_loop3A_459 : i32 to index
        %parallel_loop3A_461 = arith.index_cast %parallel_loop3A_236 : i32 to index
        %parallel_loop3A_462 = arith.index_cast %parallel_loop3A_241 : i32 to index
        %parallel_loop3A_463 = tpu.vector_load %arg5[%parallel_loop3A_460, %parallel_loop3A_461, %parallel_loop3A_462] {strides = array<i32>} : memref<31x8x128xf32, #tpu.memory_space<vmem>>, vector<1x1x16xf32>,
        %parallel_loop3A_464 = vector.shape_cast %parallel_loop3A_463 : vector<1x1x16xf32> to vector<16xf32>
        %parallel_loop3A_465 = arith.cmpf ogt, %parallel_loop3A_464, %parallel_loop3A_455 : vector<16xf32>
        %parallel_loop3A_466 = arith.select %parallel_loop3A_465, %parallel_loop3A_464, %parallel_loop3A_455 : vector<16xi1>, vector<16xf32>
        %parallel_loop3A_467 = arith.constant 2.000000e+01 : f32
        %parallel_loop3A_468 = vector.broadcast %parallel_loop3A_467 : f32 to vector<16xf32>
        %parallel_loop3A_469 = arith.select %parallel_loop3A_465, %parallel_loop3A_468, %parallel_loop3A_458 : vector<16xi1>, vector<16xf32>
        %parallel_loop3A_470 = arith.constant 21 : i32
        %parallel_loop3A_471 = arith.index_cast %parallel_loop3A_470 : i32 to index
        %parallel_loop3A_472 = arith.index_cast %parallel_loop3A_236 : i32 to index
        %parallel_loop3A_473 = arith.index_cast %parallel_loop3A_241 : i32 to index
        %parallel_loop3A_474 = tpu.vector_load %arg5[%parallel_loop3A_471, %parallel_loop3A_472, %parallel_loop3A_473] {strides = array<i32>} : memref<31x8x128xf32, #tpu.memory_space<vmem>>, vector<1x1x16xf32>,
        %parallel_loop3A_475 = vector.shape_cast %parallel_loop3A_474 : vector<1x1x16xf32> to vector<16xf32>
        %parallel_loop3A_476 = arith.cmpf ogt, %parallel_loop3A_475, %parallel_loop3A_466 : vector<16xf32>
        %parallel_loop3A_477 = arith.select %parallel_loop3A_476, %parallel_loop3A_475, %parallel_loop3A_466 : vector<16xi1>, vector<16xf32>
        %parallel_loop3A_478 = arith.constant 2.100000e+01 : f32
        %parallel_loop3A_479 = vector.broadcast %parallel_loop3A_478 : f32 to vector<16xf32>
        %parallel_loop3A_480 = arith.select %parallel_loop3A_476, %parallel_loop3A_479, %parallel_loop3A_469 : vector<16xi1>, vector<16xf32>
        %parallel_loop3A_481 = arith.constant 22 : i32
        %parallel_loop3A_482 = arith.index_cast %parallel_loop3A_481 : i32 to index
        %parallel_loop3A_483 = arith.index_cast %parallel_loop3A_236 : i32 to index
        %parallel_loop3A_484 = arith.index_cast %parallel_loop3A_241 : i32 to index
        %parallel_loop3A_485 = tpu.vector_load %arg5[%parallel_loop3A_482, %parallel_loop3A_483, %parallel_loop3A_484] {strides = array<i32>} : memref<31x8x128xf32, #tpu.memory_space<vmem>>, vector<1x1x16xf32>,
        %parallel_loop3A_486 = vector.shape_cast %parallel_loop3A_485 : vector<1x1x16xf32> to vector<16xf32>
        %parallel_loop3A_487 = arith.cmpf ogt, %parallel_loop3A_486, %parallel_loop3A_477 : vector<16xf32>
        %parallel_loop3A_488 = arith.select %parallel_loop3A_487, %parallel_loop3A_486, %parallel_loop3A_477 : vector<16xi1>, vector<16xf32>
        %parallel_loop3A_489 = arith.constant 2.200000e+01 : f32
        %parallel_loop3A_490 = vector.broadcast %parallel_loop3A_489 : f32 to vector<16xf32>
        %parallel_loop3A_491 = arith.select %parallel_loop3A_487, %parallel_loop3A_490, %parallel_loop3A_480 : vector<16xi1>, vector<16xf32>
        %parallel_loop3A_492 = arith.constant 23 : i32
        %parallel_loop3A_493 = arith.index_cast %parallel_loop3A_492 : i32 to index
        %parallel_loop3A_494 = arith.index_cast %parallel_loop3A_236 : i32 to index
        %parallel_loop3A_495 = arith.index_cast %parallel_loop3A_241 : i32 to index
        %parallel_loop3A_496 = tpu.vector_load %arg5[%parallel_loop3A_493, %parallel_loop3A_494, %parallel_loop3A_495] {strides = array<i32>} : memref<31x8x128xf32, #tpu.memory_space<vmem>>, vector<1x1x16xf32>,
        %parallel_loop3A_497 = vector.shape_cast %parallel_loop3A_496 : vector<1x1x16xf32> to vector<16xf32>
        %parallel_loop3A_498 = arith.cmpf ogt, %parallel_loop3A_497, %parallel_loop3A_488 : vector<16xf32>
        %parallel_loop3A_499 = arith.select %parallel_loop3A_498, %parallel_loop3A_497, %parallel_loop3A_488 : vector<16xi1>, vector<16xf32>
        %parallel_loop3A_500 = arith.constant 2.300000e+01 : f32
        %parallel_loop3A_501 = vector.broadcast %parallel_loop3A_500 : f32 to vector<16xf32>
        %parallel_loop3A_502 = arith.select %parallel_loop3A_498, %parallel_loop3A_501, %parallel_loop3A_491 : vector<16xi1>, vector<16xf32>
        %parallel_loop3A_503 = arith.constant 24 : i32
        %parallel_loop3A_504 = arith.index_cast %parallel_loop3A_503 : i32 to index
        %parallel_loop3A_505 = arith.index_cast %parallel_loop3A_236 : i32 to index
        %parallel_loop3A_506 = arith.index_cast %parallel_loop3A_241 : i32 to index
        %parallel_loop3A_507 = tpu.vector_load %arg5[%parallel_loop3A_504, %parallel_loop3A_505, %parallel_loop3A_506] {strides = array<i32>} : memref<31x8x128xf32, #tpu.memory_space<vmem>>, vector<1x1x16xf32>,
        %parallel_loop3A_508 = vector.shape_cast %parallel_loop3A_507 : vector<1x1x16xf32> to vector<16xf32>
        %parallel_loop3A_509 = arith.cmpf ogt, %parallel_loop3A_508, %parallel_loop3A_499 : vector<16xf32>
        %parallel_loop3A_510 = arith.select %parallel_loop3A_509, %parallel_loop3A_508, %parallel_loop3A_499 : vector<16xi1>, vector<16xf32>
        %parallel_loop3A_511 = arith.constant 2.400000e+01 : f32
        %parallel_loop3A_512 = vector.broadcast %parallel_loop3A_511 : f32 to vector<16xf32>
        %parallel_loop3A_513 = arith.select %parallel_loop3A_509, %parallel_loop3A_512, %parallel_loop3A_502 : vector<16xi1>, vector<16xf32>
        %parallel_loop3A_514 = arith.constant 25 : i32
        %parallel_loop3A_515 = arith.index_cast %parallel_loop3A_514 : i32 to index
        %parallel_loop3A_516 = arith.index_cast %parallel_loop3A_236 : i32 to index
        %parallel_loop3A_517 = arith.index_cast %parallel_loop3A_241 : i32 to index
        %parallel_loop3A_518 = tpu.vector_load %arg5[%parallel_loop3A_515, %parallel_loop3A_516, %parallel_loop3A_517] {strides = array<i32>} : memref<31x8x128xf32, #tpu.memory_space<vmem>>, vector<1x1x16xf32>,
        %parallel_loop3A_519 = vector.shape_cast %parallel_loop3A_518 : vector<1x1x16xf32> to vector<16xf32>
        %parallel_loop3A_520 = arith.cmpf ogt, %parallel_loop3A_519, %parallel_loop3A_510 : vector<16xf32>
        %parallel_loop3A_521 = arith.select %parallel_loop3A_520, %parallel_loop3A_519, %parallel_loop3A_510 : vector<16xi1>, vector<16xf32>
        %parallel_loop3A_522 = arith.constant 2.500000e+01 : f32
        %parallel_loop3A_523 = vector.broadcast %parallel_loop3A_522 : f32 to vector<16xf32>
        %parallel_loop3A_524 = arith.select %parallel_loop3A_520, %parallel_loop3A_523, %parallel_loop3A_513 : vector<16xi1>, vector<16xf32>
        %parallel_loop3A_525 = arith.constant 26 : i32
        %parallel_loop3A_526 = arith.index_cast %parallel_loop3A_525 : i32 to index
        %parallel_loop3A_527 = arith.index_cast %parallel_loop3A_236 : i32 to index
        %parallel_loop3A_528 = arith.index_cast %parallel_loop3A_241 : i32 to index
        %parallel_loop3A_529 = tpu.vector_load %arg5[%parallel_loop3A_526, %parallel_loop3A_527, %parallel_loop3A_528] {strides = array<i32>} : memref<31x8x128xf32, #tpu.memory_space<vmem>>, vector<1x1x16xf32>,
        %parallel_loop3A_530 = vector.shape_cast %parallel_loop3A_529 : vector<1x1x16xf32> to vector<16xf32>
        %parallel_loop3A_531 = arith.cmpf ogt, %parallel_loop3A_530, %parallel_loop3A_521 : vector<16xf32>
        %parallel_loop3A_532 = arith.select %parallel_loop3A_531, %parallel_loop3A_530, %parallel_loop3A_521 : vector<16xi1>, vector<16xf32>
        %parallel_loop3A_533 = arith.constant 2.600000e+01 : f32
        %parallel_loop3A_534 = vector.broadcast %parallel_loop3A_533 : f32 to vector<16xf32>
        %parallel_loop3A_535 = arith.select %parallel_loop3A_531, %parallel_loop3A_534, %parallel_loop3A_524 : vector<16xi1>, vector<16xf32>
        %parallel_loop3A_536 = arith.constant 27 : i32
        %parallel_loop3A_537 = arith.index_cast %parallel_loop3A_536 : i32 to index
        %parallel_loop3A_538 = arith.index_cast %parallel_loop3A_236 : i32 to index
        %parallel_loop3A_539 = arith.index_cast %parallel_loop3A_241 : i32 to index
        %parallel_loop3A_540 = tpu.vector_load %arg5[%parallel_loop3A_537, %parallel_loop3A_538, %parallel_loop3A_539] {strides = array<i32>} : memref<31x8x128xf32, #tpu.memory_space<vmem>>, vector<1x1x16xf32>,
        %parallel_loop3A_541 = vector.shape_cast %parallel_loop3A_540 : vector<1x1x16xf32> to vector<16xf32>
        %parallel_loop3A_542 = arith.cmpf ogt, %parallel_loop3A_541, %parallel_loop3A_532 : vector<16xf32>
        %parallel_loop3A_543 = arith.select %parallel_loop3A_542, %parallel_loop3A_541, %parallel_loop3A_532 : vector<16xi1>, vector<16xf32>
        %parallel_loop3A_544 = arith.constant 2.700000e+01 : f32
        %parallel_loop3A_545 = vector.broadcast %parallel_loop3A_544 : f32 to vector<16xf32>
        %parallel_loop3A_546 = arith.select %parallel_loop3A_542, %parallel_loop3A_545, %parallel_loop3A_535 : vector<16xi1>, vector<16xf32>
        %parallel_loop3A_547 = arith.constant 28 : i32
        %parallel_loop3A_548 = arith.index_cast %parallel_loop3A_547 : i32 to index
        %parallel_loop3A_549 = arith.index_cast %parallel_loop3A_236 : i32 to index
        %parallel_loop3A_550 = arith.index_cast %parallel_loop3A_241 : i32 to index
        %parallel_loop3A_551 = tpu.vector_load %arg5[%parallel_loop3A_548, %parallel_loop3A_549, %parallel_loop3A_550] {strides = array<i32>} : memref<31x8x128xf32, #tpu.memory_space<vmem>>, vector<1x1x16xf32>,
        %parallel_loop3A_552 = vector.shape_cast %parallel_loop3A_551 : vector<1x1x16xf32> to vector<16xf32>
        %parallel_loop3A_553 = arith.cmpf ogt, %parallel_loop3A_552, %parallel_loop3A_543 : vector<16xf32>
        %parallel_loop3A_554 = arith.select %parallel_loop3A_553, %parallel_loop3A_552, %parallel_loop3A_543 : vector<16xi1>, vector<16xf32>
        %parallel_loop3A_555 = arith.constant 2.800000e+01 : f32
        %parallel_loop3A_556 = vector.broadcast %parallel_loop3A_555 : f32 to vector<16xf32>
        %parallel_loop3A_557 = arith.select %parallel_loop3A_553, %parallel_loop3A_556, %parallel_loop3A_546 : vector<16xi1>, vector<16xf32>
        %parallel_loop3A_558 = arith.constant 29 : i32
        %parallel_loop3A_559 = arith.index_cast %parallel_loop3A_558 : i32 to index
        %parallel_loop3A_560 = arith.index_cast %parallel_loop3A_236 : i32 to index
        %parallel_loop3A_561 = arith.index_cast %parallel_loop3A_241 : i32 to index
        %parallel_loop3A_562 = tpu.vector_load %arg5[%parallel_loop3A_559, %parallel_loop3A_560, %parallel_loop3A_561] {strides = array<i32>} : memref<31x8x128xf32, #tpu.memory_space<vmem>>, vector<1x1x16xf32>,
        %parallel_loop3A_563 = vector.shape_cast %parallel_loop3A_562 : vector<1x1x16xf32> to vector<16xf32>
        %parallel_loop3A_564 = arith.cmpf ogt, %parallel_loop3A_563, %parallel_loop3A_554 : vector<16xf32>
        %parallel_loop3A_565 = arith.select %parallel_loop3A_564, %parallel_loop3A_563, %parallel_loop3A_554 : vector<16xi1>, vector<16xf32>
        %parallel_loop3A_566 = arith.constant 2.900000e+01 : f32
        %parallel_loop3A_567 = vector.broadcast %parallel_loop3A_566 : f32 to vector<16xf32>
        %parallel_loop3A_568 = arith.select %parallel_loop3A_564, %parallel_loop3A_567, %parallel_loop3A_557 : vector<16xi1>, vector<16xf32>
        %parallel_loop3A_569 = arith.constant 30 : i32
        %parallel_loop3A_570 = arith.index_cast %parallel_loop3A_569 : i32 to index
        %parallel_loop3A_571 = arith.index_cast %parallel_loop3A_236 : i32 to index
        %parallel_loop3A_572 = arith.index_cast %parallel_loop3A_241 : i32 to index
        %parallel_loop3A_573 = tpu.vector_load %arg5[%parallel_loop3A_570, %parallel_loop3A_571, %parallel_loop3A_572] {strides = array<i32>} : memref<31x8x128xf32, #tpu.memory_space<vmem>>, vector<1x1x16xf32>,
        %parallel_loop3A_574 = vector.shape_cast %parallel_loop3A_573 : vector<1x1x16xf32> to vector<16xf32>
        %parallel_loop3A_575 = arith.cmpf ogt, %parallel_loop3A_574, %parallel_loop3A_565 : vector<16xf32>
        %parallel_loop3A_576 = arith.select %parallel_loop3A_575, %parallel_loop3A_574, %parallel_loop3A_565 : vector<16xi1>, vector<16xf32>
        %parallel_loop3A_577 = arith.constant 3.000000e+01 : f32
        %parallel_loop3A_578 = vector.broadcast %parallel_loop3A_577 : f32 to vector<16xf32>
        %parallel_loop3A_579 = arith.select %parallel_loop3A_575, %parallel_loop3A_578, %parallel_loop3A_568 : vector<16xi1>, vector<16xf32>
        %parallel_loop3A_580 = arith.index_cast %parallel_loop3A_236 : i32 to index
        %parallel_loop3A_581 = arith.index_cast %parallel_loop3A_241 : i32 to index
        %parallel_loop3A_582 = tpu.vector_load %arg7[%parallel_loop3A_580, %parallel_loop3A_581] {strides = array<i32>} : memref<8x128xf32, #tpu.memory_space<vmem>>, vector<1x16xf32>,
        %parallel_loop3A_583 = vector.shape_cast %parallel_loop3A_582 : vector<1x16xf32> to vector<16xf32>
        %parallel_loop3A_584 = vector.shape_cast %parallel_loop3A_579 : vector<16xf32> to vector<1x16xf32>
        tpu.vector_store %arg7[%parallel_loop3A_580, %parallel_loop3A_581], %parallel_loop3A_584 {strides = array<i32>} : memref<8x128xf32, #tpu.memory_space<vmem>>, vector<1x16xf32>,
      } {sc.loop_unroll_factor = 4 : i64, sc.parallel_access}
      %jit3A_171 = arith.constant 4 : i32
      %div3A_172 = arith.divsi %add3A_123, %jit3A_171 : i32
      %sign3A_173 = arith.constant 0 : i32
      %sign3A_174 = arith.cmpi sgt, %add3A_123, %sign3A_173 : i32
      %sign3A_175 = arith.extui %sign3A_174 : i1 to i32
      %sign3A_176 = arith.constant 0 : i32
      %sign3A_177 = arith.cmpi slt, %add3A_123, %sign3A_176 : i32
      %sign3A_178 = arith.extui %sign3A_177 : i1 to i32
      %sign3A_179 = arith.subi %sign3A_175, %sign3A_178 : i32
      %sign3A_180 = arith.constant 0 : i32
      %sign3A_181 = arith.cmpi sgt, %jit3A_171, %sign3A_180 : i32
      %sign3A_182 = arith.extui %sign3A_181 : i1 to i32
      %sign3A_183 = arith.constant 0 : i32
      %sign3A_184 = arith.cmpi slt, %jit3A_171, %sign3A_183 : i32
      %sign3A_185 = arith.extui %sign3A_184 : i1 to i32
      %sign3A_186 = arith.subi %sign3A_182, %sign3A_185 : i32
      %ne3A_187 = arith.cmpi ne, %sign3A_179, %sign3A_186 : i32
      %rem3A_188 = arith.remsi %add3A_123, %jit3A_171 : i32
      %ne3A_189 = arith.constant 0 : i32
      %ne3A_190 = arith.cmpi ne, %rem3A_188, %ne3A_189 : i32
      %and3A_191 = arith.andi %ne3A_187, %ne3A_190 : i1
      %sub3A_192 = arith.constant 1 : i32
      %sub3A_193 = arith.subi %div3A_172, %sub3A_192 : i32
      %select_n3A_194 = arith.select %and3A_191, %sub3A_193, %div3A_172 : i32
      %mul3A_195 = arith.constant 4 : i32
      %mul3A_196 = arith.muli %select_n3A_194, %mul3A_195 : i32
      %sub3A_197 = arith.subi %add3A_123, %mul3A_196 : i32
      %mul3A_198 = arith.constant 8 : i32
      %mul3A_199 = arith.muli %select_n3A_194, %mul3A_198 : i32
      %add3A_200 = arith.addi %mul3A_2, %mul3A_199 : i32
      %mul3A_201 = arith.constant 128 : i32
      %mul3A_202 = arith.muli %sub3A_197, %mul3A_201 : i32
      %dma_start3A_203 = tpu.memref_slice %arg3[%add3A_200, %mul3A_202] : memref<512x512xf32, #tpu.memory_space<hbm>> -> memref<8x128xf32, #tpu.memory_space<hbm>>
      %dma_start3A_204 = tpu.memref_slice %arg3[%add3A_200, %mul3A_202] : memref<512x512xf32, #tpu.memory_space<hbm>> -> memref<8x128xf32, #tpu.memory_space<hbm>>
      tpu.enqueue_dma source(%arg7 : memref<8x128xf32, #tpu.memory_space<vmem>>) target(%dma_start3A_204 : memref<8x128xf32, #tpu.memory_space<hbm>>) target_semaphore(%arg11 : memref<!tpu.dma_semaphore, #tpu.memory_space<semaphore_mem>>)
      %add3A_205 = arith.constant 2 : i32
      %add3A_206 = arith.addi %add3A_123, %add3A_205 : i32
      %lt3A_207 = arith.constant 8 : i32
      %lt3A_208 = arith.cmpi slt, %add3A_206, %lt3A_207 : i32
      %convert_element_type3A_209 = arith.extui %lt3A_208 : i1 to i32
      %cond3A_210 = arith.constant 0 : i32
      %cond3A_211 = arith.cmpi ne, %convert_element_type3A_209, %cond3A_210 : i32
      scf.if %cond3A_211 {
        %add3A_212 = arith.constant 2 : i32
        %add3A_213 = arith.addi %add3A_123, %add3A_212 : i32
        %jit3A_214 = arith.constant 4 : i32
        %div3A_215 = arith.divsi %add3A_213, %jit3A_214 : i32
        %sign3A_216 = arith.constant 0 : i32
        %sign3A_217 = arith.cmpi sgt, %add3A_213, %sign3A_216 : i32
        %sign3A_218 = arith.extui %sign3A_217 : i1 to i32
        %sign3A_219 = arith.constant 0 : i32
        %sign3A_220 = arith.cmpi slt, %add3A_213, %sign3A_219 : i32
        %sign3A_221 = arith.extui %sign3A_220 : i1 to i32
        %sign3A_222 = arith.subi %sign3A_218, %sign3A_221 : i32
        %sign3A_223 = arith.constant 0 : i32
        %sign3A_224 = arith.cmpi sgt, %jit3A_214, %sign3A_223 : i32
        %sign3A_225 = arith.extui %sign3A_224 : i1 to i32
        %sign3A_226 = arith.constant 0 : i32
        %sign3A_227 = arith.cmpi slt, %jit3A_214, %sign3A_226 : i32
        %sign3A_228 = arith.extui %sign3A_227 : i1 to i32
        %sign3A_229 = arith.subi %sign3A_225, %sign3A_228 : i32
        %ne3A_230 = arith.cmpi ne, %sign3A_222, %sign3A_229 : i32
        %rem3A_231 = arith.remsi %add3A_213, %jit3A_214 : i32
        %ne3A_232 = arith.constant 0 : i32
        %ne3A_233 = arith.cmpi ne, %rem3A_231, %ne3A_232 : i32
        %and3A_234 = arith.andi %ne3A_230, %ne3A_233 : i1
        %sub3A_235 = arith.constant 1 : i32
        %sub3A_236 = arith.subi %div3A_215, %sub3A_235 : i32
        %select_n3A_237 = arith.select %and3A_234, %sub3A_236, %div3A_215 : i32
        %mul3A_238 = arith.constant 4 : i32
        %mul3A_239 = arith.muli %select_n3A_237, %mul3A_238 : i32
        %sub3A_240 = arith.subi %add3A_213, %mul3A_239 : i32
        %mul3A_241 = arith.constant 8 : i32
        %mul3A_242 = arith.muli %select_n3A_237, %mul3A_241 : i32
        %add3A_243 = arith.addi %mul3A_2, %mul3A_242 : i32
        %mul3A_244 = arith.constant 128 : i32
        %mul3A_245 = arith.muli %sub3A_240, %mul3A_244 : i32
        %dma_start3A_246 = arith.constant 3 : i32
        %dma_start3A_247 = arith.constant 0 : i32
        %dma_start3A_248 = tpu.memref_slice %arg2[%dma_start3A_246, %dma_start3A_247, %add3A_243, %mul3A_245] : memref<4x31x512x512xf32, #tpu.memory_space<hbm>> -> memref<1x31x8x128xf32, #tpu.memory_space<hbm>>
        %dma_start3A_249 = tpu.memref_squeeze %dma_start3A_248 : memref<1x31x8x128xf32, #tpu.memory_space<hbm>> -> memref<31x8x128xf32, #tpu.memory_space<hbm>>
        %dma_start3A_250 = arith.constant 0 : i32
        %dma_start3A_251 = tpu.memref_slice %arg2[%dma_start3A_246, %dma_start3A_250, %add3A_243, %mul3A_245] : memref<4x31x512x512xf32, #tpu.memory_space<hbm>> -> memref<1x31x8x128xf32, #tpu.memory_space<hbm>>
        %dma_start3A_252 = tpu.memref_squeeze %dma_start3A_251 : memref<1x31x8x128xf32, #tpu.memory_space<hbm>> -> memref<31x8x128xf32, #tpu.memory_space<hbm>>
        tpu.enqueue_dma source(%dma_start3A_252 : memref<31x8x128xf32, #tpu.memory_space<hbm>>) target(%arg5 : memref<31x8x128xf32, #tpu.memory_space<vmem>>) target_semaphore(%arg9 : memref<!tpu.dma_semaphore, #tpu.memory_space<semaphore_mem>>)
      } else {
      }
    }
    %scan3A_28 = arith.constant 4 : i32
    %add3A_29 = arith.constant 8 : i32
    %add3A_30 = arith.addi %mul3A_2, %add3A_29 : i32
    %dma_wait3A = arith.constant 256 : i32
    %dma_wait3A_31 = tpu.memref_slice %arg3[%add3A_30, %dma_wait3A] : memref<512x512xf32, #tpu.memory_space<hbm>> -> memref<8x128xf32, #tpu.memory_space<hbm>>
    %dma_wait3A_32 = arith.constant 256 : i32
    %dma_wait3A_33 = tpu.memref_slice %arg3[%add3A_30, %dma_wait3A_32] : memref<512x512xf32, #tpu.memory_space<hbm>> -> memref<8x128xf32, #tpu.memory_space<hbm>>
    tpu.wait_dma2 semaphore(%arg10 : memref<!tpu.dma_semaphore, #tpu.memory_space<semaphore_mem>>) src(%arg6 : memref<8x128xf32, #tpu.memory_space<vmem>>) dst(%dma_wait3A_33 : memref<8x128xf32, #tpu.memory_space<hbm>>)
    %add3A_34 = arith.constant 8 : i32
    %add3A_35 = arith.addi %mul3A_2, %add3A_34 : i32
    %dma_wait3A_36 = arith.constant 384 : i32
    %dma_wait3A_37 = tpu.memref_slice %arg3[%add3A_35, %dma_wait3A_36] : memref<512x512xf32, #tpu.memory_space<hbm>> -> memref<8x128xf32, #tpu.memory_space<hbm>>
    %dma_wait3A_38 = arith.constant 384 : i32
    %dma_wait3A_39 = tpu.memref_slice %arg3[%add3A_35, %dma_wait3A_38] : memref<512x512xf32, #tpu.memory_space<hbm>> -> memref<8x128xf32, #tpu.memory_space<hbm>>
    tpu.wait_dma2 semaphore(%arg11 : memref<!tpu.dma_semaphore, #tpu.memory_space<semaphore_mem>>) src(%arg7 : memref<8x128xf32, #tpu.memory_space<vmem>>) dst(%dma_wait3A_39 : memref<8x128xf32, #tpu.memory_space<hbm>>)
    return
  }
}

module attributes {stable_mosaic.version = 14 : i64} {
  func.func @_head_tc(%arg0: i32, %arg1: i32, %arg2: memref<1x31x128x512xf32, #tpu.memory_space<vmem>>, %arg3: memref<1x128x512xi32, #tpu.memory_space<vmem>>, %arg4: memref<1x3xf32, #tpu.memory_space<smem>>, %arg5: memref<2xf32, #tpu.memory_space<smem>>, %arg6: memref<1xi32, #tpu.memory_space<smem>>) attributes {dimension_semantics = [#tpu.dimension_semantics<arbitrary>, #tpu.dimension_semantics<arbitrary>], iteration_bounds = array<i64: 3, 4>, scalar_prefetch = 0 : i64, scratch_operands = 2 : i64, tpu.core_type = #tpu.core_type<tc>, window_params = [{transform_indices = @transform_0, window_bounds = array<i64: 1, 31, 128, 512>}, {transform_indices = @transform_1, window_bounds = array<i64: 1, 128, 512>}, {transform_indices = @transform_2, window_bounds = array<i64: 1, 3>}]} {
    %mul3A = arith.constant 4 : i32
    %mul3A_0 = arith.muli %arg0, %mul3A : i32
    %add3A = arith.addi %mul3A_0, %arg1 : i32
    %eq3A = arith.constant 0 : i32
    %eq3A_1 = arith.cmpi eq, %add3A, %eq3A : i32
    %convert_element_type3A = arith.extui %eq3A_1 : i1 to i32
    %cond3A = arith.constant 0 : i32
    %cond3A_2 = arith.cmpi ne, %convert_element_type3A, %cond3A : i32
    scf.if %cond3A_2 {
      %swap3A_311 = arith.constant 0.000000e+00 : f32
      %swap3A_312 = arith.constant 0 : index
      %swap3A_313 = memref.load %arg5[%swap3A_312] : memref<2xf32, #tpu.memory_space<smem>>
      memref.store %swap3A_311, %arg5[%swap3A_312] : memref<2xf32, #tpu.memory_space<smem>>
      %swap3A_314 = arith.constant 0.000000e+00 : f32
      %swap3A_315 = arith.constant 1 : index
      %swap3A_316 = memref.load %arg5[%swap3A_315] : memref<2xf32, #tpu.memory_space<smem>>
      memref.store %swap3A_314, %arg5[%swap3A_315] : memref<2xf32, #tpu.memory_space<smem>>
      %swap3A_317 = arith.constant 0 : i32
      %swap3A_318 = arith.constant 0 : index
      %swap3A_319 = memref.load %arg6[%swap3A_318] : memref<1xi32, #tpu.memory_space<smem>>
      memref.store %swap3A_317, %arg6[%swap3A_318] : memref<1xi32, #tpu.memory_space<smem>>
    } else {
    }
    %get3A = arith.constant 0 : index
    %get3A_3 = arith.constant 0 : index
    %get3A_4 = arith.constant 0 : index
    %get3A_5 = arith.constant 0 : index
    %get3A_6 = vector.load %arg2[%get3A, %get3A_3, %get3A_4, %get3A_5] : memref<1x31x128x512xf32, #tpu.memory_space<vmem>>, vector<1x31x128x512xf32>
    %get3A_7 = vector.shape_cast %get3A_6 : vector<1x31x128x512xf32> to vector<31x128x512xf32>
    %slice3A = vector.extract_strided_slice %get3A_7 {offsets = [0, 0, 0], sizes = [1, 128, 512], strides = [1, 1, 1]} : vector<31x128x512xf32> to vector<1x128x512xf32>
    %squeeze3A = vector.shape_cast %slice3A : vector<1x128x512xf32> to vector<128x512xf32>
    %broadcast_in_dim3A = arith.constant 0.000000e+00 : f32
    %broadcast_in_dim3A_8 = vector.broadcast %broadcast_in_dim3A : f32 to vector<128x512xf32>
    %slice3A_9 = vector.extract_strided_slice %get3A_7 {offsets = [1, 0, 0], sizes = [1, 128, 512], strides = [1, 1, 1]} : vector<31x128x512xf32> to vector<1x128x512xf32>
    %squeeze3A_10 = vector.shape_cast %slice3A_9 : vector<1x128x512xf32> to vector<128x512xf32>
    %gt3A = arith.cmpf ogt, %squeeze3A_10, %squeeze3A : vector<128x512xf32>
    %select_n3A = arith.select %gt3A, %squeeze3A_10, %squeeze3A : vector<128x512xi1>, vector<128x512xf32>
    %jit3A = arith.constant 1.000000e+00 : f32
    %broadcast_in_dim3A_11 = vector.broadcast %jit3A : f32 to vector<128x512xf32>
    %select_n3A_12 = arith.select %gt3A, %broadcast_in_dim3A_11, %broadcast_in_dim3A_8 : vector<128x512xi1>, vector<128x512xf32>
    %slice3A_13 = vector.extract_strided_slice %get3A_7 {offsets = [2, 0, 0], sizes = [1, 128, 512], strides = [1, 1, 1]} : vector<31x128x512xf32> to vector<1x128x512xf32>
    %squeeze3A_14 = vector.shape_cast %slice3A_13 : vector<1x128x512xf32> to vector<128x512xf32>
    %gt3A_15 = arith.cmpf ogt, %squeeze3A_14, %select_n3A : vector<128x512xf32>
    %select_n3A_16 = arith.select %gt3A_15, %squeeze3A_14, %select_n3A : vector<128x512xi1>, vector<128x512xf32>
    %jit3A_17 = arith.constant 2.000000e+00 : f32
    %broadcast_in_dim3A_18 = vector.broadcast %jit3A_17 : f32 to vector<128x512xf32>
    %select_n3A_19 = arith.select %gt3A_15, %broadcast_in_dim3A_18, %select_n3A_12 : vector<128x512xi1>, vector<128x512xf32>
    %slice3A_20 = vector.extract_strided_slice %get3A_7 {offsets = [3, 0, 0], sizes = [1, 128, 512], strides = [1, 1, 1]} : vector<31x128x512xf32> to vector<1x128x512xf32>
    %squeeze3A_21 = vector.shape_cast %slice3A_20 : vector<1x128x512xf32> to vector<128x512xf32>
    %gt3A_22 = arith.cmpf ogt, %squeeze3A_21, %select_n3A_16 : vector<128x512xf32>
    %select_n3A_23 = arith.select %gt3A_22, %squeeze3A_21, %select_n3A_16 : vector<128x512xi1>, vector<128x512xf32>
    %jit3A_24 = arith.constant 3.000000e+00 : f32
    %broadcast_in_dim3A_25 = vector.broadcast %jit3A_24 : f32 to vector<128x512xf32>
    %select_n3A_26 = arith.select %gt3A_22, %broadcast_in_dim3A_25, %select_n3A_19 : vector<128x512xi1>, vector<128x512xf32>
    %slice3A_27 = vector.extract_strided_slice %get3A_7 {offsets = [4, 0, 0], sizes = [1, 128, 512], strides = [1, 1, 1]} : vector<31x128x512xf32> to vector<1x128x512xf32>
    %squeeze3A_28 = vector.shape_cast %slice3A_27 : vector<1x128x512xf32> to vector<128x512xf32>
    %gt3A_29 = arith.cmpf ogt, %squeeze3A_28, %select_n3A_23 : vector<128x512xf32>
    %select_n3A_30 = arith.select %gt3A_29, %squeeze3A_28, %select_n3A_23 : vector<128x512xi1>, vector<128x512xf32>
    %jit3A_31 = arith.constant 4.000000e+00 : f32
    %broadcast_in_dim3A_32 = vector.broadcast %jit3A_31 : f32 to vector<128x512xf32>
    %select_n3A_33 = arith.select %gt3A_29, %broadcast_in_dim3A_32, %select_n3A_26 : vector<128x512xi1>, vector<128x512xf32>
    %slice3A_34 = vector.extract_strided_slice %get3A_7 {offsets = [5, 0, 0], sizes = [1, 128, 512], strides = [1, 1, 1]} : vector<31x128x512xf32> to vector<1x128x512xf32>
    %squeeze3A_35 = vector.shape_cast %slice3A_34 : vector<1x128x512xf32> to vector<128x512xf32>
    %gt3A_36 = arith.cmpf ogt, %squeeze3A_35, %select_n3A_30 : vector<128x512xf32>
    %select_n3A_37 = arith.select %gt3A_36, %squeeze3A_35, %select_n3A_30 : vector<128x512xi1>, vector<128x512xf32>
    %jit3A_38 = arith.constant 5.000000e+00 : f32
    %broadcast_in_dim3A_39 = vector.broadcast %jit3A_38 : f32 to vector<128x512xf32>
    %select_n3A_40 = arith.select %gt3A_36, %broadcast_in_dim3A_39, %select_n3A_33 : vector<128x512xi1>, vector<128x512xf32>
    %slice3A_41 = vector.extract_strided_slice %get3A_7 {offsets = [6, 0, 0], sizes = [1, 128, 512], strides = [1, 1, 1]} : vector<31x128x512xf32> to vector<1x128x512xf32>
    %squeeze3A_42 = vector.shape_cast %slice3A_41 : vector<1x128x512xf32> to vector<128x512xf32>
    %gt3A_43 = arith.cmpf ogt, %squeeze3A_42, %select_n3A_37 : vector<128x512xf32>
    %select_n3A_44 = arith.select %gt3A_43, %squeeze3A_42, %select_n3A_37 : vector<128x512xi1>, vector<128x512xf32>
    %jit3A_45 = arith.constant 6.000000e+00 : f32
    %broadcast_in_dim3A_46 = vector.broadcast %jit3A_45 : f32 to vector<128x512xf32>
    %select_n3A_47 = arith.select %gt3A_43, %broadcast_in_dim3A_46, %select_n3A_40 : vector<128x512xi1>, vector<128x512xf32>
    %slice3A_48 = vector.extract_strided_slice %get3A_7 {offsets = [7, 0, 0], sizes = [1, 128, 512], strides = [1, 1, 1]} : vector<31x128x512xf32> to vector<1x128x512xf32>
    %squeeze3A_49 = vector.shape_cast %slice3A_48 : vector<1x128x512xf32> to vector<128x512xf32>
    %gt3A_50 = arith.cmpf ogt, %squeeze3A_49, %select_n3A_44 : vector<128x512xf32>
    %select_n3A_51 = arith.select %gt3A_50, %squeeze3A_49, %select_n3A_44 : vector<128x512xi1>, vector<128x512xf32>
    %jit3A_52 = arith.constant 7.000000e+00 : f32
    %broadcast_in_dim3A_53 = vector.broadcast %jit3A_52 : f32 to vector<128x512xf32>
    %select_n3A_54 = arith.select %gt3A_50, %broadcast_in_dim3A_53, %select_n3A_47 : vector<128x512xi1>, vector<128x512xf32>
    %slice3A_55 = vector.extract_strided_slice %get3A_7 {offsets = [8, 0, 0], sizes = [1, 128, 512], strides = [1, 1, 1]} : vector<31x128x512xf32> to vector<1x128x512xf32>
    %squeeze3A_56 = vector.shape_cast %slice3A_55 : vector<1x128x512xf32> to vector<128x512xf32>
    %gt3A_57 = arith.cmpf ogt, %squeeze3A_56, %select_n3A_51 : vector<128x512xf32>
    %select_n3A_58 = arith.select %gt3A_57, %squeeze3A_56, %select_n3A_51 : vector<128x512xi1>, vector<128x512xf32>
    %jit3A_59 = arith.constant 8.000000e+00 : f32
    %broadcast_in_dim3A_60 = vector.broadcast %jit3A_59 : f32 to vector<128x512xf32>
    %select_n3A_61 = arith.select %gt3A_57, %broadcast_in_dim3A_60, %select_n3A_54 : vector<128x512xi1>, vector<128x512xf32>
    %slice3A_62 = vector.extract_strided_slice %get3A_7 {offsets = [9, 0, 0], sizes = [1, 128, 512], strides = [1, 1, 1]} : vector<31x128x512xf32> to vector<1x128x512xf32>
    %squeeze3A_63 = vector.shape_cast %slice3A_62 : vector<1x128x512xf32> to vector<128x512xf32>
    %gt3A_64 = arith.cmpf ogt, %squeeze3A_63, %select_n3A_58 : vector<128x512xf32>
    %select_n3A_65 = arith.select %gt3A_64, %squeeze3A_63, %select_n3A_58 : vector<128x512xi1>, vector<128x512xf32>
    %jit3A_66 = arith.constant 9.000000e+00 : f32
    %broadcast_in_dim3A_67 = vector.broadcast %jit3A_66 : f32 to vector<128x512xf32>
    %select_n3A_68 = arith.select %gt3A_64, %broadcast_in_dim3A_67, %select_n3A_61 : vector<128x512xi1>, vector<128x512xf32>
    %slice3A_69 = vector.extract_strided_slice %get3A_7 {offsets = [10, 0, 0], sizes = [1, 128, 512], strides = [1, 1, 1]} : vector<31x128x512xf32> to vector<1x128x512xf32>
    %squeeze3A_70 = vector.shape_cast %slice3A_69 : vector<1x128x512xf32> to vector<128x512xf32>
    %gt3A_71 = arith.cmpf ogt, %squeeze3A_70, %select_n3A_65 : vector<128x512xf32>
    %select_n3A_72 = arith.select %gt3A_71, %squeeze3A_70, %select_n3A_65 : vector<128x512xi1>, vector<128x512xf32>
    %jit3A_73 = arith.constant 1.000000e+01 : f32
    %broadcast_in_dim3A_74 = vector.broadcast %jit3A_73 : f32 to vector<128x512xf32>
    %select_n3A_75 = arith.select %gt3A_71, %broadcast_in_dim3A_74, %select_n3A_68 : vector<128x512xi1>, vector<128x512xf32>
    %slice3A_76 = vector.extract_strided_slice %get3A_7 {offsets = [11, 0, 0], sizes = [1, 128, 512], strides = [1, 1, 1]} : vector<31x128x512xf32> to vector<1x128x512xf32>
    %squeeze3A_77 = vector.shape_cast %slice3A_76 : vector<1x128x512xf32> to vector<128x512xf32>
    %gt3A_78 = arith.cmpf ogt, %squeeze3A_77, %select_n3A_72 : vector<128x512xf32>
    %select_n3A_79 = arith.select %gt3A_78, %squeeze3A_77, %select_n3A_72 : vector<128x512xi1>, vector<128x512xf32>
    %jit3A_80 = arith.constant 1.100000e+01 : f32
    %broadcast_in_dim3A_81 = vector.broadcast %jit3A_80 : f32 to vector<128x512xf32>
    %select_n3A_82 = arith.select %gt3A_78, %broadcast_in_dim3A_81, %select_n3A_75 : vector<128x512xi1>, vector<128x512xf32>
    %slice3A_83 = vector.extract_strided_slice %get3A_7 {offsets = [12, 0, 0], sizes = [1, 128, 512], strides = [1, 1, 1]} : vector<31x128x512xf32> to vector<1x128x512xf32>
    %squeeze3A_84 = vector.shape_cast %slice3A_83 : vector<1x128x512xf32> to vector<128x512xf32>
    %gt3A_85 = arith.cmpf ogt, %squeeze3A_84, %select_n3A_79 : vector<128x512xf32>
    %select_n3A_86 = arith.select %gt3A_85, %squeeze3A_84, %select_n3A_79 : vector<128x512xi1>, vector<128x512xf32>
    %jit3A_87 = arith.constant 1.200000e+01 : f32
    %broadcast_in_dim3A_88 = vector.broadcast %jit3A_87 : f32 to vector<128x512xf32>
    %select_n3A_89 = arith.select %gt3A_85, %broadcast_in_dim3A_88, %select_n3A_82 : vector<128x512xi1>, vector<128x512xf32>
    %slice3A_90 = vector.extract_strided_slice %get3A_7 {offsets = [13, 0, 0], sizes = [1, 128, 512], strides = [1, 1, 1]} : vector<31x128x512xf32> to vector<1x128x512xf32>
    %squeeze3A_91 = vector.shape_cast %slice3A_90 : vector<1x128x512xf32> to vector<128x512xf32>
    %gt3A_92 = arith.cmpf ogt, %squeeze3A_91, %select_n3A_86 : vector<128x512xf32>
    %select_n3A_93 = arith.select %gt3A_92, %squeeze3A_91, %select_n3A_86 : vector<128x512xi1>, vector<128x512xf32>
    %jit3A_94 = arith.constant 1.300000e+01 : f32
    %broadcast_in_dim3A_95 = vector.broadcast %jit3A_94 : f32 to vector<128x512xf32>
    %select_n3A_96 = arith.select %gt3A_92, %broadcast_in_dim3A_95, %select_n3A_89 : vector<128x512xi1>, vector<128x512xf32>
    %slice3A_97 = vector.extract_strided_slice %get3A_7 {offsets = [14, 0, 0], sizes = [1, 128, 512], strides = [1, 1, 1]} : vector<31x128x512xf32> to vector<1x128x512xf32>
    %squeeze3A_98 = vector.shape_cast %slice3A_97 : vector<1x128x512xf32> to vector<128x512xf32>
    %gt3A_99 = arith.cmpf ogt, %squeeze3A_98, %select_n3A_93 : vector<128x512xf32>
    %select_n3A_100 = arith.select %gt3A_99, %squeeze3A_98, %select_n3A_93 : vector<128x512xi1>, vector<128x512xf32>
    %jit3A_101 = arith.constant 1.400000e+01 : f32
    %broadcast_in_dim3A_102 = vector.broadcast %jit3A_101 : f32 to vector<128x512xf32>
    %select_n3A_103 = arith.select %gt3A_99, %broadcast_in_dim3A_102, %select_n3A_96 : vector<128x512xi1>, vector<128x512xf32>
    %slice3A_104 = vector.extract_strided_slice %get3A_7 {offsets = [15, 0, 0], sizes = [1, 128, 512], strides = [1, 1, 1]} : vector<31x128x512xf32> to vector<1x128x512xf32>
    %squeeze3A_105 = vector.shape_cast %slice3A_104 : vector<1x128x512xf32> to vector<128x512xf32>
    %gt3A_106 = arith.cmpf ogt, %squeeze3A_105, %select_n3A_100 : vector<128x512xf32>
    %select_n3A_107 = arith.select %gt3A_106, %squeeze3A_105, %select_n3A_100 : vector<128x512xi1>, vector<128x512xf32>
    %jit3A_108 = arith.constant 1.500000e+01 : f32
    %broadcast_in_dim3A_109 = vector.broadcast %jit3A_108 : f32 to vector<128x512xf32>
    %select_n3A_110 = arith.select %gt3A_106, %broadcast_in_dim3A_109, %select_n3A_103 : vector<128x512xi1>, vector<128x512xf32>
    %slice3A_111 = vector.extract_strided_slice %get3A_7 {offsets = [16, 0, 0], sizes = [1, 128, 512], strides = [1, 1, 1]} : vector<31x128x512xf32> to vector<1x128x512xf32>
    %squeeze3A_112 = vector.shape_cast %slice3A_111 : vector<1x128x512xf32> to vector<128x512xf32>
    %gt3A_113 = arith.cmpf ogt, %squeeze3A_112, %select_n3A_107 : vector<128x512xf32>
    %select_n3A_114 = arith.select %gt3A_113, %squeeze3A_112, %select_n3A_107 : vector<128x512xi1>, vector<128x512xf32>
    %jit3A_115 = arith.constant 1.600000e+01 : f32
    %broadcast_in_dim3A_116 = vector.broadcast %jit3A_115 : f32 to vector<128x512xf32>
    %select_n3A_117 = arith.select %gt3A_113, %broadcast_in_dim3A_116, %select_n3A_110 : vector<128x512xi1>, vector<128x512xf32>
    %slice3A_118 = vector.extract_strided_slice %get3A_7 {offsets = [17, 0, 0], sizes = [1, 128, 512], strides = [1, 1, 1]} : vector<31x128x512xf32> to vector<1x128x512xf32>
    %squeeze3A_119 = vector.shape_cast %slice3A_118 : vector<1x128x512xf32> to vector<128x512xf32>
    %gt3A_120 = arith.cmpf ogt, %squeeze3A_119, %select_n3A_114 : vector<128x512xf32>
    %select_n3A_121 = arith.select %gt3A_120, %squeeze3A_119, %select_n3A_114 : vector<128x512xi1>, vector<128x512xf32>
    %jit3A_122 = arith.constant 1.700000e+01 : f32
    %broadcast_in_dim3A_123 = vector.broadcast %jit3A_122 : f32 to vector<128x512xf32>
    %select_n3A_124 = arith.select %gt3A_120, %broadcast_in_dim3A_123, %select_n3A_117 : vector<128x512xi1>, vector<128x512xf32>
    %slice3A_125 = vector.extract_strided_slice %get3A_7 {offsets = [18, 0, 0], sizes = [1, 128, 512], strides = [1, 1, 1]} : vector<31x128x512xf32> to vector<1x128x512xf32>
    %squeeze3A_126 = vector.shape_cast %slice3A_125 : vector<1x128x512xf32> to vector<128x512xf32>
    %gt3A_127 = arith.cmpf ogt, %squeeze3A_126, %select_n3A_121 : vector<128x512xf32>
    %select_n3A_128 = arith.select %gt3A_127, %squeeze3A_126, %select_n3A_121 : vector<128x512xi1>, vector<128x512xf32>
    %jit3A_129 = arith.constant 1.800000e+01 : f32
    %broadcast_in_dim3A_130 = vector.broadcast %jit3A_129 : f32 to vector<128x512xf32>
    %select_n3A_131 = arith.select %gt3A_127, %broadcast_in_dim3A_130, %select_n3A_124 : vector<128x512xi1>, vector<128x512xf32>
    %slice3A_132 = vector.extract_strided_slice %get3A_7 {offsets = [19, 0, 0], sizes = [1, 128, 512], strides = [1, 1, 1]} : vector<31x128x512xf32> to vector<1x128x512xf32>
    %squeeze3A_133 = vector.shape_cast %slice3A_132 : vector<1x128x512xf32> to vector<128x512xf32>
    %gt3A_134 = arith.cmpf ogt, %squeeze3A_133, %select_n3A_128 : vector<128x512xf32>
    %select_n3A_135 = arith.select %gt3A_134, %squeeze3A_133, %select_n3A_128 : vector<128x512xi1>, vector<128x512xf32>
    %jit3A_136 = arith.constant 1.900000e+01 : f32
    %broadcast_in_dim3A_137 = vector.broadcast %jit3A_136 : f32 to vector<128x512xf32>
    %select_n3A_138 = arith.select %gt3A_134, %broadcast_in_dim3A_137, %select_n3A_131 : vector<128x512xi1>, vector<128x512xf32>
    %slice3A_139 = vector.extract_strided_slice %get3A_7 {offsets = [20, 0, 0], sizes = [1, 128, 512], strides = [1, 1, 1]} : vector<31x128x512xf32> to vector<1x128x512xf32>
    %squeeze3A_140 = vector.shape_cast %slice3A_139 : vector<1x128x512xf32> to vector<128x512xf32>
    %gt3A_141 = arith.cmpf ogt, %squeeze3A_140, %select_n3A_135 : vector<128x512xf32>
    %select_n3A_142 = arith.select %gt3A_141, %squeeze3A_140, %select_n3A_135 : vector<128x512xi1>, vector<128x512xf32>
    %jit3A_143 = arith.constant 2.000000e+01 : f32
    %broadcast_in_dim3A_144 = vector.broadcast %jit3A_143 : f32 to vector<128x512xf32>
    %select_n3A_145 = arith.select %gt3A_141, %broadcast_in_dim3A_144, %select_n3A_138 : vector<128x512xi1>, vector<128x512xf32>
    %slice3A_146 = vector.extract_strided_slice %get3A_7 {offsets = [21, 0, 0], sizes = [1, 128, 512], strides = [1, 1, 1]} : vector<31x128x512xf32> to vector<1x128x512xf32>
    %squeeze3A_147 = vector.shape_cast %slice3A_146 : vector<1x128x512xf32> to vector<128x512xf32>
    %gt3A_148 = arith.cmpf ogt, %squeeze3A_147, %select_n3A_142 : vector<128x512xf32>
    %select_n3A_149 = arith.select %gt3A_148, %squeeze3A_147, %select_n3A_142 : vector<128x512xi1>, vector<128x512xf32>
    %jit3A_150 = arith.constant 2.100000e+01 : f32
    %broadcast_in_dim3A_151 = vector.broadcast %jit3A_150 : f32 to vector<128x512xf32>
    %select_n3A_152 = arith.select %gt3A_148, %broadcast_in_dim3A_151, %select_n3A_145 : vector<128x512xi1>, vector<128x512xf32>
    %slice3A_153 = vector.extract_strided_slice %get3A_7 {offsets = [22, 0, 0], sizes = [1, 128, 512], strides = [1, 1, 1]} : vector<31x128x512xf32> to vector<1x128x512xf32>
    %squeeze3A_154 = vector.shape_cast %slice3A_153 : vector<1x128x512xf32> to vector<128x512xf32>
    %gt3A_155 = arith.cmpf ogt, %squeeze3A_154, %select_n3A_149 : vector<128x512xf32>
    %select_n3A_156 = arith.select %gt3A_155, %squeeze3A_154, %select_n3A_149 : vector<128x512xi1>, vector<128x512xf32>
    %jit3A_157 = arith.constant 2.200000e+01 : f32
    %broadcast_in_dim3A_158 = vector.broadcast %jit3A_157 : f32 to vector<128x512xf32>
    %select_n3A_159 = arith.select %gt3A_155, %broadcast_in_dim3A_158, %select_n3A_152 : vector<128x512xi1>, vector<128x512xf32>
    %slice3A_160 = vector.extract_strided_slice %get3A_7 {offsets = [23, 0, 0], sizes = [1, 128, 512], strides = [1, 1, 1]} : vector<31x128x512xf32> to vector<1x128x512xf32>
    %squeeze3A_161 = vector.shape_cast %slice3A_160 : vector<1x128x512xf32> to vector<128x512xf32>
    %gt3A_162 = arith.cmpf ogt, %squeeze3A_161, %select_n3A_156 : vector<128x512xf32>
    %select_n3A_163 = arith.select %gt3A_162, %squeeze3A_161, %select_n3A_156 : vector<128x512xi1>, vector<128x512xf32>
    %jit3A_164 = arith.constant 2.300000e+01 : f32
    %broadcast_in_dim3A_165 = vector.broadcast %jit3A_164 : f32 to vector<128x512xf32>
    %select_n3A_166 = arith.select %gt3A_162, %broadcast_in_dim3A_165, %select_n3A_159 : vector<128x512xi1>, vector<128x512xf32>
    %slice3A_167 = vector.extract_strided_slice %get3A_7 {offsets = [24, 0, 0], sizes = [1, 128, 512], strides = [1, 1, 1]} : vector<31x128x512xf32> to vector<1x128x512xf32>
    %squeeze3A_168 = vector.shape_cast %slice3A_167 : vector<1x128x512xf32> to vector<128x512xf32>
    %gt3A_169 = arith.cmpf ogt, %squeeze3A_168, %select_n3A_163 : vector<128x512xf32>
    %select_n3A_170 = arith.select %gt3A_169, %squeeze3A_168, %select_n3A_163 : vector<128x512xi1>, vector<128x512xf32>
    %jit3A_171 = arith.constant 2.400000e+01 : f32
    %broadcast_in_dim3A_172 = vector.broadcast %jit3A_171 : f32 to vector<128x512xf32>
    %select_n3A_173 = arith.select %gt3A_169, %broadcast_in_dim3A_172, %select_n3A_166 : vector<128x512xi1>, vector<128x512xf32>
    %slice3A_174 = vector.extract_strided_slice %get3A_7 {offsets = [25, 0, 0], sizes = [1, 128, 512], strides = [1, 1, 1]} : vector<31x128x512xf32> to vector<1x128x512xf32>
    %squeeze3A_175 = vector.shape_cast %slice3A_174 : vector<1x128x512xf32> to vector<128x512xf32>
    %gt3A_176 = arith.cmpf ogt, %squeeze3A_175, %select_n3A_170 : vector<128x512xf32>
    %select_n3A_177 = arith.select %gt3A_176, %squeeze3A_175, %select_n3A_170 : vector<128x512xi1>, vector<128x512xf32>
    %jit3A_178 = arith.constant 2.500000e+01 : f32
    %broadcast_in_dim3A_179 = vector.broadcast %jit3A_178 : f32 to vector<128x512xf32>
    %select_n3A_180 = arith.select %gt3A_176, %broadcast_in_dim3A_179, %select_n3A_173 : vector<128x512xi1>, vector<128x512xf32>
    %slice3A_181 = vector.extract_strided_slice %get3A_7 {offsets = [26, 0, 0], sizes = [1, 128, 512], strides = [1, 1, 1]} : vector<31x128x512xf32> to vector<1x128x512xf32>
    %squeeze3A_182 = vector.shape_cast %slice3A_181 : vector<1x128x512xf32> to vector<128x512xf32>
    %gt3A_183 = arith.cmpf ogt, %squeeze3A_182, %select_n3A_177 : vector<128x512xf32>
    %select_n3A_184 = arith.select %gt3A_183, %squeeze3A_182, %select_n3A_177 : vector<128x512xi1>, vector<128x512xf32>
    %jit3A_185 = arith.constant 2.600000e+01 : f32
    %broadcast_in_dim3A_186 = vector.broadcast %jit3A_185 : f32 to vector<128x512xf32>
    %select_n3A_187 = arith.select %gt3A_183, %broadcast_in_dim3A_186, %select_n3A_180 : vector<128x512xi1>, vector<128x512xf32>
    %slice3A_188 = vector.extract_strided_slice %get3A_7 {offsets = [27, 0, 0], sizes = [1, 128, 512], strides = [1, 1, 1]} : vector<31x128x512xf32> to vector<1x128x512xf32>
    %squeeze3A_189 = vector.shape_cast %slice3A_188 : vector<1x128x512xf32> to vector<128x512xf32>
    %gt3A_190 = arith.cmpf ogt, %squeeze3A_189, %select_n3A_184 : vector<128x512xf32>
    %select_n3A_191 = arith.select %gt3A_190, %squeeze3A_189, %select_n3A_184 : vector<128x512xi1>, vector<128x512xf32>
    %jit3A_192 = arith.constant 2.700000e+01 : f32
    %broadcast_in_dim3A_193 = vector.broadcast %jit3A_192 : f32 to vector<128x512xf32>
    %select_n3A_194 = arith.select %gt3A_190, %broadcast_in_dim3A_193, %select_n3A_187 : vector<128x512xi1>, vector<128x512xf32>
    %slice3A_195 = vector.extract_strided_slice %get3A_7 {offsets = [28, 0, 0], sizes = [1, 128, 512], strides = [1, 1, 1]} : vector<31x128x512xf32> to vector<1x128x512xf32>
    %squeeze3A_196 = vector.shape_cast %slice3A_195 : vector<1x128x512xf32> to vector<128x512xf32>
    %gt3A_197 = arith.cmpf ogt, %squeeze3A_196, %select_n3A_191 : vector<128x512xf32>
    %select_n3A_198 = arith.select %gt3A_197, %squeeze3A_196, %select_n3A_191 : vector<128x512xi1>, vector<128x512xf32>
    %jit3A_199 = arith.constant 2.800000e+01 : f32
    %broadcast_in_dim3A_200 = vector.broadcast %jit3A_199 : f32 to vector<128x512xf32>
    %select_n3A_201 = arith.select %gt3A_197, %broadcast_in_dim3A_200, %select_n3A_194 : vector<128x512xi1>, vector<128x512xf32>
    %slice3A_202 = vector.extract_strided_slice %get3A_7 {offsets = [29, 0, 0], sizes = [1, 128, 512], strides = [1, 1, 1]} : vector<31x128x512xf32> to vector<1x128x512xf32>
    %squeeze3A_203 = vector.shape_cast %slice3A_202 : vector<1x128x512xf32> to vector<128x512xf32>
    %gt3A_204 = arith.cmpf ogt, %squeeze3A_203, %select_n3A_198 : vector<128x512xf32>
    %select_n3A_205 = arith.select %gt3A_204, %squeeze3A_203, %select_n3A_198 : vector<128x512xi1>, vector<128x512xf32>
    %jit3A_206 = arith.constant 2.900000e+01 : f32
    %broadcast_in_dim3A_207 = vector.broadcast %jit3A_206 : f32 to vector<128x512xf32>
    %select_n3A_208 = arith.select %gt3A_204, %broadcast_in_dim3A_207, %select_n3A_201 : vector<128x512xi1>, vector<128x512xf32>
    %slice3A_209 = vector.extract_strided_slice %get3A_7 {offsets = [30, 0, 0], sizes = [1, 128, 512], strides = [1, 1, 1]} : vector<31x128x512xf32> to vector<1x128x512xf32>
    %squeeze3A_210 = vector.shape_cast %slice3A_209 : vector<1x128x512xf32> to vector<128x512xf32>
    %gt3A_211 = arith.cmpf ogt, %squeeze3A_210, %select_n3A_205 : vector<128x512xf32>
    %jit3A_212 = arith.constant 3.000000e+01 : f32
    %broadcast_in_dim3A_213 = vector.broadcast %jit3A_212 : f32 to vector<128x512xf32>
    %select_n3A_214 = arith.select %gt3A_211, %broadcast_in_dim3A_213, %select_n3A_208 : vector<128x512xi1>, vector<128x512xf32>
    %get3A_215 = arith.constant 0 : index
    %get3A_216 = arith.constant 0 : index
    %get3A_217 = arith.constant 0 : index
    %get3A_218 = vector.load %arg3[%get3A_215, %get3A_216, %get3A_217] : memref<1x128x512xi32, #tpu.memory_space<vmem>>, vector<1x128x512xi32>
    %get3A_219 = vector.shape_cast %get3A_218 : vector<1x128x512xi32> to vector<128x512xi32>
    %convert_element_type3A_220 = arith.sitofp %get3A_219 : vector<128x512xi32> to vector<128x512xf32>
    %eq3A_221 = arith.constant 30 : i32
    %eq3A_222 = vector.broadcast %eq3A_221 : i32 to vector<128x512xi32>
    %eq3A_223 = arith.cmpi eq, %get3A_219, %eq3A_222 : vector<128x512xi32>
    %convert_element_type3A_224 = arith.extui %eq3A_223 : vector<128x512xi1> to vector<128x512xi32>
    %convert_element_type3A_225 = arith.sitofp %convert_element_type3A_224 : vector<128x512xi32> to vector<128x512xf32>
    %mul3A_226 = arith.mulf %select_n3A_214, %convert_element_type3A_220 : vector<128x512xf32>
    %jit3A_227 = arith.constant 0.000000e+00 : f32
    %broadcast_in_dim3A_228 = vector.broadcast %jit3A_227 : f32 to vector<128x512xf32>
    %select_n3A_229 = arith.select %eq3A_223, %broadcast_in_dim3A_228, %mul3A_226 : vector<128x512xi1>, vector<128x512xf32>
    %reduce_sum3A = vector.shape_cast %select_n3A_229 : vector<128x512xf32> to vector<1x128x512xf32>
    %reduce_sum3A_230 = arith.constant dense<0.000000e+00> : vector<1xf32>
    %reduce_sum3A_231 = vector.multi_reduction <add>, %reduce_sum3A, %reduce_sum3A_230 [1, 2] : vector<1x128x512xf32> to vector<1xf32>
    %reduce_sum3A_232 = vector.shape_cast %reduce_sum3A_231 : vector<1xf32> to vector<1x1x1xf32>
    %reduce_sum3A_233 = vector.extract %reduce_sum3A_232[0, 0, 0] : f32 from vector<1x1x1xf32>
    %add3A_234 = arith.addf %select_n3A_214, %convert_element_type3A_220 : vector<128x512xf32>
    %jit3A_235 = arith.constant 0.000000e+00 : f32
    %broadcast_in_dim3A_236 = vector.broadcast %jit3A_235 : f32 to vector<128x512xf32>
    %select_n3A_237 = arith.select %eq3A_223, %broadcast_in_dim3A_236, %add3A_234 : vector<128x512xi1>, vector<128x512xf32>
    %reduce_sum3A_238 = vector.shape_cast %select_n3A_237 : vector<128x512xf32> to vector<1x128x512xf32>
    %reduce_sum3A_239 = arith.constant dense<0.000000e+00> : vector<1xf32>
    %reduce_sum3A_240 = vector.multi_reduction <add>, %reduce_sum3A_238, %reduce_sum3A_239 [1, 2] : vector<1x128x512xf32> to vector<1xf32>
    %reduce_sum3A_241 = vector.shape_cast %reduce_sum3A_240 : vector<1xf32> to vector<1x1x1xf32>
    %reduce_sum3A_242 = vector.extract %reduce_sum3A_241[0, 0, 0] : f32 from vector<1x1x1xf32>
    %iota3A = tpu.iota {dimensions = array<i32: 0>} : vector<512x512xi32>
    %iota3A_243 = tpu.iota {dimensions = array<i32: 1>} : vector<512x512xi32>
    %le3A = arith.cmpi sle, %iota3A, %iota3A_243 : vector<512x512xi32>
    %convert_element_type3A_244 = arith.extui %le3A : vector<512x512xi1> to vector<512x512xi32>
    %convert_element_type3A_245 = arith.sitofp %convert_element_type3A_244 : vector<512x512xi32> to vector<512x512xf32>
    %dot_general3A = arith.constant dense<0.000000e+00> : vector<128x512xf32>
    %dot_general3A_246 = tpu.matmul %convert_element_type3A_225, %convert_element_type3A_245, %dot_general3A {dimension_numbers = #tpu.dot_dimension_numbers<[1], [0], [0], [1], [0, 0, 1, 1], [], []>, transpose_lhs_hint = false} : vector<128x512xf32>, vector<512x512xf32>, vector<128x512xf32> -> vector<128x512xf32>
    %slice3A_247 = vector.extract_strided_slice %dot_general3A_246 {offsets = [0, 511], sizes = [128, 1], strides = [1, 1]} : vector<128x512xf32> to vector<128x1xf32>
    %iota3A_248 = tpu.iota {dimensions = array<i32: 0>} : vector<128x128xi32>
    %iota3A_249 = tpu.iota {dimensions = array<i32: 1>} : vector<128x128xi32>
    %lt3A = arith.cmpi slt, %iota3A_249, %iota3A_248 : vector<128x128xi32>
    %convert_element_type3A_250 = arith.extui %lt3A : vector<128x128xi1> to vector<128x128xi32>
    %convert_element_type3A_251 = arith.sitofp %convert_element_type3A_250 : vector<128x128xi32> to vector<128x128xf32>
    %dot_general3A_252 = arith.constant dense<0.000000e+00> : vector<128x1xf32>
    %dot_general3A_253 = tpu.matmul %convert_element_type3A_251, %slice3A_247, %dot_general3A_252 {dimension_numbers = #tpu.dot_dimension_numbers<[1], [0], [0], [1], [0, 0, 1, 1], [], []>, transpose_lhs_hint = false} : vector<128x128xf32>, vector<128x1xf32>, vector<128x1xf32> -> vector<128x1xf32>
    %sub3A = arith.subf %dot_general3A_246, %convert_element_type3A_225 : vector<128x512xf32>
    %add3A_254 = vector.broadcast %dot_general3A_253 : vector<128x1xf32> to vector<128x512xf32>
    %add3A_255 = arith.addf %add3A_254, %sub3A : vector<128x512xf32>
    %get3A_256 = arith.constant 0 : index
    %get3A_257 = memref.load %arg6[%get3A_256] : memref<1xi32, #tpu.memory_space<smem>>
    %convert_element_type3A_258 = arith.sitofp %get3A_257 : i32 to f32
    %add3A_259 = vector.broadcast %convert_element_type3A_258 : f32 to vector<128x512xf32>
    %add3A_260 = arith.addf %add3A_259, %add3A_255 : vector<128x512xf32>
    %lt3A_261 = arith.constant 8.000000e+04 : f32
    %lt3A_262 = vector.broadcast %lt3A_261 : f32 to vector<128x512xf32>
    %lt3A_263 = arith.cmpf olt, %add3A_260, %lt3A_262 : vector<128x512xf32>
    %and3A = arith.andi %eq3A_223, %lt3A_263 : vector<128x512xi1>
    %jit3A_264 = arith.constant 0.000000e+00 : f32
    %broadcast_in_dim3A_265 = vector.broadcast %jit3A_264 : f32 to vector<128x512xf32>
    %select_n3A_266 = arith.select %and3A, %select_n3A_214, %broadcast_in_dim3A_265 : vector<128x512xi1>, vector<128x512xf32>
    %reduce_sum3A_267 = vector.shape_cast %select_n3A_266 : vector<128x512xf32> to vector<1x128x512xf32>
    %reduce_sum3A_268 = arith.constant dense<0.000000e+00> : vector<1xf32>
    %reduce_sum3A_269 = vector.multi_reduction <add>, %reduce_sum3A_267, %reduce_sum3A_268 [1, 2] : vector<1x128x512xf32> to vector<1xf32>
    %reduce_sum3A_270 = vector.shape_cast %reduce_sum3A_269 : vector<1xf32> to vector<1x1x1xf32>
    %reduce_sum3A_271 = vector.extract %reduce_sum3A_270[0, 0, 0] : f32 from vector<1x1x1xf32>
    %convert_element_type3A_272 = arith.extui %and3A : vector<128x512xi1> to vector<128x512xi32>
    %convert_element_type3A_273 = arith.sitofp %convert_element_type3A_272 : vector<128x512xi32> to vector<128x512xf32>
    %reduce_sum3A_274 = vector.shape_cast %convert_element_type3A_273 : vector<128x512xf32> to vector<1x128x512xf32>
    %reduce_sum3A_275 = arith.constant dense<0.000000e+00> : vector<1xf32>
    %reduce_sum3A_276 = vector.multi_reduction <add>, %reduce_sum3A_274, %reduce_sum3A_275 [1, 2] : vector<1x128x512xf32> to vector<1xf32>
    %reduce_sum3A_277 = vector.shape_cast %reduce_sum3A_276 : vector<1xf32> to vector<1x1x1xf32>
    %reduce_sum3A_278 = vector.extract %reduce_sum3A_277[0, 0, 0] : f32 from vector<1x1x1xf32>
    %get3A_279 = arith.constant 0 : index
    %get3A_280 = memref.load %arg5[%get3A_279] : memref<2xf32, #tpu.memory_space<smem>>
    %mul3A_281 = arith.constant 3.000000e+01 : f32
    %mul3A_282 = arith.mulf %mul3A_281, %reduce_sum3A_271 : f32
    %add3A_283 = arith.addf %reduce_sum3A_233, %mul3A_282 : f32
    %add3A_284 = arith.addf %get3A_280, %add3A_283 : f32
    %swap3A = arith.constant 0 : index
    %swap3A_285 = memref.load %arg5[%swap3A] : memref<2xf32, #tpu.memory_space<smem>>
    memref.store %add3A_284, %arg5[%swap3A] : memref<2xf32, #tpu.memory_space<smem>>
    %get3A_286 = arith.constant 1 : index
    %get3A_287 = memref.load %arg5[%get3A_286] : memref<2xf32, #tpu.memory_space<smem>>
    %add3A_288 = arith.addf %reduce_sum3A_242, %reduce_sum3A_271 : f32
    %mul3A_289 = arith.constant 3.000000e+01 : f32
    %mul3A_290 = arith.mulf %mul3A_289, %reduce_sum3A_278 : f32
    %add3A_291 = arith.addf %add3A_288, %mul3A_290 : f32
    %add3A_292 = arith.addf %get3A_287, %add3A_291 : f32
    %swap3A_293 = arith.constant 1 : index
    %swap3A_294 = memref.load %arg5[%swap3A_293] : memref<2xf32, #tpu.memory_space<smem>>
    memref.store %add3A_292, %arg5[%swap3A_293] : memref<2xf32, #tpu.memory_space<smem>>
    %get3A_295 = arith.constant 0 : index
    %get3A_296 = memref.load %arg6[%get3A_295] : memref<1xi32, #tpu.memory_space<smem>>
    %convert_element_type3A_297 = arith.extui %eq3A_223 : vector<128x512xi1> to vector<128x512xi32>
    %reduce_sum3A_298 = vector.shape_cast %convert_element_type3A_297 : vector<128x512xi32> to vector<1x128x512xi32>
    %reduce_sum3A_299 = arith.constant dense<0> : vector<1xi32>
    %reduce_sum3A_300 = vector.multi_reduction <add>, %reduce_sum3A_298, %reduce_sum3A_299 [1, 2] : vector<1x128x512xi32> to vector<1xi32>
    %reduce_sum3A_301 = vector.shape_cast %reduce_sum3A_300 : vector<1xi32> to vector<1x1x1xi32>
    %reduce_sum3A_302 = vector.extract %reduce_sum3A_301[0, 0, 0] : i32 from vector<1x1x1xi32>
    %add3A_303 = arith.addi %get3A_296, %reduce_sum3A_302 : i32
    %swap3A_304 = arith.constant 0 : index
    %swap3A_305 = memref.load %arg6[%swap3A_304] : memref<1xi32, #tpu.memory_space<smem>>
    memref.store %add3A_303, %arg6[%swap3A_304] : memref<1xi32, #tpu.memory_space<smem>>
    %eq3A_306 = arith.constant 11 : i32
    %eq3A_307 = arith.cmpi eq, %add3A, %eq3A_306 : i32
    %convert_element_type3A_308 = arith.extui %eq3A_307 : i1 to i32
    %cond3A_309 = arith.constant 0 : i32
    %cond3A_310 = arith.cmpi ne, %convert_element_type3A_308, %cond3A_309 : i32
    scf.if %cond3A_310 {
      %get3A_311 = arith.constant 0 : index
      %get3A_312 = memref.load %arg5[%get3A_311] : memref<2xf32, #tpu.memory_space<smem>>
      %swap3A_313 = arith.constant 0 : index
      %swap3A_314 = arith.constant 0 : index
      %swap3A_315 = memref.load %arg4[%swap3A_313, %swap3A_314] : memref<1x3xf32, #tpu.memory_space<smem>>
      memref.store %get3A_312, %arg4[%swap3A_313, %swap3A_314] : memref<1x3xf32, #tpu.memory_space<smem>>
      %get3A_316 = arith.constant 1 : index
      %get3A_317 = memref.load %arg5[%get3A_316] : memref<2xf32, #tpu.memory_space<smem>>
      %swap3A_318 = arith.constant 0 : index
      %swap3A_319 = arith.constant 1 : index
      %swap3A_320 = memref.load %arg4[%swap3A_318, %swap3A_319] : memref<1x3xf32, #tpu.memory_space<smem>>
      memref.store %get3A_317, %arg4[%swap3A_318, %swap3A_319] : memref<1x3xf32, #tpu.memory_space<smem>>
      %get3A_321 = arith.constant 0 : index
      %get3A_322 = memref.load %arg6[%get3A_321] : memref<1xi32, #tpu.memory_space<smem>>
      %convert_element_type3A_323 = arith.sitofp %get3A_322 : i32 to f32
      %swap3A_324 = arith.constant 0 : index
      %swap3A_325 = arith.constant 2 : index
      %swap3A_326 = memref.load %arg4[%swap3A_324, %swap3A_325] : memref<1x3xf32, #tpu.memory_space<smem>>
      memref.store %convert_element_type3A_323, %arg4[%swap3A_324, %swap3A_325] : memref<1x3xf32, #tpu.memory_space<smem>>
    } else {
    }
    return
  }
  func.func @transform_0(%arg0: i32, %arg1: i32) -> (i32, i32, i32, i32) {
    %c0_i32 = arith.constant 0 : i32
    %c0_i32_0 = arith.constant 0 : i32
    %c0_i32_1 = arith.constant 0 : i32
    return %arg0, %c0_i32, %arg1, %c0_i32_0 : i32, i32, i32, i32
  }
  func.func @transform_1(%arg0: i32, %arg1: i32) -> (i32, i32, i32) {
    %c0_i32 = arith.constant 0 : i32
    %c0_i32_0 = arith.constant 0 : i32
    return %arg0, %arg1, %c0_i32 : i32, i32, i32
  }
  func.func @transform_2(%arg0: i32, %arg1: i32) -> (i32, i32) {
    %c0_i32 = arith.constant 0 : i32
    %c0_i32_0 = arith.constant 0 : i32
    %c0_i32_1 = arith.constant 0 : i32
    return %c0_i32, %c0_i32_0 : i32, i32
  }
}

module attributes {stable_mosaic.version = 14 : i64} {
  func.func @_tail_gate(%arg0: memref<512x512xf32, #tpu.memory_space<vmem>>, %arg1: memref<512x512xi32, #tpu.memory_space<vmem>>, %arg2: memref<1x3xf32, #tpu.memory_space<smem>>, %arg3: memref<1x1xf32, #tpu.memory_space<smem>>) attributes {dimension_semantics = [], scalar_prefetch = 0 : i64, scratch_operands = 0 : i64, tpu.core_type = #tpu.core_type<tc>} {
    %get3A = arith.constant 0 : index
    %get3A_0 = arith.constant 0 : index
    %get3A_1 = vector.load %arg0[%get3A, %get3A_0] : memref<512x512xf32, #tpu.memory_space<vmem>>, vector<512x512xf32>
    %get3A_2 = arith.constant 0 : index
    %get3A_3 = arith.constant 0 : index
    %get3A_4 = vector.load %arg1[%get3A_2, %get3A_3] : memref<512x512xi32, #tpu.memory_space<vmem>>, vector<512x512xi32>
    %convert_element_type3A = arith.sitofp %get3A_4 : vector<512x512xi32> to vector<512x512xf32>
    %eq3A = arith.constant 30 : i32
    %eq3A_5 = vector.broadcast %eq3A : i32 to vector<512x512xi32>
    %eq3A_6 = arith.cmpi eq, %get3A_4, %eq3A_5 : vector<512x512xi32>
    %convert_element_type3A_7 = arith.extui %eq3A_6 : vector<512x512xi1> to vector<512x512xi32>
    %convert_element_type3A_8 = arith.sitofp %convert_element_type3A_7 : vector<512x512xi32> to vector<512x512xf32>
    %mul3A = arith.mulf %get3A_1, %convert_element_type3A : vector<512x512xf32>
    %jit3A = arith.constant 0.000000e+00 : f32
    %broadcast_in_dim3A = vector.broadcast %jit3A : f32 to vector<512x512xf32>
    %select_n3A = arith.select %eq3A_6, %broadcast_in_dim3A, %mul3A : vector<512x512xi1>, vector<512x512xf32>
    %reduce_sum3A = vector.shape_cast %select_n3A : vector<512x512xf32> to vector<1x512x512xf32>
    %reduce_sum3A_9 = arith.constant dense<0.000000e+00> : vector<1xf32>
    %reduce_sum3A_10 = vector.multi_reduction <add>, %reduce_sum3A, %reduce_sum3A_9 [1, 2] : vector<1x512x512xf32> to vector<1xf32>
    %reduce_sum3A_11 = vector.shape_cast %reduce_sum3A_10 : vector<1xf32> to vector<1x1x1xf32>
    %reduce_sum3A_12 = vector.extract %reduce_sum3A_11[0, 0, 0] : f32 from vector<1x1x1xf32>
    %add3A = arith.addf %get3A_1, %convert_element_type3A : vector<512x512xf32>
    %jit3A_13 = arith.constant 0.000000e+00 : f32
    %broadcast_in_dim3A_14 = vector.broadcast %jit3A_13 : f32 to vector<512x512xf32>
    %select_n3A_15 = arith.select %eq3A_6, %broadcast_in_dim3A_14, %add3A : vector<512x512xi1>, vector<512x512xf32>
    %reduce_sum3A_16 = vector.shape_cast %select_n3A_15 : vector<512x512xf32> to vector<1x512x512xf32>
    %reduce_sum3A_17 = arith.constant dense<0.000000e+00> : vector<1xf32>
    %reduce_sum3A_18 = vector.multi_reduction <add>, %reduce_sum3A_16, %reduce_sum3A_17 [1, 2] : vector<1x512x512xf32> to vector<1xf32>
    %reduce_sum3A_19 = vector.shape_cast %reduce_sum3A_18 : vector<1xf32> to vector<1x1x1xf32>
    %reduce_sum3A_20 = vector.extract %reduce_sum3A_19[0, 0, 0] : f32 from vector<1x1x1xf32>
    %get3A_21 = arith.constant 0 : index
    %get3A_22 = arith.constant 0 : index
    %get3A_23 = memref.load %arg2[%get3A_21, %get3A_22] : memref<1x3xf32, #tpu.memory_space<smem>>
    %get3A_24 = arith.constant 0 : index
    %get3A_25 = arith.constant 1 : index
    %get3A_26 = memref.load %arg2[%get3A_24, %get3A_25] : memref<1x3xf32, #tpu.memory_space<smem>>
    %get3A_27 = arith.constant 0 : index
    %get3A_28 = arith.constant 2 : index
    %get3A_29 = memref.load %arg2[%get3A_27, %get3A_28] : memref<1x3xf32, #tpu.memory_space<smem>>
    %reduce_sum3A_30 = vector.shape_cast %convert_element_type3A_8 : vector<512x512xf32> to vector<1x512x512xf32>
    %reduce_sum3A_31 = arith.constant dense<0.000000e+00> : vector<1xf32>
    %reduce_sum3A_32 = vector.multi_reduction <add>, %reduce_sum3A_30, %reduce_sum3A_31 [1, 2] : vector<1x512x512xf32> to vector<1xf32>
    %reduce_sum3A_33 = vector.shape_cast %reduce_sum3A_32 : vector<1xf32> to vector<1x1x1xf32>
    %reduce_sum3A_34 = vector.extract %reduce_sum3A_33[0, 0, 0] : f32 from vector<1x1x1xf32>
    %jit3A_35 = arith.constant 0.000000e+00 : f32
    %broadcast_in_dim3A_36 = vector.broadcast %jit3A_35 : f32 to vector<512x512xf32>
    %select_n3A_37 = arith.select %eq3A_6, %get3A_1, %broadcast_in_dim3A_36 : vector<512x512xi1>, vector<512x512xf32>
    %reduce_sum3A_38 = vector.shape_cast %select_n3A_37 : vector<512x512xf32> to vector<1x512x512xf32>
    %reduce_sum3A_39 = arith.constant dense<0.000000e+00> : vector<1xf32>
    %reduce_sum3A_40 = vector.multi_reduction <add>, %reduce_sum3A_38, %reduce_sum3A_39 [1, 2] : vector<1x512x512xf32> to vector<1xf32>
    %reduce_sum3A_41 = vector.shape_cast %reduce_sum3A_40 : vector<1xf32> to vector<1x1x1xf32>
    %reduce_sum3A_42 = vector.extract %reduce_sum3A_41[0, 0, 0] : f32 from vector<1x1x1xf32>
    %add3A_43 = arith.addf %get3A_29, %reduce_sum3A_34 : f32
    %le3A = arith.constant 8.000000e+04 : f32
    %le3A_44 = arith.cmpf ole, %add3A_43, %le3A : f32
    %convert_element_type3A_45 = arith.extui %le3A_44 : i1 to i32
    %cond3A = arith.constant 0 : i32
    %cond3A_46 = arith.cmpi ne, %convert_element_type3A_45, %cond3A : i32
    scf.if %cond3A_46 {
      %add3A_51 = arith.addf %get3A_23, %reduce_sum3A_12 : f32
      %mul3A_52 = arith.constant 3.000000e+01 : f32
      %mul3A_53 = arith.mulf %mul3A_52, %reduce_sum3A_42 : f32
      %add3A_54 = arith.addf %add3A_51, %mul3A_53 : f32
      %add3A_55 = arith.addf %get3A_26, %reduce_sum3A_20 : f32
      %add3A_56 = arith.addf %add3A_55, %reduce_sum3A_42 : f32
      %mul3A_57 = arith.constant 3.000000e+01 : f32
      %mul3A_58 = arith.mulf %mul3A_57, %reduce_sum3A_34 : f32
      %add3A_59 = arith.addf %add3A_56, %mul3A_58 : f32
      %sub3A = arith.subf %add3A_59, %add3A_54 : f32
      %add3A_60 = arith.constant 1.000000e+00 : f32
      %add3A_61 = arith.addf %add3A_54, %add3A_60 : f32
      %add3A_62 = arith.constant 1.000000e+00 : f32
      %add3A_63 = arith.addf %sub3A, %add3A_62 : f32
      %div3A = arith.divf %add3A_61, %add3A_63 : f32
      %sub3A_64 = arith.constant 1.000000e+00 : f32
      %sub3A_65 = arith.subf %sub3A_64, %div3A : f32
      %swap3A = arith.constant 0 : index
      %swap3A_66 = arith.constant 0 : index
      %swap3A_67 = memref.load %arg3[%swap3A, %swap3A_66] : memref<1x1xf32, #tpu.memory_space<smem>>
      memref.store %sub3A_65, %arg3[%swap3A, %swap3A_66] : memref<1x1xf32, #tpu.memory_space<smem>>
    } else {
    }
    %not3A = arith.constant true
    %not3A_47 = arith.xori %le3A_44, %not3A : i1
    %convert_element_type3A_48 = arith.extui %not3A_47 : i1 to i32
    %cond3A_49 = arith.constant 0 : i32
    %cond3A_50 = arith.cmpi ne, %convert_element_type3A_48, %cond3A_49 : i32
    scf.if %cond3A_50 {
      %iota3A = tpu.iota {dimensions = array<i32: 0>} : vector<512x512xi32>
      %iota3A_51 = tpu.iota {dimensions = array<i32: 1>} : vector<512x512xi32>
      %le3A_52 = arith.cmpi sle, %iota3A, %iota3A_51 : vector<512x512xi32>
      %convert_element_type3A_53 = arith.extui %le3A_52 : vector<512x512xi1> to vector<512x512xi32>
      %convert_element_type3A_54 = arith.sitofp %convert_element_type3A_53 : vector<512x512xi32> to vector<512x512xf32>
      %dot_general3A = arith.constant dense<0.000000e+00> : vector<512x512xf32>
      %dot_general3A_55 = tpu.matmul %convert_element_type3A_8, %convert_element_type3A_54, %dot_general3A {dimension_numbers = #tpu.dot_dimension_numbers<[1], [0], [0], [1], [0, 0, 1, 1], [], []>, transpose_lhs_hint = false} : vector<512x512xf32>, vector<512x512xf32>, vector<512x512xf32> -> vector<512x512xf32>
      %slice3A = vector.extract_strided_slice %dot_general3A_55 {offsets = [0, 511], sizes = [512, 1], strides = [1, 1]} : vector<512x512xf32> to vector<512x1xf32>
      %iota3A_56 = tpu.iota {dimensions = array<i32: 0>} : vector<512x512xi32>
      %iota3A_57 = tpu.iota {dimensions = array<i32: 1>} : vector<512x512xi32>
      %lt3A = arith.cmpi slt, %iota3A_57, %iota3A_56 : vector<512x512xi32>
      %convert_element_type3A_58 = arith.extui %lt3A : vector<512x512xi1> to vector<512x512xi32>
      %convert_element_type3A_59 = arith.sitofp %convert_element_type3A_58 : vector<512x512xi32> to vector<512x512xf32>
      %dot_general3A_60 = arith.constant dense<0.000000e+00> : vector<512x1xf32>
      %dot_general3A_61 = tpu.matmul %convert_element_type3A_59, %slice3A, %dot_general3A_60 {dimension_numbers = #tpu.dot_dimension_numbers<[1], [0], [0], [1], [0, 0, 1, 1], [], []>, transpose_lhs_hint = false} : vector<512x512xf32>, vector<512x1xf32>, vector<512x1xf32> -> vector<512x1xf32>
      %sub3A = arith.subf %dot_general3A_55, %convert_element_type3A_8 : vector<512x512xf32>
      %add3A_62 = vector.broadcast %dot_general3A_61 : vector<512x1xf32> to vector<512x512xf32>
      %add3A_63 = arith.addf %add3A_62, %sub3A : vector<512x512xf32>
      %add3A_64 = vector.broadcast %get3A_29 : f32 to vector<512x512xf32>
      %add3A_65 = arith.addf %add3A_64, %add3A_63 : vector<512x512xf32>
      %lt3A_66 = arith.constant 8.000000e+04 : f32
      %lt3A_67 = vector.broadcast %lt3A_66 : f32 to vector<512x512xf32>
      %lt3A_68 = arith.cmpf olt, %add3A_65, %lt3A_67 : vector<512x512xf32>
      %and3A = arith.andi %eq3A_6, %lt3A_68 : vector<512x512xi1>
      %jit3A_69 = arith.constant 0.000000e+00 : f32
      %broadcast_in_dim3A_70 = vector.broadcast %jit3A_69 : f32 to vector<512x512xf32>
      %select_n3A_71 = arith.select %and3A, %get3A_1, %broadcast_in_dim3A_70 : vector<512x512xi1>, vector<512x512xf32>
      %reduce_sum3A_72 = vector.shape_cast %select_n3A_71 : vector<512x512xf32> to vector<1x512x512xf32>
      %reduce_sum3A_73 = arith.constant dense<0.000000e+00> : vector<1xf32>
      %reduce_sum3A_74 = vector.multi_reduction <add>, %reduce_sum3A_72, %reduce_sum3A_73 [1, 2] : vector<1x512x512xf32> to vector<1xf32>
      %reduce_sum3A_75 = vector.shape_cast %reduce_sum3A_74 : vector<1xf32> to vector<1x1x1xf32>
      %reduce_sum3A_76 = vector.extract %reduce_sum3A_75[0, 0, 0] : f32 from vector<1x1x1xf32>
      %convert_element_type3A_77 = arith.extui %and3A : vector<512x512xi1> to vector<512x512xi32>
      %convert_element_type3A_78 = arith.sitofp %convert_element_type3A_77 : vector<512x512xi32> to vector<512x512xf32>
      %reduce_sum3A_79 = vector.shape_cast %convert_element_type3A_78 : vector<512x512xf32> to vector<1x512x512xf32>
      %reduce_sum3A_80 = arith.constant dense<0.000000e+00> : vector<1xf32>
      %reduce_sum3A_81 = vector.multi_reduction <add>, %reduce_sum3A_79, %reduce_sum3A_80 [1, 2] : vector<1x512x512xf32> to vector<1xf32>
      %reduce_sum3A_82 = vector.shape_cast %reduce_sum3A_81 : vector<1xf32> to vector<1x1x1xf32>
      %reduce_sum3A_83 = vector.extract %reduce_sum3A_82[0, 0, 0] : f32 from vector<1x1x1xf32>
      %add3A_84 = arith.addf %get3A_23, %reduce_sum3A_12 : f32
      %mul3A_85 = arith.constant 3.000000e+01 : f32
      %mul3A_86 = arith.mulf %mul3A_85, %reduce_sum3A_76 : f32
      %add3A_87 = arith.addf %add3A_84, %mul3A_86 : f32
      %add3A_88 = arith.addf %get3A_26, %reduce_sum3A_20 : f32
      %add3A_89 = arith.addf %add3A_88, %reduce_sum3A_76 : f32
      %mul3A_90 = arith.constant 3.000000e+01 : f32
      %mul3A_91 = arith.mulf %mul3A_90, %reduce_sum3A_83 : f32
      %add3A_92 = arith.addf %add3A_89, %mul3A_91 : f32
      %sub3A_93 = arith.subf %add3A_92, %add3A_87 : f32
      %add3A_94 = arith.constant 1.000000e+00 : f32
      %add3A_95 = arith.addf %add3A_87, %add3A_94 : f32
      %add3A_96 = arith.constant 1.000000e+00 : f32
      %add3A_97 = arith.addf %sub3A_93, %add3A_96 : f32
      %div3A = arith.divf %add3A_95, %add3A_97 : f32
      %sub3A_98 = arith.constant 1.000000e+00 : f32
      %sub3A_99 = arith.subf %sub3A_98, %div3A : f32
      %swap3A = arith.constant 0 : index
      %swap3A_100 = arith.constant 0 : index
      %swap3A_101 = memref.load %arg3[%swap3A, %swap3A_100] : memref<1x1xf32, #tpu.memory_space<smem>>
      memref.store %sub3A_99, %arg3[%swap3A, %swap3A_100] : memref<1x1xf32, #tpu.memory_space<smem>>
    } else {
    }
    return
  }
}

</mosaic_0001>

<sc_bundles>
// kernel: kernel.5.cloned.1.call-start
scs
__scs_entry_jumppad:
0x0: {  	(pc) =	sbr.rel $0x88, $3  }
0x1: {  	(tag) =	ssettag $0x0;
	lr =	simm.s32 $0x1  }
0x2: {  	[smem:$0x3F9F] =	sst lr;
	_ =	strace $0xD0000000  }
0x3: {  	_ = 	snop  }
0x4: {  	_ = 	snop  }
0x5: {  	_ = 	snop  }
0x6: {  	_ = 	snop  }
0x7: {  	_ = 	snop  }
__scs_overlays_trampoline_lowered:
0x8: {  	[smem:$0x3FAE] =	sst s0  }
0x9: {  	[smem:$0x3FAF] =	sst s1  }
0xa: {  	[smem:$0x3FB0] =	sst s2  }
0xb: {  	[smem:$0x3FB1] =	sst s3  }
0xc: {  	[smem:$0x3FB2] =	sst s4  }
0xd: {  	[smem:$0x3FB3] =	sst s5  }
0xe: {  	[smem:$0x3FB4] =	sst s6  }
0xf: {  	[smem:$0x3FB5] =	sst s7  }
0x10: {  	[smem:$0x3FB6] =	sst s8  }
0x11: {  	[smem:$0x3FB7] =	sst s9;
	s0 =	simm.s32 @!p0 $0x0  }
0x12: {  	s1 =	sld [smem:$0x3F9D];
	s0 =	simm.s32 @p0 $0x1  }
0x13: {  	[smem:$0x3FB8] =	sst s0;
	s0 =	simm.s32 @!p1 $0x0  }
0x14: {  	s2 =	sld [smem:$0x3F9C];
	s0 =	simm.s32 @p1 $0x1  }
0x15: {  	[smem:$0x3FB9] =	sst s0;
	s0 =	simm.s32 @!p2 $0x0  }
0x16: {  	s3 =	sld [smem:$0x3FDB];
	s0 =	simm.s32 @p2 $0x1  }
0x17: {  	s4 =	simm.s32 $0x1BF5;
	[smem:$0x3FBB] =	sst s0  }
0x18: {  	s0 =	sld [smem:$0x3F9E];
	_ =	swait.ge [sflag:s4], $0x0  }
0x19: {  	s7 =	sld [smem:$0x3F9F]  }
0x1a: {  	s8 =	sadd.s32 $0xFFFFE003, lr  }
0x1b: {  	s9 =	sadd.s32 $0xFFFFFEF7, lr;
	s5 =	simm.s32 $0xFFFFFFFF;
	p2 =	slt.u32 s8, $0xFFFFF086  }
0x1c: {  	p1 =	slt.u32 s9, $0xF7A;
	s5 =	simm.s32 @!p2 $0x0  }
0x1d: {  	s5 =	simm.s32 @p1 $0x1;
	p0 =	seq.s32 s7, s2  }
0x1e: {  	s7 =	smul.u32 @!p0 $0xF7A, s2;
	p2 =	seq.s32 @!p0 s5, $0x0  }
0x1f: {  	s9 =	smul.u32 $0xF7A, s1;
	s8 =	simm.s32 @!p0 $0x1BF5;
	p2 =	por !p2, p0  }
0x20: {  	[sflag:s8] =	ssyncset.s32 @!p0 $0xFFFFF086;
	s6 =	sadd.s32 @!p0 s3, s7;
	s7 =	simm.s32 @!p0 $0x108  }
0x21: {  	s3 =	sadd.s32 s3, s9;
	s6 =	sadd.s32 @!p0 $0x88, s6;
	s7 =	simm.s32 @p2 $0x1082  }
0x22: {  	[simem:s7], [sflag:s8] =	dma.local @!p0 [hbm:s6], $0xF7A  }
0x23: {  	s9 =	sor.u32 $0xD0000000, s2;
	s6 =	simm.s32 $0x108;
	_ =	swait.ge @!p0 [sflag:s8], $0x0  }
0x24: {  	s3 =	sadd.s32 $0x88, s3;
	s6 =	simm.s32 @!p1 $0x1082;
	[sflag:s4] =	ssyncset.s32 $0xFFFFF086  }
0x25: {  	[simem:s6], [sflag:s4] =	dma.local [hbm:s3], $0xF7A  }
0x26: {  	[smem:$0x3F9F] =	sst s1;
	(tag) =	ssettag s2;
	_ =	strace s9  }
0x27: {  	s1 =	sld [smem:$0x3FAF]  }
0x28: {  	s2 =	sld [smem:$0x3FB0]  }
0x29: {  	s4 =	sld [smem:$0x3FB2]  }
0x2a: {  	p0 =	seq.s32 s5, $0x0;
	s5 =	sld [smem:$0x3FB3]  }
0x2b: {  	s6 =	sld [smem:$0x3FB4]  }
0x2c: {  	s7 =	sld [smem:$0x3FB5]  }
0x2d: {  	s3 =	simm.s32 $0x108;
	s8 =	sld [smem:$0x3FB6]  }
0x2e: {  	s3 =	simm.s32 @!p0 $0x1082;
	s9 =	sld [smem:$0x3FB7]  }
0x2f: {  	lr =	sadd.s32 s0, s3;
	s0 =	sld [smem:$0x3FAE]  }
0x30: {  	s3 =	sld [smem:$0x3FB1]  }
0x31: {  	[smem:$0x3FBA] =	sst s10  }
0x32: {  	s10 =	sld [smem:$0x3FB8];
	_ =	sdelay $0x3  }
0x33: {  	p0 =	seq.s32 s10, $0x1;
	s10 =	sld [smem:$0x3FBA];
	_ =	sdelay $0x3  }
0x34: {  	[smem:$0x3FBA] =	sst s10  }
0x35: {  	s10 =	sld [smem:$0x3FB9];
	_ =	sdelay $0x3  }
0x36: {  	p1 =	seq.s32 s10, $0x1;
	s10 =	sld [smem:$0x3FBA];
	_ =	sdelay $0x3  }
0x37: {  	[smem:$0x3FBA] =	sst s10  }
0x38: {  	s10 =	sld [smem:$0x3FBB]  }
0x39: {  	_ = 	snop;
	(pc) =	sbr.ind lr, $3  }
0x3a: {  	_ = 	snop  }
0x3b: {  	_ = 	snop  }
0x3c: {  	p2 =	seq.s32 s10, $0x1;
	s10 =	sld [smem:$0x3FBA]  }
0x3d: {  	_ =	shalt  }
0x3e: {  	_ =	shalt  }
0x3f: {  	_ =	shalt  }
0x40: {  	_ =	shalt  }
0x41: {  	_ =	shalt  }
0x42: {  	_ =	shalt  }
0x43: {  	_ =	shalt  }
0x44: {  	_ =	shalt  }
0x45: {  	_ =	shalt  }
0x46: {  	_ =	shalt  }
0x47: {  	_ =	shalt  }
0x48: {  	_ =	shalt  }
0x49: {  	_ =	shalt  }
0x4a: {  	_ =	shalt  }
0x4b: {  	_ =	shalt  }
0x4c: {  	_ =	shalt  }
0x4d: {  	_ =	shalt  }
0x4e: {  	_ =	shalt  }
0x4f: {  	_ =	shalt  }
0x50: {  	_ =	shalt  }
0x51: {  	_ =	shalt  }
0x52: {  	_ =	shalt  }
0x53: {  	_ =	shalt  }
0x54: {  	_ =	shalt  }
0x55: {  	_ =	shalt  }
0x56: {  	_ =	shalt  }
0x57: {  	_ =	shalt  }
0x58: {  	_ =	shalt  }
0x59: {  	_ =	shalt  }
0x5a: {  	_ =	shalt  }
0x5b: {  	_ =	shalt  }
0x5c: {  	_ =	shalt  }
0x5d: {  	_ =	shalt  }
0x5e: {  	_ =	shalt  }
0x5f: {  	_ =	shalt  }
0x60: {  	_ =	shalt  }
0x61: {  	_ =	shalt  }
0x62: {  	_ =	shalt  }
0x63: {  	_ =	shalt  }
0x64: {  	_ =	shalt  }
0x65: {  	_ =	shalt  }
0x66: {  	_ =	shalt  }
0x67: {  	_ =	shalt  }
0x68: {  	_ =	shalt  }
0x69: {  	_ =	shalt  }
0x6a: {  	_ =	shalt  }
0x6b: {  	_ =	shalt  }
0x6c: {  	_ =	shalt  }
0x6d: {  	_ =	shalt  }
0x6e: {  	_ =	shalt  }
0x6f: {  	_ =	shalt  }
0x70: {  	_ =	shalt  }
0x71: {  	_ =	shalt  }
0x72: {  	_ =	shalt  }
0x73: {  	_ =	shalt  }
0x74: {  	_ =	shalt  }
0x75: {  	_ =	shalt  }
0x76: {  	_ =	shalt  }
0x77: {  	_ =	shalt  }
0x78: {  	_ =	shalt  }
0x79: {  	_ =	shalt  }
0x7a: {  	_ =	shalt  }
0x7b: {  	_ =	shalt  }
0x7c: {  	_ =	shalt  }
0x7d: {  	_ =	shalt  }
0x7e: {  	_ =	shalt  }
0x7f: {  	_ =	shalt  }
0x80: {  	_ =	shalt  }
0x81: {  	_ =	shalt  }
0x82: {  	_ =	shalt  }
0x83: {  	_ =	shalt  }
0x84: {  	_ =	shalt  }
0x85: {  	_ =	shalt  }
0x86: {  	_ =	shalt  }
0x87: {  	_ =	shalt  }
.Lfunc_end0:
.L_simem_size_0:
called_computation_lowered:
.L_overlay_start_0:
0x88: {  	s2 =	sld [smem:$0x3FD9]  }
0x89: {  	s3 =	sld [smem:$0x3FFE];
	_ =	sdelay $0x1  }
0x8a: {  	s1 =	srdreg.scid  }
0x8b: {  	s0 =	sand.u32 $0x1, s1  }
0x8c: {  	s17 =	sshll.u32 s0, $0xA;
	s2 =	sadd.s32 s3, s2  }
0x8d: {  	s2 =	sadd.s32 s2, s17  }
0x8e: {  	[smem:$0x3FC6] =	sst s2  }
0x8f: {  	_ = 	snop  }
0x90: {  	s2 =	sld [smem:$0x3FC9];
	(tm) =	ssettm $0x1  }
0x91: {  	s18 =	sld [smem:$0x3FFB];
	_ =	sdelay $0x3  }
0x92: {  	_ =	strace s18  }
0x93: {  	s3 =	sld [smem:$0x3FFC];
	_ =	sdelay $0x3  }
0x94: {  	_ =	strace s3  }
0x95: {  	s3 =	sld [smem:$0x3FFD];
	_ =	sdelay $0x3  }
0x96: {  	_ =	strace s3  }
0x97: {  	_ =	strace $0x8FFFFFFF  }
0x98: {  	s19 =	sld [smem:$0x3FDB];
	_ =	sdelay $0x1  }
0x99: {  	s4 =	simm.s32 $_scs_section_size  }
0x9a: {  	s5 =	simm.s32 $_size__tile_overlayer_lowered;
	s6 =	simm.s32 $_tile_overlayer_lowered  }
0x9b: {  	s22 =	simm.s32 $0x1BFF;
	s21 =	sshll.u32 s6, $0x1;
	s3 =	sadd.s32 s4, s19  }
0x9c: {  	s7 =	simm.s32 $0x0;
	s20 =	sshll.u32 s5, $0x1;
	s5 =	sadd.s32 s21, s3  }
0x9d: {  	[timem:s7], [sflag:s22] =	dma.local [hbm:s5], s20  }
0x9e: {  	_ =	swait.ge [sflag:s22], s20  }
0x9f: {  	s4 =	ssub.s32 $0x0, s20;
	[sflag:s22] =	ssyncset.done $0x0  }
0xa0: {  	[sflag:s22] =	ssyncadd.s32 s4;
	_ =	sdelay $0x1  }
0xa1: {  	s23 =	simm.s32 $0x1B8B  }
0xa2: {  	_ =	swait.ge [sflag:s23], $0x1  }
0xa3: {  	[sflag:s23] =	ssyncset.done $0x0  }
0xa4: {  	s25 =	simm.s32 $0x1B8E;
	s24 =	sld [smem:$0x3FFE];
	[sflag:s23] =	ssyncadd.s32 $0xFFFFFFFF  }
0xa5: {  	s26 =	simm.s32 $execute0_lowered;
	[smem:$0x3FD2] =	sst s25  }
0xa6: {  	s5 =	sshll.u32 s26, $0x1;
	_ =	strace $0x80000046;
	[dreg:$0x1] =	wrdreg $0xFFFFFFFF  }
0xa7: {  	s28 =	simm.s32 $_size_execute0_lowered;
	s3 =	sadd.s32 s3, s5;
	[dreg:$0x0] =	wrdreg $0x0  }
0xa8: {  	s5 =	sshll.u32 s28, $0x1;
	[dreg:$0x2] =	wrdreg s3  }
0xa9: {  	[dreg:$0x3] =	wrdreg s5  }
0xaa: {  	[dreg:$0x4] =	wrdreg $0xC0  }
0xab: {  	_ =	task [dreg:s7], $0x5FFFF  }
0xac: {  	[dreg:$0x1] =	wrdreg $0xFFFFFFFF  }
0xad: {  	[dreg:$0x0] =	wrdreg $0x60  }
0xae: {  	[dreg:$0x2] =	wrdreg s2  }
0xaf: {  	[dreg:$0x3] =	wrdreg s24  }
0xb0: {  	[dreg:$0x4] =	wrdreg $0x9  }
0xb1: {  	_ =	task.clear_ibuf [dreg:s7], $0x5FFFF;
	_ =	strace $0x90000046  }
0xb2: {  	s29 =	simm.s32 $0x9;
	_ =	strace $0x80000048  }
0xb3: {  	_ =	swait.ge [sflag:s29], $0x1  }
0xb4: {  	[sflag:s29] =	ssyncadd.s32 $0xFFFFFFFF  }
0xb5: {  	_ =	strace $0x90000048  }
0xb6: {  	_ =	sfence  }
0xb7: {  	s30 =	sld [smem:$0x0];
	_ =	sdelay $0x2  }
0xb8: {  	s31 =	sshll.u32 s1, $0xD;
	s1 =	sshrl.u32 s1, $0x2  }
0xb9: {  	s3 =	sand.u32 $0x4000, s31;
	s1 =	sadd.s32 s1, s30  }
0xba: {  	s0 =	sor.u32 s3, s0;
	s1 =	sshll.u32 s1, $0x11  }
0xbb: {  	s0 =	sor.u32 s1, s0  }
0xbc: {  	s0 =	sadd.s32 $0x8F2B, s0  }
0xbd: {  	[sflag:s0] =	ssyncadd.remote.s32 $0x1  }
0xbe: {  	_ =	sfence.sel $0xFFFF  }
0xbf: {  	[dreg:$0x0] =	wrdreg $0xFFFFFFFF;
	(pc) =	sbr.abs _section_cstart, $3  }
0xc0: {  	[dreg:$0x1] =	wrdreg $0xFFFFFFFF  }
0xc1: {  	_ =	task.clear_ibuf [dreg:s7], $0x2FFFF;
	_ =	strace $0x9FFFFFFF  }
0xc2: {  	(tm) =	ssettm $0x7FFFFFFF  }
0xc3: {  	_ =	shalt  }
tec
execute0_lowered:
.L_overlay_start_1:
0x0: {  	(tag) =	ssettag $0x1  }
0x1: {  	s4 =	rddreg [dreg:$0x0]  }
0x2: {  	s0 =	rddreg [dreg:$0x1]  }
0x3: {  	s1 =	srdreg.scid;
	s2 =	stileid.u32  }
0x4: {  	s5 =	simm.s32 $0x0;
	s1 =	sand.u32 $0x1, s1;
	s2 =	sshll.u32 s2, $0x5  }
0x5: {  	[smem:$0x7FF] =	sst s5;
	s0 =	sadd.s32 $0x800, s0;
	s3 =	sshll.u32 s1, $0x4  }
0x6: {  	_ =	strace $0x80000047;
	s1 =	ssub.s32 $0x2, s1;
	s2 =	sor.u32 s3, s2  }
0x7: {  	[smem:$0x7F9] =	sst s0;
	s28 =	sshrl.u32 s1, $0x1;
	s3 =	sshll.u32 s2, $0x6  }
.Ltmp0:
0x8: {  	s0 =	ssub.s32 s1, s28;
	s31 =	sshrl.u32 s2, $0x3;
	(pc) =	sbr.rel .LBB2_1-.Ltmp0, $4  }
0x9: {  	s3 =	sadd.s32 s3, s4;
	[smem:$0x7FC] =	sst s31;
	s0 =	smax.u32 s0, $0x1  }
0xa: {  	s29 =	sadd.s32 $0x2E8000, s3;
	[smem:$0x7FD] =	sst s0  }
0xb: {  	s30 =	sadd.s32 $0x2E8080, s3;
	[smem:$0x7FA] =	sst s29  }
0xc: {  	v0 =	vimm.f32 $0.0e+00;
	s2 =	simm.s32 $0x0;
	[smem:$0x7FB] =	sst s30  }
.LBB2_12:
0xd: {  	s0 =	simm.s32 $0x3  }
0xe: {  	_ =	swait.ge [sflag:s0], $0x400  }
0xf: {  	[sflag:s0] =	ssyncset.done $0x0  }
0x10: {  	s1 =	simm.s32 $0x4;
	[sflag:s0] =	ssyncadd.s32 $0xFFFFFC00  }
0x11: {  	_ =	swait.ge [sflag:s1], $0x400  }
0x12: {  	s2 =	sld [smem:$0x7F8]  }
0x13: {  	s31 =	sld [smem:$0x7FD];
	_ =	sdelay $0x1  }
0x14: {  	s2 =	sadd.s32 $0x1, s2  }
0x15: {  	p0 =	sne.s32 s2, s31  }
.Ltmp1:
0x16: {  	_ = 	snop;
	(pc) =	sbr.rel @!p0 .LBB2_13-.Ltmp1, $3  }
0x17: {  	_ =	sdelay $0x1  }
0x18: {  	[sflag:s1] =	ssyncset.done $0x0  }
0x19: {  	[sflag:s1] =	ssyncadd.s32 $0xFFFFFC00  }
.LBB2_1:
0x1a: {  	s0 =	sld [smem:$0x7FA];
	_ =	sdelay $0x1  }
0x1b: {  	s1 =	simm.s32 $0x400;
	s30 =	simm.s32 $0x40000;
	s31 =	sld [smem:$0x7FB]  }
0x1c: {  	[tilespmem:s5], [sflag:$0x1] =	stream.strided.gather [hbm4b:s0+s1], $0x7C00, s30, s1, $0x38;
	[tilespmem:$0x10000] =	vst v63  }
0x1d: {  	[smem:$0x7F8] =	sst s2;
	s3 =	simm.s32 $0x7C00;
	s24 =	simm.s32 $0x0  }
0x1e: {  	[tilespmem:s3], [sflag:$0x2] =	stream.strided.gather [hbm4b:s31+s1], $0x7C00, s30, s1, $0x38;
	[tilespmem:$0x10000] =	vst v63  }
.LBB2_2:
0x1f: {  	s0 =	simm.s32 $0x1  }
0x20: {  	_ =	swait.ge [sflag:s0], $0x7C00  }
0x21: {  	p0 =	seq.s32 s24, $0x0;
	[sflag:s0] =	ssyncset.done $0x0  }
0x22: {  	[sflag:s0] =	ssyncadd.s32 $0xFFFF8400;
	s0 =	simm.s32 @!p0 $0x3  }
0x23: {  	s1 =	simm.s32 $0x0;
	_ =	swait.ge @!p0 [sflag:s0], $0x400  }
0x24: {  	s22 =	sand.u32 $0x40, s1;
	[sflag:s0] =	ssyncset.done @!p0 $0x0  }
0x25: {  	s12 =	sor.u32 $0x30, s22;
	[sflag:s0] =	ssyncadd.s32 @!p0 $0xFFFFFC00;
	s0 =	sand.u32 $0x7FFFFF80, s1  }
0x26: {  	s2 =	sor.u32 s12, s0  }
0x27: {  	v1 =	vld [tilespmem:s1+$0x0];
	s10 =	sadd.s32 $0x400, s0;
	[smem:$0x7F2] =	sst s2  }
0x28: {  	s23 =	sor.u32 $0x10, s22;
	s11 =	sor.u32 s12, s10;
	v2 =	vld [tilespmem:s2+$0x0]  }
0x29: {  	s6 =	sadd.s32 $0x800, s0;
	s14 =	sor.u32 s23, s0;
	s3 =	sor.u32 s22, s10;
	v3 =	vld [tilespmem:s11+$0x0]  }
0x2a: {  	s13 =	sor.u32 s12, s6;
	v4 =	vld [tilespmem:s3+$0x0];
	[smem:$0x7F3] =	sst s14  }
0x2b: {  	s7 =	sadd.s32 $0xC00, s0;
	v5 =	vld [tilespmem:s13+$0x0]  }
0x2c: {  	s15 =	sor.u32 s12, s7;
	v6 =	vld [tilespmem:s14+$0x0]  }
0x2d: {  	s5 =	sadd.s32 $0x1000, s0;
	s16 =	sor.u32 s23, s10;
	v7 =	vld [tilespmem:s15+$0x0]  }
0x2e: {  	s26 =	sor.u32 $0x20, s22;
	s17 =	sor.u32 s12, s5;
	v8 =	vld [tilespmem:s16+$0x0]  }
0x2f: {  	s25 =	sor.u32 s26, s0;
	s4 =	sadd.s32 $0x1400, s0;
	v9 =	vld [tilespmem:s17+$0x0]  }
0x30: {  	s18 =	sor.u32 s12, s4;
	v10 =	vld [tilespmem:s25+$0x0]  }
0x31: {  	s1 =	sor.u32 s26, s10;
	v11 =	vld [tilespmem:s18+$0x0];
	vm1 =	vgt.f32 v3, v2  }
0x32: {  	s8 =	sor.u32 s22, s6;
	v12 =	vld [tilespmem:s1+$0x0];
	v2 =	vsel vm1, v3, v2  }
0x33: {  	s9 =	sor.u32 s23, s6;
	v14 =	vld [tilespmem:s8+$0x0];
	vm2 =	vgt.f32 v5, v2  }
0x34: {  	s6 =	sor.u32 s26, s6;
	s3 =	sadd.s32 $0x1800, s0;
	v15 =	vld [tilespmem:s9+$0x0];
	v2 =	vsel vm2, v5, v2  }
0x35: {  	s19 =	sor.u32 s12, s3;
	v16 =	vld [tilespmem:s6+$0x0];
	vm3 =	vgt.f32 v7, v2  }
0x36: {  	s31 =	sor.u32 s22, s7;
	s2 =	sadd.s32 $0x1C00, s0;
	v13 =	vld [tilespmem:s19+$0x0];
	v2 =	vsel vm3, v7, v2  }
0x37: {  	s20 =	sor.u32 s12, s2;
	v17 =	vld [tilespmem:s31+$0x0];
	vm4 =	vgt.f32 v9, v2  }
0x38: {  	s10 =	sor.u32 s23, s7;
	s1 =	sadd.s32 $0x2000, s0;
	v3 =	vld [tilespmem:s20+$0x0];
	v2 =	vsel vm4, v9, v2  }
0x39: {  	v51 =	vimm.s32 $0x0;
	v52 =	vimm.s32 $0x0;
	v18 =	vld [tilespmem:s10+$0x0];
	s21 =	sor.u32 s12, s1;
	vm5 =	vgt.f32 v11, v2  }
0x3a: {  	v53 =	vimm.s32 $0x0;
	v55 =	vimm.s32 $0x0;
	s29 =	sadd.s32 $0x2400, s0;
	s7 =	sor.u32 s26, s7;
	v5 =	vld [tilespmem:s21+$0x0];
	v2 =	vsel vm5, v11, v2  }
0x3b: {  	s30 =	sor.u32 s12, s29;
	v19 =	vld [tilespmem:s7+$0x0];
	vm0 =	vgt.f32 v4, v1;
	vm8 =	vgt.f32 v8, v6;
	vm6 =	vgt.f32 v13, v2  }
0x3c: {  	s28 =	sadd.s32 $0x2800, s0;
	s31 =	sor.u32 s22, s4;
	v1 =	vsel vm0, v4, v1;
	v6 =	vsel vm8, v8, v6;
	v7 =	vld [tilespmem:s30+$0x0];
	v2 =	vsel vm6, v13, v2  }
0x3d: {  	s9 =	sor.u32 s12, s28;
	v44 =	vld [tilespmem:s31+$0x0];
	v20 =	vsel vm8, $0x3F800000, v0;
	vm9 =	vgt.f32 v14, v1;
	vm7 =	vgt.f32 v3, v2  }
0x3e: {  	s8 =	sor.u32 s23, s4;
	s21 =	sadd.s32 $0x2C00, s0;
	v9 =	vld [tilespmem:s9+$0x0];
	v13 =	vsel vm0, $0x3F800000, v0;
	vm0 =	vgt.f32 v12, v10;
	v2 =	vsel vm7, v3, v2  }
0x3f: {  	s19 =	sadd.s32 $0x3000, s0;
	v46 =	vld [tilespmem:s8+$0x0];
	v1 =	vsel vm9, v14, v1;
	s11 =	sor.u32 s12, s21;
	v10 =	vsel vm0, v12, v10;
	vm8 =	vgt.f32 v5, v2  }
0x40: {  	s13 =	sor.u32 s12, s19;
	v11 =	vld [tilespmem:s11+$0x0];
	v21 =	vsel vm0, $0x3F800000, v0;
	vm0 =	vgt.f32 v15, v6;
	v2 =	vsel vm8, v5, v2  }
0x41: {  	s14 =	sor.u32 s22, s5;
	v4 =	vld [tilespmem:s13+$0x0];
	v13 =	vsel vm9, $0x40000000, v13;
	v6 =	vsel vm0, v15, v6;
	vm9 =	vgt.f32 v7, v2  }
0x42: {  	s18 =	sadd.s32 $0x3400, s0;
	s16 =	sor.u32 s23, s5;
	s5 =	sor.u32 s26, s5;
	v8 =	vld [tilespmem:s14+$0x0];
	vm11 =	vgt.f32 v16, v10;
	v15 =	vsel vm0, $0x40000000, v20;
	v2 =	vsel vm9, v7, v2  }
0x43: {  	s15 =	sor.u32 s12, s18;
	v14 =	vld [tilespmem:s5+$0x0];
	vm0 =	vgt.f32 v17, v1;
	v10 =	vsel vm11, v16, v10;
	vm10 =	vgt.f32 v9, v2  }
0x44: {  	s17 =	sadd.s32 $0x3800, s0;
	v3 =	vld [tilespmem:s15+$0x0];
	v45 =	vsel vm11, $0x40000000, v21;
	v1 =	vsel vm0, v17, v1;
	v2 =	vsel vm10, v9, v2  }
0x45: {  	s20 =	sor.u32 s12, s17;
	v12 =	vld [tilespmem:s16+$0x0];
	vm12 =	vgt.f32 v18, v6;
	v13 =	vsel vm0, $0x40400000, v13;
	vm11 =	vgt.f32 v11, v2  }
0x46: {  	s4 =	sor.u32 s26, s4;
	s16 =	sadd.s32 $0x3C00, s0;
	v5 =	vld [tilespmem:s20+$0x0];
	v6 =	vsel vm12, v18, v6;
	v15 =	vsel vm12, $0x40400000, v15;
	v2 =	vsel vm11, v11, v2  }
0x47: {  	v47 =	vld [tilespmem:s4+$0x0];
	s30 =	sor.u32 s12, s16;
	vm0 =	vgt.f32 v19, v10;
	vm14 =	vgt.f32 v8, v1;
	vm12 =	vgt.f32 v4, v2  }
0x48: {  	s15 =	sadd.s32 $0x4000, s0;
	s20 =	sor.u32 s22, s3;
	v10 =	vsel vm0, v19, v10;
	v48 =	vsel vm0, $0x40400000, v45;
	v7 =	vld [tilespmem:s30+$0x0];
	v2 =	vsel vm12, v4, v2  }
0x49: {  	s11 =	sadd.s32 $0x4C00, s0;
	s7 =	sor.u32 s12, s15;
	v8 =	vsel vm14, v8, v1;
	v49 =	vld [tilespmem:s20+$0x0];
	v1 =	vsel vm14, $0x40800000, v13;
	vm13 =	vgt.f32 v3, v2  }
0x4a: {  	s14 =	sadd.s32 $0x4400, s0;
	s30 =	sor.u32 s12, s11;
	vm0 =	vgt.f32 v12, v6;
	vm15 =	vgt.f32 v14, v10;
	v9 =	vld [tilespmem:s7+$0x0];
	v3 =	vsel vm13, v3, v2  }
0x4b: {  	s13 =	sadd.s32 $0x4800, s0;
	s9 =	sor.u32 s12, s14;
	v13 =	vld [tilespmem:s30+$0x0];
	v6 =	vsel vm0, v12, v6;
	v10 =	vsel vm15, v14, v10;
	vm14 =	vgt.f32 v5, v3  }
0x4c: {  	s10 =	sor.u32 s12, s13;
	v11 =	vld [tilespmem:s9+$0x0];
	v2 =	vsel vm0, $0x40800000, v15;
	vm0 =	vgt.f32 v44, v8;
	v5 =	vsel vm14, v5, v3  }
0x4d: {  	s31 =	sor.u32 s23, s3;
	v4 =	vld [tilespmem:s10+$0x0];
	s10 =	sadd.s32 $0x5000, s0;
	v15 =	vimm.s32 $0x0;
	v3 =	vsel vm15, $0x40800000, v48;
	vm15 =	vgt.f32 v7, v5  }
0x4e: {  	v12 =	vld [tilespmem:s31+$0x0];
	s6 =	sor.u32 s12, s10;
	v15 =	vsel vm0, $0xFFFFFFFF, v15;
	v5 =	vsel vm15, v7, v5;
	v7 =	vsel vm0, v44, v8  }
0x4f: {  	s3 =	sor.u32 s26, s3;
	s9 =	sadd.s32 $0x5400, s0;
	v14 =	vld [tilespmem:s6+$0x0];
	[tilespmem:$0x1FF60] =	vst v15;
	v8 =	vsel vm1, $0x3F800000, v0;
	vm0 =	vgt.f32 v46, v6;
	vm1 =	vgt.f32 v9, v5  }
0x50: {  	s7 =	sor.u32 s12, s9;
	v15 =	vld [tilespmem:s3+$0x0];
	v8 =	vsel vm2, $0x40000000, v8;
	v19 =	vsel vm0, $0xFFFFFFFF, v51;
	v6 =	vsel vm0, v46, v6  }
0x51: {  	s8 =	sadd.s32 $0x5800, s0;
	s20 =	sor.u32 s22, s2;
	v50 =	vld [tilespmem:s7+$0x0];
	vm2 =	vgt.f32 v47, v10;
	[tilespmem:$0x1FF70] =	vst v19;
	v5 =	vsel vm1, v9, v5;
	v8 =	vsel vm3, $0x40400000, v8  }
0x52: {  	s30 =	sor.u32 s12, s8;
	v17 =	vsel vm2, $0xFFFFFFFF, v52;
	v10 =	vsel vm2, v47, v10;
	v19 =	vld [tilespmem:s20+$0x0];
	vm0 =	vgt.f32 v11, v5  }
0x53: {  	s31 =	sor.u32 s23, s2;
	s7 =	sadd.s32 $0x5C00, s0;
	vm2 =	vgt.f32 v49, v7;
	v9 =	vld [tilespmem:s30+$0x0];
	v8 =	vsel vm4, $0x40800000, v8;
	[tilespmem:$0x1FF80] =	vst v17;
	v5 =	vsel vm0, v11, v5  }
0x54: {  	s4 =	sor.u32 s12, s7;
	v18 =	vsel vm2, $0xFFFFFFFF, v53;
	v17 =	vld [tilespmem:s31+$0x0];
	v8 =	vsel vm5, $0x40A00000, v8;
	vm3 =	vgt.f32 v4, v5  }
0x55: {  	s2 =	sor.u32 s26, s2;
	s6 =	sadd.s32 $0x6000, s0;
	v11 =	vld [tilespmem:s4+$0x0];
	[tilespmem:$0x1FF90] =	vst v18;
	v8 =	vsel vm6, $0x40C00000, v8;
	v4 =	vsel vm3, v4, v5;
	v5 =	vsel vm2, v49, v7  }
0x56: {  	s5 =	sor.u32 s12, s6;
	v18 =	vld [tilespmem:s2+$0x0];
	v7 =	vsel vm7, $0x40E00000, v8;
	vm2 =	vgt.f32 v12, v6;
	vm4 =	vgt.f32 v13, v4  }
0x57: {  	v54 =	vld [tilespmem:s5+$0x0];
	v7 =	vsel vm8, $0x41000000, v7;
	v20 =	vsel vm2, $0xFFFFFFFF, v55;
	v4 =	vsel vm4, v13, v4  }
0x58: {  	s20 =	sor.u32 s22, s1;
	s5 =	sadd.s32 $0x6400, s0;
	v21 =	vld [tilespmem:$0x1FF90];
	v6 =	vsel vm2, v12, v6;
	v7 =	vsel vm9, $0x41100000, v7;
	vm6 =	vgt.f32 v14, v4  }
0x59: {  	v8 =	vld [tilespmem:s20+$0x0];
	s30 =	sor.u32 s12, s5;
	vm2 =	vgt.f32 v15, v10;
	[tilespmem:$0x1FFA0] =	vst v20;
	v7 =	vsel vm10, $0x41200000, v7;
	v4 =	vsel vm6, v14, v4  }
0x5a: {  	s31 =	sor.u32 s23, s1;
	v13 =	vimm.s32 $0x0;
	v20 =	vld [tilespmem:s30+$0x0];
	v7 =	vsel vm11, $0x41300000, v7;
	vm7 =	vgt.f32 v50, v4  }
0x5b: {  	s4 =	sadd.s32 $0x6800, s0;
	v12 =	vld [tilespmem:s31+$0x0];
	v13 =	vsel vm2, $0xFFFFFFFF, v13;
	v7 =	vsel vm12, $0x41400000, v7;
	v4 =	vsel vm7, v50, v4  }
0x5c: {  	s3 =	sor.u32 s12, s4;
	v23 =	vld [tilespmem:$0x1FFA0];
	[tilespmem:$0x1FFB0] =	vst v13;
	v7 =	vsel vm13, $0x41500000, v7;
	vm9 =	vgt.f32 v9, v4  }
0x5d: {  	s1 =	sor.u32 s26, s1;
	v13 =	vld [tilespmem:s3+$0x0];
	v7 =	vsel vm14, $0x41600000, v7;
	v4 =	vsel vm9, v9, v4  }
0x5e: {  	s2 =	sadd.s32 $0x7000, s0;
	v10 =	vsel vm2, v15, v10;
	s30 =	sor.u32 s22, s29;
	v14 =	vld [tilespmem:s1+$0x0];
	v7 =	vsel vm15, $0x41700000, v7;
	vm10 =	vgt.f32 v11, v4  }
0x5f: {  	vm5 =	vgt.f32 v19, v5;
	s31 =	sor.u32 s12, s2;
	s3 =	sadd.s32 $0x6C00, s0;
	v56 =	vld [tilespmem:s30+$0x0];
	v7 =	vsel vm1, $0x41800000, v7;
	v4 =	vsel vm10, v11, v4  }
0x60: {  	vm2 =	vgt.f32 v17, v6;
	v57 =	vld [tilespmem:s31+$0x0];
	s20 =	sor.u32 s12, s3;
	v7 =	vsel vm0, $0x41880000, v7;
	vm0 =	vgt.f32 v54, v4  }
0x61: {  	v5 =	vsel vm5, v19, v5;
	v6 =	vsel vm2, v17, v6;
	s31 =	sor.u32 s23, s28;
	v15 =	vld [tilespmem:s20+$0x0];
	v4 =	vsel vm0, v54, v4  }
0x62: {  	vm8 =	vgt.f32 v18, v10;
	s30 =	sor.u32 s23, s29;
	s1 =	sadd.s32 $0x7400, s0;
	v60 =	vld [tilespmem:s31+$0x0];
	v7 =	vsel vm3, $0x41900000, v7;
	vm1 =	vgt.f32 v20, v4  }
0x63: {  	v10 =	vsel vm8, v18, v10;
	s0 =	sadd.s32 $0x7800, s0;
	s20 =	sor.u32 s12, s1;
	v9 =	vld [tilespmem:s30+$0x0];
	v7 =	vsel vm4, $0x41980000, v7;
	v4 =	vsel vm1, v20, v4  }
0x64: {  	vm13 =	vgt.f32 v8, v5;
	s12 =	sor.u32 s12, s0;
	v58 =	vld [tilespmem:s20+$0x0];
	v7 =	vsel vm6, $0x41A00000, v7;
	vm4 =	vgt.f32 v13, v4  }
0x65: {  	v5 =	vsel vm13, v8, v5;
	v59 =	vld [tilespmem:s12+$0x0];
	s30 =	sor.u32 s22, s28;
	v7 =	vsel vm7, $0x41A80000, v7;
	v4 =	vsel vm4, v13, v4  }
0x66: {  	vm14 =	vgt.f32 v12, v6;
	s20 =	sor.u32 s26, s28;
	v8 =	vld [tilespmem:s30+$0x0];
	v7 =	vsel vm9, $0x41B00000, v7;
	vm6 =	vgt.f32 v15, v4  }
0x67: {  	s29 =	sor.u32 s26, s29;
	v6 =	vsel vm14, v12, v6;
	v12 =	vld [tilespmem:s20+$0x0];
	v7 =	vsel vm10, $0x41B80000, v7;
	v4 =	vsel vm6, v15, v4  }
0x68: {  	s30 =	sor.u32 s22, s21;
	v11 =	vld [tilespmem:s29+$0x0];
	vm3 =	vgt.f32 v14, v10;
	v7 =	vsel vm0, $0x41C00000, v7;
	vm0 =	vgt.f32 v57, v4  }
0x69: {  	s20 =	sor.u32 s26, s21;
	v61 =	vld [tilespmem:s30+$0x0];
	v10 =	vsel vm3, v14, v10;
	v7 =	vsel vm1, $0x41C80000, v7;
	v4 =	vsel vm0, v57, v4  }
0x6a: {  	s31 =	sor.u32 s23, s21;
	v14 =	vld [tilespmem:s20+$0x0];
	vm9 =	vgt.f32 v56, v5;
	v7 =	vsel vm4, $0x41D00000, v7;
	vm1 =	vgt.f32 v58, v4  }
0x6b: {  	v13 =	vld [tilespmem:s31+$0x0];
	v5 =	vsel vm9, v56, v5;
	v7 =	vsel vm6, $0x41D80000, v7;
	v4 =	vsel vm1, v58, v4  }
0x6c: {  	s30 =	sor.u32 s23, s19;
	vm4 =	vgt.f32 v9, v6;
	v7 =	vsel vm0, $0x41E00000, v7;
	vm0 =	vgt.f32 v59, v4;
	v4 =	vld [tilespmem:$0x1FF60]  }
0x6d: {  	vm15 =	vgt.f32 v8, v5;
	v6 =	vsel vm4, v9, v6;
	v9 =	vld [tilespmem:s30+$0x0]  }
0x6e: {  	s20 =	sor.u32 s23, s18;
	v5 =	vsel vm15, v8, v5;
	v8 =	vld [tilespmem:$0x1FF70];
	vm6 =	vgt.f32 v60, v6  }
0x6f: {  	s21 =	sor.u32 s22, s19;
	v63 =	vld [tilespmem:s20+$0x0];
	vm10 =	vgt.f32 v11, v10;
	v6 =	vsel vm6, v60, v6  }
0x70: {  	v10 =	vsel vm10, v11, v10;
	v15 =	vld [tilespmem:s21+$0x0];
	vm7 =	vgt.f32 v13, v6  }
0x71: {  	s31 =	sor.u32 s22, s18;
	v7 =	vsel vm1, $0x41E80000, v7;
	v6 =	vsel vm7, v13, v6;
	v13 =	vld [tilespmem:$0x1FFB0];
	vm1 =	vnez.u8 v4  }
0x72: {  	v11 =	vld [tilespmem:s31+$0x0];
	s31 =	sor.u32 s23, s17;
	vm11 =	vgt.f32 v61, v5;
	vm12 =	vgt.f32 v9, v6;
	v4 =	vsel vm1, $0x40A00000, v1  }
0x73: {  	v22 =	vld [tilespmem:s31+$0x0];
	v1 =	vsel vm0, $0x41F00000, v7;
	vm0 =	vnez.u8 v8;
	vm1 =	vnez.u8 v21  }
0x74: {  	s12 =	sor.u32 s22, s9;
	v8 =	vld [tilespmem:$0x1FF80];
	v2 =	vsel vm0, $0x40A00000, v2;
	v4 =	vsel vm1, $0x40C00000, v4;
	vm1 =	vnez.u8 v23  }
0x75: {  	v29 =	vld [tilespmem:s12+$0x0];
	s19 =	sor.u32 s26, s19;
	v5 =	vsel vm11, v61, v5;
	v6 =	vsel vm12, v9, v6;
	v2 =	vsel vm1, $0x40C00000, v2  }
0x76: {  	v62 =	vld [tilespmem:s19+$0x0];
	s19 =	sor.u32 s23, s16;
	vm1 =	vnez.u8 v13;
	v4 =	vsel vm5, $0x40E00000, v4;
	vm5 =	vgt.f32 v15, v5  }
0x77: {  	v24 =	vld [tilespmem:s19+$0x0];
	s19 =	sor.u32 s23, s13;
	v2 =	vsel vm2, $0x40E00000, v2;
	v4 =	vsel vm13, $0x41000000, v4;
	vm13 =	vgt.f32 v63, v6  }
0x78: {  	s20 =	sor.u32 s26, s16;
	v27 =	vld [tilespmem:s19+$0x0];
	s31 =	sor.u32 s22, s14;
	v5 =	vsel vm5, v15, v5;
	v2 =	vsel vm14, $0x41000000, v2;
	v6 =	vsel vm13, v63, v6  }
0x79: {  	s21 =	sor.u32 s26, s18;
	s18 =	sor.u32 s22, s16;
	s16 =	sor.u32 s23, s14;
	v25 =	vld [tilespmem:s31+$0x0];
	v4 =	vsel vm9, $0x41100000, v4;
	vm0 =	vnez.u8 v8;
	vm14 =	vgt.f32 v22, v6  }
0x7a: {  	v26 =	vld [tilespmem:s16+$0x0];
	v2 =	vsel vm4, $0x41100000, v2;
	v4 =	vsel vm15, $0x41200000, v4;
	v3 =	vsel vm0, $0x40A00000, v3  }
0x7b: {  	v7 =	vld [tilespmem:s21+$0x0];
	vm0 =	vgt.f32 v12, v10;
	v6 =	vsel vm14, v22, v6;
	v2 =	vsel vm6, $0x41200000, v2  }
0x7c: {  	s30 =	sor.u32 s22, s17;
	v13 =	vld [tilespmem:s18+$0x0];
	v4 =	vsel vm11, $0x41300000, v4;
	v10 =	vsel vm0, v12, v10;
	v3 =	vsel vm1, $0x40C00000, v3  }
0x7d: {  	s17 =	sor.u32 s26, s17;
	v8 =	vld [tilespmem:s30+$0x0];
	vm15 =	vgt.f32 v24, v6;
	v2 =	vsel vm7, $0x41300000, v2;
	vm1 =	vgt.f32 v14, v10  }
0x7e: {  	s30 =	sor.u32 s23, s15;
	v12 =	vld [tilespmem:s17+$0x0];
	v4 =	vsel vm5, $0x41400000, v4;
	v3 =	vsel vm8, $0x40E00000, v3;
	v10 =	vsel vm1, v14, v10  }
0x7f: {  	v15 =	vld [tilespmem:s30+$0x0];
	vm8 =	vgt.f32 v11, v5;
	v6 =	vsel vm15, v24, v6;
	vm2 =	vgt.f32 v62, v10  }
0x80: {  	s21 =	sor.u32 s22, s15;
	v2 =	vsel vm12, $0x41400000, v2;
	v14 =	vld [tilespmem:s20+$0x0];
	v5 =	vsel vm8, v11, v5;
	v10 =	vsel vm2, v62, v10  }
0x81: {  	v9 =	vld [tilespmem:s21+$0x0];
	s15 =	sor.u32 s26, s15;
	v3 =	vsel vm3, $0x41000000, v3;
	v4 =	vsel vm8, $0x41500000, v4;
	vm3 =	vgt.f32 v7, v10  }
0x82: {  	s21 =	sor.u32 s23, s11;
	v11 =	vld [tilespmem:s15+$0x0];
	vm9 =	vgt.f32 v8, v5;
	v3 =	vsel vm10, $0x41100000, v3;
	v7 =	vsel vm3, v7, v10  }
0x83: {  	v28 =	vld [tilespmem:s21+$0x0];
	s17 =	sor.u32 s26, s14;
	v5 =	vsel vm9, v8, v5;
	v3 =	vsel vm0, $0x41200000, v3;
	vm4 =	vgt.f32 v12, v7  }
0x84: {  	s31 =	sor.u32 s23, s10;
	v8 =	vld [tilespmem:s17+$0x0];
	vm6 =	vgt.f32 v15, v6;
	v4 =	vsel vm9, $0x41600000, v4;
	v7 =	vsel vm4, v12, v7  }
0x85: {  	s18 =	sor.u32 s22, s13;
	vm10 =	vgt.f32 v13, v5;
	v6 =	vsel vm6, v15, v6;
	v15 =	vld [tilespmem:s31+$0x0];
	vm0 =	vgt.f32 v14, v7  }
0x86: {  	s13 =	sor.u32 s26, s13;
	v3 =	vsel vm1, $0x41300000, v3;
	v10 =	vld [tilespmem:s18+$0x0];
	v5 =	vsel vm10, v13, v5;
	v7 =	vsel vm0, v14, v7  }
0x87: {  	s20 =	sor.u32 s22, s11;
	vm7 =	vgt.f32 v26, v6;
	v3 =	vsel vm2, $0x41400000, v3;
	v12 =	vld [tilespmem:s13+$0x0];
	vm1 =	vgt.f32 v11, v7  }
0x88: {  	s11 =	sor.u32 s26, s11;
	v13 =	vld [tilespmem:s20+$0x0];
	vm11 =	vgt.f32 v9, v5;
	v6 =	vsel vm7, v26, v6;
	v7 =	vsel vm1, v11, v7  }
0x89: {  	v5 =	vsel vm11, v9, v5;
	v9 =	vld [tilespmem:s11+$0x0];
	s13 =	sor.u32 s23, s9;
	vm8 =	vgt.f32 v27, v6;
	vm2 =	vgt.f32 v8, v7  }
0x8a: {  	s30 =	sor.u32 s22, s10;
	vm5 =	vgt.f32 v25, v5;
	v30 =	vld [tilespmem:s13+$0x0];
	v7 =	vsel vm2, v8, v7;
	v8 =	vimm.s32 $0x0  }
0x8b: {  	s10 =	sor.u32 s26, s10;
	v3 =	vsel vm3, $0x41500000, v3;
	v14 =	vld [tilespmem:s30+$0x0];
	v5 =	vsel vm5, v25, v5;
	v8 =	vsel vm8, $0xFFFFFFFF, v8  }
0x8c: {  	s9 =	sor.u32 s26, s9;
	v6 =	vsel vm8, v27, v6;
	vm12 =	vgt.f32 v10, v5;
	v11 =	vld [tilespmem:s10+$0x0];
	vm3 =	vgt.f32 v12, v7;
	[tilespmem:$0x1FFC0] =	vst v8  }
0x8d: {  	s14 =	sor.u32 s22, s8;
	vm8 =	vgt.f32 v28, v6;
	v7 =	vsel vm3, v12, v7;
	v12 =	vimm.s32 $0x0;
	v8 =	vld [tilespmem:s9+$0x0]  }
0x8e: {  	s15 =	sor.u32 s23, s8;
	v3 =	vsel vm4, $0x41600000, v3;
	v5 =	vsel vm12, v10, v5;
	v10 =	vld [tilespmem:s14+$0x0];
	v12 =	vsel vm8, $0xFFFFFFFF, v12  }
0x8f: {  	s8 =	sor.u32 s26, s8;
	vm9 =	vgt.f32 v13, v5;
	v6 =	vsel vm8, v28, v6;
	v31 =	vld [tilespmem:s15+$0x0];
	vm4 =	vgt.f32 v9, v7;
	[tilespmem:$0x1FFD0] =	vst v12  }
0x90: {  	s16 =	sor.u32 s22, s7;
	vm8 =	vgt.f32 v15, v6;
	v7 =	vsel vm4, v9, v7;
	v9 =	vimm.s32 $0x0;
	v12 =	vld [tilespmem:s8+$0x0]  }
0x91: {  	s17 =	sor.u32 s23, s7;
	v5 =	vsel vm9, v13, v5;
	v13 =	vld [tilespmem:s16+$0x0];
	v9 =	vsel vm8, $0xFFFFFFFF, v9  }
0x92: {  	s7 =	sor.u32 s26, s7;
	v32 =	vld [tilespmem:s17+$0x0];
	[tilespmem:$0x1FFE0] =	vst v9  }
0x93: {  	v4 =	vsel vm10, $0x41700000, v4;
	s18 =	sor.u32 s22, s6;
	vm10 =	vgt.f32 v14, v5;
	v9 =	vld [tilespmem:s7+$0x0]  }
0x94: {  	v43 =	vimm.s32 $0x0;
	s19 =	sor.u32 s23, s6;
	v5 =	vsel vm10, v14, v5;
	v14 =	vld [tilespmem:s18+$0x0]  }
0x95: {  	v2 =	vsel vm13, $0x41500000, v2;
	s6 =	sor.u32 s26, s6;
	v6 =	vsel vm8, v15, v6;
	vm13 =	vgt.f32 v11, v7;
	v15 =	vld [tilespmem:s19+$0x0]  }
0x96: {  	v2 =	vsel vm14, $0x41600000, v2;
	s20 =	sor.u32 s22, s5;
	v4 =	vsel vm11, $0x41800000, v4;
	v7 =	vsel vm13, v11, v7;
	v11 =	vld [tilespmem:s6+$0x0]  }
0x97: {  	s21 =	sor.u32 s23, s5;
	v2 =	vsel vm15, $0x41700000, v2;
	v3 =	vsel vm0, $0x41700000, v3;
	v4 =	vsel vm5, $0x41880000, v4;
	v33 =	vld [tilespmem:s20+$0x0]  }
0x98: {  	v2 =	vsel vm6, $0x41800000, v2;
	s31 =	sor.u32 s23, s4;
	v3 =	vsel vm1, $0x41800000, v3;
	v4 =	vsel vm12, $0x41900000, v4;
	v34 =	vld [tilespmem:s21+$0x0]  }
0x99: {  	v2 =	vsel vm7, $0x41880000, v2;
	v3 =	vsel vm2, $0x41880000, v3;
	v4 =	vsel vm9, $0x41980000, v4;
	s8 =	sor.u32 s23, s3;
	v35 =	vld [tilespmem:s31+$0x0]  }
0x9a: {  	v3 =	vsel vm3, $0x41900000, v3;
	v4 =	vsel vm10, $0x41A00000, v4;
	vm14 =	vgt.f32 v29, v5;
	v36 =	vld [tilespmem:s8+$0x0]  }
0x9b: {  	s11 =	sor.u32 s22, s1;
	v5 =	vsel vm14, v29, v5;
	v3 =	vsel vm4, $0x41980000, v3;
	vm15 =	vgt.f32 v30, v6;
	v37 =	vld [tilespmem:$0x1FFE0]  }
0x9c: {  	s13 =	sor.u32 s23, s1;
	v4 =	vsel vm14, $0x41A80000, v4;
	v6 =	vsel vm15, v30, v6;
	v38 =	vld [tilespmem:s11+$0x0];
	vm1 =	vgt.f32 v10, v5  }
0x9d: {  	s5 =	sor.u32 s26, s5;
	v3 =	vsel vm13, $0x41A00000, v3;
	v39 =	vld [tilespmem:s13+$0x0];
	vm11 =	vgt.f32 v8, v7;
	v5 =	vsel vm1, v10, v5  }
0x9e: {  	s30 =	sor.u32 s22, s4;
	vm8 =	vgt.f32 v31, v6;
	v7 =	vsel vm11, v8, v7;
	v8 =	vld [tilespmem:s5+$0x0];
	vm7 =	vgt.f32 v13, v5  }
0x9f: {  	s12 =	simm.s32 $0x40;
	v6 =	vsel vm8, v31, v6;
	v10 =	vld [tilespmem:s30+$0x0];
	v3 =	vsel vm11, $0x41A80000, v3;
	v5 =	vsel vm7, v13, v5  }
0xa0: {  	s28 =	sand.u32 $0x40, s12;
	s8 =	sand.u32 $0x7FFFFF80, s12;
	v4 =	vsel vm1, $0x41B00000, v4;
	vm6 =	vgt.f32 v12, v7;
	v13 =	vld [tilespmem:$0x1FFC0];
	vm3 =	vgt.f32 v14, v5  }
0xa1: {  	s4 =	sor.u32 s26, s4;
	s6 =	sadd.s32 $0xC00, s8;
	s5 =	sor.u32 $0x30, s28;
	vm5 =	vgt.f32 v32, v6;
	v7 =	vsel vm6, v12, v7;
	v5 =	vsel vm3, v14, v5;
	v14 =	vld [tilespmem:$0x1FFD0]  }
0xa2: {  	s18 =	sor.u32 s5, s6;
	v12 =	vld [tilespmem:s4+$0x0];
	v6 =	vsel vm5, v32, v6;
	v3 =	vsel vm6, $0x41B00000, v3;
	vm2 =	vgt.f32 v9, v7  }
0xa3: {  	s7 =	sor.u32 s22, s3;
	s3 =	sor.u32 s26, s3;
	v4 =	vsel vm7, $0x41B80000, v4;
	v42 =	vld [tilespmem:s18+$0x0];
	vm10 =	vnez.u8 v37;
	v7 =	vsel vm2, v9, v7  }
0xa4: {  	v9 =	vld [tilespmem:s3+$0x0];
	v3 =	vsel vm2, $0x41B80000, v3;
	v4 =	vsel vm3, $0x41C00000, v4;
	vm4 =	vgt.f32 v33, v5  }
0xa5: {  	s9 =	sor.u32 s22, s2;
	vm12 =	vgt.f32 v11, v7;
	v5 =	vsel vm4, v33, v5;
	vm0 =	vnez.u8 v13;
	v13 =	vld [tilespmem:s7+$0x0]  }
0xa6: {  	s29 =	sor.u32 s5, s8;
	v7 =	vsel vm12, v11, v7;
	vm13 =	vgt.f32 v10, v5;
	vm9 =	vnez.u8 v14;
	v14 =	vld [tilespmem:s9+$0x0];
	s9 =	sadd.s32 $0x400, s8  }
0xa7: {  	v2 =	vsel vm0, $0x41900000, v2;
	vm0 =	vgt.f32 v15, v6;
	v5 =	vsel vm13, v10, v5;
	v10 =	vld [tilespmem:s29+$0x0];
	s14 =	sor.u32 s5, s9  }
0xa8: {  	s10 =	sor.u32 s23, s2;
	s2 =	sor.u32 s26, s2;
	v3 =	vsel vm12, $0x41C00000, v3;
	v4 =	vsel vm4, $0x41C80000, v4;
	v6 =	vsel vm0, v15, v6;
	v40 =	vld [tilespmem:s14+$0x0]  }
0xa9: {  	v11 =	vld [tilespmem:s2+$0x0];
	s7 =	sadd.s32 $0x800, s8;
	v4 =	vsel vm13, $0x41D00000, v4;
	v2 =	vsel vm9, $0x41980000, v2;
	vm9 =	vgt.f32 v34, v6  }
0xaa: {  	s16 =	sor.u32 s5, s7;
	v15 =	vld [tilespmem:s10+$0x0];
	v2 =	vsel vm10, $0x41A00000, v2;
	v6 =	vsel vm9, v34, v6;
	vm10 =	vgt.f32 v8, v7  }
0xab: {  	s1 =	sor.u32 s26, s1;
	v41 =	vld [tilespmem:s16+$0x0];
	v7 =	vsel vm10, v8, v7;
	v2 =	vsel vm15, $0x41A80000, v2;
	vm15 =	vgt.f32 v35, v6  }
0xac: {  	s15 =	sor.u32 s22, s0;
	v8 =	vld [tilespmem:s1+$0x0];
	vm11 =	vgt.f32 v12, v7;
	v2 =	vsel vm8, $0x41B00000, v2;
	vm8 =	vgt.f32 v13, v5  }
0xad: {  	s17 =	sor.u32 s23, s0;
	v7 =	vsel vm11, v12, v7;
	v12 =	vld [tilespmem:s15+$0x0];
	v2 =	vsel vm5, $0x41B80000, v2;
	vm1 =	vgt.f32 v40, v10  }
0xae: {  	s0 =	sor.u32 s26, s0;
	s4 =	sadd.s32 $0x1000, s8;
	v5 =	vsel vm8, v13, v5;
	v13 =	vld [tilespmem:s17+$0x0];
	vm5 =	vgt.f32 v9, v7;
	v21 =	vsel vm1, $0xFFFFFFFF, v43  }
0xaf: {  	s19 =	sor.u32 s5, s4;
	v3 =	vsel vm10, $0x41C80000, v3;
	v6 =	vsel vm15, v35, v6;
	v7 =	vsel vm5, v9, v7;
	v9 =	vld [tilespmem:s0+$0x0];
	[tilespmem:$0x1FFF0] =	vst v21  }
0xb0: {  	s20 =	simm.s32 $0x40;
	s3 =	sadd.s32 $0x1400, s8;
	vm14 =	vgt.f32 v36, v6;
	v3 =	vsel vm11, $0x41D00000, v3;
	v10 =	vsel vm1, v40, v10;
	v44 =	vld [tilespmem:s19+$0x0]  }
0xb1: {  	s21 =	sor.u32 s5, s3;
	v4 =	vsel vm8, $0x41D80000, v4;
	vm6 =	vgt.f32 v14, v5;
	vm1 =	vgt.f32 v41, v10;
	[dreg:$0x3] =	wrdreg s20  }
0xb2: {  	s2 =	sadd.s32 $0x1800, s8;
	v6 =	vsel vm14, v36, v6;
	v5 =	vsel vm6, v14, v5;
	v10 =	vsel vm1, v41, v10;
	v14 =	vld [tilespmem:s21+$0x0]  }
0xb3: {  	s30 =	sor.u32 $0x10, s28;
	s23 =	sor.u32 s5, s2;
	v2 =	vsel vm0, $0x41C00000, v2;
	vm0 =	vgt.f32 v15, v6;
	v21 =	vld [tilespmem:s12+$0x0];
	vm2 =	vgt.f32 v42, v10  }
0xb4: {  	s26 =	sor.u32 s30, s8;
	s22 =	sor.u32 s28, s9;
	s1 =	sadd.s32 $0x1C00, s8;
	v2 =	vsel vm9, $0x41C80000, v2;
	v3 =	vsel vm5, $0x41D80000, v3;
	v45 =	vld [tilespmem:s23+$0x0];
	v10 =	vsel vm2, v42, v10  }
0xb5: {  	s31 =	sor.u32 s5, s1;
	v4 =	vsel vm6, $0x41E00000, v4;
	v6 =	vsel vm0, v15, v6;
	v15 =	vld [tilespmem:s22+$0x0];
	[dreg:$0x4] =	wrdreg s26;
	vm3 =	vgt.f32 v44, v10  }
0xb6: {  	vm7 =	vgt.f32 v11, v7;
	v2 =	vsel vm15, $0x41D00000, v2;
	s12 =	sadd.s32 $0x2000, s8;
	v46 =	vld [tilespmem:s31+$0x0];
	v10 =	vsel vm3, v44, v10  }
0xb7: {  	vm12 =	vgt.f32 v38, v5;
	v7 =	vsel vm7, v11, v7;
	v11 =	vld [tilespmem:s26+$0x0];
	s31 =	sor.u32 $0x20, s28;
	s11 =	sor.u32 s5, s12;
	vm4 =	vgt.f32 v14, v10  }
0xb8: {  	s0 =	sor.u32 s30, s9;
	vm9 =	vgt.f32 v39, v6;
	v2 =	vsel vm14, $0x41D80000, v2;
	s23 =	sadd.s32 $0x2400, s8;
	s13 =	sor.u32 s31, s8;
	v10 =	vsel vm4, v14, v10;
	v14 =	vld [tilespmem:s11+$0x0]  }
0xb9: {  	v5 =	vsel vm12, v38, v5;
	v3 =	vsel vm7, $0x41E00000, v3;
	v47 =	vld [tilespmem:s0+$0x0];
	s14 =	sor.u32 s5, s23;
	[dreg:$0x6] =	wrdreg s13;
	vm5 =	vgt.f32 v45, v10  }
0xba: {  	v4 =	vsel vm12, $0x41E80000, v4;
	vm10 =	vgt.f32 v8, v7;
	s22 =	sadd.s32 $0x2800, s8;
	v49 =	vld [tilespmem:s14+$0x0];
	v10 =	vsel vm5, v45, v10  }
0xbb: {  	v6 =	vsel vm9, v39, v6;
	v2 =	vsel vm0, $0x41E00000, v2;
	s15 =	sor.u32 s5, s22;
	v48 =	vld [tilespmem:s13+$0x0];
	vm6 =	vgt.f32 v46, v10  }
0xbc: {  	v7 =	vsel vm10, v8, v7;
	vm11 =	vgt.f32 v13, v6;
	s21 =	sadd.s32 $0x2C00, s8;
	s9 =	sor.u32 s31, s9;
	v8 =	vld [tilespmem:s15+$0x0];
	v6 =	vsel vm6, v46, v10  }
0xbd: {  	vm0 =	vgt.f32 v12, v5;
	vm12 =	vgt.f32 v9, v7;
	s17 =	sor.u32 s5, s21;
	v5 =	vld [tilespmem:s9+$0x0];
	vm7 =	vgt.f32 v14, v6  }
0xbe: {  	s18 =	sor.u32 s30, s7;
	v9 =	vsel vm9, $0x41E80000, v2;
	vm8 =	vgt.f32 v15, v21;
	v10 =	vld [tilespmem:s17+$0x0];
	v6 =	vsel vm7, v14, v6  }
0xbf: {  	v12 =	vsel vm8, v15, v21;
	v13 =	vsel vm8, $0x3F800000, v0;
	v14 =	vld [tilespmem:s18+$0x0];
	vm8 =	vgt.f32 v49, v6  }
0xc0: {  	s16 =	sor.u32 s28, s7;
	v2 =	vsel vm0, $0x41F00000, v4;
	vm0 =	vgt.f32 v47, v11;
	v6 =	vsel vm8, v49, v6  }
0xc1: {  	s19 =	sadd.s32 $0x3000, s8;
	s7 =	sor.u32 s31, s7;
	v4 =	vsel vm11, $0x41F00000, v9;
	v11 =	vsel vm0, v47, v11;
	v7 =	vld [tilespmem:s16+$0x0];
	vm9 =	vgt.f32 v8, v6  }
0xc2: {  	s20 =	sor.u32 s5, s19;
	v50 =	vsel vm0, $0x3F800000, v0;
	v9 =	vld [tilespmem:s7+$0x0];
	vm0 =	vgt.f32 v5, v48;
	v6 =	vsel vm9, v8, v6  }
0xc3: {  	v3 =	vsel vm10, $0x41E80000, v3;
	s0 =	sor.u32 s28, s6;
	v15 =	vld [tilespmem:s20+$0x0];
	v5 =	vsel vm0, v5, v48;
	vm10 =	vgt.f32 v10, v6  }
0xc4: {  	s10 =	sor.u32 s30, s6;
	s6 =	sor.u32 s31, s6;
	v51 =	vld [tilespmem:s0+$0x0];
	s18 =	sadd.s32 $0x3400, s8;
	v6 =	vsel vm10, v10, v6;
	v10 =	vsel vm0, $0x3F800000, v0;
	vm0 =	vgt.f32 v14, v11  }
0xc5: {  	s16 =	sadd.s32 $0x3800, s8;
	s26 =	sor.u32 s5, s18;
	v11 =	vsel vm0, v14, v11;
	v14 =	vld [tilespmem:s6+$0x0]  }
0xc6: {  	v3 =	vsel vm12, $0x41F00000, v3;
	s15 =	sadd.s32 $0x3C00, s8;
	s9 =	sor.u32 s5, s16;
	vm12 =	vgt.f32 v7, v12;
	v8 =	vld [tilespmem:s26+$0x0]  }
0xc7: {  	s11 =	sor.u32 s5, s15;
	v52 =	vld [tilespmem:s9+$0x0];
	v7 =	vsel vm12, v7, v12;
	vm13 =	vgt.f32 v9, v5  }
0xc8: {  	v53 =	vld [tilespmem:s11+$0x0];
	v13 =	vsel vm12, $0x40000000, v13;
	v5 =	vsel vm13, v9, v5;
	vm11 =	vgt.f32 v15, v6  }
0xc9: {  	v12 =	vld [tilespmem:s10+$0x0];
	s26 =	sor.u32 s30, s4;
	v17 =	vsel vm0, $0x40000000, v50;
	vm0 =	vgt.f32 v51, v7;
	v6 =	vsel vm11, v15, v6  }
0xca: {  	s14 =	sadd.s32 $0x4000, s8;
	v54 =	vld [tilespmem:s26+$0x0];
	v7 =	vsel vm0, v51, v7;
	v13 =	vsel vm0, $0x40400000, v13;
	vm0 =	vgt.f32 v14, v5  }
0xcb: {  	s13 =	sor.u32 s5, s14;
	vm12 =	vgt.f32 v8, v6;
	v14 =	vsel vm0, v14, v5;
	v5 =	vld [tilespmem:$0x1FFF0]  }
0xcc: {  	s17 =	sor.u32 s28, s4;
	v15 =	vld [tilespmem:s13+$0x0];
	s13 =	sadd.s32 $0x4400, s8;
	v6 =	vsel vm12, v8, v6  }
0xcd: {  	v9 =	vsel vm13, $0x40000000, v10;
	s20 =	sor.u32 s5, s13;
	v8 =	vld [tilespmem:s17+$0x0];
	vm13 =	vgt.f32 v52, v6  }
0xce: {  	s7 =	sadd.s32 $0x4800, s8;
	s4 =	sor.u32 s31, s4;
	vm15 =	vgt.f32 v12, v11;
	v10 =	vld [tilespmem:s20+$0x0];
	v6 =	vsel vm13, v52, v6  }
0xcf: {  	s0 =	sor.u32 s5, s7;
	s11 =	sadd.s32 $0x4C00, s8;
	v55 =	vld [tilespmem:s4+$0x0];
	v11 =	vsel vm15, v12, v11;
	vm14 =	vgt.f32 v53, v6  }
0xd0: {  	s6 =	sor.u32 s5, s11;
	v12 =	vld [tilespmem:s0+$0x0];
	v17 =	vsel vm15, $0x40400000, v17;
	v6 =	vsel vm14, v53, v6;
	vm15 =	vnez.u8 v5  }
0xd1: {  	s10 =	sadd.s32 $0x5000, s8;
	v56 =	vld [tilespmem:s6+$0x0];
	s6 =	sor.u32 s28, s2;
	v5 =	vsel vm15, $0x3F800000, v0;
	vm15 =	vgt.f32 v15, v6  }
0xd2: {  	v60 =	vld [tilespmem:s6+$0x0];
	s17 =	sor.u32 s5, s10;
	v9 =	vsel vm0, $0x40400000, v9;
	v5 =	vsel vm1, $0x40000000, v5;
	v6 =	vsel vm15, v15, v6  }
0xd3: {  	s9 =	sor.u32 s28, s3;
	s4 =	sadd.s32 $0x5800, s8;
	v57 =	vld [tilespmem:s17+$0x0];
	vm1 =	vgt.f32 v8, v7;
	v5 =	vsel vm2, $0x40400000, v5;
	vm0 =	vgt.f32 v10, v6  }
0xd4: {  	s0 =	sor.u32 s5, s4;
	v15 =	vld [tilespmem:s9+$0x0];
	s9 =	sadd.s32 $0x5400, s8;
	v7 =	vsel vm1, v8, v7;
	v58 =	vsel vm3, $0x40800000, v5;
	v6 =	vsel vm0, v10, v6  }
0xd5: {  	v59 =	vld [tilespmem:s0+$0x0];
	s26 =	sor.u32 s5, s9;
	v5 =	vsel vm1, $0x40800000, v13;
	vm1 =	vgt.f32 v54, v11;
	vm3 =	vgt.f32 v12, v6  }
0xd6: {  	s20 =	sor.u32 s30, s3;
	s17 =	sadd.s32 $0x5C00, s8;
	v13 =	vld [tilespmem:s26+$0x0];
	v10 =	vsel vm4, $0x40A00000, v58;
	v11 =	vsel vm1, v54, v11;
	v6 =	vsel vm3, v12, v6  }
0xd7: {  	v8 =	vld [tilespmem:s20+$0x0];
	s20 =	sor.u32 s5, s17;
	v17 =	vsel vm1, $0x40800000, v17;
	v10 =	vsel vm5, $0x40C00000, v10;
	vm5 =	vgt.f32 v56, v6  }
0xd8: {  	s3 =	sor.u32 s31, s3;
	v61 =	vld [tilespmem:s20+$0x0];
	vm1 =	vgt.f32 v55, v14;
	v10 =	vsel vm6, $0x40E00000, v10;
	v6 =	vsel vm5, v56, v6  }
0xd9: {  	s26 =	sor.u32 s30, s2;
	v12 =	vld [tilespmem:s3+$0x0];
	v14 =	vsel vm1, v55, v14;
	s3 =	sadd.s32 $0x6000, s8;
	v10 =	vsel vm7, $0x41000000, v10;
	vm6 =	vgt.f32 v57, v6  }
0xda: {  	s20 =	sor.u32 s31, s2;
	s2 =	sadd.s32 $0x6400, s8;
	v62 =	vld [tilespmem:s26+$0x0];
	v9 =	vsel vm1, $0x40800000, v9;
	s0 =	sor.u32 s5, s3;
	v10 =	vsel vm8, $0x41100000, v10;
	v6 =	vsel vm6, v57, v6  }
0xdb: {  	s26 =	sor.u32 s5, s2;
	vm1 =	vgt.f32 v15, v7;
	v63 =	vld [tilespmem:s0+$0x0];
	v10 =	vsel vm9, $0x41200000, v10;
	vm7 =	vgt.f32 v13, v6  }
0xdc: {  	v7 =	vsel vm1, v15, v7;
	v15 =	vld [tilespmem:s26+$0x0];
	s0 =	sor.u32 s28, s1;
	v10 =	vsel vm10, $0x41300000, v10;
	v6 =	vsel vm7, v13, v6  }
0xdd: {  	v24 =	vld [tilespmem:s0+$0x0];
	v10 =	vsel vm11, $0x41400000, v10;
	vm8 =	vgt.f32 v59, v6  }
0xde: {  	s0 =	sor.u32 s30, s1;
	v13 =	vld [tilespmem:s20+$0x0];
	s20 =	sadd.s32 $0x6800, s8;
	v10 =	vsel vm12, $0x41500000, v10;
	v6 =	vsel vm8, v59, v6  }
0xdf: {  	vm4 =	vgt.f32 v8, v11;
	v25 =	vld [tilespmem:s0+$0x0];
	s26 =	sor.u32 s5, s20;
	v10 =	vsel vm13, $0x41600000, v10;
	vm9 =	vgt.f32 v61, v6  }
0xe0: {  	v8 =	vsel vm4, v8, v11;
	s1 =	sor.u32 s31, s1;
	v11 =	vld [tilespmem:s26+$0x0];
	s26 =	sadd.s32 $0x6C00, s8;
	v10 =	vsel vm14, $0x41700000, v10;
	v6 =	vsel vm9, v61, v6  }
0xe1: {  	s6 =	sadd.s32 $0x7000, s8;
	v26 =	vld [tilespmem:s1+$0x0];
	vm2 =	vgt.f32 v12, v14;
	s0 =	sor.u32 s5, s26;
	v10 =	vsel vm15, $0x41800000, v10;
	vm10 =	vgt.f32 v63, v6  }
0xe2: {  	v12 =	vsel vm2, v12, v14;
	v14 =	vld [tilespmem:s0+$0x0];
	s0 =	sor.u32 s5, s6;
	v10 =	vsel vm0, $0x41880000, v10;
	v6 =	vsel vm10, v63, v6  }
0xe3: {  	s1 =	sadd.s32 $0x7400, s8;
	v27 =	vld [tilespmem:s0+$0x0];
	s0 =	sor.u32 s28, s12;
	v10 =	vsel vm3, $0x41900000, v10;
	vm11 =	vgt.f32 v15, v6  }
0xe4: {  	v9 =	vsel vm2, $0x40A00000, v9;
	s8 =	sadd.s32 $0x7800, s8;
	v10 =	vsel vm5, $0x41980000, v10;
	v6 =	vsel vm11, v15, v6;
	v15 =	vld [tilespmem:s0+$0x0];
	s0 =	sor.u32 s5, s1  }
0xe5: {  	vm0 =	vgt.f32 v62, v8;
	vm5 =	vgt.f32 v13, v12;
	v10 =	vsel vm6, $0x41A00000, v10;
	s5 =	sor.u32 s5, s8;
	v28 =	vld [tilespmem:s0+$0x0]  }
0xe6: {  	v12 =	vsel vm5, v13, v12;
	v10 =	vsel vm7, $0x41A80000, v10;
	vm7 =	vgt.f32 v11, v6;
	s0 =	sor.u32 s30, s12;
	v13 =	vld [tilespmem:s5+$0x0]  }
0xe7: {  	vm3 =	vgt.f32 v60, v7;
	s5 =	sor.u32 s28, s23;
	v10 =	vsel vm8, $0x41B00000, v10;
	v6 =	vsel vm7, v11, v6;
	v11 =	vld [tilespmem:s0+$0x0]  }
0xe8: {  	v8 =	vsel vm0, v62, v8;
	v7 =	vsel vm3, v60, v7;
	v29 =	vld [tilespmem:s5+$0x0];
	s5 =	sor.u32 s31, s23;
	v10 =	vsel vm9, $0x41B80000, v10  }
0xe9: {  	vm6 =	vgt.f32 v24, v7;
	s12 =	sor.u32 s31, s12;
	vm8 =	vgt.f32 v14, v6;
	v31 =	vld [tilespmem:s5+$0x0];
	v10 =	vsel vm10, $0x41C00000, v10  }
0xea: {  	v9 =	vsel vm5, $0x40C00000, v9;
	v6 =	vsel vm8, v14, v6;
	v14 =	vld [tilespmem:s12+$0x0];
	s12 =	sor.u32 s30, s23;
	v10 =	vsel vm11, $0x41C80000, v10  }
0xeb: {  	v7 =	vsel vm6, v24, v7;
	vm9 =	vgt.f32 v27, v6;
	v30 =	vld [tilespmem:s12+$0x0];
	s12 =	sor.u32 s28, s22;
	v10 =	vsel vm7, $0x41D00000, v10  }
0xec: {  	s5 =	sor.u32 s31, s22;
	s23 =	sor.u32 s30, s22;
	s22 =	sor.u32 s30, s21;
	vm7 =	vgt.f32 v25, v8;
	v6 =	vsel vm9, v27, v6;
	v32 =	vld [tilespmem:s12+$0x0];
	v10 =	vsel vm8, $0x41D80000, v10  }
0xed: {  	v33 =	vld [tilespmem:s22+$0x0];
	s22 =	sor.u32 s30, s18;
	v8 =	vsel vm7, v25, v8;
	vm8 =	vgt.f32 v28, v6;
	v10 =	vsel vm9, $0x41E00000, v10  }
0xee: {  	v37 =	vld [tilespmem:s22+$0x0];
	vm9 =	vgt.f32 v26, v12;
	v6 =	vsel vm8, v28, v6;
	v10 =	vsel vm8, $0x41E80000, v10  }
0xef: {  	vm8 =	vgt.f32 v13, v6;
	v6 =	vsel vm1, $0x40A00000, v5;
	v13 =	vld [tilespmem:s23+$0x0];
	vm1 =	vgt.f32 v15, v7  }
0xf0: {  	v12 =	vsel vm9, v26, v12;
	s23 =	sor.u32 s31, s21;
	v9 =	vsel vm9, $0x40E00000, v9;
	v5 =	vsel vm8, $0x41F00000, v10;
	v10 =	vld [tilespmem:s5+$0x0]  }
0xf1: {  	s12 =	sor.u32 s28, s21;
	vm8 =	vgt.f32 v11, v8;
	v7 =	vsel vm1, v15, v7;
	v15 =	vsel vm4, $0x40A00000, v17;
	v34 =	vld [tilespmem:s23+$0x0]  }
0xf2: {  	vm10 =	vgt.f32 v14, v12;
	v6 =	vsel vm3, $0x40C00000, v6;
	s5 =	sor.u32 s28, s19;
	v8 =	vsel vm8, v11, v8;
	v11 =	vld [tilespmem:s12+$0x0]  }
0xf3: {  	s23 =	sor.u32 s31, s18;
	vm2 =	vgt.f32 v29, v7;
	v12 =	vsel vm10, v14, v12;
	v14 =	vld [tilespmem:s5+$0x0];
	v15 =	vsel vm0, $0x40C00000, v15  }
0xf4: {  	s12 =	sor.u32 s30, s19;
	v6 =	vsel vm6, $0x40E00000, v6;
	v38 =	vld [tilespmem:s23+$0x0];
	v9 =	vsel vm10, $0x41000000, v9;
	vm3 =	vgt.f32 v30, v8  }
0xf5: {  	s19 =	sor.u32 s31, s19;
	v7 =	vsel vm2, v29, v7;
	vm11 =	vgt.f32 v31, v12;
	v35 =	vld [tilespmem:s12+$0x0];
	v15 =	vsel vm7, $0x40E00000, v15  }
0xf6: {  	s23 =	sor.u32 s30, s14;
	v36 =	vld [tilespmem:s19+$0x0];
	v6 =	vsel vm1, $0x41000000, v6;
	v8 =	vsel vm3, v30, v8;
	vm12 =	vgt.f32 v32, v7  }
0xf7: {  	s5 =	sor.u32 s28, s16;
	s12 =	sor.u32 s30, s16;
	s16 =	sor.u32 s31, s16;
	v42 =	vld [tilespmem:s23+$0x0];
	v12 =	vsel vm11, v31, v12;
	v6 =	vsel vm2, $0x41100000, v6;
	v9 =	vsel vm11, $0x41100000, v9  }
0xf8: {  	s19 =	sor.u32 s30, s15;
	v39 =	vld [tilespmem:s16+$0x0];
	vm0 =	vgt.f32 v13, v8;
	v7 =	vsel vm12, v32, v7;
	v6 =	vsel vm12, $0x41200000, v6  }
0xf9: {  	s23 =	sor.u32 s31, s11;
	v40 =	vld [tilespmem:s19+$0x0];
	v8 =	vsel vm0, v13, v8;
	vm4 =	vgt.f32 v10, v12;
	vm7 =	vgt.f32 v11, v7  }
0xfa: {  	s21 =	sor.u32 s28, s18;
	v48 =	vld [tilespmem:s23+$0x0];
	vm1 =	vgt.f32 v33, v8;
	v10 =	vsel vm4, v10, v12;
	v12 =	vsel vm8, $0x41000000, v15  }
0xfb: {  	s19 =	sor.u32 s31, s7;
	v13 =	vld [tilespmem:s21+$0x0];
	v9 =	vsel vm4, $0x41200000, v9;
	v7 =	vsel vm7, v11, v7;
	v8 =	vsel vm1, v33, v8  }
0xfc: {  	s23 =	sor.u32 s30, s3;
	v46 =	vld [tilespmem:s19+$0x0];
	vm5 =	vgt.f32 v34, v10;
	v12 =	vsel vm3, $0x41100000, v12;
	v6 =	vsel vm7, $0x41300000, v6  }
0xfd: {  	v55 =	vld [tilespmem:s23+$0x0];
	vm8 =	vgt.f32 v14, v7;
	vm2 =	vgt.f32 v35, v8;
	v10 =	vsel vm5, v34, v10  }
0xfe: {  	v11 =	vld [tilespmem:s5+$0x0];
	v12 =	vsel vm0, $0x41200000, v12;
	v9 =	vsel vm5, $0x41300000, v9;
	v7 =	vsel vm8, v14, v7  }
0xff: {  	s21 =	sor.u32 s31, s15;
	v15 =	vld [tilespmem:s12+$0x0];
	v8 =	vsel vm2, v35, v8;
	vm6 =	vgt.f32 v36, v10;
	v12 =	vsel vm1, $0x41300000, v12  }
0x100: {  	s18 =	sor.u32 s28, s15;
	v41 =	vld [tilespmem:s21+$0x0];
	v6 =	vsel vm8, $0x41400000, v6;
	vm9 =	vgt.f32 v13, v7;
	vm3 =	vgt.f32 v37, v8  }
0x101: {  	s15 =	sor.u32 s31, s13;
	v14 =	vld [tilespmem:s18+$0x0];
	v10 =	vsel vm6, v36, v10;
	v12 =	vsel vm2, $0x41400000, v12;
	v9 =	vsel vm6, $0x41400000, v9  }
0x102: {  	v44 =	vld [tilespmem:s15+$0x0];
	s15 =	sor.u32 s30, s4;
	v7 =	vsel vm9, v13, v7;
	v8 =	vsel vm3, v37, v8;
	vm10 =	vgt.f32 v38, v10  }
0x103: {  	s22 =	sor.u32 s28, s14;
	v52 =	vld [tilespmem:s15+$0x0];
	v6 =	vsel vm9, $0x41500000, v6;
	v12 =	vsel vm3, $0x41500000, v12;
	vm4 =	vgt.f32 v11, v7  }
0x104: {  	s5 =	sor.u32 s31, s14;
	v13 =	vld [tilespmem:s22+$0x0];
	vm0 =	vgt.f32 v15, v8;
	v10 =	vsel vm10, v38, v10;
	v9 =	vsel vm10, $0x41500000, v9  }
0x105: {  	s12 =	sor.u32 s28, s13;
	s14 =	sor.u32 s30, s13;
	s13 =	sor.u32 s31, s9;
	v43 =	vld [tilespmem:s5+$0x0];
	v7 =	vsel vm4, v11, v7;
	v8 =	vsel vm0, v15, v8;
	vm7 =	vgt.f32 v39, v10  }
0x106: {  	v51 =	vld [tilespmem:s13+$0x0];
	v6 =	vsel vm4, $0x41600000, v6;
	v12 =	vsel vm0, $0x41600000, v12;
	vm5 =	vgt.f32 v14, v7  }
0x107: {  	v11 =	vld [tilespmem:s12+$0x0];
	vm1 =	vgt.f32 v40, v8;
	v10 =	vsel vm7, v39, v10;
	v9 =	vsel vm7, $0x41600000, v9  }
0x108: {  	s13 =	sor.u32 s30, s26;
	v15 =	vld [tilespmem:s14+$0x0];
	v7 =	vsel vm5, v14, v7;
	v8 =	vsel vm1, v40, v8;
	vm8 =	vgt.f32 v41, v10  }
0x109: {  	s16 =	sor.u32 s28, s7;
	v60 =	vld [tilespmem:s13+$0x0];
	v6 =	vsel vm5, $0x41700000, v6;
	v12 =	vsel vm1, $0x41700000, v12;
	vm6 =	vgt.f32 v13, v7  }
0x10a: {  	s18 =	sor.u32 s30, s7;
	v14 =	vld [tilespmem:s16+$0x0];
	vm2 =	vgt.f32 v42, v8;
	v10 =	vsel vm8, v41, v10;
	v9 =	vsel vm8, $0x41700000, v9  }
0x10b: {  	s5 =	sor.u32 s28, s10;
	s7 =	sor.u32 s30, s10;
	s10 =	sor.u32 s31, s10;
	v45 =	vld [tilespmem:s18+$0x0];
	v7 =	vsel vm6, v13, v7;
	v8 =	vsel vm2, v42, v8;
	vm9 =	vgt.f32 v43, v10  }
0x10c: {  	s21 =	sor.u32 s28, s11;
	v49 =	vld [tilespmem:s10+$0x0];
	v6 =	vsel vm6, $0x41800000, v6;
	v12 =	vsel vm2, $0x41800000, v12;
	vm10 =	vgt.f32 v11, v7  }
0x10d: {  	s22 =	sor.u32 s30, s11;
	v13 =	vld [tilespmem:s21+$0x0];
	vm3 =	vgt.f32 v15, v8;
	v10 =	vsel vm9, v43, v10;
	v9 =	vsel vm9, $0x41800000, v9  }
0x10e: {  	v47 =	vld [tilespmem:s22+$0x0];
	s22 =	sor.u32 s28, s3;
	s3 =	sor.u32 s31, s3;
	v7 =	vsel vm10, v11, v7;
	v8 =	vsel vm3, v15, v8;
	vm4 =	vgt.f32 v44, v10  }
0x10f: {  	v56 =	vld [tilespmem:s3+$0x0];
	v6 =	vsel vm10, $0x41880000, v6;
	v12 =	vsel vm3, $0x41880000, v12;
	vm7 =	vgt.f32 v14, v7  }
0x110: {  	v11 =	vld [tilespmem:s5+$0x0];
	vm0 =	vgt.f32 v45, v8;
	v10 =	vsel vm4, v44, v10;
	v9 =	vsel vm4, $0x41880000, v9  }
0x111: {  	s12 =	sor.u32 s30, s9;
	v15 =	vld [tilespmem:s7+$0x0];
	v7 =	vsel vm7, v14, v7;
	v8 =	vsel vm0, v45, v8;
	vm5 =	vgt.f32 v46, v10  }
0x112: {  	s11 =	sor.u32 s28, s9;
	v50 =	vld [tilespmem:s12+$0x0];
	v6 =	vsel vm7, $0x41900000, v6;
	v12 =	vsel vm0, $0x41900000, v12;
	vm8 =	vgt.f32 v13, v7  }
0x113: {  	s16 =	sor.u32 s31, s4;
	v14 =	vld [tilespmem:s11+$0x0];
	vm1 =	vgt.f32 v47, v8;
	v10 =	vsel vm5, v46, v10;
	v9 =	vsel vm5, $0x41900000, v9  }
0x114: {  	v53 =	vld [tilespmem:s16+$0x0];
	s21 =	sor.u32 s31, s17;
	v7 =	vsel vm8, v13, v7;
	v8 =	vsel vm1, v47, v8;
	vm11 =	vgt.f32 v48, v10  }
0x115: {  	s14 =	sor.u32 s28, s4;
	v54 =	vld [tilespmem:s21+$0x0];
	v6 =	vsel vm8, $0x41980000, v6;
	v12 =	vsel vm1, $0x41980000, v12;
	vm12 =	vgt.f32 v11, v7  }
0x116: {  	s5 =	sor.u32 s30, s2;
	v13 =	vld [tilespmem:s14+$0x0];
	vm2 =	vgt.f32 v15, v8;
	v10 =	vsel vm11, v48, v10;
	v9 =	vsel vm11, $0x41980000, v9  }
0x117: {  	s7 =	sor.u32 s31, s2;
	v57 =	vld [tilespmem:s5+$0x0];
	v7 =	vsel vm12, v11, v7;
	v8 =	vsel vm2, v15, v8;
	vm10 =	vgt.f32 v49, v10  }
0x118: {  	s19 =	sor.u32 s30, s17;
	v58 =	vld [tilespmem:s7+$0x0];
	v6 =	vsel vm12, $0x41A00000, v6;
	v12 =	vsel vm2, $0x41A00000, v12;
	vm13 =	vgt.f32 v14, v7  }
0x119: {  	s18 =	sor.u32 s28, s17;
	v15 =	vld [tilespmem:s19+$0x0];
	vm3 =	vgt.f32 v50, v8;
	v10 =	vsel vm10, v49, v10;
	v9 =	vsel vm10, $0x41A00000, v9  }
0x11a: {  	s11 =	sor.u32 s31, s20;
	v11 =	vld [tilespmem:s18+$0x0];
	v7 =	vsel vm13, v14, v7;
	v8 =	vsel vm3, v50, v8;
	vm14 =	vgt.f32 v51, v10  }
0x11b: {  	v59 =	vld [tilespmem:s11+$0x0];
	v6 =	vsel vm13, $0x41A80000, v6;
	v12 =	vsel vm3, $0x41A80000, v12;
	vm4 =	vgt.f32 v13, v7  }
0x11c: {  	s14 =	sor.u32 s31, s26;
	s18 =	sld [smem:$0x7F2];
	v14 =	vld [tilespmem:s22+$0x0];
	vm6 =	vgt.f32 v52, v8;
	v10 =	vsel vm14, v51, v10;
	v9 =	vsel vm14, $0x41A80000, v9  }
0x11d: {  	s4 =	sor.u32 s28, s2;
	v62 =	vld [tilespmem:s14+$0x0];
	v7 =	vsel vm4, v13, v7;
	v8 =	vsel vm6, v52, v8;
	vm7 =	vgt.f32 v53, v10  }
0x11e: {  	s15 =	sor.u32 s28, s6;
	v13 =	vld [tilespmem:s4+$0x0];
	v61 =	vsel vm4, $0x41B00000, v6;
	v12 =	vsel vm6, $0x41B00000, v12;
	vm5 =	vgt.f32 v15, v8  }
0x11f: {  	s9 =	sor.u32 s28, s20;
	[tilespmem:s18+$0xF800] =	vst v1;
	v6 =	vld [tilespmem:s15+$0x0];
	vm9 =	vgt.f32 v11, v7;
	v10 =	vsel vm7, v53, v10;
	v8 =	vsel vm5, v15, v8  }
0x120: {  	s10 =	sor.u32 s30, s20;
	s2 =	sld [smem:$0x7F3];
	v9 =	vsel vm7, $0x41B00000, v9;
	v7 =	vsel vm9, v11, v7;
	v11 =	vld [tilespmem:s9+$0x0];
	vm0 =	vgt.f32 v55, v8  }
0x121: {  	s12 =	sor.u32 s28, s26;
	vm2 =	vgt.f32 v54, v10;
	v15 =	vld [tilespmem:s10+$0x0];
	vm8 =	vgt.f32 v14, v7;
	v8 =	vsel vm0, v55, v8  }
0x122: {  	s16 =	sor.u32 s30, s6;
	v10 =	vsel vm2, v54, v10;
	v7 =	vsel vm8, v14, v7;
	v14 =	vld [tilespmem:s12+$0x0];
	vm4 =	vgt.f32 v57, v8  }
0x123: {  	s17 =	sor.u32 s31, s6;
	s19 =	sshrl.u32 s24, $0x1;
	[tilespmem:s2+$0xF800] =	vst v4;
	vm13 =	vgt.f32 v56, v10;
	vm1 =	vgt.f32 v13, v7;
	v18 =	vsel vm4, v57, v8;
	v8 =	vld [tilespmem:s16+$0x0]  }
0x124: {  	s20 =	sor.u32 s28, s1;
	v19 =	vsel vm9, $0x41B80000, v61;
	v10 =	vsel vm13, v56, v10;
	v13 =	vsel vm1, v13, v7;
	v7 =	vld [tilespmem:s17+$0x0];
	[smem:$0x7F4] =	sst s19  }
0x125: {  	s22 =	sor.u32 s30, s1;
	v63 =	vsel vm5, $0x41B80000, v12;
	v12 =	vsel vm2, $0x41B80000, v9;
	vm15 =	vgt.f32 v58, v10;
	v1 =	vld [tilespmem:s20+$0x0];
	[tilespmem:s25+$0xF800] =	vst v3  }
0x126: {  	s23 =	sshll.u32 s24, $0x1;
	s21 =	sshll.u32 s19, $0xC;
	v10 =	vsel vm15, v58, v10;
	vm3 =	vgt.f32 v11, v13;
	vm6 =	vgt.f32 v15, v18;
	v3 =	vld [tilespmem:s22+$0x0];
	[smem:$0x7F5] =	sst s24  }
0x127: {  	vm5 =	vgt.f32 v59, v10;
	v22 =	vsel vm3, v11, v13;
	v15 =	vsel vm6, v15, v18;
	[smem:$0x7F6] =	sst s23;
	s24 =	ssub.s32 $0x0, s21  }
0x128: {  	s25 =	sor.u32 s31, s1;
	v11 =	vsel vm8, $0x41C00000, v19;
	v13 =	vsel vm0, $0x41C00000, v63;
	v17 =	vsel vm5, v59, v10;
	[smem:$0x7F7] =	sst s24  }
0x129: {  	s5 =	sor.u32 s31, s8;
	s26 =	sor.u32 s28, s8;
	s16 =	simm.s32 $0xF800;
	vm7 =	vgt.f32 v14, v22;
	vm9 =	vgt.f32 v60, v15;
	[tilespmem:s29+$0xF800] =	vst v5;
	v4 =	vld [tilespmem:s25+$0x0];
	vm8 =	vgt.f32 v62, v17  }
0x12a: {  	s28 =	simm.s32 $0x4;
	s1 =	sor.u32 s30, s8;
	[tilespmem:s16+$0x0] =	vst v2;
	v9 =	vsel vm7, v14, v22;
	v10 =	vsel vm9, v60, v15;
	v2 =	vld [tilespmem:s26+$0x0];
	s29 =	simm.s32 $0x80;
	v5 =	vsel vm8, v62, v17  }
.LBB2_3:
0x12b: {  	s30 =	sand.u32 $0x40, s29;
	v14 =	vld [tilespmem:s1+$0x0];
	s0 =	rddreg [dreg:$0x3];
	s1 =	sand.u32 $0x7FFFFF80, s29;
	v11 =	vsel vm1, $0x41C80000, v11  }
0x12c: {  	v12 =	vsel vm13, $0x41C00000, v12;
	v13 =	vsel vm4, $0x41C80000, v13;
	v15 =	vld [tilespmem:s5+$0x0];
	s0 =	sadd.s32 $0x40, s0;
	s31 =	sor.u32 $0x30, s30;
	v11 =	vsel vm3, $0x41D00000, v11;
	s8 =	sadd.s32 $0x800, s1  }
0x12d: {  	v16 =	vld [tilespmem:s0+$0x0];
	s7 =	sor.u32 s31, s8;
	v11 =	vsel vm7, $0x41D80000, v11;
	vm0 =	vgt.f32 v6, v9;
	vm2 =	vgt.f32 v8, v10  }
0x12e: {  	s3 =	sadd.s32 $0x400, s1;
	s18 =	sor.u32 s31, s1;
	v17 =	vld [tilespmem:s7+$0x0];
	vm1 =	vgt.f32 v7, v5;
	v6 =	vsel vm0, v6, v9;
	v8 =	vsel vm2, v8, v10  }
0x12f: {  	s16 =	sadd.s32 $0x40, s16;
	s2 =	sor.u32 s31, s3;
	v9 =	vsel vm15, $0x41C80000, v12;
	v10 =	vld [tilespmem:s18+$0x0];
	v12 =	vsel vm6, $0x41D00000, v13;
	v5 =	vsel vm1, v7, v5  }
0x130: {  	s6 =	sor.u32 $0x10, s30;
	s5 =	sor.u32 $0x20, s30;
	s4 =	sor.u32 s30, s3;
	v7 =	vld [tilespmem:s2+$0x0];
	vm6 =	vgt.f32 v1, v6;
	vm4 =	vgt.f32 v3, v8;
	v9 =	vsel vm5, $0x41D00000, v9  }
0x131: {  	s12 =	sadd.s32 $0xC00, s1;
	[dreg:$0x3] =	wrdreg s0;
	s0 =	sor.u32 s6, s1;
	v13 =	vld [tilespmem:s4+$0x0];
	v12 =	vsel vm9, $0x41D80000, v12;
	vm3 =	vgt.f32 v4, v5;
	v1 =	vsel vm6, v1, v6  }
0x132: {  	s13 =	sadd.s32 $0x1000, s1;
	s21 =	sadd.s32 $0x1400, s1;
	s19 =	sor.u32 s31, s12;
	v3 =	vsel vm4, v3, v8;
	v6 =	vsel vm8, $0x41D80000, v9;
	v8 =	vld [tilespmem:s0+$0x0];
	v9 =	vsel vm0, $0x41E00000, v11  }
0x133: {  	s25 =	sadd.s32 $0x1800, s1;
	[dreg:$0x9] =	wrdreg s16;
	s24 =	sor.u32 s31, s21;
	v11 =	vsel vm2, $0x41E00000, v12;
	v4 =	vsel vm3, v4, v5;
	v5 =	vld [tilespmem:s19+$0x0];
	vm7 =	vgt.f32 v2, v1  }
0x134: {  	s9 =	sor.u32 s6, s3;
	s3 =	sor.u32 s5, s3;
	s10 =	sor.u32 s5, s8;
	v12 =	vld [tilespmem:s24+$0x0];
	vm2 =	vgt.f32 v14, v3;
	v1 =	vsel vm1, $0x41E00000, v6;
	v3 =	vsel vm6, $0x41E80000, v9  }
0x135: {  	s11 =	sor.u32 s30, s12;
	s14 =	sor.u32 s6, s12;
	s20 =	sor.u32 s31, s13;
	v2 =	vld [tilespmem:s9+$0x0];
	vm5 =	vgt.f32 v15, v4;
	v3 =	vsel vm7, $0x41F00000, v3;
	vm0 =	vgt.f32 v7, v10  }
0x136: {  	s15 =	sor.u32 s30, s13;
	s17 =	sor.u32 s6, s13;
	s4 =	sor.u32 s5, s1;
	v6 =	vld [tilespmem:s20+$0x0];
	vm1 =	vgt.f32 v13, v16;
	v4 =	vsel vm0, v7, v10;
	v7 =	vsel vm4, $0x41E80000, v11  }
0x137: {  	s23 =	sor.u32 s5, s13;
	s22 =	sor.u32 s6, s21;
	s13 =	rddreg [dreg:$0x4];
	v9 =	vsel vm1, v13, v16;
	v10 =	vsel vm1, $0x3F800000, v0;
	v11 =	vld [tilespmem:s4+$0x0];
	vm1 =	vgt.f32 v17, v4  }
0x138: {  	[dreg:$0xb] =	wrdreg s18;
	s7 =	sor.u32 s6, s8;
	s2 =	sor.u32 s30, s8;
	[tilespmem:s16+$0x0] =	vst v3;
	v13 =	vld [tilespmem:s3+$0x0];
	v3 =	vsel vm2, $0x41F00000, v7;
	v4 =	vsel vm1, v17, v4  }
0x139: {  	s18 =	sor.u32 s5, s12;
	s8 =	sor.u32 s31, s25;
	s12 =	sadd.s32 $0x2000, s1;
	v1 =	vsel vm3, $0x41E80000, v1;
	[tilespmem:s13+$0xF800] =	vst v3;
	v3 =	vld [tilespmem:s2+$0x0];
	vm3 =	vgt.f32 v5, v4  }
0x13a: {  	s19 =	sor.u32 s30, s21;
	s20 =	sor.u32 s5, s21;
	s9 =	sadd.s32 $0x1C00, s1;
	v4 =	vsel vm3, v5, v4;
	v5 =	vld [tilespmem:s8+$0x0]  }
0x13b: {  	s21 =	sor.u32 s31, s9;
	v1 =	vsel vm5, $0x41F00000, v1;
	s16 =	smov.u32 s0;
	vm2 =	vgt.f32 v2, v8;
	s13 =	rddreg [dreg:$0x6];
	vm4 =	vgt.f32 v6, v4  }
0x13c: {  	s0 =	sor.u32 s30, s9;
	[dreg:$0x4] =	wrdreg s16;
	s3 =	sor.u32 s5, s9;
	v2 =	vsel vm2, v2, v8;
	[tilespmem:s13+$0xF800] =	vst v1;
	v1 =	vsel vm4, v6, v4;
	v4 =	vld [tilespmem:s21+$0x0]  }
0x13d: {  	s16 =	smov.u32 s4;
	s4 =	sor.u32 s30, s12;
	s2 =	sor.u32 s6, s9;
	v7 =	vsel vm2, $0x3F800000, v0;
	vm2 =	vgt.f32 v13, v11;
	v6 =	vld [tilespmem:s7+$0x0];
	vm5 =	vgt.f32 v12, v1  }
0x13e: {  	[dreg:$0x6] =	wrdreg s16;
	s13 =	sadd.s32 $0x2400, s1;
	s21 =	sor.u32 s31, s12;
	v11 =	vsel vm2, v13, v11;
	v13 =	vld [tilespmem:s10+$0x0];
	v1 =	vsel vm5, v12, v1  }
0x13f: {  	s8 =	sor.u32 s5, s12;
	s9 =	sor.u32 s30, s13;
	s16 =	sor.u32 s6, s13;
	v8 =	vld [tilespmem:s21+$0x0];
	v12 =	vsel vm2, $0x3F800000, v0;
	vm2 =	vgt.f32 v3, v9;
	vm6 =	vgt.f32 v5, v1  }
0x140: {  	[smem:$0x7D4] =	sst s16;
	s16 =	sadd.s32 $0x2800, s1;
	s21 =	sor.u32 s31, s13;
	v3 =	vsel vm2, v3, v9;
	v9 =	vsel vm2, $0x40000000, v10;
	v10 =	vld [tilespmem:s11+$0x0];
	v1 =	vsel vm6, v5, v1  }
0x141: {  	s10 =	sor.u32 s5, s13;
	s13 =	sor.u32 s6, s16;
	v5 =	vld [tilespmem:s21+$0x0];
	s21 =	sor.u32 s31, s16;
	vm7 =	vgt.f32 v4, v1  }
0x142: {  	s7 =	sor.u32 s6, s12;
	s12 =	sadd.s32 $0x2C00, s1;
	[smem:$0x7D5] =	sst s13;
	vm2 =	vgt.f32 v6, v2;
	v1 =	vsel vm7, v4, v1;
	v4 =	vld [tilespmem:s21+$0x0]  }
0x143: {  	s13 =	sor.u32 s30, s12;
	v2 =	vsel vm2, v6, v2;
	v6 =	vsel vm2, $0x40000000, v7;
	v7 =	vld [tilespmem:s14+$0x0];
	s21 =	sor.u32 s6, s12;
	s14 =	sor.u32 s31, s12  }
0x144: {  	s12 =	sor.u32 s5, s12;
	[smem:$0x7D6] =	sst s21;
	vm8 =	vgt.f32 v8, v1;
	s21 =	sadd.s32 $0x3000, s1  }
0x145: {  	[smem:$0x7D7] =	sst s12;
	v1 =	vsel vm8, v8, v1;
	v8 =	vld [tilespmem:s14+$0x0];
	s14 =	sor.u32 s30, s21  }
0x146: {  	[smem:$0x7D8] =	sst s14;
	s14 =	sor.u32 s6, s21  }
0x147: {  	vm2 =	vgt.f32 v13, v11;
	s12 =	sor.u32 s31, s21;
	s21 =	sor.u32 s5, s21;
	[smem:$0x7D9] =	sst s14  }
0x148: {  	v11 =	vsel vm2, v13, v11;
	v12 =	vsel vm2, $0x40000000, v12;
	v13 =	vld [tilespmem:s18+$0x0];
	vm2 =	vgt.f32 v10, v3;
	s14 =	sadd.s32 $0x3400, s1;
	[smem:$0x7DA] =	sst s21  }
0x149: {  	v3 =	vsel vm2, v10, v3;
	v10 =	vld [tilespmem:s15+$0x0];
	s15 =	sor.u32 s30, s14;
	s21 =	sor.u32 s6, s14;
	s18 =	sor.u32 s31, s14  }
0x14a: {  	vm9 =	vgt.f32 v5, v1;
	s14 =	sor.u32 s5, s14;
	[smem:$0x7DB] =	sst s21;
	s21 =	sadd.s32 $0x3800, s1  }
0x14b: {  	v9 =	vsel vm2, $0x40400000, v9;
	v1 =	vsel vm9, v5, v1;
	v5 =	vld [tilespmem:s12+$0x0];
	vm2 =	vgt.f32 v7, v2;
	[smem:$0x7DC] =	sst s14;
	s14 =	sor.u32 s30, s21  }
0x14c: {  	v2 =	vsel vm2, v7, v2;
	v7 =	vld [tilespmem:s17+$0x0];
	s17 =	sor.u32 s6, s21;
	s12 =	sor.u32 s31, s21;
	[smem:$0x7DD] =	sst s14  }
0x14d: {  	vm10 =	vgt.f32 v4, v1;
	s21 =	sor.u32 s5, s21;
	[smem:$0x7DE] =	sst s17;
	s14 =	sadd.s32 $0x3C00, s1  }
0x14e: {  	v1 =	vsel vm10, v4, v1;
	v4 =	vld [tilespmem:s18+$0x0];
	[smem:$0x7DF] =	sst s21;
	s18 =	sor.u32 s30, s14  }
0x14f: {  	v6 =	vsel vm2, $0x40400000, v6;
	vm2 =	vgt.f32 v13, v11;
	vm11 =	vgt.f32 v8, v1;
	s21 =	sor.u32 s6, s14;
	[smem:$0x7E0] =	sst s18  }
0x150: {  	v11 =	vsel vm2, v13, v11;
	v13 =	vld [tilespmem:s23+$0x0];
	v1 =	vsel vm11, v8, v1;
	s23 =	sor.u32 s31, s14;
	s14 =	sor.u32 s5, s14;
	[smem:$0x7E1] =	sst s21  }
0x151: {  	s26 =	sor.u32 s30, s25;
	v12 =	vsel vm2, $0x40400000, v12;
	v8 =	vld [tilespmem:s12+$0x0];
	vm2 =	vgt.f32 v10, v3;
	s17 =	sadd.s32 $0x4000, s1;
	vm12 =	vgt.f32 v5, v1;
	[smem:$0x7E2] =	sst s14  }
0x152: {  	v5 =	vsel vm12, v5, v1;
	v1 =	vsel vm2, $0x40800000, v9;
	v9 =	vld [tilespmem:s19+$0x0];
	s19 =	sor.u32 s30, s17;
	s18 =	sor.u32 s6, s17;
	s21 =	sor.u32 s31, s17  }
0x153: {  	v14 =	vld [tilespmem:s23+$0x0];
	s23 =	sadd.s32 $0x4400, s1;
	s17 =	sor.u32 s5, s17;
	[smem:$0x7E3] =	sst s18  }
0x154: {  	s24 =	sor.u32 s6, s25;
	vm13 =	vgt.f32 v4, v5;
	[smem:$0x7E4] =	sst s17;
	s17 =	sor.u32 s30, s23  }
0x155: {  	s25 =	sor.u32 s5, s25;
	v10 =	vsel vm2, v10, v3;
	vm2 =	vgt.f32 v7, v2;
	s18 =	sor.u32 s6, s23;
	v3 =	vsel vm13, v4, v5;
	v4 =	vld [tilespmem:s21+$0x0];
	[smem:$0x7E5] =	sst s17  }
0x156: {  	s12 =	sadd.s32 $0x5C00, s1;
	s14 =	sor.u32 s5, s23;
	v5 =	vsel vm2, v7, v2;
	v2 =	vsel vm2, $0x40800000, v6;
	v6 =	vld [tilespmem:s22+$0x0];
	[smem:$0x7E6] =	sst s18;
	vm2 =	vgt.f32 v13, v11  }
0x157: {  	s21 =	sor.u32 s31, s23;
	s22 =	sadd.s32 $0x4800, s1;
	[smem:$0x7E7] =	sst s14;
	vm14 =	vgt.f32 v8, v3;
	v11 =	vsel vm2, v13, v11;
	v13 =	vimm.s32 $0x0  }
0x158: {  	s18 =	sadd.s32 $0x4C00, s1;
	s23 =	sor.u32 s30, s22;
	s14 =	sor.u32 s31, s22;
	v7 =	vsel vm14, v8, v3;
	v3 =	vsel vm2, $0x40800000, v12;
	v12 =	vld [tilespmem:s20+$0x0];
	vm2 =	vgt.f32 v9, v10  }
0x159: {  	v15 =	vimm.s32 $0x0;
	s17 =	sor.u32 s5, s22;
	v8 =	vld [tilespmem:s21+$0x0];
	[smem:$0x7E8] =	sst s23;
	s21 =	sor.u32 s6, s22;
	vm15 =	vgt.f32 v14, v7;
	v13 =	vsel vm2, $0xFFFFFFFF, v13  }
0x15a: {  	[dreg:$0x1d] =	wrdreg s17;
	s20 =	sor.u32 s30, s18;
	s22 =	sor.u32 s31, s18;
	v7 =	vsel vm15, v14, v7;
	v9 =	vsel vm2, v9, v10;
	v14 =	vsel vm0, $0x3F800000, v0  }
0x15b: {  	s23 =	sadd.s32 $0x5000, s1;
	[smem:$0x7E9] =	sst s20;
	s20 =	sor.u32 s6, s18;
	v10 =	vld [tilespmem:s26+$0x0];
	vm2 =	vgt.f32 v4, v7;
	vm0 =	vgt.f32 v6, v5;
	v14 =	vsel vm1, $0x40000000, v14  }
0x15c: {  	s17 =	sor.u32 s5, s23;
	s26 =	sor.u32 s5, s18;
	[tilespmem:$0x1FEE0] =	vst v13;
	v13 =	vld [tilespmem:s14+$0x0];
	s14 =	sor.u32 s30, s23;
	v15 =	vsel vm0, $0xFFFFFFFF, v15;
	v4 =	vsel vm2, v4, v7;
	v5 =	vsel vm0, v6, v5  }
0x15d: {  	s18 =	sor.u32 s31, s23;
	[dreg:$0x1f] =	wrdreg s14;
	v6 =	vld [tilespmem:s24+$0x0];
	v14 =	vsel vm3, $0x40400000, v14;
	s14 =	sadd.s32 $0x5400, s1;
	[tilespmem:$0x1FEF0] =	vst v15;
	vm0 =	vgt.f32 v12, v11;
	v15 =	vimm.s32 $0x0  }
0x15e: {  	[dreg:$0xd] =	wrdreg s17;
	v7 =	vld [tilespmem:s22+$0x0];
	s22 =	sor.u32 s6, s23;
	vm1 =	vgt.f32 v8, v4;
	v14 =	vsel vm4, $0x40800000, v14;
	s23 =	sor.u32 s30, s14;
	v15 =	vsel vm0, $0xFFFFFFFF, v15  }
0x15f: {  	s17 =	sadd.s32 $0x5800, s1;
	s24 =	sor.u32 s31, s14;
	v4 =	vsel vm1, v8, v4;
	[smem:$0x7EA] =	sst s23;
	v11 =	vsel vm0, v12, v11;
	v12 =	vld [tilespmem:s25+$0x0];
	v14 =	vsel vm5, $0x40A00000, v14  }
0x160: {  	v8 =	vld [tilespmem:s18+$0x0];
	s18 =	sor.u32 s6, s14;
	s25 =	sor.u32 s5, s14;
	s23 =	sor.u32 s30, s17;
	[tilespmem:$0x1FF00] =	vst v15;
	vm3 =	vgt.f32 v10, v9;
	v14 =	vsel vm6, $0x40C00000, v14;
	v15 =	vimm.s32 $0x0  }
0x161: {  	s14 =	sor.u32 s6, s17;
	[smem:$0x7EB] =	sst s23;
	s23 =	sor.u32 s30, s12;
	vm0 =	vgt.f32 v13, v4;
	v9 =	vsel vm3, v10, v9;
	v10 =	vld [tilespmem:s0+$0x0];
	v14 =	vsel vm7, $0x40E00000, v14  }
0x162: {  	[smem:$0x7EC] =	sst s23;
	v4 =	vsel vm0, v13, v4;
	v13 =	vld [tilespmem:s24+$0x0];
	s24 =	sor.u32 s31, s17;
	vm4 =	vgt.f32 v6, v5;
	s17 =	sor.u32 s5, s17;
	v14 =	vsel vm8, $0x41000000, v14  }
0x163: {  	vm6 =	vgt.f32 v7, v4;
	v15 =	vsel vm4, $0xFFFFFFFF, v15;
	[dreg:$0xe] =	wrdreg s17;
	v5 =	vsel vm4, v6, v5;
	v6 =	vld [tilespmem:s2+$0x0];
	s17 =	sor.u32 s6, s12  }
0x164: {  	v14 =	vsel vm9, $0x41100000, v14;
	s2 =	sadd.s32 $0x6000, s1;
	v4 =	vsel vm6, v7, v4;
	v7 =	vld [tilespmem:s24+$0x0];
	s24 =	sor.u32 s31, s12;
	vm4 =	vgt.f32 v12, v11;
	s12 =	sor.u32 s5, s12  }
0x165: {  	v14 =	vsel vm10, $0x41200000, v14;
	s23 =	sor.u32 s31, s2;
	vm7 =	vgt.f32 v8, v4;
	[dreg:$0xf] =	wrdreg s12;
	s12 =	sor.u32 s30, s2;
	v11 =	vsel vm4, v12, v11;
	v12 =	vld [tilespmem:s3+$0x0]  }
0x166: {  	v14 =	vsel vm11, $0x41300000, v14;
	v4 =	vsel vm7, v8, v4;
	v8 =	vld [tilespmem:s24+$0x0];
	[smem:$0x7ED] =	sst s12;
	s12 =	sor.u32 s6, s2;
	vm11 =	vgt.f32 v10, v9;
	s2 =	sor.u32 s5, s2  }
0x167: {  	s24 =	sadd.s32 $0x6400, s1;
	vm9 =	vgt.f32 v13, v4;
	[dreg:$0x10] =	wrdreg s2;
	v9 =	vsel vm11, v10, v9;
	v10 =	vld [tilespmem:s4+$0x0]  }
0x168: {  	v14 =	vsel vm12, $0x41400000, v14;
	s2 =	sor.u32 s30, s24;
	s4 =	sor.u32 s31, s24;
	s3 =	sor.u32 s5, s24;
	v4 =	vsel vm9, v13, v4;
	v13 =	vld [tilespmem:s23+$0x0]  }
0x169: {  	v14 =	vsel vm13, $0x41500000, v14;
	[smem:$0x7EE] =	sst s2;
	s23 =	sor.u32 s6, s24;
	s2 =	sadd.s32 $0x6800, s1;
	vm12 =	vgt.f32 v6, v5;
	vm10 =	vgt.f32 v7, v4  }
0x16a: {  	[dreg:$0x11] =	wrdreg s3;
	v14 =	vsel vm14, $0x41600000, v14;
	s24 =	sor.u32 s30, s2;
	s3 =	sor.u32 s31, s2;
	v4 =	vsel vm10, v7, v4;
	v7 =	vld [tilespmem:s4+$0x0];
	vm5 =	vgt.f32 v12, v11  }
0x16b: {  	v14 =	vsel vm15, $0x41700000, v14;
	[smem:$0x7EF] =	sst s24;
	s24 =	sor.u32 s6, s2;
	s2 =	sor.u32 s5, s2;
	vm14 =	vgt.f32 v8, v4;
	v11 =	vsel vm5, v12, v11;
	v12 =	vld [tilespmem:s8+$0x0]  }
0x16c: {  	v5 =	vsel vm12, v6, v5;
	s4 =	sadd.s32 $0x6C00, s1;
	v14 =	vsel vm2, $0x41800000, v14;
	[dreg:$0x12] =	wrdreg s2;
	v4 =	vsel vm14, v8, v4;
	v8 =	vld [tilespmem:s3+$0x0]  }
0x16d: {  	v6 =	vld [tilespmem:s7+$0x0];
	s7 =	sor.u32 s30, s4;
	v14 =	vsel vm1, $0x41880000, v14;
	s8 =	sor.u32 s31, s4;
	s2 =	sadd.s32 $0x7000, s1;
	vm13 =	vgt.f32 v10, v9;
	vm2 =	vgt.f32 v13, v4  }
0x16e: {  	[smem:$0x7F0] =	sst s7;
	s7 =	sor.u32 s6, s4;
	s3 =	sor.u32 s5, s4;
	v14 =	vsel vm0, $0x41900000, v14;
	v9 =	vsel vm13, v10, v9;
	v10 =	vld [tilespmem:s9+$0x0];
	v4 =	vsel vm2, v13, v4  }
0x16f: {  	s0 =	sor.u32 s30, s2;
	s4 =	sadd.s32 $0x7400, s1;
	v14 =	vsel vm6, $0x41980000, v14;
	s9 =	sor.u32 s31, s2;
	v13 =	vld [tilespmem:s8+$0x0];
	vm6 =	vgt.f32 v7, v4  }
0x170: {  	s8 =	sor.u32 s6, s2;
	s2 =	sor.u32 s5, s2;
	v4 =	vsel vm6, v7, v4;
	v7 =	vld [tilespmem:s9+$0x0];
	s9 =	sld [smem:$0x7D4];
	vm0 =	vgt.f32 v12, v11  }
0x171: {  	v14 =	vsel vm7, $0x41A00000, v14;
	[dreg:$0x14] =	wrdreg s2;
	s2 =	sor.u32 s31, s4;
	vm7 =	vgt.f32 v8, v4;
	v11 =	vsel vm0, v12, v11;
	v12 =	vld [tilespmem:s10+$0x0]  }
0x172: {  	[dreg:$0x13] =	wrdreg s3;
	s3 =	sor.u32 s30, s4;
	vm8 =	vgt.f32 v6, v5;
	v14 =	vsel vm9, $0x41A80000, v14;
	v4 =	vsel vm7, v8, v4;
	v8 =	vld [tilespmem:s2+$0x0]  }
0x173: {  	[smem:$0x7F1] =	sst s3;
	s3 =	sadd.s32 $0x7800, s1;
	v5 =	vsel vm8, v6, v5;
	v14 =	vsel vm10, $0x41B00000, v14;
	v6 =	vld [tilespmem:s9+$0x0]  }
0x174: {  	v14 =	vsel vm14, $0x41B80000, v14;
	s10 =	sor.u32 s31, s3;
	s31 =	sld [smem:$0x7D5];
	vm10 =	vgt.f32 v13, v4  }
0x175: {  	s11 =	sor.u32 s30, s16;
	vm1 =	vgt.f32 v10, v9;
	v14 =	vsel vm2, $0x41C00000, v14;
	v4 =	vsel vm10, v13, v4;
	v13 =	vld [tilespmem:s10+$0x0]  }
0x176: {  	v9 =	vsel vm1, v10, v9;
	v10 =	vld [tilespmem:s11+$0x0];
	v14 =	vsel vm6, $0x41C80000, v14;
	vm2 =	vgt.f32 v7, v4  }
0x177: {  	s16 =	sor.u32 s5, s16;
	[tilespmem:$0x1FF10] =	vst v15;
	v15 =	vld [tilespmem:s31+$0x0];
	v14 =	vsel vm7, $0x41D00000, v14;
	v4 =	vsel vm2, v7, v4;
	vm6 =	vgt.f32 v12, v11  }
0x178: {  	s30 =	sor.u32 s30, s3;
	s1 =	sor.u32 s6, s3;
	s9 =	sor.u32 s6, s4;
	vm7 =	vgt.f32 v8, v4;
	v11 =	vsel vm6, v12, v11;
	v12 =	vld [tilespmem:$0x1FEF0];
	vm9 =	vgt.f32 v6, v5  }
0x179: {  	s4 =	sor.u32 s5, s4;
	s5 =	sor.u32 s5, s3;
	s3 =	sld [smem:$0x7D6];
	v7 =	vsel vm10, $0x41D80000, v14;
	v4 =	vsel vm7, v8, v4;
	v5 =	vsel vm9, v6, v5;
	v6 =	vld [tilespmem:s16+$0x0]  }
0x17a: {  	v7 =	vsel vm2, $0x41E00000, v7;
	vm2 =	vgt.f32 v13, v4;
	v4 =	vld [tilespmem:$0x1FEE0]  }
0x17b: {  	v14 =	vld [tilespmem:s13+$0x0];
	s13 =	sld [smem:$0x7D9]  }
0x17c: {  	s6 =	sld [smem:$0x7D7];
	v8 =	vld [tilespmem:s3+$0x0];
	v7 =	vsel vm7, $0x41E80000, v7  }
0x17d: {  	s11 =	rddreg [dreg:$0xb];
	v7 =	vsel vm2, $0x41F00000, v7;
	vm2 =	vnez.u8 v12;
	v12 =	vld [tilespmem:$0x1FF00]  }
0x17e: {  	s10 =	sld [smem:$0x7D8];
	[tilespmem:s11+$0xF800] =	vst v7;
	v7 =	vld [tilespmem:s13+$0x0];
	v2 =	vsel vm2, $0x40A00000, v2;
	vm2 =	vgt.f32 v15, v5  }
0x17f: {  	s31 =	sld [smem:$0x7DA];
	v13 =	vld [tilespmem:$0x1FF10];
	vm7 =	vnez.u8 v4;
	v5 =	vsel vm2, v15, v5;
	vm15 =	vgt.f32 v6, v11  }
0x180: {  	s3 =	sld [smem:$0x7DB];
	v4 =	vld [tilespmem:s6+$0x0];
	v1 =	vsel vm7, $0x40A00000, v1;
	vm7 =	vgt.f32 v10, v9;
	v6 =	vsel vm15, v6, v11  }
0x181: {  	vm14 =	vgt.f32 v8, v5;
	v9 =	vsel vm7, v10, v9;
	v10 =	vld [tilespmem:s10+$0x0];
	v1 =	vsel vm3, $0x40C00000, v1  }
0x182: {  	s11 =	sld [smem:$0x7DE];
	v11 =	vld [tilespmem:s31+$0x0];
	v5 =	vsel vm14, v8, v5;
	vm10 =	vnez.u8 v12;
	vm3 =	vgt.f32 v14, v9  }
0x183: {  	s6 =	sld [smem:$0x7DC];
	v8 =	vld [tilespmem:s3+$0x0];
	v1 =	vsel vm11, $0x40E00000, v1;
	vm11 =	vgt.f32 v7, v5;
	v3 =	vsel vm10, $0x40A00000, v3  }
0x184: {  	s10 =	sld [smem:$0x7DD];
	v12 =	vld [tilespmem:s15+$0x0];
	v9 =	vsel vm3, v14, v9;
	vm10 =	vnez.u8 v13;
	v5 =	vsel vm11, v7, v5  }
0x185: {  	s13 =	sld [smem:$0x7DF];
	v7 =	vld [tilespmem:s11+$0x0];
	v1 =	vsel vm13, $0x41000000, v1;
	v2 =	vsel vm10, $0x40C00000, v2;
	vm10 =	vgt.f32 v4, v6  }
0x186: {  	s31 =	sld [smem:$0x7E1];
	v3 =	vsel vm4, $0x40C00000, v3;
	v4 =	vsel vm10, v4, v6;
	v6 =	vld [tilespmem:s6+$0x0];
	vm4 =	vgt.f32 v10, v9  }
0x187: {  	s15 =	sld [smem:$0x7E0];
	v2 =	vsel vm12, $0x40E00000, v2;
	vm12 =	vgt.f32 v11, v4;
	v9 =	vsel vm4, v10, v9;
	v10 =	vld [tilespmem:s10+$0x0]  }
0x188: {  	v2 =	vsel vm8, $0x41000000, v2;
	vm8 =	vgt.f32 v8, v5;
	v4 =	vsel vm12, v11, v4;
	v11 =	vld [tilespmem:s13+$0x0]  }
0x189: {  	v3 =	vsel vm5, $0x40E00000, v3;
	s6 =	sld [smem:$0x7E3];
	v5 =	vsel vm8, v8, v5;
	v8 =	vld [tilespmem:s31+$0x0];
	vm5 =	vgt.f32 v12, v9  }
0x18a: {  	s3 =	sld [smem:$0x7E2];
	v13 =	vimm.s32 $0x0;
	v3 =	vsel vm0, $0x41000000, v3;
	v9 =	vsel vm5, v12, v9;
	v12 =	vld [tilespmem:s15+$0x0]  }
0x18b: {  	v2 =	vsel vm9, $0x41100000, v2;
	vm9 =	vgt.f32 v7, v5;
	vm13 =	vgt.f32 v6, v4  }
0x18c: {  	s13 =	sld [smem:$0x7E6];
	v5 =	vsel vm9, v7, v5;
	v7 =	vld [tilespmem:s6+$0x0];
	v4 =	vsel vm13, v6, v4;
	vm0 =	vgt.f32 v10, v9  }
0x18d: {  	s11 =	sld [smem:$0x7E5];
	v3 =	vsel vm6, $0x41100000, v3;
	v6 =	vld [tilespmem:s3+$0x0];
	vm6 =	vgt.f32 v11, v4;
	v9 =	vsel vm0, v10, v9  }
0x18e: {  	s10 =	sld [smem:$0x7E4];
	v10 =	vld [tilespmem:s19+$0x0];
	v13 =	vsel vm6, $0xFFFFFFFF, v13;
	v4 =	vsel vm6, v11, v4;
	vm6 =	vgt.f32 v8, v5  }
0x18f: {  	v1 =	vsel vm1, $0x41100000, v1;
	vm1 =	vgt.f32 v12, v9;
	v5 =	vsel vm6, v8, v5;
	v8 =	vld [tilespmem:s13+$0x0]  }
0x190: {  	v1 =	vsel vm7, $0x41200000, v1;
	s15 =	sld [smem:$0x7E7];
	v9 =	vsel vm1, v12, v9;
	v12 =	vld [tilespmem:s11+$0x0]  }
0x191: {  	v1 =	vsel vm3, $0x41300000, v1;
	v11 =	vld [tilespmem:s10+$0x0];
	s19 =	sld [smem:$0x7E8];
	vm7 =	vgt.f32 v7, v5  }
0x192: {  	v3 =	vsel vm15, $0x41200000, v3;
	vm15 =	vgt.f32 v6, v4;
	v5 =	vsel vm7, v7, v5;
	v7 =	vld [tilespmem:s21+$0x0]  }
0x193: {  	v2 =	vsel vm2, $0x41200000, v2;
	s3 =	sld [smem:$0x7E9];
	v4 =	vsel vm15, v6, v4;
	v6 =	vld [tilespmem:s15+$0x0];
	vm2 =	vgt.f32 v10, v9  }
0x194: {  	v3 =	vsel vm10, $0x41300000, v3;
	v9 =	vsel vm2, v10, v9;
	v10 =	vld [tilespmem:s19+$0x0];
	vm10 =	vgt.f32 v8, v5  }
0x195: {  	v2 =	vsel vm14, $0x41300000, v2;
	vm3 =	vgt.f32 v12, v9;
	v5 =	vsel vm10, v8, v5;
	v8 =	vld [tilespmem:s20+$0x0]  }
0x196: {  	v1 =	vsel vm4, $0x41400000, v1;
	v2 =	vsel vm11, $0x41400000, v2;
	v9 =	vsel vm3, v12, v9;
	v12 =	vld [tilespmem:s3+$0x0]  }
0x197: {  	s31 =	rddreg [dreg:$0x1d];
	v1 =	vsel vm5, $0x41500000, v1;
	v2 =	vsel vm8, $0x41500000, v2;
	vm14 =	vgt.f32 v11, v4  }
0x198: {  	v2 =	vsel vm9, $0x41600000, v2;
	v4 =	vsel vm14, v11, v4;
	v11 =	vld [tilespmem:s31+$0x0];
	vm8 =	vgt.f32 v7, v5  }
0x199: {  	s6 =	rddreg [dreg:$0x1f];
	v1 =	vsel vm0, $0x41600000, v1;
	v5 =	vsel vm8, v7, v5;
	v7 =	vld [tilespmem:s22+$0x0];
	vm4 =	vgt.f32 v10, v9  }
0x19a: {  	[tilespmem:$0x1FF20] =	vst v13;
	v13 =	vimm.s32 $0x0;
	vm11 =	vgt.f32 v6, v4;
	v9 =	vsel vm4, v10, v9;
	v10 =	vld [tilespmem:s6+$0x0]  }
0x19b: {  	s11 =	sld [smem:$0x7EA];
	v4 =	vsel vm11, v6, v4;
	v6 =	vld [tilespmem:s26+$0x0];
	vm9 =	vgt.f32 v8, v5;
	vm0 =	vgt.f32 v12, v9  }
0x19c: {  	v5 =	vsel vm9, v8, v5;
	v8 =	vld [tilespmem:s18+$0x0];
	v13 =	vsel vm0, $0xFFFFFFFF, v13  }
0x19d: {  	v3 =	vsel vm12, $0x41400000, v3;
	s13 =	sld [smem:$0x7EB];
	v2 =	vsel vm6, $0x41700000, v2;
	[tilespmem:$0x1FF30] =	vst v13;
	v13 =	vld [tilespmem:$0x1FF20]  }
0x19e: {  	s10 =	rddreg [dreg:$0xd];
	v1 =	vsel vm1, $0x41700000, v1;
	vm12 =	vgt.f32 v11, v4;
	v9 =	vsel vm0, v12, v9;
	v12 =	vld [tilespmem:s11+$0x0]  }
0x19f: {  	v4 =	vsel vm12, v11, v4;
	v11 =	vld [tilespmem:s10+$0x0];
	vm6 =	vgt.f32 v7, v5;
	vm1 =	vgt.f32 v10, v9  }
0x1a0: {  	v5 =	vsel vm6, v7, v5;
	v9 =	vsel vm1, v10, v9;
	v10 =	vld [tilespmem:s13+$0x0]  }
0x1a1: {  	v3 =	vsel vm13, $0x41500000, v3;
	s15 =	sld [smem:$0x7EC];
	vm13 =	vgt.f32 v6, v4;
	v7 =	vld [tilespmem:s14+$0x0];
	vm5 =	vgt.f32 v8, v5  }
0x1a2: {  	v4 =	vsel vm13, v6, v4;
	v6 =	vld [tilespmem:s25+$0x0];
	s25 =	rddreg [dreg:$0x13];
	v5 =	vsel vm5, v8, v5;
	vm0 =	vnez.u8 v13  }
0x1a3: {  	v14 =	vld [tilespmem:s25+$0x0];
	v13 =	vimm.s32 $0x0;
	v3 =	vsel vm0, $0x41600000, v3;
	vm0 =	vgt.f32 v12, v9  }
0x1a4: {  	v8 =	vld [tilespmem:s17+$0x0];
	v3 =	vsel vm15, $0x41700000, v3;
	v13 =	vsel vm0, $0xFFFFFFFF, v13;
	v9 =	vsel vm0, v12, v9  }
0x1a5: {  	s14 =	rddreg [dreg:$0xe];
	vm15 =	vgt.f32 v11, v4;
	v12 =	vld [tilespmem:s15+$0x0];
	[tilespmem:$0x1FF40] =	vst v13;
	vm0 =	vgt.f32 v10, v9;
	v13 =	vimm.s32 $0x0  }
0x1a6: {  	v2 =	vsel vm7, $0x41800000, v2;
	s18 =	sld [smem:$0x7ED];
	v4 =	vsel vm15, v11, v4;
	v11 =	vld [tilespmem:s14+$0x0];
	v13 =	vsel vm0, $0xFFFFFFFF, v13  }
0x1a7: {  	v1 =	vsel vm2, $0x41800000, v1;
	v2 =	vsel vm10, $0x41880000, v2;
	vm7 =	vgt.f32 v7, v5;
	[tilespmem:$0x1FF50] =	vst v13;
	v13 =	vld [tilespmem:$0x1FF30]  }
0x1a8: {  	v1 =	vsel vm3, $0x41880000, v1;
	v2 =	vsel vm8, $0x41900000, v2;
	v5 =	vsel vm7, v7, v5;
	v7 =	vld [tilespmem:s12+$0x0]  }
0x1a9: {  	s17 =	rddreg [dreg:$0xf];
	v3 =	vsel vm14, $0x41800000, v3;
	vm14 =	vgt.f32 v6, v4;
	v9 =	vsel vm0, v10, v9;
	v10 =	vld [tilespmem:s18+$0x0]  }
0x1aa: {  	s20 =	sld [smem:$0x7EE];
	v1 =	vsel vm4, $0x41900000, v1;
	vm8 =	vgt.f32 v8, v5;
	v4 =	vsel vm14, v6, v4;
	v6 =	vld [tilespmem:s17+$0x0]  }
0x1ab: {  	s19 =	rddreg [dreg:$0x10];
	v3 =	vsel vm11, $0x41880000, v3;
	v5 =	vsel vm8, v8, v5;
	v8 =	vld [tilespmem:s23+$0x0];
	vm10 =	vgt.f32 v11, v4  }
0x1ac: {  	s22 =	sld [smem:$0x7EF];
	vm11 =	vgt.f32 v12, v9;
	v4 =	vsel vm10, v11, v4;
	v11 =	vld [tilespmem:s19+$0x0];
	vm2 =	vnez.u8 v13  }
0x1ad: {  	v9 =	vsel vm11, v12, v9;
	v12 =	vld [tilespmem:s20+$0x0];
	v1 =	vsel vm2, $0x41980000, v1;
	vm2 =	vgt.f32 v7, v5  }
0x1ae: {  	v3 =	vsel vm12, $0x41900000, v3;
	vm12 =	vgt.f32 v10, v9;
	v5 =	vsel vm2, v7, v5;
	v7 =	vld [tilespmem:s24+$0x0]  }
0x1af: {  	s21 =	rddreg [dreg:$0x11];
	v2 =	vsel vm9, $0x41980000, v2;
	vm0 =	vgt.f32 v6, v4;
	v9 =	vsel vm12, v10, v9;
	v10 =	vld [tilespmem:s22+$0x0]  }
0x1b0: {  	v2 =	vsel vm6, $0x41A00000, v2;
	v4 =	vsel vm0, v6, v4;
	v6 =	vld [tilespmem:s21+$0x0];
	s24 =	sld [smem:$0x7F0];
	vm4 =	vgt.f32 v8, v5  }
0x1b1: {  	s23 =	rddreg [dreg:$0x12];
	v3 =	vsel vm13, $0x41980000, v3;
	vm13 =	vgt.f32 v11, v4;
	v5 =	vsel vm4, v8, v5;
	v8 =	vld [tilespmem:$0x1FF40]  }
0x1b2: {  	v1 =	vsel vm1, $0x41A00000, v1;
	vm1 =	vgt.f32 v12, v9;
	v4 =	vsel vm13, v11, v4;
	v11 =	vld [tilespmem:s23+$0x0]  }
0x1b3: {  	v2 =	vsel vm5, $0x41A80000, v2;
	v9 =	vsel vm1, v12, v9;
	v12 =	vld [tilespmem:s24+$0x0];
	vm6 =	vgt.f32 v7, v5  }
0x1b4: {  	v2 =	vsel vm7, $0x41B00000, v2;
	v5 =	vsel vm6, v7, v5;
	v7 =	vld [tilespmem:$0x1FF50]  }
0x1b5: {  	v63 =	vsel vm8, $0x41B80000, v2;
	v3 =	vsel vm15, $0x41A00000, v3;
	v13 =	vld [tilespmem:s7+$0x0];
	vm15 =	vgt.f32 v6, v4  }
0x1b6: {  	s28 =	sadd.s32 $0x4, s28;
	v2 =	vld [tilespmem:s30+$0x0];
	v3 =	vsel vm14, $0x41A80000, v3;
	v4 =	vsel vm15, v6, v4;
	vm3 =	vnez.u8 v8  }
0x1b7: {  	p1 =	slt.u32 s28, $0x3C;
	v6 =	vld [tilespmem:s0+$0x0];
	v1 =	vsel vm3, $0x41A80000, v1;
	vm3 =	vgt.f32 v10, v9;
	vm5 =	vgt.f32 v11, v4  }
.Ltmp2:
0x1b8: {  	s31 =	sld [smem:$0x7F1];
	v8 =	vld [tilespmem:s8+$0x0];
	v9 =	vsel vm3, v10, v9;
	v15 =	vsel vm5, v11, v4;
	v4 =	vsel vm10, $0x41B00000, v3;
	(pc) =	sbr.rel @p1 .LBB2_3-.Ltmp2, $4  }
0x1b9: {  	s26 =	rddreg [dreg:$0x14];
	v3 =	vld [tilespmem:s9+$0x0];
	vm7 =	vgt.f32 v12, v9;
	vm8 =	vgt.f32 v14, v15;
	vm9 =	vnez.u8 v7  }
0x1ba: {  	v7 =	vld [tilespmem:s26+$0x0];
	v9 =	vsel vm7, v12, v9;
	v10 =	vsel vm9, $0x41B00000, v1;
	vm9 =	vgt.f32 v13, v5  }
0x1bb: {  	v12 =	vsel vm0, $0x41B80000, v4;
	v4 =	vld [tilespmem:s4+$0x0];
	v11 =	vsel vm11, $0x41B80000, v10;
	v10 =	vsel vm9, v13, v5  }
0x1bc: {  	s29 =	sadd.s32 $0x40, s29;
	s16 =	rddreg [dreg:$0x9];
	v1 =	vld [tilespmem:s31+$0x0];
	v13 =	vsel vm2, $0x41C00000, v63;
	v5 =	vsel vm8, v14, v15;
	v11 =	vsel vm12, $0x41C00000, v11  }
0x1bd: {  	vm0 =	vgt.f32 v6, v9;
	vm2 =	vgt.f32 v8, v10  }
0x1be: {  	v12 =	vsel vm13, $0x41C00000, v12;
	v11 =	vsel vm1, $0x41C80000, v11;
	v13 =	vsel vm4, $0x41C80000, v13  }
0x1bf: {  	v6 =	vsel vm0, v6, v9;
	v8 =	vsel vm2, v8, v10;
	v56 =	vsel vm15, $0x41C80000, v12  }
0x1c0: {  	v57 =	vld [tilespmem:s1+$0x0];
	s4 =	sld [smem:$0x7FC];
	v11 =	vsel vm3, $0x41D00000, v11;
	v58 =	vsel vm6, $0x41D00000, v13;
	vm1 =	vgt.f32 v7, v5  }
0x1c1: {  	s0 =	sld [smem:$0x7F4];
	vm11 =	vgt.f32 v3, v8;
	v11 =	vsel vm7, $0x41D80000, v11;
	vm10 =	vgt.f32 v1, v6  }
0x1c2: {  	s28 =	sld [smem:$0x7F5];
	v59 =	vsel vm5, $0x41D00000, v56;
	v62 =	vsel vm0, $0x41E00000, v11;
	v1 =	vsel vm10, v1, v6  }
0x1c3: {  	v60 =	vld [tilespmem:s5+$0x0];
	s3 =	sld [smem:$0x7F7];
	v12 =	vsel vm9, $0x41D80000, v58;
	vm13 =	vgt.f32 v2, v1;
	v1 =	vsel vm10, $0x41E80000, v62  }
0x1c4: {  	s2 =	sadd.s32 $0x40, s16;
	v3 =	vsel vm11, v3, v8;
	v63 =	vsel vm2, $0x41E00000, v12;
	v1 =	vsel vm13, $0x41F00000, v1  }
0x1c5: {  	v5 =	vsel vm1, v7, v5;
	s0 =	sor.u32 s4, s0;
	s29 =	sshll.u32 s28, $0xB;
	vm14 =	vgt.f32 v57, v3;
	v3 =	vsel vm11, $0x41E80000, v63;
	[tilespmem:s2+$0x0] =	vst v1  }
0x1c6: {  	v61 =	vsel vm8, $0x41D80000, v59;
	vm12 =	vgt.f32 v4, v5;
	s0 =	sshll.u32 s0, $0xC;
	s1 =	sadd.s32 s29, s3;
	v1 =	vsel vm14, $0x41F00000, v3;
	s30 =	rddreg [dreg:$0x4]  }
0x1c7: {  	v4 =	vsel vm12, v4, v5;
	s0 =	sadd.s32 s0, s1;
	v2 =	vsel vm1, $0x41E00000, v61;
	[tilespmem:s30+$0xF800] =	vst v1  }
0x1c8: {  	vm15 =	vgt.f32 v60, v4;
	v2 =	vsel vm12, $0x41E80000, v2;
	[smem:$0x7D3] =	sst s0  }
0x1c9: {  	v2 =	vsel vm15, $0x41F00000, v2;
	s1 =	rddreg [dreg:$0x6]  }
0x1ca: {  	p1 =	sne.s32 s28, $0x3;
	[tilespmem:s1+$0xF800] =	vst v2  }
.Ltmp3:
0x1cb: {  	s1 =	sld [smem:$0x7F9];
	(pc) =	sbr.rel @p1 .LBB2_6-.Ltmp3, $4  }
0x1cc: {  	_ = 	snop  }
0x1cd: {  	s0 =	sshrl.u32 s0, $0x3  }
0x1ce: {  	s31 =	simm.s32 $0xF800;
	s3 =	simm.s32 $0x0;
	s0 =	sadd.s32 s1, s0  }
0x1cf: {  	[hbm4b:s0+s3] =	stream.linear.scatter [tilespmem:s31], [sflag:$0x3], $0x400, $0x38;
	[tilespmem:$0x10000] =	vst v63  }
.Ltmp4:
0x1d0: {  	(pc) =	sbr.rel .LBB2_7-.Ltmp4, $4  }
0x1d1: {  	s0 =	simm.s32 $0x2  }
0x1d2: {  	_ =	swait.ge [sflag:s0], $0x7C00  }
0x1d3: {  	[sflag:s0] =	ssyncset.done $0x0  }
0x1d4: {  	[sflag:s0] =	ssyncadd.s32 $0xFFFF8400  }
.LBB2_6:
0x1d5: {  	s0 =	sld [smem:$0x7F6];
	_ =	sdelay $0x2  }
0x1d6: {  	s0 =	sadd.s32 $0x2, s0  }
0x1d7: {  	s1 =	sshrl.u32 s0, $0x2  }
0x1d8: {  	s0 =	sshll.u32 s0, $0xA;
	s2 =	sadd.s32 s4, s1;
	s1 =	sshll.u32 s1, $0xC  }
0x1d9: {  	s2 =	sshll.u32 s2, $0xC;
	s0 =	ssub.s32 s0, s1  }
0x1da: {  	s0 =	sadd.s32 s2, s0  }
0x1db: {  	s28 =	rddreg [dreg:$0x0];
	s0 =	sadd.s32 $0x1740000, s0  }
0x1dc: {  	s29 =	simm.s32 $0x400;
	s30 =	simm.s32 $0x40000;
	s0 =	sshrl.u32 s0, $0x3  }
.Ltmp5:
0x1dd: {  	s31 =	simm.s32 $0x2;
	s0 =	sadd.s32 s28, s0;
	(pc) =	sbr.rel @p0 .LBB2_8-.Ltmp5, $4  }
0x1de: {  	[tilespmem:s3], [sflag:$0x1] =	stream.strided.gather [hbm4b:s0+s29], $0x7C00, s30, s29, $0x38;
	[tilespmem:$0x10000] =	vst v63  }
0x1df: {  	_ =	swait.ge [sflag:s31], $0x7C00  }
0x1e0: {  	[sflag:s31] =	ssyncset.done $0x0  }
0x1e1: {  	[sflag:s31] =	ssyncadd.s32 $0xFFFF8400  }
.LBB2_7:
0x1e2: {  	s0 =	simm.s32 $0x4  }
0x1e3: {  	_ =	swait.ge [sflag:s0], $0x400  }
0x1e4: {  	[sflag:s0] =	ssyncset.done $0x0  }
0x1e5: {  	[sflag:s0] =	ssyncadd.s32 $0xFFFFFC00  }
.LBB2_8:
0x1e6: {  	s0 =	simm.s32 $0x0  }
0x1e7: {  	s22 =	sand.u32 $0x40, s0  }
0x1e8: {  	s0 =	sand.u32 $0x7FFFFF80, s0;
	s12 =	sor.u32 $0x30, s22  }
0x1e9: {  	s1 =	simm.s32 $0x7C00;
	s2 =	sor.u32 s12, s0  }
0x1ea: {  	v1 =	vld [tilespmem:s1+$0x0];
	s13 =	sadd.s32 $0x8000, s0;
	[smem:$0x7D2] =	sst s2  }
0x1eb: {  	s14 =	sor.u32 s12, s13;
	v2 =	vld [tilespmem:s2+$0x7C00]  }
0x1ec: {  	s6 =	sadd.s32 $0x8400, s0;
	s3 =	sor.u32 s22, s13;
	v3 =	vld [tilespmem:s14+$0x0]  }
0x1ed: {  	s23 =	sor.u32 $0x10, s22;
	s15 =	sor.u32 s12, s6;
	v4 =	vld [tilespmem:s3+$0x0]  }
0x1ee: {  	s7 =	sadd.s32 $0x8800, s0;
	s31 =	sor.u32 s23, s0;
	v5 =	vld [tilespmem:s15+$0x0]  }
0x1ef: {  	s16 =	sor.u32 s12, s7;
	v6 =	vld [tilespmem:s31+$0x7C00]  }
0x1f0: {  	s5 =	sadd.s32 $0x8C00, s0;
	s17 =	sor.u32 s23, s13;
	v7 =	vld [tilespmem:s16+$0x0]  }
0x1f1: {  	s24 =	sor.u32 $0x20, s22;
	s18 =	sor.u32 s12, s5;
	v8 =	vld [tilespmem:s17+$0x0]  }
0x1f2: {  	s4 =	sadd.s32 $0x9000, s0;
	s28 =	sor.u32 s24, s0;
	v9 =	vld [tilespmem:s18+$0x0]  }
0x1f3: {  	s19 =	sor.u32 s12, s4;
	v10 =	vld [tilespmem:s28+$0x7C00]  }
0x1f4: {  	s1 =	sor.u32 s24, s13;
	v11 =	vld [tilespmem:s19+$0x0];
	vm1 =	vgt.f32 v3, v2  }
0x1f5: {  	s8 =	sor.u32 s22, s6;
	v12 =	vld [tilespmem:s1+$0x0];
	v2 =	vsel vm1, v3, v2  }
0x1f6: {  	s9 =	sor.u32 s23, s6;
	v14 =	vld [tilespmem:s8+$0x0];
	vm2 =	vgt.f32 v5, v2  }
0x1f7: {  	s6 =	sor.u32 s24, s6;
	s3 =	sadd.s32 $0x9400, s0;
	v15 =	vld [tilespmem:s9+$0x0];
	v2 =	vsel vm2, v5, v2  }
0x1f8: {  	v16 =	vld [tilespmem:s6+$0x0];
	s20 =	sor.u32 s12, s3;
	vm3 =	vgt.f32 v7, v2  }
0x1f9: {  	s30 =	sor.u32 s22, s7;
	s2 =	sadd.s32 $0x9800, s0;
	v13 =	vld [tilespmem:s20+$0x0];
	v2 =	vsel vm3, v7, v2  }
0x1fa: {  	v17 =	vld [tilespmem:s30+$0x0];
	s21 =	sor.u32 s12, s2;
	vm4 =	vgt.f32 v9, v2  }
0x1fb: {  	s10 =	sor.u32 s23, s7;
	s1 =	sadd.s32 $0x9C00, s0;
	v3 =	vld [tilespmem:s21+$0x0];
	v2 =	vsel vm4, v9, v2  }
0x1fc: {  	v50 =	vimm.s32 $0x0;
	v51 =	vimm.s32 $0x0;
	v18 =	vld [tilespmem:s10+$0x0];
	s25 =	sor.u32 s12, s1;
	vm5 =	vgt.f32 v11, v2  }
0x1fd: {  	v52 =	vimm.s32 $0x0;
	v54 =	vimm.s32 $0x0;
	s29 =	sadd.s32 $0xA000, s0;
	s7 =	sor.u32 s24, s7;
	v5 =	vld [tilespmem:s25+$0x0];
	v2 =	vsel vm5, v11, v2  }
0x1fe: {  	s26 =	sor.u32 s12, s29;
	v19 =	vld [tilespmem:s7+$0x0];
	vm0 =	vgt.f32 v4, v1;
	vm8 =	vgt.f32 v8, v6;
	vm6 =	vgt.f32 v13, v2  }
0x1ff: {  	s30 =	sor.u32 s22, s4;
	s21 =	sadd.s32 $0xA400, s0;
	v1 =	vsel vm0, v4, v1;
	v6 =	vsel vm8, v8, v6;
	v7 =	vld [tilespmem:s26+$0x0];
	v2 =	vsel vm6, v13, v2  }
0x200: {  	v43 =	vld [tilespmem:s30+$0x0];
	v20 =	vsel vm8, $0x3F800000, v0;
	s9 =	sor.u32 s12, s21;
	vm9 =	vgt.f32 v14, v1;
	vm7 =	vgt.f32 v3, v2  }
0x201: {  	s8 =	sor.u32 s23, s4;
	s20 =	sadd.s32 $0xA800, s0;
	v9 =	vld [tilespmem:s9+$0x0];
	v13 =	vsel vm0, $0x3F800000, v0;
	vm0 =	vgt.f32 v12, v10;
	v2 =	vsel vm7, v3, v2  }
0x202: {  	s19 =	sadd.s32 $0xAC00, s0;
	v45 =	vld [tilespmem:s8+$0x0];
	s11 =	sor.u32 s12, s20;
	v1 =	vsel vm9, v14, v1;
	v10 =	vsel vm0, v12, v10;
	vm8 =	vgt.f32 v5, v2  }
0x203: {  	s13 =	sor.u32 s12, s19;
	v11 =	vld [tilespmem:s11+$0x0];
	v21 =	vsel vm0, $0x3F800000, v0;
	vm0 =	vgt.f32 v15, v6;
	v2 =	vsel vm8, v5, v2  }
0x204: {  	s14 =	sor.u32 s22, s5;
	v4 =	vld [tilespmem:s13+$0x0];
	v13 =	vsel vm9, $0x40000000, v13;
	v6 =	vsel vm0, v15, v6;
	vm9 =	vgt.f32 v7, v2  }
0x205: {  	s18 =	sadd.s32 $0xB000, s0;
	s16 =	sor.u32 s23, s5;
	s5 =	sor.u32 s24, s5;
	v8 =	vld [tilespmem:s14+$0x0];
	vm11 =	vgt.f32 v16, v10;
	v15 =	vsel vm0, $0x40000000, v20;
	v2 =	vsel vm9, v7, v2  }
0x206: {  	s15 =	sor.u32 s12, s18;
	v14 =	vld [tilespmem:s5+$0x0];
	vm0 =	vgt.f32 v17, v1;
	v10 =	vsel vm11, v16, v10;
	vm10 =	vgt.f32 v9, v2  }
0x207: {  	s17 =	sadd.s32 $0xB400, s0;
	v3 =	vld [tilespmem:s15+$0x0];
	v44 =	vsel vm11, $0x40000000, v21;
	v1 =	vsel vm0, v17, v1;
	v2 =	vsel vm10, v9, v2  }
0x208: {  	s25 =	sor.u32 s12, s17;
	v12 =	vld [tilespmem:s16+$0x0];
	vm12 =	vgt.f32 v18, v6;
	v13 =	vsel vm0, $0x40400000, v13;
	vm11 =	vgt.f32 v11, v2  }
0x209: {  	s4 =	sor.u32 s24, s4;
	s16 =	sadd.s32 $0xB800, s0;
	v5 =	vld [tilespmem:s25+$0x0];
	v6 =	vsel vm12, v18, v6;
	v15 =	vsel vm12, $0x40400000, v15;
	v2 =	vsel vm11, v11, v2  }
0x20a: {  	v46 =	vld [tilespmem:s4+$0x0];
	s26 =	sor.u32 s12, s16;
	vm0 =	vgt.f32 v19, v10;
	vm14 =	vgt.f32 v8, v1;
	vm12 =	vgt.f32 v4, v2  }
0x20b: {  	s15 =	sadd.s32 $0xBC00, s0;
	s25 =	sor.u32 s22, s3;
	v10 =	vsel vm0, v19, v10;
	v47 =	vsel vm0, $0x40400000, v44;
	v7 =	vld [tilespmem:s26+$0x0];
	v2 =	vsel vm12, v4, v2  }
0x20c: {  	s11 =	sadd.s32 $0xC800, s0;
	s7 =	sor.u32 s12, s15;
	v8 =	vsel vm14, v8, v1;
	v48 =	vld [tilespmem:s25+$0x0];
	v1 =	vsel vm14, $0x40800000, v13;
	vm13 =	vgt.f32 v3, v2  }
0x20d: {  	s14 =	sadd.s32 $0xC000, s0;
	s26 =	sor.u32 s12, s11;
	vm0 =	vgt.f32 v12, v6;
	vm15 =	vgt.f32 v14, v10;
	v9 =	vld [tilespmem:s7+$0x0];
	v3 =	vsel vm13, v3, v2  }
0x20e: {  	s13 =	sadd.s32 $0xC400, s0;
	s9 =	sor.u32 s12, s14;
	v13 =	vld [tilespmem:s26+$0x0];
	v6 =	vsel vm0, v12, v6;
	v10 =	vsel vm15, v14, v10;
	vm14 =	vgt.f32 v5, v3  }
0x20f: {  	s10 =	sor.u32 s12, s13;
	v11 =	vld [tilespmem:s9+$0x0];
	v2 =	vsel vm0, $0x40800000, v15;
	vm0 =	vgt.f32 v43, v8;
	v5 =	vsel vm14, v5, v3  }
0x210: {  	s30 =	sor.u32 s23, s3;
	v4 =	vld [tilespmem:s10+$0x0];
	s10 =	sadd.s32 $0xCC00, s0;
	v15 =	vimm.s32 $0x0;
	v3 =	vsel vm15, $0x40800000, v47;
	vm15 =	vgt.f32 v7, v5  }
0x211: {  	v12 =	vld [tilespmem:s30+$0x0];
	s5 =	sor.u32 s12, s10;
	v15 =	vsel vm0, $0xFFFFFFFF, v15;
	v5 =	vsel vm15, v7, v5;
	v7 =	vsel vm0, v43, v8  }
0x212: {  	s3 =	sor.u32 s24, s3;
	s9 =	sadd.s32 $0xD000, s0;
	v14 =	vld [tilespmem:s5+$0x0];
	[tilespmem:$0x1FE30] =	vst v15;
	v8 =	vsel vm1, $0x3F800000, v0;
	vm0 =	vgt.f32 v45, v6;
	vm1 =	vgt.f32 v9, v5  }
0x213: {  	s6 =	sor.u32 s12, s9;
	v15 =	vld [tilespmem:s3+$0x0];
	v8 =	vsel vm2, $0x40000000, v8;
	v19 =	vsel vm0, $0xFFFFFFFF, v50;
	v6 =	vsel vm0, v45, v6  }
0x214: {  	s8 =	sadd.s32 $0xD400, s0;
	s7 =	sor.u32 s22, s2;
	v49 =	vld [tilespmem:s6+$0x0];
	vm2 =	vgt.f32 v46, v10;
	[tilespmem:$0x1FE40] =	vst v19;
	v5 =	vsel vm1, v9, v5;
	v8 =	vsel vm3, $0x40400000, v8  }
0x215: {  	s25 =	sor.u32 s12, s8;
	v17 =	vsel vm2, $0xFFFFFFFF, v51;
	v10 =	vsel vm2, v46, v10;
	v19 =	vld [tilespmem:s7+$0x0];
	vm0 =	vgt.f32 v11, v5  }
0x216: {  	s26 =	sor.u32 s23, s2;
	vm2 =	vgt.f32 v48, v7;
	v9 =	vld [tilespmem:s25+$0x0];
	s7 =	sadd.s32 $0xD800, s0;
	v8 =	vsel vm4, $0x40800000, v8;
	[tilespmem:$0x1FE50] =	vst v17;
	v5 =	vsel vm0, v11, v5  }
0x217: {  	v18 =	vsel vm2, $0xFFFFFFFF, v52;
	v17 =	vld [tilespmem:s26+$0x0];
	s30 =	sor.u32 s12, s7;
	v8 =	vsel vm5, $0x40A00000, v8;
	vm3 =	vgt.f32 v4, v5  }
0x218: {  	s2 =	sor.u32 s24, s2;
	s6 =	sadd.s32 $0xDC00, s0;
	v11 =	vld [tilespmem:s30+$0x0];
	v8 =	vsel vm6, $0x40C00000, v8;
	[tilespmem:$0x1FE60] =	vst v18;
	v4 =	vsel vm3, v4, v5;
	v5 =	vsel vm2, v48, v7  }
0x219: {  	s3 =	sor.u32 s12, s6;
	v18 =	vld [tilespmem:s2+$0x0];
	v7 =	vsel vm7, $0x40E00000, v8;
	vm2 =	vgt.f32 v12, v6;
	vm4 =	vgt.f32 v13, v4  }
0x21a: {  	s4 =	sor.u32 s22, s1;
	v53 =	vld [tilespmem:s3+$0x0];
	v7 =	vsel vm8, $0x41000000, v7;
	v20 =	vsel vm2, $0xFFFFFFFF, v54;
	v4 =	vsel vm4, v13, v4  }
0x21b: {  	s5 =	sadd.s32 $0xE000, s0;
	v8 =	vld [tilespmem:s4+$0x0];
	v6 =	vsel vm2, v12, v6;
	v7 =	vsel vm9, $0x41100000, v7;
	vm6 =	vgt.f32 v14, v4  }
0x21c: {  	s25 =	sor.u32 s12, s5;
	v63 =	vld [tilespmem:$0x1FE60];
	vm2 =	vgt.f32 v15, v10;
	[tilespmem:$0x1FE70] =	vst v20;
	v7 =	vsel vm10, $0x41200000, v7;
	v4 =	vsel vm6, v14, v4  }
0x21d: {  	s26 =	sor.u32 s23, s1;
	v13 =	vimm.s32 $0x0;
	v20 =	vld [tilespmem:s25+$0x0];
	v7 =	vsel vm11, $0x41300000, v7;
	vm7 =	vgt.f32 v49, v4  }
0x21e: {  	s4 =	sadd.s32 $0xE400, s0;
	v12 =	vld [tilespmem:s26+$0x0];
	v13 =	vsel vm2, $0xFFFFFFFF, v13;
	v7 =	vsel vm12, $0x41400000, v7;
	v4 =	vsel vm7, v49, v4  }
0x21f: {  	s30 =	sor.u32 s12, s4;
	v22 =	vld [tilespmem:$0x1FE70];
	[tilespmem:$0x1FE80] =	vst v13;
	v7 =	vsel vm13, $0x41500000, v7;
	vm9 =	vgt.f32 v9, v4  }
0x220: {  	s1 =	sor.u32 s24, s1;
	s3 =	sadd.s32 $0xE800, s0;
	v13 =	vld [tilespmem:s30+$0x0];
	v7 =	vsel vm14, $0x41600000, v7;
	v4 =	vsel vm9, v9, v4  }
0x221: {  	s2 =	sor.u32 s12, s3;
	v14 =	vld [tilespmem:s1+$0x0];
	v7 =	vsel vm15, $0x41700000, v7;
	vm10 =	vgt.f32 v11, v4  }
0x222: {  	v10 =	vsel vm2, v15, v10;
	s25 =	sor.u32 s22, s29;
	v15 =	vld [tilespmem:s2+$0x0];
	s2 =	sadd.s32 $0xEC00, s0;
	v7 =	vsel vm1, $0x41800000, v7;
	v4 =	vsel vm10, v11, v4  }
0x223: {  	vm5 =	vgt.f32 v19, v5;
	v55 =	vld [tilespmem:s25+$0x0];
	s1 =	sadd.s32 $0xF000, s0;
	s26 =	sor.u32 s12, s2;
	v7 =	vsel vm0, $0x41880000, v7;
	vm0 =	vgt.f32 v53, v4  }
0x224: {  	v5 =	vsel vm5, v19, v5;
	s0 =	sadd.s32 $0xF400, s0;
	s30 =	sor.u32 s12, s1;
	v56 =	vld [tilespmem:s26+$0x0];
	v4 =	vsel vm0, v53, v4  }
0x225: {  	vm2 =	vgt.f32 v17, v6;
	s12 =	sor.u32 s12, s0;
	v57 =	vld [tilespmem:s30+$0x0];
	v7 =	vsel vm3, $0x41900000, v7;
	vm1 =	vgt.f32 v20, v4  }
0x226: {  	v6 =	vsel vm2, v17, v6;
	s25 =	sor.u32 s23, s29;
	v58 =	vld [tilespmem:s12+$0x0];
	v7 =	vsel vm4, $0x41980000, v7;
	v4 =	vsel vm1, v20, v4  }
0x227: {  	vm13 =	vgt.f32 v8, v5;
	s26 =	sor.u32 s24, s29;
	s29 =	sor.u32 s22, s21;
	v9 =	vld [tilespmem:s25+$0x0];
	v7 =	vsel vm6, $0x41A00000, v7;
	vm4 =	vgt.f32 v13, v4  }
0x228: {  	v5 =	vsel vm13, v8, v5;
	s30 =	sor.u32 s23, s21;
	v8 =	vld [tilespmem:s29+$0x0];
	v7 =	vsel vm7, $0x41A80000, v7;
	v4 =	vsel vm4, v13, v4  }
0x229: {  	s21 =	sor.u32 s24, s21;
	vm14 =	vgt.f32 v12, v6;
	v59 =	vld [tilespmem:s30+$0x0];
	v7 =	vsel vm9, $0x41B00000, v7;
	vm6 =	vgt.f32 v15, v4  }
0x22a: {  	s25 =	sor.u32 s22, s20;
	v6 =	vsel vm14, v12, v6;
	v12 =	vld [tilespmem:s21+$0x0];
	v7 =	vsel vm10, $0x41B80000, v7;
	v4 =	vsel vm6, v15, v4  }
0x22b: {  	vm8 =	vgt.f32 v18, v10;
	v60 =	vld [tilespmem:s25+$0x0];
	v7 =	vsel vm0, $0x41C00000, v7;
	vm0 =	vgt.f32 v56, v4  }
0x22c: {  	v10 =	vsel vm8, v18, v10;
	s25 =	sor.u32 s23, s18;
	v11 =	vld [tilespmem:s26+$0x0];
	v7 =	vsel vm1, $0x41C80000, v7;
	v4 =	vsel vm0, v56, v4  }
0x22d: {  	s26 =	sor.u32 s23, s20;
	v62 =	vld [tilespmem:s25+$0x0];
	vm9 =	vgt.f32 v55, v5;
	v7 =	vsel vm4, $0x41D00000, v7;
	vm1 =	vgt.f32 v57, v4  }
0x22e: {  	v13 =	vld [tilespmem:s26+$0x0];
	v5 =	vsel vm9, v55, v5;
	v7 =	vsel vm6, $0x41D80000, v7;
	v4 =	vsel vm1, v57, v4  }
0x22f: {  	s29 =	sor.u32 s24, s20;
	s20 =	sor.u32 s23, s19;
	vm4 =	vgt.f32 v9, v6;
	v7 =	vsel vm0, $0x41E00000, v7;
	vm0 =	vgt.f32 v58, v4;
	v4 =	vld [tilespmem:$0x1FE30]  }
0x230: {  	vm3 =	vgt.f32 v14, v10;
	vm15 =	vgt.f32 v8, v5;
	v6 =	vsel vm4, v9, v6;
	v9 =	vld [tilespmem:s20+$0x0]  }
0x231: {  	s30 =	sor.u32 s22, s19;
	s19 =	sor.u32 s24, s19;
	v10 =	vsel vm3, v14, v10;
	v5 =	vsel vm15, v8, v5;
	v8 =	vld [tilespmem:$0x1FE40];
	vm6 =	vgt.f32 v59, v6  }
0x232: {  	v61 =	vld [tilespmem:s19+$0x0];
	vm10 =	vgt.f32 v11, v10;
	v6 =	vsel vm6, v59, v6  }
0x233: {  	v10 =	vsel vm10, v11, v10;
	v15 =	vld [tilespmem:s30+$0x0];
	vm7 =	vgt.f32 v13, v6  }
0x234: {  	v7 =	vsel vm1, $0x41E80000, v7;
	v6 =	vsel vm7, v13, v6;
	v13 =	vld [tilespmem:$0x1FE80];
	vm1 =	vnez.u8 v4  }
0x235: {  	v14 =	vld [tilespmem:s29+$0x0];
	s30 =	sor.u32 s23, s17;
	vm11 =	vgt.f32 v60, v5;
	vm12 =	vgt.f32 v9, v6;
	v4 =	vsel vm1, $0x40A00000, v1  }
0x236: {  	v21 =	vld [tilespmem:s30+$0x0];
	v1 =	vsel vm0, $0x41F00000, v7;
	vm0 =	vnez.u8 v8;
	vm1 =	vnez.u8 v63  }
0x237: {  	s21 =	sor.u32 s22, s18;
	v8 =	vld [tilespmem:$0x1FE50];
	v2 =	vsel vm0, $0x40A00000, v2;
	v4 =	vsel vm1, $0x40C00000, v4;
	vm1 =	vnez.u8 v22  }
0x238: {  	v11 =	vld [tilespmem:s21+$0x0];
	s30 =	sor.u32 s23, s14;
	v5 =	vsel vm11, v60, v5;
	v6 =	vsel vm12, v9, v6;
	v2 =	vsel vm1, $0x40C00000, v2  }
0x239: {  	s20 =	sor.u32 s23, s16;
	v25 =	vld [tilespmem:s30+$0x0];
	vm1 =	vnez.u8 v13;
	v4 =	vsel vm5, $0x40E00000, v4;
	vm5 =	vgt.f32 v15, v5  }
0x23a: {  	s25 =	sor.u32 s22, s15;
	v23 =	vld [tilespmem:s20+$0x0];
	v2 =	vsel vm2, $0x40E00000, v2;
	v4 =	vsel vm13, $0x41000000, v4;
	vm13 =	vgt.f32 v62, v6  }
0x23b: {  	v9 =	vld [tilespmem:s25+$0x0];
	s25 =	sor.u32 s22, s9;
	v5 =	vsel vm5, v15, v5;
	v2 =	vsel vm14, $0x41000000, v2;
	v6 =	vsel vm13, v62, v6  }
0x23c: {  	s26 =	sor.u32 s24, s18;
	v28 =	vld [tilespmem:s25+$0x0];
	v4 =	vsel vm9, $0x41100000, v4;
	vm0 =	vnez.u8 v8;
	vm14 =	vgt.f32 v21, v6  }
0x23d: {  	s19 =	sor.u32 s22, s16;
	v7 =	vld [tilespmem:s26+$0x0];
	v2 =	vsel vm4, $0x41100000, v2;
	v4 =	vsel vm15, $0x41200000, v4;
	v3 =	vsel vm0, $0x40A00000, v3  }
0x23e: {  	s26 =	sor.u32 s23, s15;
	v13 =	vld [tilespmem:s19+$0x0];
	vm0 =	vgt.f32 v12, v10;
	v6 =	vsel vm14, v21, v6;
	v2 =	vsel vm6, $0x41200000, v2  }
0x23f: {  	s29 =	sor.u32 s22, s17;
	v15 =	vld [tilespmem:s26+$0x0];
	v4 =	vsel vm11, $0x41300000, v4;
	v10 =	vsel vm0, v12, v10;
	v3 =	vsel vm1, $0x40C00000, v3  }
0x240: {  	s17 =	sor.u32 s24, s17;
	v8 =	vld [tilespmem:s29+$0x0];
	vm15 =	vgt.f32 v23, v6;
	v2 =	vsel vm7, $0x41300000, v2;
	vm1 =	vgt.f32 v14, v10  }
0x241: {  	s19 =	sor.u32 s23, s11;
	v12 =	vld [tilespmem:s17+$0x0];
	v4 =	vsel vm5, $0x41400000, v4;
	v3 =	vsel vm8, $0x40E00000, v3;
	v10 =	vsel vm1, v14, v10  }
0x242: {  	s21 =	sor.u32 s24, s16;
	v27 =	vld [tilespmem:s19+$0x0];
	vm8 =	vgt.f32 v11, v5;
	v6 =	vsel vm15, v23, v6;
	vm2 =	vgt.f32 v61, v10  }
0x243: {  	s26 =	sor.u32 s23, s9;
	v2 =	vsel vm12, $0x41400000, v2;
	v14 =	vld [tilespmem:s21+$0x0];
	v5 =	vsel vm8, v11, v5;
	v10 =	vsel vm2, v61, v10  }
0x244: {  	s15 =	sor.u32 s24, s15;
	v29 =	vld [tilespmem:s26+$0x0];
	v3 =	vsel vm3, $0x41000000, v3;
	vm6 =	vgt.f32 v15, v6;
	vm3 =	vgt.f32 v7, v10  }
0x245: {  	s17 =	sor.u32 s23, s13;
	v11 =	vld [tilespmem:s15+$0x0];
	v4 =	vsel vm8, $0x41500000, v4;
	vm9 =	vgt.f32 v8, v5;
	v7 =	vsel vm3, v7, v10  }
0x246: {  	s29 =	sor.u32 s22, s14;
	s14 =	sor.u32 s24, s14;
	v26 =	vld [tilespmem:s17+$0x0];
	v3 =	vsel vm10, $0x41100000, v3;
	v6 =	vsel vm6, v15, v6;
	vm4 =	vgt.f32 v12, v7  }
0x247: {  	v5 =	vsel vm9, v8, v5;
	v8 =	vld [tilespmem:s14+$0x0];
	v3 =	vsel vm0, $0x41200000, v3;
	v7 =	vsel vm4, v12, v7  }
0x248: {  	s16 =	sor.u32 s22, s13;
	v24 =	vld [tilespmem:s29+$0x0];
	vm7 =	vgt.f32 v25, v6;
	v4 =	vsel vm9, $0x41600000, v4;
	vm0 =	vgt.f32 v14, v7  }
0x249: {  	s13 =	sor.u32 s24, s13;
	vm10 =	vgt.f32 v13, v5;
	v3 =	vsel vm1, $0x41300000, v3;
	v10 =	vld [tilespmem:s16+$0x0];
	v7 =	vsel vm0, v14, v7  }
0x24a: {  	s21 =	sor.u32 s23, s10;
	v6 =	vsel vm7, v25, v6;
	v5 =	vsel vm10, v13, v5;
	v12 =	vld [tilespmem:s13+$0x0];
	vm1 =	vgt.f32 v11, v7  }
0x24b: {  	s18 =	sor.u32 s22, s11;
	v15 =	vld [tilespmem:s21+$0x0];
	v3 =	vsel vm2, $0x41400000, v3;
	vm11 =	vgt.f32 v9, v5;
	v7 =	vsel vm1, v11, v7  }
0x24c: {  	s11 =	sor.u32 s24, s11;
	v13 =	vld [tilespmem:s18+$0x0];
	vm8 =	vgt.f32 v26, v6;
	v5 =	vsel vm11, v9, v5;
	vm2 =	vgt.f32 v8, v7  }
0x24d: {  	s20 =	sor.u32 s22, s10;
	v9 =	vld [tilespmem:s11+$0x0];
	vm5 =	vgt.f32 v24, v5;
	v7 =	vsel vm2, v8, v7;
	v8 =	vimm.s32 $0x0  }
0x24e: {  	s10 =	sor.u32 s24, s10;
	v6 =	vsel vm8, v26, v6;
	v14 =	vld [tilespmem:s20+$0x0];
	v5 =	vsel vm5, v24, v5;
	v8 =	vsel vm8, $0xFFFFFFFF, v8  }
0x24f: {  	s9 =	sor.u32 s24, s9;
	v3 =	vsel vm3, $0x41500000, v3;
	vm12 =	vgt.f32 v10, v5;
	v11 =	vld [tilespmem:s10+$0x0];
	vm3 =	vgt.f32 v12, v7;
	[tilespmem:$0x1FE90] =	vst v8  }
0x250: {  	s29 =	sor.u32 s22, s8;
	vm8 =	vgt.f32 v27, v6;
	v7 =	vsel vm3, v12, v7;
	v12 =	vimm.s32 $0x0;
	v8 =	vld [tilespmem:s9+$0x0]  }
0x251: {  	s30 =	sor.u32 s23, s8;
	v3 =	vsel vm4, $0x41600000, v3;
	v5 =	vsel vm12, v10, v5;
	v10 =	vld [tilespmem:s29+$0x0];
	v12 =	vsel vm8, $0xFFFFFFFF, v12  }
0x252: {  	s8 =	sor.u32 s24, s8;
	vm9 =	vgt.f32 v13, v5;
	v6 =	vsel vm8, v27, v6;
	v30 =	vld [tilespmem:s30+$0x0];
	vm4 =	vgt.f32 v9, v7;
	[tilespmem:$0x1FEA0] =	vst v12  }
0x253: {  	s10 =	sor.u32 s22, s7;
	vm8 =	vgt.f32 v15, v6;
	v7 =	vsel vm4, v9, v7;
	v9 =	vimm.s32 $0x0;
	v12 =	vld [tilespmem:s8+$0x0]  }
0x254: {  	s11 =	sor.u32 s23, s7;
	v5 =	vsel vm9, v13, v5;
	v13 =	vld [tilespmem:s10+$0x0];
	v9 =	vsel vm8, $0xFFFFFFFF, v9  }
0x255: {  	v4 =	vsel vm10, $0x41700000, v4;
	s7 =	sor.u32 s24, s7;
	vm10 =	vgt.f32 v14, v5;
	v31 =	vld [tilespmem:s11+$0x0];
	[tilespmem:$0x1FEB0] =	vst v9  }
0x256: {  	s12 =	sor.u32 s22, s6;
	v2 =	vsel vm13, $0x41500000, v2;
	v5 =	vsel vm10, v14, v5;
	v9 =	vld [tilespmem:s7+$0x0]  }
0x257: {  	v33 =	vimm.s32 $0x0;
	v2 =	vsel vm14, $0x41600000, v2;
	s13 =	sor.u32 s23, s6;
	vm14 =	vgt.f32 v28, v5;
	v14 =	vld [tilespmem:s12+$0x0]  }
0x258: {  	s6 =	sor.u32 s24, s6;
	v6 =	vsel vm8, v15, v6;
	v5 =	vsel vm14, v28, v5;
	vm13 =	vgt.f32 v11, v7;
	v15 =	vld [tilespmem:s13+$0x0]  }
0x259: {  	s14 =	sor.u32 s22, s5;
	v3 =	vsel vm0, $0x41700000, v3;
	v7 =	vsel vm13, v11, v7;
	v11 =	vld [tilespmem:s6+$0x0];
	vm0 =	vgt.f32 v10, v5  }
0x25a: {  	v32 =	vld [tilespmem:s14+$0x0];
	v17 =	vsel vm0, $0xFFFFFFFF, v33  }
0x25b: {  	s15 =	sor.u32 s23, s5;
	v36 =	vld [tilespmem:$0x1FEB0];
	[tilespmem:$0x1FEC0] =	vst v17  }
0x25c: {  	s5 =	sor.u32 s24, s5;
	v4 =	vsel vm11, $0x41800000, v4;
	vm11 =	vgt.f32 v8, v7;
	v17 =	vld [tilespmem:s15+$0x0]  }
0x25d: {  	v2 =	vsel vm15, $0x41700000, v2;
	s16 =	sor.u32 s22, s4;
	v7 =	vsel vm11, v8, v7;
	v8 =	vld [tilespmem:s5+$0x0]  }
0x25e: {  	v43 =	vimm.s32 $0x0;
	s17 =	sor.u32 s23, s4;
	v2 =	vsel vm6, $0x41800000, v2;
	v5 =	vsel vm0, v10, v5;
	v10 =	vld [tilespmem:s16+$0x0]  }
0x25f: {  	v2 =	vsel vm7, $0x41880000, v2;
	s4 =	sor.u32 s24, s4;
	v4 =	vsel vm5, $0x41880000, v4;
	vm6 =	vgt.f32 v12, v7;
	v34 =	vld [tilespmem:s17+$0x0]  }
0x260: {  	v3 =	vsel vm1, $0x41800000, v3;
	vm7 =	vgt.f32 v13, v5;
	v7 =	vsel vm6, v12, v7;
	v12 =	vld [tilespmem:s4+$0x0]  }
0x261: {  	s19 =	sor.u32 s23, s3;
	v4 =	vsel vm12, $0x41900000, v4;
	v3 =	vsel vm2, $0x41880000, v3;
	v5 =	vsel vm7, v13, v5;
	v13 =	vld [tilespmem:$0x1FE90]  }
0x262: {  	s25 =	sor.u32 s22, s1;
	v4 =	vsel vm9, $0x41980000, v4;
	v3 =	vsel vm3, $0x41900000, v3;
	vm15 =	vgt.f32 v29, v6;
	v35 =	vld [tilespmem:s19+$0x0]  }
0x263: {  	v4 =	vsel vm10, $0x41A00000, v4;
	v6 =	vsel vm15, v29, v6;
	v37 =	vld [tilespmem:s25+$0x0];
	vm3 =	vgt.f32 v14, v5  }
0x264: {  	s26 =	simm.s32 $0x40;
	s30 =	sor.u32 s23, s1;
	v3 =	vsel vm4, $0x41980000, v3;
	vm8 =	vgt.f32 v30, v6;
	v5 =	vsel vm3, v14, v5;
	v14 =	vld [tilespmem:$0x1FEA0]  }
0x265: {  	s18 =	sor.u32 s22, s3;
	s29 =	sand.u32 $0x40, s26;
	v4 =	vsel vm14, $0x41A80000, v4;
	v3 =	vsel vm13, $0x41A00000, v3;
	v6 =	vsel vm8, v30, v6;
	v38 =	vld [tilespmem:s30+$0x0];
	s5 =	sand.u32 $0x7FFFFF80, s26  }
0x266: {  	s3 =	sor.u32 s24, s3;
	s6 =	sor.u32 $0x30, s29;
	v3 =	vsel vm11, $0x41A80000, v3;
	vm5 =	vgt.f32 v31, v6;
	v39 =	vld [tilespmem:$0x1FEC0];
	vm2 =	vgt.f32 v9, v7;
	s8 =	sadd.s32 $0x8400, s5  }
0x267: {  	v6 =	vsel vm5, v31, v6;
	v3 =	vsel vm6, $0x41B00000, v3;
	v7 =	vsel vm2, v9, v7;
	v9 =	vld [tilespmem:s3+$0x0];
	s4 =	sor.u32 s6, s8  }
0x268: {  	s21 =	sor.u32 s23, s2;
	s20 =	sor.u32 s22, s2;
	s2 =	sor.u32 s24, s2;
	vm12 =	vgt.f32 v11, v7;
	vm4 =	vgt.f32 v32, v5;
	v41 =	vld [tilespmem:s4+$0x0];
	vm0 =	vnez.u8 v13  }
0x269: {  	s9 =	sadd.s32 $0x8000, s5;
	v7 =	vsel vm12, v11, v7;
	v11 =	vld [tilespmem:s2+$0x0];
	v2 =	vsel vm0, $0x41900000, v2;
	vm1 =	vnez.u8 v14  }
0x26a: {  	vm9 =	vnez.u8 v36;
	v5 =	vsel vm4, v32, v5;
	s2 =	sor.u32 s6, s9;
	v13 =	vld [tilespmem:s18+$0x0];
	v2 =	vsel vm1, $0x41980000, v2  }
0x26b: {  	s30 =	sor.u32 s6, s5;
	s7 =	sadd.s32 $0x8800, s5;
	v3 =	vsel vm2, $0x41B80000, v3;
	v40 =	vld [tilespmem:s2+$0x0];
	v2 =	vsel vm9, $0x41A00000, v2;
	vm9 =	vgt.f32 v10, v5  }
0x26c: {  	s11 =	sor.u32 s6, s7;
	v3 =	vsel vm12, $0x41C00000, v3;
	vm10 =	vgt.f32 v8, v7;
	v5 =	vsel vm9, v10, v5;
	v10 =	vld [tilespmem:s30+$0x7C00]  }
0x26d: {  	s1 =	sor.u32 s24, s1;
	v42 =	vld [tilespmem:s11+$0x0];
	vm13 =	vnez.u8 v39;
	vm0 =	vgt.f32 v15, v6;
	v7 =	vsel vm10, v8, v7  }
0x26e: {  	v8 =	vld [tilespmem:s1+$0x0];
	v4 =	vsel vm13, $0x41B00000, v4;
	v6 =	vsel vm0, v15, v6;
	v2 =	vsel vm15, $0x41A80000, v2  }
0x26f: {  	v14 =	vld [tilespmem:s20+$0x0];
	vm11 =	vgt.f32 v12, v7;
	vm1 =	vgt.f32 v17, v6;
	v2 =	vsel vm8, $0x41B00000, v2  }
0x270: {  	s3 =	sor.u32 s22, s0;
	v15 =	vld [tilespmem:s21+$0x0];
	v7 =	vsel vm11, v12, v7;
	v6 =	vsel vm1, v17, v6;
	v2 =	vsel vm5, $0x41B80000, v2  }
0x271: {  	s10 =	sor.u32 s23, s0;
	v12 =	vld [tilespmem:s3+$0x0];
	vm8 =	vgt.f32 v13, v5;
	v2 =	vsel vm0, $0x41C00000, v2;
	vm0 =	vgt.f32 v40, v10  }
0x272: {  	s0 =	sor.u32 s24, s0;
	s4 =	sadd.s32 $0x8C00, s5;
	vm5 =	vgt.f32 v9, v7;
	v5 =	vsel vm8, v13, v5;
	v13 =	vld [tilespmem:s10+$0x0];
	v21 =	vsel vm0, $0xFFFFFFFF, v43  }
0x273: {  	s12 =	sor.u32 s6, s4;
	v3 =	vsel vm10, $0x41C80000, v3;
	vm14 =	vgt.f32 v34, v6;
	v7 =	vsel vm5, v9, v7;
	v9 =	vld [tilespmem:s0+$0x0];
	[tilespmem:$0x1FED0] =	vst v21  }
0x274: {  	s14 =	simm.s32 $0x7C40;
	v4 =	vsel vm7, $0x41B80000, v4;
	s3 =	sadd.s32 $0x9000, s5;
	v6 =	vsel vm14, v34, v6;
	v10 =	vsel vm0, v40, v10;
	v44 =	vld [tilespmem:s12+$0x0]  }
0x275: {  	s15 =	sor.u32 s6, s3;
	vm6 =	vgt.f32 v14, v5;
	v2 =	vsel vm1, $0x41C80000, v2;
	vm1 =	vgt.f32 v41, v10;
	[dreg:$0x7] =	wrdreg s14  }
0x276: {  	s13 =	simm.s32 $0x7C40;
	s17 =	sadd.s32 $0x9400, s5;
	vm13 =	vgt.f32 v35, v6;
	v5 =	vsel vm6, v14, v5;
	v10 =	vsel vm1, v41, v10;
	v14 =	vld [tilespmem:s15+$0x0]  }
0x277: {  	s25 =	sor.u32 $0x10, s29;
	s18 =	sor.u32 s6, s17;
	v4 =	vsel vm3, $0x41C00000, v4;
	v6 =	vsel vm13, v35, v6;
	v21 =	vld [tilespmem:s13+$0x0];
	vm2 =	vgt.f32 v42, v10  }
0x278: {  	s19 =	sor.u32 s25, s5;
	s16 =	sor.u32 s29, s9;
	s1 =	sadd.s32 $0x9800, s5;
	v4 =	vsel vm4, $0x41C80000, v4;
	vm7 =	vgt.f32 v15, v6;
	v45 =	vld [tilespmem:s18+$0x0];
	v10 =	vsel vm2, v42, v10  }
0x279: {  	s20 =	sor.u32 s6, s1;
	v4 =	vsel vm9, $0x41D00000, v4;
	v6 =	vsel vm7, v15, v6;
	v15 =	vld [tilespmem:s16+$0x0];
	[dreg:$0x5] =	wrdreg s19;
	vm3 =	vgt.f32 v44, v10  }
0x27a: {  	s24 =	sadd.s32 $0x9C00, s5;
	v3 =	vsel vm11, $0x41D00000, v3;
	v4 =	vsel vm8, $0x41D80000, v4;
	v46 =	vld [tilespmem:s20+$0x0];
	v10 =	vsel vm3, v44, v10  }
0x27b: {  	s22 =	sor.u32 s6, s24;
	v3 =	vsel vm5, $0x41D80000, v3;
	vm12 =	vgt.f32 v11, v7;
	vm4 =	vgt.f32 v14, v10  }
0x27c: {  	s2 =	sor.u32 $0x20, s29;
	v4 =	vsel vm6, $0x41E00000, v4;
	v2 =	vsel vm14, $0x41D00000, v2;
	v10 =	vsel vm4, v14, v10;
	v14 =	vld [tilespmem:s22+$0x0]  }
0x27d: {  	s26 =	sor.u32 s2, s5;
	s21 =	sor.u32 s25, s9;
	v7 =	vsel vm12, v11, v7;
	vm14 =	vgt.f32 v37, v5;
	v11 =	vld [tilespmem:s19+$0x7C00];
	vm5 =	vgt.f32 v45, v10  }
0x27e: {  	s23 =	sadd.s32 $0xA000, s5;
	vm9 =	vgt.f32 v38, v6;
	v2 =	vsel vm13, $0x41D80000, v2;
	v47 =	vld [tilespmem:s21+$0x0];
	[dreg:$0x8] =	wrdreg s26;
	v10 =	vsel vm5, v45, v10  }
0x27f: {  	s0 =	sor.u32 s6, s23;
	vm10 =	vgt.f32 v8, v7;
	v6 =	vsel vm9, v38, v6;
	v48 =	vld [tilespmem:s26+$0x7C00];
	vm6 =	vgt.f32 v46, v10  }
0x280: {  	s9 =	sor.u32 s2, s9;
	v5 =	vsel vm14, v37, v5;
	vm13 =	vgt.f32 v13, v6;
	v49 =	vld [tilespmem:s0+$0x0];
	v6 =	vsel vm6, v46, v10  }
0x281: {  	v2 =	vsel vm7, $0x41E00000, v2;
	vm11 =	vgt.f32 v12, v5;
	s13 =	sor.u32 s25, s8;
	s22 =	sadd.s32 $0xA400, s5;
	v5 =	vld [tilespmem:s9+$0x0];
	vm7 =	vgt.f32 v14, v6  }
0x282: {  	v3 =	vsel vm12, $0x41E00000, v3;
	v7 =	vsel vm10, v8, v7;
	s10 =	sor.u32 s6, s22;
	v6 =	vsel vm7, v14, v6;
	v14 =	vld [tilespmem:s13+$0x0]  }
0x283: {  	s11 =	sor.u32 s29, s8;
	v4 =	vsel vm14, $0x41E80000, v4;
	vm12 =	vgt.f32 v9, v7;
	v9 =	vsel vm9, $0x41E80000, v2;
	s21 =	sadd.s32 $0xA800, s5;
	v8 =	vld [tilespmem:s10+$0x0]  }
0x284: {  	v2 =	vsel vm11, $0x41F00000, v4;
	v4 =	vsel vm10, $0x41E80000, v3;
	s12 =	sor.u32 s6, s21;
	vm8 =	vgt.f32 v15, v21;
	v7 =	vld [tilespmem:s11+$0x0]  }
0x285: {  	s8 =	sor.u32 s2, s8;
	v3 =	vsel vm13, $0x41F00000, v9;
	s20 =	sadd.s32 $0xAC00, s5;
	v12 =	vsel vm8, v15, v21;
	vm10 =	vgt.f32 v47, v11;
	v10 =	vld [tilespmem:s12+$0x0]  }
0x286: {  	s18 =	sor.u32 s29, s7;
	s14 =	sor.u32 s6, s20;
	v13 =	vsel vm8, $0x3F800000, v0;
	v11 =	vsel vm10, v47, v11;
	v9 =	vld [tilespmem:s8+$0x0];
	vm8 =	vgt.f32 v49, v6  }
0x287: {  	s19 =	sadd.s32 $0xB000, s5;
	v15 =	vld [tilespmem:s14+$0x0];
	s0 =	sor.u32 s25, s7;
	s7 =	sor.u32 s2, s7;
	v6 =	vsel vm8, v49, v6;
	vm13 =	vgt.f32 v14, v11  }
0x288: {  	v4 =	vsel vm12, $0x41F00000, v4;
	s15 =	sor.u32 s6, s19;
	vm9 =	vgt.f32 v8, v6;
	v11 =	vsel vm13, v14, v11;
	v14 =	vld [tilespmem:s7+$0x0]  }
0x289: {  	s16 =	sadd.s32 $0xB400, s5;
	v50 =	vsel vm10, $0x3F800000, v0;
	vm11 =	vgt.f32 v5, v48;
	v6 =	vsel vm9, v8, v6;
	v8 =	vld [tilespmem:s15+$0x0]  }
0x28a: {  	v51 =	vld [tilespmem:s18+$0x0];
	s26 =	sor.u32 s6, s16;
	vm12 =	vgt.f32 v7, v12;
	v5 =	vsel vm11, v5, v48;
	vm10 =	vgt.f32 v10, v6  }
0x28b: {  	v52 =	vld [tilespmem:s26+$0x0];
	v7 =	vsel vm12, v7, v12;
	vm14 =	vgt.f32 v9, v5;
	s15 =	sadd.s32 $0xB800, s5;
	v6 =	vsel vm10, v10, v6  }
0x28c: {  	v12 =	vld [tilespmem:s0+$0x0];
	v5 =	vsel vm14, v9, v5;
	s10 =	sor.u32 s6, s15;
	v10 =	vsel vm11, $0x3F800000, v0;
	vm11 =	vgt.f32 v15, v6  }
0x28d: {  	s14 =	sadd.s32 $0xBC00, s5;
	v53 =	vld [tilespmem:s10+$0x0];
	v6 =	vsel vm11, v15, v6;
	vm0 =	vgt.f32 v14, v5  }
0x28e: {  	s11 =	sor.u32 s6, s14;
	s13 =	sadd.s32 $0xC000, s5;
	v13 =	vsel vm12, $0x40000000, v13;
	vm12 =	vgt.f32 v8, v6;
	v14 =	vsel vm0, v14, v5;
	v5 =	vld [tilespmem:$0x1FED0]  }
0x28f: {  	s18 =	sor.u32 s6, s13;
	v17 =	vsel vm13, $0x40000000, v50;
	v15 =	vld [tilespmem:s11+$0x0];
	v6 =	vsel vm12, v8, v6  }
0x290: {  	s12 =	sor.u32 s29, s4;
	v9 =	vsel vm14, $0x40000000, v10;
	vm14 =	vgt.f32 v51, v7;
	v10 =	vld [tilespmem:s18+$0x0];
	vm13 =	vgt.f32 v52, v6  }
0x291: {  	s26 =	sor.u32 s25, s4;
	vm15 =	vgt.f32 v12, v11;
	v7 =	vsel vm14, v51, v7;
	v8 =	vld [tilespmem:s12+$0x0];
	v6 =	vsel vm13, v52, v6  }
0x292: {  	v54 =	vld [tilespmem:s26+$0x0];
	s4 =	sor.u32 s2, s4;
	v13 =	vsel vm14, $0x40400000, v13;
	v11 =	vsel vm15, v12, v11;
	s12 =	sadd.s32 $0xC400, s5;
	vm14 =	vgt.f32 v53, v6  }
0x293: {  	v55 =	vld [tilespmem:s4+$0x0];
	s10 =	sadd.s32 $0xCC00, s5;
	v17 =	vsel vm15, $0x40400000, v17;
	s0 =	sor.u32 s6, s12;
	v6 =	vsel vm14, v53, v6;
	vm15 =	vnez.u8 v5  }
0x294: {  	s18 =	sor.u32 s6, s10;
	s11 =	sadd.s32 $0xC800, s5;
	v12 =	vld [tilespmem:s0+$0x0];
	v5 =	vsel vm15, $0x3F800000, v0;
	vm15 =	vgt.f32 v15, v6  }
0x295: {  	s7 =	sadd.s32 $0xD400, s5;
	v57 =	vld [tilespmem:s18+$0x0];
	s8 =	sor.u32 s6, s11;
	v9 =	vsel vm0, $0x40400000, v9;
	v5 =	vsel vm1, $0x40000000, v5;
	v6 =	vsel vm15, v15, v6  }
0x296: {  	s4 =	sor.u32 s6, s7;
	v56 =	vld [tilespmem:s8+$0x0];
	vm1 =	vgt.f32 v8, v7;
	v5 =	vsel vm2, $0x40400000, v5;
	vm0 =	vgt.f32 v10, v6  }
0x297: {  	s9 =	sor.u32 s29, s3;
	v59 =	vld [tilespmem:s4+$0x0];
	s4 =	sadd.s32 $0xD800, s5;
	v7 =	vsel vm1, v8, v7;
	v58 =	vsel vm3, $0x40800000, v5;
	v6 =	vsel vm0, v10, v6  }
0x298: {  	s18 =	sor.u32 s6, s4;
	v15 =	vld [tilespmem:s9+$0x0];
	s9 =	sadd.s32 $0xD000, s5;
	v5 =	vsel vm1, $0x40800000, v13;
	vm1 =	vgt.f32 v54, v11;
	v10 =	vsel vm4, $0x40A00000, v58  }
0x299: {  	v61 =	vld [tilespmem:s18+$0x0];
	s0 =	sor.u32 s6, s9;
	vm3 =	vgt.f32 v12, v6;
	v11 =	vsel vm1, v54, v11;
	v10 =	vsel vm5, $0x40C00000, v10  }
0x29a: {  	s26 =	sor.u32 s25, s3;
	v13 =	vld [tilespmem:s0+$0x0];
	v17 =	vsel vm1, $0x40800000, v17;
	v6 =	vsel vm3, v12, v6;
	v10 =	vsel vm6, $0x40E00000, v10  }
0x29b: {  	s8 =	sor.u32 s29, s17;
	v8 =	vld [tilespmem:s26+$0x0];
	vm1 =	vgt.f32 v55, v14;
	vm5 =	vgt.f32 v56, v6;
	v10 =	vsel vm7, $0x41000000, v10  }
0x29c: {  	s3 =	sor.u32 s2, s3;
	v60 =	vld [tilespmem:s8+$0x0];
	v14 =	vsel vm1, v55, v14;
	v6 =	vsel vm5, v56, v6;
	v10 =	vsel vm8, $0x41100000, v10  }
0x29d: {  	s26 =	sor.u32 s25, s17;
	v12 =	vld [tilespmem:s3+$0x0];
	s3 =	sadd.s32 $0xDC00, s5;
	v9 =	vsel vm1, $0x40800000, v9;
	vm6 =	vgt.f32 v57, v6;
	v10 =	vsel vm9, $0x41200000, v10  }
0x29e: {  	s18 =	sor.u32 s2, s17;
	s17 =	sadd.s32 $0xE000, s5;
	v62 =	vld [tilespmem:s26+$0x0];
	s0 =	sor.u32 s6, s3;
	vm1 =	vgt.f32 v15, v7;
	v6 =	vsel vm6, v57, v6;
	v10 =	vsel vm10, $0x41300000, v10  }
0x29f: {  	s26 =	sor.u32 s6, s17;
	v63 =	vld [tilespmem:s0+$0x0];
	v7 =	vsel vm1, v15, v7;
	vm7 =	vgt.f32 v13, v6;
	v10 =	vsel vm11, $0x41400000, v10  }
0x2a0: {  	v15 =	vld [tilespmem:s26+$0x0];
	vm4 =	vgt.f32 v8, v11;
	s0 =	sor.u32 s29, s1;
	v6 =	vsel vm7, v13, v6;
	v10 =	vsel vm12, $0x41500000, v10  }
0x2a1: {  	v24 =	vld [tilespmem:s0+$0x0];
	v8 =	vsel vm4, v8, v11;
	vm8 =	vgt.f32 v59, v6;
	v10 =	vsel vm13, $0x41600000, v10  }
0x2a2: {  	s0 =	sor.u32 s25, s1;
	vm2 =	vgt.f32 v12, v14;
	v13 =	vld [tilespmem:s18+$0x0];
	s18 =	sadd.s32 $0xE400, s5;
	v6 =	vsel vm8, v59, v6;
	v10 =	vsel vm14, $0x41700000, v10  }
0x2a3: {  	v25 =	vld [tilespmem:s0+$0x0];
	v12 =	vsel vm2, v12, v14;
	s26 =	sor.u32 s6, s18;
	vm9 =	vgt.f32 v61, v6;
	v10 =	vsel vm15, $0x41800000, v10  }
0x2a4: {  	s1 =	sor.u32 s2, s1;
	v9 =	vsel vm2, $0x40A00000, v9;
	v11 =	vld [tilespmem:s26+$0x0];
	s26 =	sadd.s32 $0xE800, s5;
	v6 =	vsel vm9, v61, v6;
	v10 =	vsel vm0, $0x41880000, v10  }
0x2a5: {  	s8 =	sadd.s32 $0xEC00, s5;
	v26 =	vld [tilespmem:s1+$0x0];
	s0 =	sor.u32 s6, s26;
	vm10 =	vgt.f32 v63, v6;
	vm0 =	vgt.f32 v62, v8;
	v10 =	vsel vm3, $0x41900000, v10  }
0x2a6: {  	v14 =	vld [tilespmem:s0+$0x0];
	s0 =	sor.u32 s6, s8;
	vm3 =	vgt.f32 v60, v7;
	v6 =	vsel vm10, v63, v6;
	v10 =	vsel vm5, $0x41980000, v10  }
0x2a7: {  	s1 =	sadd.s32 $0xF000, s5;
	v27 =	vld [tilespmem:s0+$0x0];
	s0 =	sor.u32 s29, s24;
	v8 =	vsel vm0, v62, v8;
	vm11 =	vgt.f32 v15, v6;
	v10 =	vsel vm6, $0x41A00000, v10  }
0x2a8: {  	s5 =	sadd.s32 $0xF400, s5;
	v7 =	vsel vm3, v60, v7;
	v6 =	vsel vm11, v15, v6;
	v15 =	vld [tilespmem:s0+$0x0];
	s0 =	sor.u32 s6, s1;
	v10 =	vsel vm7, $0x41A80000, v10  }
0x2a9: {  	vm5 =	vgt.f32 v13, v12;
	s6 =	sor.u32 s6, s5;
	vm7 =	vgt.f32 v11, v6;
	v28 =	vld [tilespmem:s0+$0x0];
	v10 =	vsel vm8, $0x41B00000, v10  }
0x2aa: {  	v12 =	vsel vm5, v13, v12;
	s0 =	sor.u32 s25, s24;
	v13 =	vld [tilespmem:s6+$0x0];
	v6 =	vsel vm7, v11, v6;
	v10 =	vsel vm9, $0x41B80000, v10  }
0x2ab: {  	vm6 =	vgt.f32 v24, v7;
	s6 =	sor.u32 s2, s24;
	s24 =	sor.u32 s29, s23;
	v11 =	vld [tilespmem:s0+$0x0];
	vm8 =	vgt.f32 v14, v6;
	v10 =	vsel vm10, $0x41C00000, v10  }
0x2ac: {  	v9 =	vsel vm5, $0x40C00000, v9;
	v29 =	vld [tilespmem:s24+$0x0];
	s24 =	sor.u32 s2, s23;
	v6 =	vsel vm8, v14, v6;
	v10 =	vsel vm11, $0x41C80000, v10  }
0x2ad: {  	v7 =	vsel vm6, v24, v7;
	v31 =	vld [tilespmem:s24+$0x0];
	vm9 =	vgt.f32 v27, v6;
	v10 =	vsel vm7, $0x41D00000, v10  }
0x2ae: {  	v14 =	vld [tilespmem:s6+$0x0];
	s6 =	sor.u32 s25, s23;
	vm7 =	vgt.f32 v25, v8;
	v6 =	vsel vm9, v27, v6;
	v10 =	vsel vm8, $0x41D80000, v10  }
0x2af: {  	v30 =	vld [tilespmem:s6+$0x0];
	s6 =	sor.u32 s29, s22;
	v8 =	vsel vm7, v25, v8;
	vm8 =	vgt.f32 v28, v6;
	v10 =	vsel vm9, $0x41E00000, v10  }
0x2b0: {  	s24 =	sor.u32 s2, s22;
	s23 =	sor.u32 s25, s22;
	s22 =	sor.u32 s25, s21;
	v32 =	vld [tilespmem:s6+$0x0];
	vm9 =	vgt.f32 v26, v12;
	v6 =	vsel vm8, v28, v6;
	v10 =	vsel vm8, $0x41E80000, v10  }
0x2b1: {  	v33 =	vld [tilespmem:s22+$0x0];
	vm8 =	vgt.f32 v13, v6;
	v6 =	vsel vm1, $0x40A00000, v5;
	vm1 =	vgt.f32 v15, v7  }
0x2b2: {  	v13 =	vld [tilespmem:s23+$0x0];
	v12 =	vsel vm9, v26, v12;
	v9 =	vsel vm9, $0x40E00000, v9;
	v5 =	vsel vm8, $0x41F00000, v10  }
0x2b3: {  	s23 =	sor.u32 s2, s21;
	vm8 =	vgt.f32 v11, v8;
	v10 =	vld [tilespmem:s24+$0x0];
	v7 =	vsel vm1, v15, v7;
	v15 =	vsel vm4, $0x40A00000, v17  }
0x2b4: {  	s6 =	sor.u32 s29, s21;
	s21 =	sor.u32 s2, s20;
	vm10 =	vgt.f32 v14, v12;
	v6 =	vsel vm3, $0x40C00000, v6;
	v34 =	vld [tilespmem:s23+$0x0];
	v8 =	vsel vm8, v11, v8  }
0x2b5: {  	v36 =	vld [tilespmem:s21+$0x0];
	vm2 =	vgt.f32 v29, v7;
	v12 =	vsel vm10, v14, v12;
	v15 =	vsel vm0, $0x40C00000, v15  }
0x2b6: {  	s24 =	sor.u32 s29, s20;
	v11 =	vld [tilespmem:s6+$0x0];
	v6 =	vsel vm6, $0x40E00000, v6;
	v9 =	vsel vm10, $0x41000000, v9;
	vm3 =	vgt.f32 v30, v8  }
0x2b7: {  	s23 =	sor.u32 s25, s19;
	v14 =	vld [tilespmem:s24+$0x0];
	v7 =	vsel vm2, v29, v7;
	vm11 =	vgt.f32 v31, v12;
	v15 =	vsel vm7, $0x40E00000, v15  }
0x2b8: {  	s6 =	sor.u32 s25, s20;
	v37 =	vld [tilespmem:s23+$0x0];
	v6 =	vsel vm1, $0x41000000, v6;
	v8 =	vsel vm3, v30, v8;
	vm12 =	vgt.f32 v32, v7  }
0x2b9: {  	s24 =	sor.u32 s2, s19;
	v35 =	vld [tilespmem:s6+$0x0];
	v12 =	vsel vm11, v31, v12;
	v6 =	vsel vm2, $0x41100000, v6;
	v9 =	vsel vm11, $0x41100000, v9  }
0x2ba: {  	s20 =	sor.u32 s2, s16;
	v38 =	vld [tilespmem:s24+$0x0];
	vm0 =	vgt.f32 v13, v8;
	v7 =	vsel vm12, v32, v7;
	v6 =	vsel vm12, $0x41200000, v6  }
0x2bb: {  	s23 =	sor.u32 s2, s15;
	v39 =	vld [tilespmem:s20+$0x0];
	v8 =	vsel vm0, v13, v8;
	vm4 =	vgt.f32 v10, v12;
	vm7 =	vgt.f32 v11, v7  }
0x2bc: {  	s22 =	sor.u32 s29, s19;
	v41 =	vld [tilespmem:s23+$0x0];
	vm1 =	vgt.f32 v33, v8;
	v10 =	vsel vm4, v10, v12;
	v12 =	vsel vm8, $0x41000000, v15  }
0x2bd: {  	s20 =	sor.u32 s2, s13;
	v13 =	vld [tilespmem:s22+$0x0];
	v9 =	vsel vm4, $0x41200000, v9;
	v7 =	vsel vm7, v11, v7;
	v8 =	vsel vm1, v33, v8  }
0x2be: {  	s23 =	sor.u32 s2, s12;
	v44 =	vld [tilespmem:s20+$0x0];
	vm5 =	vgt.f32 v34, v10;
	v12 =	vsel vm3, $0x41100000, v12;
	v6 =	vsel vm7, $0x41300000, v6  }
0x2bf: {  	s6 =	sor.u32 s29, s16;
	v46 =	vld [tilespmem:s23+$0x0];
	vm8 =	vgt.f32 v14, v7;
	vm2 =	vgt.f32 v35, v8;
	v10 =	vsel vm5, v34, v10  }
0x2c0: {  	s19 =	sor.u32 s25, s16;
	v11 =	vld [tilespmem:s6+$0x0];
	v12 =	vsel vm0, $0x41200000, v12;
	v9 =	vsel vm5, $0x41300000, v9;
	v7 =	vsel vm8, v14, v7  }
0x2c1: {  	s22 =	sor.u32 s25, s15;
	v15 =	vld [tilespmem:s19+$0x0];
	v8 =	vsel vm2, v35, v8;
	vm6 =	vgt.f32 v36, v10;
	v12 =	vsel vm1, $0x41300000, v12  }
0x2c2: {  	s21 =	sor.u32 s29, s15;
	v40 =	vld [tilespmem:s22+$0x0];
	v6 =	vsel vm8, $0x41400000, v6;
	vm9 =	vgt.f32 v13, v7;
	vm3 =	vgt.f32 v37, v8  }
0x2c3: {  	s15 =	sor.u32 s2, s14;
	v14 =	vld [tilespmem:s21+$0x0];
	v10 =	vsel vm6, v36, v10;
	v12 =	vsel vm2, $0x41400000, v12;
	v9 =	vsel vm6, $0x41400000, v9  }
0x2c4: {  	v43 =	vld [tilespmem:s15+$0x0];
	s22 =	sor.u32 s25, s12;
	v7 =	vsel vm9, v13, v7;
	v8 =	vsel vm3, v37, v8;
	vm10 =	vgt.f32 v38, v10  }
0x2c5: {  	s24 =	sor.u32 s29, s14;
	v45 =	vld [tilespmem:s22+$0x0];
	v6 =	vsel vm9, $0x41500000, v6;
	v12 =	vsel vm3, $0x41500000, v12;
	vm4 =	vgt.f32 v11, v7  }
0x2c6: {  	s6 =	sor.u32 s25, s14;
	v13 =	vld [tilespmem:s24+$0x0];
	vm0 =	vgt.f32 v15, v8;
	v10 =	vsel vm10, v38, v10;
	v9 =	vsel vm10, $0x41500000, v9  }
0x2c7: {  	s14 =	sor.u32 s2, s10;
	v42 =	vld [tilespmem:s6+$0x0];
	v7 =	vsel vm4, v11, v7;
	v8 =	vsel vm0, v15, v8;
	vm7 =	vgt.f32 v39, v10  }
0x2c8: {  	s16 =	sor.u32 s29, s13;
	v49 =	vld [tilespmem:s14+$0x0];
	v6 =	vsel vm4, $0x41600000, v6;
	v12 =	vsel vm0, $0x41600000, v12;
	vm5 =	vgt.f32 v14, v7  }
0x2c9: {  	s19 =	sor.u32 s25, s13;
	v11 =	vld [tilespmem:s16+$0x0];
	vm1 =	vgt.f32 v40, v8;
	v10 =	vsel vm7, v39, v10;
	v9 =	vsel vm7, $0x41600000, v9  }
0x2ca: {  	s22 =	sor.u32 s2, s7;
	v15 =	vld [tilespmem:s19+$0x0];
	v7 =	vsel vm5, v14, v7;
	v8 =	vsel vm1, v40, v8;
	vm8 =	vgt.f32 v41, v10  }
0x2cb: {  	v53 =	vld [tilespmem:s22+$0x0];
	s21 =	sor.u32 s29, s12;
	v6 =	vsel vm5, $0x41700000, v6;
	v12 =	vsel vm1, $0x41700000, v12;
	vm6 =	vgt.f32 v13, v7  }
0x2cc: {  	s6 =	sor.u32 s25, s11;
	v14 =	vld [tilespmem:s21+$0x0];
	vm2 =	vgt.f32 v42, v8;
	v10 =	vsel vm8, v41, v10;
	v9 =	vsel vm8, $0x41700000, v9  }
0x2cd: {  	v47 =	vld [tilespmem:s6+$0x0];
	s24 =	sor.u32 s29, s11;
	s11 =	sor.u32 s2, s11;
	v7 =	vsel vm6, v13, v7;
	v8 =	vsel vm2, v42, v8;
	vm9 =	vgt.f32 v43, v10  }
0x2ce: {  	v48 =	vld [tilespmem:s11+$0x0];
	v6 =	vsel vm6, $0x41800000, v6;
	v12 =	vsel vm2, $0x41800000, v12;
	vm10 =	vgt.f32 v11, v7  }
0x2cf: {  	s11 =	sor.u32 s25, s17;
	v13 =	vld [tilespmem:s24+$0x0];
	vm3 =	vgt.f32 v15, v8;
	v10 =	vsel vm9, v43, v10;
	v9 =	vsel vm9, $0x41800000, v9  }
0x2d0: {  	s16 =	sor.u32 s25, s9;
	v57 =	vld [tilespmem:s11+$0x0];
	v7 =	vsel vm10, v11, v7;
	v8 =	vsel vm3, v15, v8;
	vm4 =	vgt.f32 v44, v10  }
0x2d1: {  	s12 =	sor.u32 s29, s10;
	v50 =	vld [tilespmem:s16+$0x0];
	v6 =	vsel vm10, $0x41880000, v6;
	v12 =	vsel vm3, $0x41880000, v12;
	vm7 =	vgt.f32 v14, v7  }
0x2d2: {  	s13 =	sor.u32 s25, s10;
	v11 =	vld [tilespmem:s12+$0x0];
	vm0 =	vgt.f32 v45, v8;
	v10 =	vsel vm4, v44, v10;
	v9 =	vsel vm4, $0x41880000, v9  }
0x2d3: {  	s19 =	sor.u32 s2, s9;
	v15 =	vld [tilespmem:s13+$0x0];
	v7 =	vsel vm7, v14, v7;
	v8 =	vsel vm0, v45, v8;
	vm5 =	vgt.f32 v46, v10  }
0x2d4: {  	s15 =	sor.u32 s29, s9;
	v51 =	vld [tilespmem:s19+$0x0];
	v6 =	vsel vm7, $0x41900000, v6;
	v12 =	vsel vm0, $0x41900000, v12;
	vm8 =	vgt.f32 v13, v7  }
0x2d5: {  	s9 =	sor.u32 s2, s3;
	v14 =	vld [tilespmem:s15+$0x0];
	vm1 =	vgt.f32 v47, v8;
	v10 =	vsel vm5, v46, v10;
	v9 =	vsel vm5, $0x41900000, v9  }
0x2d6: {  	v56 =	vld [tilespmem:s9+$0x0];
	s21 =	sor.u32 s25, s7;
	v7 =	vsel vm8, v13, v7;
	v8 =	vsel vm1, v47, v8;
	vm11 =	vgt.f32 v48, v10  }
0x2d7: {  	s20 =	sor.u32 s29, s7;
	v52 =	vld [tilespmem:s21+$0x0];
	v6 =	vsel vm8, $0x41980000, v6;
	v12 =	vsel vm1, $0x41980000, v12;
	vm12 =	vgt.f32 v11, v7  }
0x2d8: {  	s7 =	sor.u32 s25, s3;
	v13 =	vld [tilespmem:s20+$0x0];
	vm2 =	vgt.f32 v15, v8;
	v10 =	vsel vm11, v48, v10;
	v9 =	vsel vm11, $0x41980000, v9  }
0x2d9: {  	s23 =	sor.u32 s29, s4;
	v55 =	vld [tilespmem:s7+$0x0];
	s24 =	sor.u32 s25, s4;
	s4 =	sor.u32 s2, s4;
	v7 =	vsel vm12, v11, v7;
	v8 =	vsel vm2, v15, v8;
	vm10 =	vgt.f32 v49, v10  }
0x2da: {  	v54 =	vld [tilespmem:s4+$0x0];
	v6 =	vsel vm12, $0x41A00000, v6;
	v12 =	vsel vm2, $0x41A00000, v12;
	vm13 =	vgt.f32 v14, v7  }
0x2db: {  	v11 =	vld [tilespmem:s23+$0x0];
	vm3 =	vgt.f32 v50, v8;
	v10 =	vsel vm10, v49, v10;
	v9 =	vsel vm10, $0x41A00000, v9  }
0x2dc: {  	s12 =	sor.u32 s2, s17;
	v15 =	vld [tilespmem:s24+$0x0];
	v7 =	vsel vm13, v14, v7;
	v8 =	vsel vm3, v50, v8;
	vm14 =	vgt.f32 v51, v10  }
0x2dd: {  	s6 =	sor.u32 s29, s3;
	v58 =	vld [tilespmem:s12+$0x0];
	v6 =	vsel vm13, $0x41A80000, v6;
	v12 =	vsel vm3, $0x41A80000, v12;
	vm4 =	vgt.f32 v13, v7  }
0x2de: {  	s10 =	sor.u32 s29, s17;
	s17 =	sor.u32 s25, s26;
	v14 =	vld [tilespmem:s6+$0x0];
	vm6 =	vgt.f32 v52, v8;
	v10 =	vsel vm14, v51, v10;
	v9 =	vsel vm14, $0x41A80000, v9  }
0x2df: {  	v60 =	vld [tilespmem:s17+$0x0];
	s15 =	sor.u32 s2, s18;
	v7 =	vsel vm4, v13, v7;
	v8 =	vsel vm6, v52, v8;
	vm7 =	vgt.f32 v53, v10  }
0x2e0: {  	v59 =	vld [tilespmem:s15+$0x0];
	v61 =	vsel vm4, $0x41B00000, v6;
	v12 =	vsel vm6, $0x41B00000, v12;
	vm9 =	vgt.f32 v11, v7  }
0x2e1: {  	s13 =	sor.u32 s29, s18;
	v13 =	vld [tilespmem:s10+$0x0];
	vm5 =	vgt.f32 v15, v8;
	v10 =	vsel vm7, v53, v10;
	v9 =	vsel vm7, $0x41B00000, v9  }
0x2e2: {  	s14 =	sor.u32 s25, s18;
	v7 =	vsel vm9, v11, v7;
	v8 =	vsel vm5, v15, v8;
	v11 =	vld [tilespmem:s13+$0x0];
	vm1 =	vgt.f32 v54, v10  }
0x2e3: {  	s18 =	sor.u32 s2, s26;
	v15 =	vld [tilespmem:s14+$0x0];
	v19 =	vsel vm9, $0x41B80000, v61;
	v63 =	vsel vm5, $0x41B80000, v12;
	vm8 =	vgt.f32 v14, v7  }
0x2e4: {  	s22 =	sld [smem:$0x7D2];
	s16 =	sor.u32 s29, s26;
	s26 =	sor.u32 s2, s1;
	v62 =	vld [tilespmem:s18+$0x0];
	vm0 =	vgt.f32 v55, v8;
	v10 =	vsel vm1, v54, v10;
	v12 =	vsel vm1, $0x41B80000, v9  }
0x2e5: {  	[tilespmem:s31+$0xFC00] =	vst v3;
	v3 =	vld [tilespmem:s26+$0x0];
	v7 =	vsel vm8, v14, v7;
	v8 =	vsel vm0, v55, v8;
	vm13 =	vgt.f32 v56, v10  }
0x2e6: {  	s23 =	sor.u32 s29, s1;
	v14 =	vld [tilespmem:s16+$0x0];
	vm15 =	vgt.f32 v13, v7;
	v10 =	vsel vm13, v56, v10;
	vm4 =	vgt.f32 v57, v8  }
0x2e7: {  	[tilespmem:s22+$0xFC00] =	vst v1;
	s24 =	sor.u32 s25, s1;
	v1 =	vld [tilespmem:s23+$0x0];
	vm2 =	vgt.f32 v58, v10;
	v13 =	vsel vm15, v13, v7;
	v18 =	vsel vm4, v57, v8  }
0x2e8: {  	[tilespmem:s28+$0xFC00] =	vst v4;
	s19 =	sor.u32 s29, s8;
	v4 =	vld [tilespmem:s24+$0x0];
	v10 =	vsel vm2, v58, v10;
	vm3 =	vgt.f32 v11, v13;
	vm6 =	vgt.f32 v15, v18  }
0x2e9: {  	s20 =	sor.u32 s25, s8;
	v6 =	vld [tilespmem:s19+$0x0];
	vm5 =	vgt.f32 v59, v10;
	v22 =	vsel vm3, v11, v13;
	v15 =	vsel vm6, v15, v18  }
0x2ea: {  	s21 =	sor.u32 s2, s8;
	v8 =	vld [tilespmem:s20+$0x0];
	v11 =	vsel vm8, $0x41C00000, v19;
	v13 =	vsel vm0, $0x41C00000, v63;
	v17 =	vsel vm5, v59, v10  }
0x2eb: {  	[tilespmem:s30+$0xFC00] =	vst v5;
	s31 =	sor.u32 s29, s5;
	s28 =	simm.s32 $0x80;
	s16 =	simm.s32 $0xFC00;
	v7 =	vld [tilespmem:s21+$0x0];
	vm7 =	vgt.f32 v14, v22;
	vm9 =	vgt.f32 v60, v15;
	vm8 =	vgt.f32 v62, v17  }
0x2ec: {  	s26 =	simm.s32 $0x4;
	s1 =	sor.u32 s25, s5;
	s5 =	sor.u32 s2, s5;
	[tilespmem:s16+$0x0] =	vst v2;
	v2 =	vld [tilespmem:s31+$0x0];
	v9 =	vsel vm7, v14, v22;
	v10 =	vsel vm9, v60, v15;
	v5 =	vsel vm8, v62, v17  }
.LBB2_9:
0x2ed: {  	s29 =	sand.u32 $0x40, s28;
	v14 =	vld [tilespmem:s1+$0x0];
	s0 =	rddreg [dreg:$0x7];
	s1 =	sand.u32 $0x7FFFFF80, s28;
	v11 =	vsel vm15, $0x41C80000, v11  }
0x2ee: {  	v12 =	vsel vm13, $0x41C00000, v12;
	v13 =	vsel vm4, $0x41C80000, v13;
	v15 =	vld [tilespmem:s5+$0x0];
	s0 =	sadd.s32 $0x40, s0;
	s30 =	sor.u32 $0x30, s29;
	v11 =	vsel vm3, $0x41D00000, v11;
	s8 =	sadd.s32 $0x8400, s1  }
0x2ef: {  	v16 =	vld [tilespmem:s0+$0x0];
	s7 =	sor.u32 s30, s8;
	v11 =	vsel vm7, $0x41D80000, v11;
	vm0 =	vgt.f32 v6, v9;
	vm1 =	vgt.f32 v8, v10  }
0x2f0: {  	s3 =	sadd.s32 $0x8000, s1;
	s18 =	sor.u32 s30, s1;
	v17 =	vld [tilespmem:s7+$0x0];
	vm4 =	vgt.f32 v7, v5;
	v6 =	vsel vm0, v6, v9;
	v8 =	vsel vm1, v8, v10  }
0x2f1: {  	s16 =	sadd.s32 $0x40, s16;
	s2 =	sor.u32 s30, s3;
	v9 =	vsel vm2, $0x41C80000, v12;
	v10 =	vld [tilespmem:s18+$0x7C00];
	v12 =	vsel vm6, $0x41D00000, v13;
	v5 =	vsel vm4, v7, v5  }
0x2f2: {  	s6 =	sor.u32 $0x10, s29;
	s5 =	sor.u32 $0x20, s29;
	s4 =	sor.u32 s29, s3;
	v7 =	vld [tilespmem:s2+$0x0];
	vm6 =	vgt.f32 v1, v6;
	vm3 =	vgt.f32 v4, v8;
	v9 =	vsel vm5, $0x41D00000, v9  }
0x2f3: {  	s12 =	sadd.s32 $0x8800, s1;
	[dreg:$0x7] =	wrdreg s0;
	s0 =	sor.u32 s6, s1;
	v13 =	vld [tilespmem:s4+$0x0];
	v12 =	vsel vm9, $0x41D80000, v12;
	vm2 =	vgt.f32 v3, v5;
	v1 =	vsel vm6, v1, v6  }
0x2f4: {  	s13 =	sadd.s32 $0x8C00, s1;
	s21 =	sadd.s32 $0x9000, s1;
	s19 =	sor.u32 s30, s12;
	v4 =	vsel vm3, v4, v8;
	v6 =	vsel vm8, $0x41D80000, v9;
	v8 =	vld [tilespmem:s0+$0x7C00];
	v9 =	vsel vm0, $0x41E00000, v11  }
0x2f5: {  	s25 =	sadd.s32 $0x9400, s1;
	[dreg:$0xa] =	wrdreg s16;
	s24 =	sor.u32 s30, s21;
	v11 =	vsel vm1, $0x41E00000, v12;
	v3 =	vsel vm2, v3, v5;
	v5 =	vld [tilespmem:s19+$0x0];
	vm7 =	vgt.f32 v2, v1  }
0x2f6: {  	s9 =	sor.u32 s6, s3;
	s3 =	sor.u32 s5, s3;
	s10 =	sor.u32 s5, s8;
	v12 =	vld [tilespmem:s24+$0x0];
	vm5 =	vgt.f32 v14, v4;
	v1 =	vsel vm4, $0x41E00000, v6;
	v4 =	vsel vm6, $0x41E80000, v9  }
0x2f7: {  	s11 =	sor.u32 s29, s12;
	s14 =	sor.u32 s6, s12;
	s20 =	sor.u32 s30, s13;
	v2 =	vld [tilespmem:s9+$0x0];
	vm4 =	vgt.f32 v15, v3;
	v4 =	vsel vm7, $0x41F00000, v4;
	vm0 =	vgt.f32 v7, v10  }
0x2f8: {  	s15 =	sor.u32 s29, s13;
	s17 =	sor.u32 s6, s13;
	s4 =	sor.u32 s5, s1;
	v6 =	vld [tilespmem:s20+$0x0];
	vm1 =	vgt.f32 v13, v16;
	v3 =	vsel vm0, v7, v10;
	v7 =	vsel vm3, $0x41E80000, v11  }
0x2f9: {  	s23 =	sor.u32 s5, s13;
	s22 =	sor.u32 s6, s21;
	s13 =	rddreg [dreg:$0x5];
	v9 =	vsel vm1, v13, v16;
	v10 =	vsel vm1, $0x3F800000, v0;
	v11 =	vld [tilespmem:s4+$0x7C00];
	vm1 =	vgt.f32 v17, v3  }
0x2fa: {  	[dreg:$0xc] =	wrdreg s18;
	s7 =	sor.u32 s6, s8;
	s2 =	sor.u32 s29, s8;
	[tilespmem:s16+$0x0] =	vst v4;
	v13 =	vld [tilespmem:s3+$0x0];
	v4 =	vsel vm5, $0x41F00000, v7;
	v3 =	vsel vm1, v17, v3  }
0x2fb: {  	s18 =	sor.u32 s5, s12;
	s8 =	sor.u32 s30, s25;
	s12 =	sadd.s32 $0x9C00, s1;
	[tilespmem:s13+$0xFC00] =	vst v4;
	v4 =	vld [tilespmem:s2+$0x0];
	vm3 =	vgt.f32 v5, v3  }
0x2fc: {  	s19 =	sor.u32 s29, s21;
	s20 =	sor.u32 s5, s21;
	s9 =	sadd.s32 $0x9800, s1;
	v1 =	vsel vm2, $0x41E80000, v1;
	v3 =	vsel vm3, v5, v3;
	v5 =	vld [tilespmem:s8+$0x0]  }
0x2fd: {  	s21 =	sor.u32 s30, s9;
	v1 =	vsel vm4, $0x41F00000, v1;
	s16 =	smov.u32 s0;
	vm2 =	vgt.f32 v2, v8;
	s13 =	rddreg [dreg:$0x8];
	vm4 =	vgt.f32 v6, v3  }
0x2fe: {  	s0 =	sor.u32 s29, s9;
	[dreg:$0x5] =	wrdreg s16;
	s3 =	sor.u32 s5, s9;
	v2 =	vsel vm2, v2, v8;
	[tilespmem:s13+$0xFC00] =	vst v1;
	v1 =	vsel vm4, v6, v3;
	v3 =	vld [tilespmem:s21+$0x0]  }
0x2ff: {  	s16 =	smov.u32 s4;
	s4 =	sor.u32 s29, s12;
	s2 =	sor.u32 s6, s9;
	v7 =	vsel vm2, $0x3F800000, v0;
	vm2 =	vgt.f32 v13, v11;
	v6 =	vld [tilespmem:s7+$0x0];
	vm5 =	vgt.f32 v12, v1  }
0x300: {  	[dreg:$0x8] =	wrdreg s16;
	s13 =	sadd.s32 $0xA000, s1;
	s21 =	sor.u32 s30, s12;
	v11 =	vsel vm2, v13, v11;
	v13 =	vld [tilespmem:s10+$0x0];
	v1 =	vsel vm5, v12, v1  }
0x301: {  	s8 =	sor.u32 s5, s12;
	s9 =	sor.u32 s29, s13;
	s16 =	sor.u32 s6, s13;
	v8 =	vld [tilespmem:s21+$0x0];
	v12 =	vsel vm2, $0x3F800000, v0;
	vm2 =	vgt.f32 v4, v9;
	vm6 =	vgt.f32 v5, v1  }
0x302: {  	[smem:$0x7B3] =	sst s16;
	s16 =	sadd.s32 $0xA400, s1;
	s21 =	sor.u32 s30, s13;
	v4 =	vsel vm2, v4, v9;
	v9 =	vsel vm2, $0x40000000, v10;
	v10 =	vld [tilespmem:s11+$0x0];
	v1 =	vsel vm6, v5, v1  }
0x303: {  	s10 =	sor.u32 s5, s13;
	s13 =	sor.u32 s6, s16;
	v5 =	vld [tilespmem:s21+$0x0];
	s21 =	sor.u32 s30, s16;
	vm7 =	vgt.f32 v3, v1  }
0x304: {  	s7 =	sor.u32 s6, s12;
	s12 =	sadd.s32 $0xA800, s1;
	[smem:$0x7B4] =	sst s13;
	vm2 =	vgt.f32 v6, v2;
	v1 =	vsel vm7, v3, v1;
	v3 =	vld [tilespmem:s21+$0x0]  }
0x305: {  	s13 =	sor.u32 s29, s12;
	v2 =	vsel vm2, v6, v2;
	v6 =	vsel vm2, $0x40000000, v7;
	v7 =	vld [tilespmem:s14+$0x0];
	s21 =	sor.u32 s6, s12;
	s14 =	sor.u32 s30, s12  }
0x306: {  	s12 =	sor.u32 s5, s12;
	[smem:$0x7B5] =	sst s21;
	vm8 =	vgt.f32 v8, v1;
	s21 =	sadd.s32 $0xAC00, s1  }
0x307: {  	[smem:$0x7B6] =	sst s12;
	v1 =	vsel vm8, v8, v1;
	v8 =	vld [tilespmem:s14+$0x0];
	s14 =	sor.u32 s29, s21  }
0x308: {  	[smem:$0x7B7] =	sst s14;
	s14 =	sor.u32 s6, s21  }
0x309: {  	vm2 =	vgt.f32 v13, v11;
	s12 =	sor.u32 s30, s21;
	s21 =	sor.u32 s5, s21;
	[smem:$0x7B8] =	sst s14  }
0x30a: {  	v11 =	vsel vm2, v13, v11;
	v12 =	vsel vm2, $0x40000000, v12;
	v13 =	vld [tilespmem:s18+$0x0];
	vm2 =	vgt.f32 v10, v4;
	s14 =	sadd.s32 $0xB000, s1;
	[smem:$0x7B9] =	sst s21  }
0x30b: {  	v4 =	vsel vm2, v10, v4;
	v10 =	vld [tilespmem:s15+$0x0];
	s15 =	sor.u32 s29, s14;
	s21 =	sor.u32 s6, s14;
	s18 =	sor.u32 s30, s14  }
0x30c: {  	vm9 =	vgt.f32 v5, v1;
	s14 =	sor.u32 s5, s14;
	[smem:$0x7BA] =	sst s21;
	s21 =	sadd.s32 $0xB400, s1  }
0x30d: {  	v9 =	vsel vm2, $0x40400000, v9;
	v1 =	vsel vm9, v5, v1;
	v5 =	vld [tilespmem:s12+$0x0];
	vm2 =	vgt.f32 v7, v2;
	[smem:$0x7BB] =	sst s14;
	s14 =	sor.u32 s29, s21  }
0x30e: {  	v2 =	vsel vm2, v7, v2;
	v7 =	vld [tilespmem:s17+$0x0];
	s17 =	sor.u32 s6, s21;
	s12 =	sor.u32 s30, s21;
	[smem:$0x7BC] =	sst s14  }
0x30f: {  	vm10 =	vgt.f32 v3, v1;
	s21 =	sor.u32 s5, s21;
	[smem:$0x7BD] =	sst s17;
	s14 =	sadd.s32 $0xB800, s1  }
0x310: {  	v1 =	vsel vm10, v3, v1;
	v3 =	vld [tilespmem:s18+$0x0];
	[smem:$0x7BE] =	sst s21;
	s18 =	sor.u32 s29, s14  }
0x311: {  	v6 =	vsel vm2, $0x40400000, v6;
	vm2 =	vgt.f32 v13, v11;
	vm11 =	vgt.f32 v8, v1;
	s21 =	sor.u32 s6, s14;
	[smem:$0x7BF] =	sst s18  }
0x312: {  	v11 =	vsel vm2, v13, v11;
	v13 =	vld [tilespmem:s23+$0x0];
	v1 =	vsel vm11, v8, v1;
	s23 =	sor.u32 s30, s14;
	s14 =	sor.u32 s5, s14;
	[smem:$0x7C0] =	sst s21  }
0x313: {  	s31 =	sor.u32 s29, s25;
	v12 =	vsel vm2, $0x40400000, v12;
	v8 =	vld [tilespmem:s12+$0x0];
	vm2 =	vgt.f32 v10, v4;
	s17 =	sadd.s32 $0xBC00, s1;
	vm12 =	vgt.f32 v5, v1;
	[smem:$0x7C1] =	sst s14  }
0x314: {  	v5 =	vsel vm12, v5, v1;
	v1 =	vsel vm2, $0x40800000, v9;
	v9 =	vld [tilespmem:s19+$0x0];
	s19 =	sor.u32 s29, s17;
	s18 =	sor.u32 s6, s17;
	s21 =	sor.u32 s30, s17  }
0x315: {  	v14 =	vld [tilespmem:s23+$0x0];
	s23 =	sadd.s32 $0xC000, s1;
	s17 =	sor.u32 s5, s17;
	[smem:$0x7C2] =	sst s18  }
0x316: {  	s24 =	sor.u32 s6, s25;
	[smem:$0x7C3] =	sst s17;
	s17 =	sor.u32 s29, s23  }
0x317: {  	s25 =	sor.u32 s5, s25;
	vm13 =	vgt.f32 v3, v5;
	s18 =	sor.u32 s6, s23;
	[smem:$0x7C4] =	sst s17  }
0x318: {  	s12 =	sadd.s32 $0xD800, s1;
	v4 =	vsel vm2, v10, v4;
	vm2 =	vgt.f32 v7, v2;
	s14 =	sor.u32 s5, s23;
	v3 =	vsel vm13, v3, v5;
	v5 =	vld [tilespmem:s21+$0x0];
	[smem:$0x7C5] =	sst s18  }
0x319: {  	v7 =	vsel vm2, v7, v2;
	v2 =	vsel vm2, $0x40800000, v6;
	v6 =	vld [tilespmem:s22+$0x0];
	s21 =	sor.u32 s30, s23;
	s22 =	sadd.s32 $0xC400, s1;
	vm2 =	vgt.f32 v13, v11;
	[smem:$0x7C6] =	sst s14  }
0x31a: {  	s18 =	sadd.s32 $0xC800, s1;
	vm14 =	vgt.f32 v8, v3;
	v10 =	vld [tilespmem:s21+$0x0];
	s23 =	sor.u32 s29, s22;
	s21 =	sor.u32 s6, s22;
	v11 =	vsel vm2, v13, v11;
	v13 =	vimm.s32 $0x0  }
0x31b: {  	s14 =	sor.u32 s30, s22;
	s17 =	sor.u32 s5, s22;
	v8 =	vsel vm14, v8, v3;
	[smem:$0x7C7] =	sst s23;
	v3 =	vsel vm2, $0x40800000, v12;
	v12 =	vld [tilespmem:s20+$0x0];
	vm2 =	vgt.f32 v9, v4  }
0x31c: {  	v15 =	vimm.s32 $0x0;
	s22 =	sor.u32 s30, s18;
	[dreg:$0x1e] =	wrdreg s17;
	s20 =	sor.u32 s29, s18;
	vm15 =	vgt.f32 v14, v8;
	v13 =	vsel vm2, $0xFFFFFFFF, v13  }
0x31d: {  	s23 =	sadd.s32 $0xCC00, s1;
	[smem:$0x7C8] =	sst s20;
	s20 =	sor.u32 s6, s18;
	v8 =	vsel vm15, v14, v8;
	v4 =	vsel vm2, v9, v4;
	v9 =	vld [tilespmem:s31+$0x0];
	v14 =	vsel vm0, $0x3F800000, v0  }
0x31e: {  	s17 =	sor.u32 s5, s23;
	s31 =	sor.u32 s5, s18;
	[tilespmem:$0x1FDB0] =	vst v13;
	v13 =	vld [tilespmem:s14+$0x0];
	vm2 =	vgt.f32 v5, v8;
	vm0 =	vgt.f32 v6, v7;
	v14 =	vsel vm1, $0x40000000, v14;
	s14 =	sor.u32 s29, s23  }
0x31f: {  	s18 =	sor.u32 s30, s23;
	v15 =	vsel vm0, $0xFFFFFFFF, v15;
	v5 =	vsel vm2, v5, v8;
	[smem:$0x7C9] =	sst s14;
	v6 =	vsel vm0, v6, v7;
	v7 =	vld [tilespmem:s24+$0x0];
	s14 =	sadd.s32 $0xD000, s1  }
0x320: {  	[dreg:$0x15] =	wrdreg s17;
	v8 =	vld [tilespmem:s22+$0x0];
	s22 =	sor.u32 s6, s23;
	v14 =	vsel vm3, $0x40400000, v14;
	vm1 =	vgt.f32 v10, v5;
	vm0 =	vgt.f32 v12, v11;
	s23 =	sor.u32 s29, s14  }
0x321: {  	s17 =	sadd.s32 $0xD400, s1;
	[tilespmem:$0x1FDC0] =	vst v15;
	v15 =	vimm.s32 $0x0;
	v14 =	vsel vm4, $0x40800000, v14;
	s24 =	sor.u32 s30, s14;
	v5 =	vsel vm1, v10, v5;
	v10 =	vld [tilespmem:s18+$0x0];
	[smem:$0x7CA] =	sst s23  }
0x322: {  	v15 =	vsel vm0, $0xFFFFFFFF, v15;
	s18 =	sor.u32 s6, s14;
	v11 =	vsel vm0, v12, v11;
	v12 =	vld [tilespmem:s25+$0x0];
	s25 =	sor.u32 s5, s14;
	s23 =	sor.u32 s29, s17;
	vm3 =	vgt.f32 v9, v4  }
0x323: {  	v14 =	vsel vm5, $0x40A00000, v14;
	s14 =	sor.u32 s6, s17;
	[smem:$0x7CB] =	sst s23;
	s23 =	sor.u32 s29, s12;
	vm0 =	vgt.f32 v13, v5;
	v4 =	vsel vm3, v9, v4;
	v9 =	vld [tilespmem:s0+$0x0]  }
0x324: {  	v14 =	vsel vm6, $0x40C00000, v14;
	[smem:$0x7CC] =	sst s23;
	v5 =	vsel vm0, v13, v5;
	v13 =	vld [tilespmem:s24+$0x0];
	s24 =	sor.u32 s30, s17;
	vm4 =	vgt.f32 v7, v6;
	s17 =	sor.u32 s5, s17  }
0x325: {  	v14 =	vsel vm7, $0x40E00000, v14;
	vm6 =	vgt.f32 v8, v5;
	[dreg:$0x16] =	wrdreg s17;
	v6 =	vsel vm4, v7, v6;
	v7 =	vld [tilespmem:s2+$0x0];
	s17 =	sor.u32 s6, s12  }
0x326: {  	[tilespmem:$0x1FDD0] =	vst v15;
	v15 =	vimm.s32 $0x0;
	v14 =	vsel vm8, $0x41000000, v14;
	s2 =	sadd.s32 $0xDC00, s1;
	v5 =	vsel vm6, v8, v5;
	v8 =	vld [tilespmem:s24+$0x0];
	s24 =	sor.u32 s30, s12;
	s12 =	sor.u32 s5, s12  }
0x327: {  	v15 =	vsel vm4, $0xFFFFFFFF, v15;
	v14 =	vsel vm9, $0x41100000, v14;
	vm4 =	vgt.f32 v12, v11;
	[dreg:$0x17] =	wrdreg s12;
	s12 =	sor.u32 s29, s2  }
0x328: {  	v14 =	vsel vm10, $0x41200000, v14;
	s23 =	sor.u32 s30, s2;
	vm7 =	vgt.f32 v10, v5;
	v11 =	vsel vm4, v12, v11;
	v12 =	vld [tilespmem:s3+$0x0];
	[smem:$0x7CD] =	sst s12  }
0x329: {  	v14 =	vsel vm11, $0x41300000, v14;
	v5 =	vsel vm7, v10, v5;
	v10 =	vld [tilespmem:s24+$0x0];
	s12 =	sor.u32 s6, s2;
	vm11 =	vgt.f32 v9, v4;
	s24 =	sadd.s32 $0xE000, s1;
	s2 =	sor.u32 s5, s2  }
0x32a: {  	vm9 =	vgt.f32 v13, v5;
	[dreg:$0x18] =	wrdreg s2;
	v4 =	vsel vm11, v9, v4;
	v9 =	vld [tilespmem:s4+$0x0];
	s2 =	sor.u32 s29, s24;
	s4 =	sor.u32 s30, s24  }
0x32b: {  	v14 =	vsel vm12, $0x41400000, v14;
	s3 =	sor.u32 s5, s24;
	v5 =	vsel vm9, v13, v5;
	v13 =	vld [tilespmem:s23+$0x0];
	[smem:$0x7CE] =	sst s2;
	s2 =	sadd.s32 $0xE400, s1;
	vm12 =	vgt.f32 v7, v6  }
0x32c: {  	v14 =	vsel vm13, $0x41500000, v14;
	s23 =	sor.u32 s6, s24;
	[dreg:$0x19] =	wrdreg s3;
	vm10 =	vgt.f32 v8, v5;
	s24 =	sor.u32 s29, s2;
	v6 =	vsel vm12, v7, v6;
	v7 =	vld [tilespmem:s7+$0x0]  }
0x32d: {  	v14 =	vsel vm14, $0x41600000, v14;
	s3 =	sor.u32 s30, s2;
	v5 =	vsel vm10, v8, v5;
	v8 =	vld [tilespmem:s4+$0x0];
	[smem:$0x7CF] =	sst s24;
	vm5 =	vgt.f32 v12, v11  }
0x32e: {  	v14 =	vsel vm15, $0x41700000, v14;
	s24 =	sor.u32 s6, s2;
	s4 =	sadd.s32 $0xE800, s1;
	s2 =	sor.u32 s5, s2;
	vm14 =	vgt.f32 v10, v5;
	v11 =	vsel vm5, v12, v11;
	v12 =	vld [tilespmem:s8+$0x0]  }
0x32f: {  	v14 =	vsel vm2, $0x41800000, v14;
	[dreg:$0x1a] =	wrdreg s2;
	s7 =	sor.u32 s29, s4;
	v5 =	vsel vm14, v10, v5;
	v10 =	vld [tilespmem:s3+$0x0]  }
0x330: {  	v14 =	vsel vm1, $0x41880000, v14;
	s8 =	sor.u32 s30, s4;
	s2 =	sadd.s32 $0xEC00, s1;
	[smem:$0x7D0] =	sst s7;
	vm2 =	vgt.f32 v13, v5  }
0x331: {  	s7 =	sor.u32 s6, s4;
	vm13 =	vgt.f32 v9, v4;
	s3 =	sor.u32 s5, s4;
	v14 =	vsel vm0, $0x41900000, v14;
	s0 =	sor.u32 s29, s2;
	v5 =	vsel vm2, v13, v5;
	v13 =	vld [tilespmem:s8+$0x0]  }
0x332: {  	s4 =	sadd.s32 $0xF000, s1;
	[dreg:$0x1b] =	wrdreg s3;
	v4 =	vsel vm13, v9, v4;
	v9 =	vld [tilespmem:s9+$0x0];
	v14 =	vsel vm6, $0x41980000, v14;
	s9 =	sor.u32 s30, s2;
	vm6 =	vgt.f32 v8, v5  }
0x333: {  	s8 =	sor.u32 s6, s2;
	s2 =	sor.u32 s5, s2;
	v5 =	vsel vm6, v8, v5;
	v8 =	vld [tilespmem:s9+$0x0];
	s9 =	sld [smem:$0x7B3];
	vm0 =	vgt.f32 v12, v11  }
0x334: {  	s3 =	sor.u32 s29, s4;
	v14 =	vsel vm7, $0x41A00000, v14;
	[dreg:$0x1c] =	wrdreg s2;
	s2 =	sor.u32 s30, s4;
	vm7 =	vgt.f32 v10, v5;
	v11 =	vsel vm0, v12, v11;
	v12 =	vld [tilespmem:s10+$0x0]  }
0x335: {  	vm8 =	vgt.f32 v7, v6;
	[smem:$0x7D1] =	sst s3;
	s3 =	sadd.s32 $0xF400, s1;
	v14 =	vsel vm9, $0x41A80000, v14;
	v5 =	vsel vm7, v10, v5;
	v10 =	vld [tilespmem:s2+$0x0]  }
0x336: {  	v6 =	vsel vm8, v7, v6;
	v14 =	vsel vm10, $0x41B00000, v14;
	s10 =	sor.u32 s30, s3;
	s30 =	sld [smem:$0x7B4];
	v7 =	vld [tilespmem:s9+$0x0];
	vm10 =	vgt.f32 v13, v5  }
0x337: {  	s11 =	sor.u32 s29, s16;
	v14 =	vsel vm14, $0x41B80000, v14;
	vm1 =	vgt.f32 v9, v4;
	v5 =	vsel vm10, v13, v5;
	v13 =	vld [tilespmem:s10+$0x0]  }
0x338: {  	v14 =	vsel vm2, $0x41C00000, v14;
	v4 =	vsel vm1, v9, v4;
	v9 =	vld [tilespmem:s11+$0x0];
	vm2 =	vgt.f32 v8, v5  }
0x339: {  	s16 =	sor.u32 s5, s16;
	[tilespmem:$0x1FDE0] =	vst v15;
	v14 =	vsel vm6, $0x41C80000, v14;
	v15 =	vld [tilespmem:s30+$0x0];
	v5 =	vsel vm2, v8, v5;
	vm6 =	vgt.f32 v12, v11  }
0x33a: {  	s29 =	sor.u32 s29, s3;
	s1 =	sor.u32 s6, s3;
	s9 =	sor.u32 s6, s4;
	v14 =	vsel vm7, $0x41D00000, v14;
	vm7 =	vgt.f32 v10, v5;
	v11 =	vsel vm6, v12, v11;
	v12 =	vld [tilespmem:$0x1FDC0]  }
0x33b: {  	s4 =	sor.u32 s5, s4;
	s5 =	sor.u32 s5, s3;
	s3 =	sld [smem:$0x7B5];
	v8 =	vsel vm10, $0x41D80000, v14;
	v14 =	vld [tilespmem:s13+$0x0];
	v5 =	vsel vm7, v10, v5  }
0x33c: {  	v8 =	vsel vm2, $0x41E00000, v8;
	vm9 =	vgt.f32 v7, v6;
	vm2 =	vgt.f32 v13, v5;
	v5 =	vld [tilespmem:$0x1FDB0]  }
0x33d: {  	s13 =	sld [smem:$0x7B8];
	v6 =	vsel vm9, v7, v6;
	v7 =	vld [tilespmem:s16+$0x0]  }
0x33e: {  	v10 =	vld [tilespmem:s3+$0x0];
	v8 =	vsel vm7, $0x41E80000, v8  }
0x33f: {  	s11 =	rddreg [dreg:$0xc];
	v8 =	vsel vm2, $0x41F00000, v8;
	vm2 =	vnez.u8 v12;
	v12 =	vld [tilespmem:$0x1FDD0]  }
0x340: {  	s6 =	sld [smem:$0x7B6];
	[tilespmem:s11+$0xFC00] =	vst v8;
	v8 =	vld [tilespmem:s13+$0x0];
	v2 =	vsel vm2, $0x40A00000, v2;
	vm2 =	vgt.f32 v15, v6  }
0x341: {  	s10 =	sld [smem:$0x7B7];
	v13 =	vld [tilespmem:$0x1FDE0];
	vm7 =	vnez.u8 v5;
	v6 =	vsel vm2, v15, v6  }
0x342: {  	s30 =	sld [smem:$0x7B9];
	vm15 =	vgt.f32 v7, v11;
	v1 =	vsel vm7, $0x40A00000, v1;
	vm7 =	vgt.f32 v9, v4  }
0x343: {  	s3 =	sld [smem:$0x7BA];
	v5 =	vld [tilespmem:s6+$0x0];
	v7 =	vsel vm15, v7, v11;
	vm14 =	vgt.f32 v10, v6;
	v4 =	vsel vm7, v9, v4  }
0x344: {  	v9 =	vld [tilespmem:s10+$0x0];
	v1 =	vsel vm3, $0x40C00000, v1;
	v6 =	vsel vm14, v10, v6;
	vm10 =	vnez.u8 v12  }
0x345: {  	s11 =	sld [smem:$0x7BD];
	v11 =	vld [tilespmem:s30+$0x0];
	vm3 =	vgt.f32 v14, v4;
	v1 =	vsel vm11, $0x40E00000, v1;
	vm11 =	vgt.f32 v8, v6  }
0x346: {  	s6 =	sld [smem:$0x7BB];
	v10 =	vld [tilespmem:s3+$0x0];
	v3 =	vsel vm10, $0x40A00000, v3;
	v4 =	vsel vm3, v14, v4;
	vm10 =	vnez.u8 v13  }
0x347: {  	s10 =	sld [smem:$0x7BC];
	v12 =	vld [tilespmem:s15+$0x0];
	v6 =	vsel vm11, v8, v6;
	v1 =	vsel vm13, $0x41000000, v1;
	v13 =	vimm.s32 $0x0  }
0x348: {  	s13 =	sld [smem:$0x7BE];
	v8 =	vld [tilespmem:s11+$0x0];
	v2 =	vsel vm10, $0x40C00000, v2;
	v3 =	vsel vm4, $0x40C00000, v3;
	vm10 =	vgt.f32 v5, v7  }
0x349: {  	s30 =	sld [smem:$0x7C0];
	v1 =	vsel vm1, $0x41100000, v1;
	v5 =	vsel vm10, v5, v7;
	v7 =	vld [tilespmem:s6+$0x0];
	vm4 =	vgt.f32 v9, v4  }
0x34a: {  	s15 =	sld [smem:$0x7BF];
	v2 =	vsel vm12, $0x40E00000, v2;
	vm12 =	vgt.f32 v11, v5;
	v4 =	vsel vm4, v9, v4;
	v9 =	vld [tilespmem:s10+$0x0]  }
0x34b: {  	s6 =	sld [smem:$0x7C2];
	v2 =	vsel vm8, $0x41000000, v2;
	vm8 =	vgt.f32 v10, v6;
	v5 =	vsel vm12, v11, v5;
	v11 =	vld [tilespmem:s13+$0x0]  }
0x34c: {  	s3 =	sld [smem:$0x7C1];
	v3 =	vsel vm5, $0x40E00000, v3;
	v6 =	vsel vm8, v10, v6;
	v10 =	vld [tilespmem:s30+$0x0];
	vm5 =	vgt.f32 v12, v4  }
0x34d: {  	v2 =	vsel vm9, $0x41100000, v2;
	vm9 =	vgt.f32 v8, v6;
	v4 =	vsel vm5, v12, v4;
	v12 =	vld [tilespmem:s15+$0x0]  }
0x34e: {  	v1 =	vsel vm7, $0x41200000, v1;
	s10 =	sld [smem:$0x7C3];
	v6 =	vsel vm9, v8, v6;
	v8 =	vld [tilespmem:s6+$0x0];
	vm13 =	vgt.f32 v7, v5  }
0x34f: {  	v3 =	vsel vm0, $0x41000000, v3;
	s13 =	sld [smem:$0x7C5];
	v5 =	vsel vm13, v7, v5;
	v7 =	vld [tilespmem:s3+$0x0];
	vm0 =	vgt.f32 v9, v4  }
0x350: {  	s11 =	sld [smem:$0x7C4];
	v3 =	vsel vm6, $0x41100000, v3;
	vm6 =	vgt.f32 v11, v5;
	v4 =	vsel vm0, v9, v4;
	v9 =	vld [tilespmem:s19+$0x0]  }
0x351: {  	v13 =	vsel vm6, $0xFFFFFFFF, v13;
	v5 =	vsel vm6, v11, v5;
	v11 =	vld [tilespmem:s10+$0x0];
	vm6 =	vgt.f32 v10, v6  }
0x352: {  	v1 =	vsel vm3, $0x41300000, v1;
	s15 =	sld [smem:$0x7C6];
	vm1 =	vgt.f32 v12, v4;
	v6 =	vsel vm6, v10, v6;
	v10 =	vld [tilespmem:s13+$0x0]  }
0x353: {  	v1 =	vsel vm4, $0x41400000, v1;
	[tilespmem:$0x1FDF0] =	vst v13;
	v4 =	vsel vm1, v12, v4;
	v12 =	vld [tilespmem:s11+$0x0]  }
0x354: {  	v2 =	vsel vm2, $0x41200000, v2;
	v3 =	vsel vm15, $0x41200000, v3;
	v13 =	vld [tilespmem:$0x1FDF0];
	vm15 =	vgt.f32 v7, v5  }
0x355: {  	s30 =	rddreg [dreg:$0x1e];
	v2 =	vsel vm14, $0x41300000, v2;
	vm7 =	vgt.f32 v8, v6;
	v5 =	vsel vm15, v7, v5;
	v7 =	vld [tilespmem:s15+$0x0]  }
0x356: {  	v3 =	vsel vm10, $0x41300000, v3;
	s19 =	sld [smem:$0x7C7];
	v6 =	vsel vm7, v8, v6;
	v8 =	vld [tilespmem:s21+$0x0];
	vm14 =	vgt.f32 v11, v5  }
0x357: {  	s3 =	sld [smem:$0x7C8];
	vm2 =	vgt.f32 v9, v4;
	v5 =	vsel vm14, v11, v5;
	v11 =	vld [tilespmem:s30+$0x0];
	vm10 =	vgt.f32 v10, v6  }
0x358: {  	v1 =	vsel vm5, $0x41500000, v1;
	v4 =	vsel vm2, v9, v4;
	v6 =	vsel vm10, v10, v6;
	v10 =	vld [tilespmem:s20+$0x0]  }
0x359: {  	v2 =	vsel vm11, $0x41400000, v2;
	v3 =	vsel vm12, $0x41400000, v3;
	v9 =	vld [tilespmem:s19+$0x0];
	vm3 =	vgt.f32 v12, v4  }
0x35a: {  	v2 =	vsel vm8, $0x41500000, v2;
	v4 =	vsel vm3, v12, v4;
	v12 =	vld [tilespmem:s3+$0x0];
	vm11 =	vgt.f32 v7, v5  }
0x35b: {  	s6 =	sld [smem:$0x7C9];
	v3 =	vsel vm13, $0x41500000, v3;
	vm8 =	vgt.f32 v8, v6;
	v5 =	vsel vm11, v7, v5;
	v7 =	vld [tilespmem:s31+$0x0]  }
0x35c: {  	v2 =	vsel vm9, $0x41600000, v2;
	s10 =	rddreg [dreg:$0x15];
	v6 =	vsel vm8, v8, v6;
	v8 =	vld [tilespmem:s22+$0x0];
	vm12 =	vgt.f32 v11, v5  }
0x35d: {  	v1 =	vsel vm0, $0x41600000, v1;
	v5 =	vsel vm12, v11, v5;
	v11 =	vld [tilespmem:s10+$0x0];
	vm9 =	vgt.f32 v10, v6  }
0x35e: {  	s11 =	sld [smem:$0x7CA];
	v1 =	vsel vm1, $0x41700000, v1;
	vm4 =	vgt.f32 v9, v4;
	v6 =	vsel vm9, v10, v6;
	v10 =	vld [tilespmem:s18+$0x0]  }
0x35f: {  	v2 =	vsel vm6, $0x41700000, v2;
	v1 =	vsel vm2, $0x41800000, v1;
	v4 =	vsel vm4, v9, v4;
	v9 =	vld [tilespmem:s6+$0x0]  }
0x360: {  	vm5 =	vnez.u8 v13;
	vm0 =	vgt.f32 v12, v4;
	vm13 =	vgt.f32 v7, v5  }
0x361: {  	v4 =	vsel vm0, v12, v4;
	v12 =	vld [tilespmem:s11+$0x0];
	vm6 =	vgt.f32 v8, v6;
	v5 =	vsel vm13, v7, v5  }
0x362: {  	s13 =	sld [smem:$0x7CB];
	v3 =	vsel vm5, $0x41600000, v3;
	v6 =	vsel vm6, v8, v6;
	v8 =	vld [tilespmem:s14+$0x0];
	vm5 =	vgt.f32 v11, v5  }
0x363: {  	v7 =	vld [tilespmem:s25+$0x0];
	v5 =	vsel vm5, v11, v5;
	vm2 =	vmmov vm5;
	vm5 =	vgt.f32 v10, v6  }
0x364: {  	v2 =	vsel vm7, $0x41800000, v2;
	vm1 =	vgt.f32 v9, v4;
	v6 =	vsel vm5, v10, v6;
	v10 =	vld [tilespmem:s17+$0x0]  }
0x365: {  	s15 =	sld [smem:$0x7CC];
	v13 =	vimm.s32 $0x0;
	v2 =	vsel vm10, $0x41880000, v2;
	v4 =	vsel vm1, v9, v4;
	v9 =	vld [tilespmem:s13+$0x0]  }
0x366: {  	v1 =	vsel vm3, $0x41880000, v1;
	v3 =	vsel vm15, $0x41700000, v3;
	v2 =	vsel vm8, $0x41900000, v2;
	s14 =	rddreg [dreg:$0x16]  }
0x367: {  	v3 =	vsel vm14, $0x41800000, v3;
	v13 =	vsel vm1, $0xFFFFFFFF, v13;
	v11 =	vld [tilespmem:s14+$0x0];
	vm7 =	vgt.f32 v8, v6  }
0x368: {  	s18 =	sld [smem:$0x7CD];
	[tilespmem:$0x1FE00] =	vst v13;
	vm1 =	vgt.f32 v12, v4;
	v13 =	vimm.s32 $0x0;
	v6 =	vsel vm7, v8, v6;
	v8 =	vld [tilespmem:s12+$0x0]  }
0x369: {  	v13 =	vsel vm1, $0xFFFFFFFF, v13;
	v4 =	vsel vm1, v12, v4;
	v12 =	vld [tilespmem:s15+$0x0];
	vm8 =	vgt.f32 v10, v6  }
0x36a: {  	s19 =	rddreg [dreg:$0x18];
	vm14 =	vgt.f32 v7, v5;
	vm1 =	vgt.f32 v9, v4;
	v6 =	vsel vm8, v10, v6;
	v10 =	vld [tilespmem:s23+$0x0]  }
0x36b: {  	v1 =	vsel vm4, $0x41900000, v1;
	s17 =	rddreg [dreg:$0x17];
	v5 =	vsel vm14, v7, v5;
	v4 =	vsel vm1, v9, v4;
	v9 =	vld [tilespmem:s18+$0x0]  }
0x36c: {  	s20 =	sld [smem:$0x7CE];
	v1 =	vsel vm0, $0x41980000, v1;
	[tilespmem:$0x1FE10] =	vst v13;
	v13 =	vimm.s32 $0x0;
	v7 =	vld [tilespmem:s17+$0x0];
	vm10 =	vgt.f32 v11, v5  }
0x36d: {  	v13 =	vsel vm1, $0xFFFFFFFF, v13;
	v5 =	vsel vm10, v11, v5;
	v11 =	vld [tilespmem:s19+$0x0];
	vm0 =	vgt.f32 v8, v6  }
0x36e: {  	s22 =	sld [smem:$0x7CF];
	v3 =	vsel vm11, $0x41880000, v3;
	[tilespmem:$0x1FE20] =	vst v13;
	vm11 =	vgt.f32 v12, v4;
	v13 =	vld [tilespmem:$0x1FE00];
	v6 =	vsel vm0, v8, v6  }
0x36f: {  	v4 =	vsel vm11, v12, v4;
	v12 =	vld [tilespmem:s20+$0x0];
	vm4 =	vgt.f32 v10, v6  }
0x370: {  	v3 =	vsel vm12, $0x41900000, v3;
	vm12 =	vgt.f32 v9, v4;
	v10 =	vsel vm4, v10, v6;
	v6 =	vld [tilespmem:$0x1FE10]  }
0x371: {  	s21 =	rddreg [dreg:$0x19];
	vm1 =	vgt.f32 v7, v5;
	v4 =	vsel vm12, v9, v4;
	v9 =	vld [tilespmem:s22+$0x0]  }
0x372: {  	v2 =	vsel vm9, $0x41980000, v2;
	s25 =	rddreg [dreg:$0x1b];
	v8 =	vld [tilespmem:s24+$0x0];
	v5 =	vsel vm1, v7, v5  }
0x373: {  	v2 =	vsel vm6, $0x41A00000, v2;
	v3 =	vsel vm13, $0x41980000, v3;
	s24 =	sld [smem:$0x7D0];
	v7 =	vld [tilespmem:s21+$0x0];
	vm13 =	vgt.f32 v11, v5  }
0x374: {  	v14 =	vld [tilespmem:s25+$0x0];
	s23 =	rddreg [dreg:$0x1a];
	vm3 =	vnez.u8 v13;
	v5 =	vsel vm13, v11, v5;
	vm15 =	vgt.f32 v12, v4  }
0x375: {  	v11 =	vld [tilespmem:s23+$0x0];
	v1 =	vsel vm3, $0x41A00000, v1;
	v4 =	vsel vm15, v12, v4;
	vm3 =	vnez.u8 v6  }
0x376: {  	v2 =	vsel vm5, $0x41A80000, v2;
	v12 =	vld [tilespmem:s24+$0x0];
	v1 =	vsel vm3, $0x41A80000, v1;
	vm3 =	vgt.f32 v9, v4  }
0x377: {  	v2 =	vsel vm7, $0x41B00000, v2;
	v9 =	vsel vm3, v9, v4;
	v4 =	vld [tilespmem:$0x1FE20]  }
0x378: {  	v3 =	vsel vm2, $0x41A00000, v3;
	v15 =	vsel vm8, $0x41B80000, v2;
	v2 =	vld [tilespmem:s29+$0x0];
	vm2 =	vgt.f32 v7, v5  }
0x379: {  	s26 =	sadd.s32 $0x4, s26;
	v13 =	vld [tilespmem:s7+$0x0];
	vm6 =	vgt.f32 v8, v10;
	v5 =	vsel vm2, v7, v5  }
0x37a: {  	p0 =	slt.u32 s26, $0x3C;
	s30 =	rddreg [dreg:$0x1c];
	v3 =	vsel vm14, $0x41A80000, v3;
	v10 =	vsel vm6, v8, v10;
	v8 =	vld [tilespmem:s8+$0x0];
	vm5 =	vgt.f32 v11, v5  }
.Ltmp6:
0x37b: {  	s31 =	sld [smem:$0x7D1];
	v3 =	vsel vm10, $0x41B00000, v3;
	v7 =	vld [tilespmem:s30+$0x0];
	v5 =	vsel vm5, v11, v5;
	(pc) =	sbr.rel @p0 .LBB2_9-.Ltmp6, $4  }
0x37c: {  	v6 =	vld [tilespmem:s0+$0x0];
	vm8 =	vgt.f32 v14, v5;
	vm7 =	vgt.f32 v12, v9;
	vm9 =	vnez.u8 v4  }
0x37d: {  	v9 =	vsel vm7, v12, v9;
	v12 =	vsel vm1, $0x41B80000, v3;
	v3 =	vld [tilespmem:s4+$0x0];
	v4 =	vsel vm9, $0x41B00000, v1  }
0x37e: {  	v5 =	vsel vm8, v14, v5;
	v1 =	vld [tilespmem:s31+$0x0];
	vm9 =	vgt.f32 v13, v10;
	v11 =	vsel vm11, $0x41B80000, v4  }
0x37f: {  	s28 =	sadd.s32 $0x40, s28;
	s16 =	rddreg [dreg:$0xa];
	v4 =	vld [tilespmem:s9+$0x0];
	v10 =	vsel vm9, v13, v10;
	v13 =	vsel vm0, $0x41C00000, v15;
	v11 =	vsel vm12, $0x41C00000, v11  }
0x380: {  	vm1 =	vgt.f32 v8, v10  }
0x381: {  	v12 =	vsel vm13, $0x41C00000, v12;
	v11 =	vsel vm15, $0x41C80000, v11;
	v13 =	vsel vm4, $0x41C80000, v13  }
0x382: {  	vm15 =	vgt.f32 v7, v5;
	vm0 =	vgt.f32 v6, v9;
	v8 =	vsel vm1, v8, v10  }
0x383: {  	v55 =	vsel vm2, $0x41C80000, v12;
	v11 =	vsel vm3, $0x41D00000, v11;
	v57 =	vsel vm6, $0x41D00000, v13  }
0x384: {  	v56 =	vld [tilespmem:s1+$0x0];
	v5 =	vsel vm15, v7, v5;
	v6 =	vsel vm0, v6, v9;
	v58 =	vsel vm5, $0x41D00000, v55  }
0x385: {  	v11 =	vsel vm7, $0x41D80000, v11;
	v12 =	vsel vm9, $0x41D80000, v57;
	vm10 =	vgt.f32 v1, v6  }
0x386: {  	v59 =	vld [tilespmem:s5+$0x0];
	vm12 =	vgt.f32 v3, v5;
	v61 =	vsel vm0, $0x41E00000, v11;
	v1 =	vsel vm10, v1, v6  }
0x387: {  	vm11 =	vgt.f32 v4, v8;
	vm13 =	vgt.f32 v2, v1;
	v1 =	vsel vm10, $0x41E80000, v61  }
0x388: {  	s0 =	sadd.s32 $0x40, s16;
	v62 =	vsel vm1, $0x41E00000, v12;
	v4 =	vsel vm11, v4, v8;
	v1 =	vsel vm13, $0x41F00000, v1  }
0x389: {  	v60 =	vsel vm8, $0x41D80000, v58;
	v63 =	vsel vm11, $0x41E80000, v62;
	vm14 =	vgt.f32 v56, v4;
	[tilespmem:s0+$0x0] =	vst v1  }
0x38a: {  	v3 =	vsel vm12, v3, v5;
	v2 =	vsel vm15, $0x41E00000, v60;
	v1 =	vsel vm14, $0x41F00000, v63;
	s30 =	rddreg [dreg:$0x5]  }
0x38b: {  	vm15 =	vgt.f32 v59, v3;
	v2 =	vsel vm12, $0x41E80000, v2;
	s0 =	sld [smem:$0x7D3];
	[tilespmem:s30+$0xFC00] =	vst v1  }
0x38c: {  	v2 =	vsel vm15, $0x41F00000, v2;
	s1 =	rddreg [dreg:$0x8]  }
0x38d: {  	[tilespmem:s1+$0xFC00] =	vst v2  }
0x38e: {  	s24 =	sld [smem:$0x7F5];
	_ =	sdelay $0x2  }
0x38f: {  	p0 =	seq.s32 s24, $0x3  }
.Ltmp7:
0x390: {  	s1 =	sld [smem:$0x7F9];
	(pc) =	sbr.rel @p0 .LBB2_12-.Ltmp7, $4  }
0x391: {  	s0 =	sadd.s32 $0x400, s0  }
0x392: {  	s0 =	sshrl.u32 s0, $0x3  }
0x393: {  	s5 =	simm.s32 $0x0;
	s31 =	simm.s32 $0xFC00;
	s0 =	sadd.s32 s1, s0  }
0x394: {  	[hbm4b:s0+s5] =	stream.linear.scatter [tilespmem:s31], [sflag:$0x4], $0x400, $0x38;
	[tilespmem:$0x10000] =	vst v63  }
0x395: {  	s0 =	sld [smem:$0x7F6];
	_ =	sdelay $0x1  }
0x396: {  	s2 =	sld [smem:$0x7FC]  }
0x397: {  	s0 =	sadd.s32 $0x3, s0  }
0x398: {  	s1 =	sshrl.u32 s0, $0x2  }
0x399: {  	s0 =	sshll.u32 s0, $0xA;
	s2 =	sadd.s32 s2, s1;
	s1 =	sshll.u32 s1, $0xC  }
0x39a: {  	s2 =	sshll.u32 s2, $0xC;
	s0 =	ssub.s32 s0, s1  }
.Ltmp8:
0x39b: {  	s0 =	sadd.s32 s2, s0;
	(pc) =	sbr.rel .LBB2_2-.Ltmp8, $4  }
0x39c: {  	s29 =	rddreg [dreg:$0x0];
	s0 =	sadd.s32 $0x1740000, s0  }
0x39d: {  	s30 =	simm.s32 $0x400;
	s31 =	simm.s32 $0x40000;
	s0 =	sshrl.u32 s0, $0x3  }
0x39e: {  	s3 =	simm.s32 $0x7C00;
	s24 =	sadd.s32 $0x1, s24;
	s0 =	sadd.s32 s29, s0  }
0x39f: {  	[tilespmem:s3], [sflag:$0x2] =	stream.strided.gather [hbm4b:s0+s30], $0x7C00, s31, s30, $0x38;
	[tilespmem:$0x10000] =	vst v63  }
.LBB2_13:
0x3a0: {  	_ =	sfence.sel $0x180000  }
0x3a1: {  	[bflag:$0x0] =	sbarrier.arrive $0xFFFF  }
0x3a2: {  	_ =	strace $0x90000047  }
0x3a3: {  	s0 =	stileid.u32;
	[bflag:$0x2] =	sbarrier.arrive $0xFFFF  }
0x3a4: {  	p0 =	sne.s32 s0, $0x0;
	s0 =	rddreg [dreg:$0x2]  }
0x3a5: {  	s0 =	sadd.s32 @!p0 $0x100000, s0  }
0x3a6: {  	[sflag:s0] =	ssyncadd.tile.s32 @!p0 $0x1;
	_ =	shalt  }
.Lfunc_end2:
_tile_overlayer_lowered:
.L_overlay_start_2:
0x3a7: {  	(tag) =	ssettag $0x2  }
0x3a8: {  	s0 =	rddreg [dreg:$0x0];
	s2 =	stileid.u32  }
0x3a9: {  	s1 =	rddreg [dreg:$0x1];
	p0 =	sne.s32 s2, $0x0  }
0x3aa: {  	s3 =	rddreg [dreg:$0x2];
	[bflag:$0x3] =	sbarrier.arrive $0xFFFF;
	s2 =	simm.s32 @!p0 $0x1C05  }
0x3ab: {  	[timem:s3], [sflag:s2] =	dma.local @!p0 [hbm:s0], s1  }
0x3ac: {  	s0 =	simm.s32 @!p0 $0x5  }
0x3ad: {  	_ =	swait.ge @!p0 [sflag:s0], s1  }
0x3ae: {  	s1 =	ssub.s32 @!p0 $0x0, s1;
	[sflag:s0] =	ssyncset.done @!p0 $0x0  }
0x3af: {  	[sflag:s0] =	ssyncadd.s32 @!p0 s1  }
0x3b0: {  	[bflag:$0x3] =	sbarrier.arrive $0xFFFF  }
0x3b1: {  	_ =	shalt  }

</sc_bundles>
